<compile_context>
chip_gen: v7x
topology: tpu7x:2x2x1
jax: 0.10.2.dev20260603
libtpu: 0.0.44.dev20260713+nightly
codegen_flags: <defaults>
</compile_context>

<pallas_src>
import functools

import jax
import jax.numpy as jnp
from jax import lax
from jax.experimental import pallas as pl
from jax.experimental.pallas import tpu as pltpu
from jax.experimental.pallas import tpu_sc as plsc

NUM_FIXED_ROWS = 50000
EMB_D = 64
NUM_CORES = 2
NUM_SUBCORES = 16
NUM_WORKERS = NUM_CORES * NUM_SUBCORES
CHUNK = 128
LANES = 16
NBUF = 8


def _compact(idx_v, cf_idx, cf_dst, ct_idx, ct_dst, per_w, base):
    iota = lax.iota(jnp.int32, LANES)

    def body(i, carry):
        nf, nt = carry
        v = idx_v[pl.ds(i * LANES, LANES)]
        is_fixed = v < NUM_FIXED_ROWS
        is_tuned = v >= NUM_FIXED_ROWS
        ones = jnp.where(is_fixed, 1, 0)
        incl = plsc.cumsum(ones)
        pos = iota + (base + i * LANES)
        offs_f = nf + incl - 1
        offs_t = nt + iota + 1 - incl - 1
        plsc.store_scatter(cf_idx, [offs_f], v, mask=is_fixed)
        plsc.store_scatter(cf_dst, [offs_f], pos, mask=is_fixed)
        plsc.store_scatter(ct_idx, [offs_t], v - NUM_FIXED_ROWS, mask=is_tuned)
        plsc.store_scatter(ct_dst, [offs_t], pos, mask=is_tuned)
        cnt = jnp.sum(ones)
        return nf + cnt, nt + (LANES - cnt)

    return lax.fori_loop(0, per_w // LANES, body, (jnp.int32(0), jnp.int32(0)))


def _pad_tail(c_idx, c_dst, n):
    iota = lax.iota(jnp.int32, LANES)
    lastv = jnp.zeros((LANES,), jnp.int32) + jnp.maximum(n - 1, 0)
    v_idx = plsc.load_gather(c_idx, [lastv])
    v_dst = plsc.load_gather(c_dst, [lastv])
    start = (n // LANES) * LANES
    for k in range(CHUNK // LANES + 1):
        offs = iota + (start + k * LANES)
        m = offs >= n
        plsc.store_scatter(c_idx, [offs], v_idx, mask=m)
        plsc.store_scatter(c_dst, [offs], v_dst, mask=m)


def _emb_body(idx_hbm, fixed_hbm, tuned_hbm, out_hbm,
              idx_v, cf_idx, cf_dst, ct_idx, ct_dst, rows,
              gi0, gi1, gi2, gi3, gi4, gi5, gi6, gi7,
              sd0, sd1, sd2, sd3, sd4, sd5, sd6, sd7,
              g0, g1, g2, g3, g4, g5, g6, g7,
              s0, s1, s2, s3, s4, s5, s6, s7):
    gidx = (gi0, gi1, gi2, gi3, gi4, gi5, gi6, gi7)
    sdst = (sd0, sd1, sd2, sd3, sd4, sd5, sd6, sd7)
    gsems = (g0, g1, g2, g3, g4, g5, g6, g7)
    ssems = (s0, s1, s2, s3, s4, s5, s6, s7)
    n_total = idx_hbm.shape[0]
    per_w = n_total // NUM_WORKERS
    wid = lax.axis_index("s") * NUM_CORES + lax.axis_index("c")
    base = wid * per_w

    pltpu.sync_copy(idx_hbm.at[pl.ds(base, per_w)], idx_v)

    nf, nt = _compact(idx_v, cf_idx, cf_dst, ct_idx, ct_dst, per_w, base)
    _pad_tail(cf_idx, cf_dst, nf)
    _pad_tail(ct_idx, ct_dst, nt)



    max_groups = (per_w // CHUNK + NBUF - 1) // NBUF

    def run_table(table_hbm, c_idx, c_dst, n):
        n_chunks = (n + CHUNK - 1) // CHUNK

        def stage_idx(i, b):
            for k in range(CHUNK // LANES):
                gidx[b][pl.ds(k * LANES, LANES)] = \
                    c_idx[pl.ds(i * CHUNK + k * LANES, LANES)]
                sdst[b][pl.ds(k * LANES, LANES)] = \
                    c_dst[pl.ds(i * CHUNK + k * LANES, LANES)]

        def group(g, carry):
            for b in range(NBUF):
                i = g * NBUF + b

                @pl.when(jnp.logical_and(i < n_chunks, g > 0))
                def _():
                    pltpu.make_async_copy(
                        rows.at[b], out_hbm.at[pl.ds(0, CHUNK)],
                        ssems[b]).wait()

                @pl.when(i < n_chunks)
                def _():
                    stage_idx(i, b)
                    pltpu.make_async_copy(
                        table_hbm.at[gidx[b]],
                        rows.at[b], gsems[b]).start()
            for b in range(NBUF):
                i = g * NBUF + b

                @pl.when(i < n_chunks)
                def _():
                    pltpu.make_async_copy(
                        table_hbm.at[gidx[b]],
                        rows.at[b], gsems[b]).wait()
                    pltpu.make_async_copy(
                        rows.at[b],
                        out_hbm.at[sdst[b]],
                        ssems[b]).start()
            return carry

        lax.fori_loop(0, max_groups, group, 0)


        def drain(b):
            @pl.when(b < n_chunks)
            def _():
                pltpu.make_async_copy(rows.at[b], out_hbm.at[pl.ds(0, CHUNK)],
                                      ssems[b]).wait()

        for b in range(NBUF):
            drain(b)

    run_table(fixed_hbm, cf_idx, cf_dst, nf)
    run_table(tuned_hbm, ct_idx, ct_dst, nt)


def kernel(input, fixed_tokens, tuned_tokens):
    b, h = input.shape
    n_total = b * h
    idx_flat = input.reshape(n_total).astype(jnp.int32)
    per_w = n_total // NUM_WORKERS

    mesh = plsc.VectorSubcoreMesh(core_axis_name="c", subcore_axis_name="s")
    run = pl.kernel(
        _emb_body,
        out_type=jax.ShapeDtypeStruct((n_total, EMB_D), jnp.float32),
        mesh=mesh,
        scratch_types=[
            pltpu.VMEM((per_w,), jnp.int32),
            pltpu.VMEM((per_w + CHUNK + LANES,), jnp.int32),
            pltpu.VMEM((per_w + CHUNK + LANES,), jnp.int32),
            pltpu.VMEM((per_w + CHUNK + LANES,), jnp.int32),
            pltpu.VMEM((per_w + CHUNK + LANES,), jnp.int32),
            pltpu.VMEM((NBUF, CHUNK, EMB_D), jnp.float32),
        ] + [pltpu.VMEM((CHUNK,), jnp.int32)] * (2 * NBUF) \
          + [pltpu.SemaphoreType.DMA] * (2 * NBUF) + [
        ],
        compiler_params=pltpu.CompilerParams(use_tc_tiling_on_sc=False,
                                             needs_layout_passes=False),
    )
    out = run(idx_flat, fixed_tokens, tuned_tokens)
    return out.reshape(b, h, EMB_D)

# --- scband reference (transcript-rebuilt; emitter-appended) ---
"""Pipeline reference for scband-split-embedding-7610682048566 (READ-ONLY COPY).

The authoritative reference and input builder live on the scoring server;
editing this copy changes nothing except your own understanding.
"""

import jax, jax.numpy as jnp
import numpy as np

NUM_EMBEDDINGS = 100000
EMBEDDING_DIM = 64
NUM_FIXED = 50000
NUM_TUNED = NUM_EMBEDDINGS - NUM_FIXED
BATCH = 4096
HIST = 50


def setup_inputs(seed: int = 0) -> dict:
    key = jax.random.key(seed)
    k1, k2, k3 = jax.random.split(key, 3)
    input_ids = jax.random.randint(k1, (BATCH, HIST), 0, NUM_EMBEDDINGS, dtype=jnp.int64 if jax.config.jax_enable_x64 else jnp.int32)
    # Learned parameters: the original nn.Embedding weight split into fixed and tuned parts.
    fixed_tokens = jax.random.normal(k2, (NUM_FIXED, EMBEDDING_DIM), dtype=jnp.float32) * 0.02
    tuned_tokens = jax.random.normal(k3, (NUM_TUNED, EMBEDDING_DIM), dtype=jnp.float32) * 0.02
    return {"input": input_ids, "fixed_tokens": fixed_tokens, "tuned_tokens": tuned_tokens}


def reference(input, fixed_tokens, tuned_tokens):
    # forward: weight = cat([fixed, tuned]); F.embedding(input, weight)
    # padding_idx=None, max_norm=None, scale_grad_by_freq=False, sparse=False (nn.Embedding defaults)
    weight = jnp.concatenate([fixed_tokens, tuned_tokens], axis=0)
    out = jnp.take(weight, input, axis=0)
    return out


if False:  # reference __main__ guard neutralized (emitter)
    inp = setup_inputs()
    out = reference(**inp)
    print(out.shape, out.dtype)

if __name__ == "__main__":
    import jax
    _d = setup_inputs()
    print(jax.jit(kernel)(*tuple(_d.values())))

</pallas_src>

<mosaic_0001>
#map = affine_map<(d0, d1) -> (0)>
#map1 = affine_map<(d0, d1) -> (0, 0)>
module attributes {stable_mosaic.version = 14 : i64} {
  func.func @_emb_body(%arg0: i32, %arg1: i32, %arg2: memref<204800xi32, #tpu.memory_space<hbm>>, %arg3: memref<50000x64xf32, #tpu.memory_space<hbm>>, %arg4: memref<50000x64xf32, #tpu.memory_space<hbm>>, %arg5: memref<204800x64xf32, #tpu.memory_space<hbm>>, %arg6: memref<6400xi32, #tpu.memory_space<vmem>>, %arg7: memref<6544xi32, #tpu.memory_space<vmem>>, %arg8: memref<6544xi32, #tpu.memory_space<vmem>>, %arg9: memref<6544xi32, #tpu.memory_space<vmem>>, %arg10: memref<6544xi32, #tpu.memory_space<vmem>>, %arg11: memref<8x128x64xf32, #tpu.memory_space<vmem>>, %arg12: memref<128xi32, #tpu.memory_space<vmem>>, %arg13: memref<128xi32, #tpu.memory_space<vmem>>, %arg14: memref<128xi32, #tpu.memory_space<vmem>>, %arg15: memref<128xi32, #tpu.memory_space<vmem>>, %arg16: memref<128xi32, #tpu.memory_space<vmem>>, %arg17: memref<128xi32, #tpu.memory_space<vmem>>, %arg18: memref<128xi32, #tpu.memory_space<vmem>>, %arg19: memref<128xi32, #tpu.memory_space<vmem>>, %arg20: memref<128xi32, #tpu.memory_space<vmem>>, %arg21: memref<128xi32, #tpu.memory_space<vmem>>, %arg22: memref<128xi32, #tpu.memory_space<vmem>>, %arg23: memref<128xi32, #tpu.memory_space<vmem>>, %arg24: memref<128xi32, #tpu.memory_space<vmem>>, %arg25: memref<128xi32, #tpu.memory_space<vmem>>, %arg26: memref<128xi32, #tpu.memory_space<vmem>>, %arg27: memref<128xi32, #tpu.memory_space<vmem>>, %arg28: memref<!tpu.dma_semaphore, #tpu.memory_space<semaphore_mem>>, %arg29: memref<!tpu.dma_semaphore, #tpu.memory_space<semaphore_mem>>, %arg30: memref<!tpu.dma_semaphore, #tpu.memory_space<semaphore_mem>>, %arg31: memref<!tpu.dma_semaphore, #tpu.memory_space<semaphore_mem>>, %arg32: memref<!tpu.dma_semaphore, #tpu.memory_space<semaphore_mem>>, %arg33: memref<!tpu.dma_semaphore, #tpu.memory_space<semaphore_mem>>, %arg34: memref<!tpu.dma_semaphore, #tpu.memory_space<semaphore_mem>>, %arg35: memref<!tpu.dma_semaphore, #tpu.memory_space<semaphore_mem>>, %arg36: memref<!tpu.dma_semaphore, #tpu.memory_space<semaphore_mem>>, %arg37: memref<!tpu.dma_semaphore, #tpu.memory_space<semaphore_mem>>, %arg38: memref<!tpu.dma_semaphore, #tpu.memory_space<semaphore_mem>>, %arg39: memref<!tpu.dma_semaphore, #tpu.memory_space<semaphore_mem>>, %arg40: memref<!tpu.dma_semaphore, #tpu.memory_space<semaphore_mem>>, %arg41: memref<!tpu.dma_semaphore, #tpu.memory_space<semaphore_mem>>, %arg42: memref<!tpu.dma_semaphore, #tpu.memory_space<semaphore_mem>>, %arg43: memref<!tpu.dma_semaphore, #tpu.memory_space<semaphore_mem>>) attributes {dimension_semantics = [#tpu.dimension_semantics<core_parallel>, #tpu.dimension_semantics<subcore_parallel>], iteration_bounds = array<i64: 2, 16>, scalar_prefetch = 0 : i64, scratch_operands = 38 : i64, tpu.core_type = #tpu.core_type<sc_vector_subcore>, window_params = [{transform_indices = #map}, {transform_indices = #map1}, {transform_indices = #map1}, {transform_indices = #map1}]} {
    %mul3A = arith.constant 2 : i32
    %mul3A_0 = arith.muli %arg1, %mul3A : i32
    %add3A = arith.addi %mul3A_0, %arg0 : i32
    %mul3A_1 = arith.constant 6400 : i32
    %mul3A_2 = arith.muli %add3A, %mul3A_1 : i32
    "tpu.region"() ({
      %run_scoped3A = tpu.sem_alloc : memref<!tpu.dma_semaphore, #tpu.memory_space<semaphore_mem>>
      %dma_start3A = tpu.memref_slice %arg2[%mul3A_2] : memref<204800xi32, #tpu.memory_space<hbm>> -> memref<6400xi32, #tpu.memory_space<hbm>>
      %dma_start3A_325 = tpu.memref_slice %arg2[%mul3A_2] : memref<204800xi32, #tpu.memory_space<hbm>> -> memref<6400xi32, #tpu.memory_space<hbm>>
      tpu.enqueue_dma source(%dma_start3A_325 : memref<6400xi32, #tpu.memory_space<hbm>>) target(%arg6 : memref<6400xi32, #tpu.memory_space<vmem>>) target_semaphore(%run_scoped3A : memref<!tpu.dma_semaphore, #tpu.memory_space<semaphore_mem>>)
      %dma_wait3A = tpu.memref_slice %arg2[%mul3A_2] : memref<204800xi32, #tpu.memory_space<hbm>> -> memref<6400xi32, #tpu.memory_space<hbm>>
      %dma_wait3A_326 = tpu.memref_slice %arg2[%mul3A_2] : memref<204800xi32, #tpu.memory_space<hbm>> -> memref<6400xi32, #tpu.memory_space<hbm>>
      tpu.wait_dma2 semaphore(%run_scoped3A : memref<!tpu.dma_semaphore, #tpu.memory_space<semaphore_mem>>) src(%dma_wait3A_326 : memref<6400xi32, #tpu.memory_space<hbm>>) dst(%arg6 : memref<6400xi32, #tpu.memory_space<vmem>>)
      tpu.yield
    }) : () -> ()
    %iota3A = tpu.iota {dimensions = array<i32: 0>} : vector<16xi32>
    %scan3A = arith.constant 0 : i32
    %scan3A_3 = arith.constant 0 : i32
    %scan3A_4 = arith.constant 0 : i32
    %scan3A_5 = arith.constant 400 : i32
    %scan3A_6 = arith.addi %scan3A_4, %scan3A_5 : i32
    %scan3A_7 = arith.constant 1 : i32
    %scan3A_8:2 = scf.for %scan3A_325 = %scan3A_4 to %scan3A_6 step %scan3A_7 iter_args(%scan3A_326 = %scan3A, %scan3A_327 = %scan3A_3) -> (i32, i32)  : i32 {
      %mul3A_328 = arith.constant 16 : i32
      %mul3A_329 = arith.muli %scan3A_325, %mul3A_328 : i32
      %get3A = arith.index_cast %mul3A_329 : i32 to index
      %get3A_330 = tpu.vector_load %arg6[%get3A] {strides = array<i32>} : memref<6400xi32, #tpu.memory_space<vmem>>, vector<16xi32>,
      %lt3A = arith.constant 50000 : i32
      %lt3A_331 = vector.broadcast %lt3A : i32 to vector<16xi32>
      %lt3A_332 = arith.cmpi slt, %get3A_330, %lt3A_331 : vector<16xi32>
      %ge3A_333 = arith.constant 50000 : i32
      %ge3A_334 = vector.broadcast %ge3A_333 : i32 to vector<16xi32>
      %ge3A_335 = arith.cmpi sge, %get3A_330, %ge3A_334 : vector<16xi32>
      %jit3A_336 = arith.constant 1 : i32
      %jit3A_337 = arith.constant 0 : i32
      %broadcast_in_dim3A_338 = vector.broadcast %jit3A_336 : i32 to vector<16xi32>
      %broadcast_in_dim3A_339 = vector.broadcast %jit3A_337 : i32 to vector<16xi32>
      %select_n3A_340 = arith.select %lt3A_332, %broadcast_in_dim3A_338, %broadcast_in_dim3A_339 : vector<16xi1>, vector<16xi32>
      %broadcast_in_dim3A_341 = arith.constant true
      %broadcast_in_dim3A_342 = vector.broadcast %broadcast_in_dim3A_341 : i1 to vector<16xi1>
      %masked_cumsum3A = tpu.scan <sum>, %select_n3A_340 masked %broadcast_in_dim3A_342 : vector<16xi32>, vector<16xi1> -> vector<16xi32>
      %mul3A_343 = arith.constant 16 : i32
      %mul3A_344 = arith.muli %scan3A_325, %mul3A_343 : i32
      %add3A_345 = arith.addi %mul3A_2, %mul3A_344 : i32
      %add3A_346 = vector.broadcast %add3A_345 : i32 to vector<16xi32>
      %add3A_347 = arith.addi %iota3A, %add3A_346 : vector<16xi32>
      %add3A_348 = vector.broadcast %scan3A_326 : i32 to vector<16xi32>
      %add3A_349 = arith.addi %add3A_348, %masked_cumsum3A : vector<16xi32>
      %sub3A_350 = arith.constant 1 : i32
      %sub3A_351 = vector.broadcast %sub3A_350 : i32 to vector<16xi32>
      %sub3A_352 = arith.subi %add3A_349, %sub3A_351 : vector<16xi32>
      %add3A_353 = vector.broadcast %scan3A_327 : i32 to vector<16xi32>
      %add3A_354 = arith.addi %add3A_353, %iota3A : vector<16xi32>
      %add3A_355 = arith.constant 1 : i32
      %add3A_356 = vector.broadcast %add3A_355 : i32 to vector<16xi32>
      %add3A_357 = arith.addi %add3A_354, %add3A_356 : vector<16xi32>
      %sub3A_358 = arith.subi %add3A_357, %masked_cumsum3A : vector<16xi32>
      %sub3A_359 = arith.constant 1 : i32
      %sub3A_360 = vector.broadcast %sub3A_359 : i32 to vector<16xi32>
      %sub3A_361 = arith.subi %sub3A_358, %sub3A_360 : vector<16xi32>
      tpu.vector_store_idx %arg7[%sub3A_352], %get3A_330 masked %lt3A_332 : memref<6544xi32, #tpu.memory_space<vmem>>[vector<16xi32>], vector<16xi32>, vector<16xi1>
      tpu.vector_store_idx %arg8[%sub3A_352], %add3A_347 masked %lt3A_332 : memref<6544xi32, #tpu.memory_space<vmem>>[vector<16xi32>], vector<16xi32>, vector<16xi1>
      %sub3A_362 = arith.constant 50000 : i32
      %sub3A_363 = vector.broadcast %sub3A_362 : i32 to vector<16xi32>
      %sub3A_364 = arith.subi %get3A_330, %sub3A_363 : vector<16xi32>
      tpu.vector_store_idx %arg9[%sub3A_361], %sub3A_364 masked %ge3A_335 : memref<6544xi32, #tpu.memory_space<vmem>>[vector<16xi32>], vector<16xi32>, vector<16xi1>
      tpu.vector_store_idx %arg10[%sub3A_361], %add3A_347 masked %ge3A_335 : memref<6544xi32, #tpu.memory_space<vmem>>[vector<16xi32>], vector<16xi32>, vector<16xi1>
      %reduce_sum3A = arith.constant true
      %reduce_sum3A_365 = vector.broadcast %reduce_sum3A : i1 to vector<16xi1>
      %reduce_sum3A_366 = tpu.scan <sum>, %select_n3A_340 masked %reduce_sum3A_365 : vector<16xi32>, vector<16xi1> -> vector<16xi32>
      %reduce_sum3A_367 = vector.extract %reduce_sum3A_366[15] : i32 from vector<16xi32>
      %add3A_368 = arith.addi %scan3A_326, %reduce_sum3A_367 : i32
      %sub3A_369 = arith.constant 16 : i32
      %sub3A_370 = arith.subi %sub3A_369, %reduce_sum3A_367 : i32
      %add3A_371 = arith.addi %scan3A_327, %sub3A_370 : i32
      scf.yield %add3A_368, %add3A_371 : i32, i32
    }
    %scan3A_9 = arith.constant 400 : i32
    %iota3A_10 = tpu.iota {dimensions = array<i32: 0>} : vector<16xi32>
    %broadcast_in_dim3A = arith.constant 0 : i32
    %broadcast_in_dim3A_11 = vector.broadcast %broadcast_in_dim3A : i32 to vector<16xi32>
    %sub3A = arith.constant 1 : i32
    %sub3A_12 = arith.subi %scan3A_8#0, %sub3A : i32
    %max3A = arith.constant 0 : i32
    %max3A_13 = arith.maxsi %sub3A_12, %max3A : i32
    %add3A_14 = vector.broadcast %max3A_13 : i32 to vector<16xi32>
    %add3A_15 = arith.addi %broadcast_in_dim3A_11, %add3A_14 : vector<16xi32>
    %gather3A = tpu.vector_load_idx %arg7[%add3A_15] : memref<6544xi32, #tpu.memory_space<vmem>>[vector<16xi32>], vector<16xi32>,
    %gather3A_16 = tpu.vector_load_idx %arg8[%add3A_15] : memref<6544xi32, #tpu.memory_space<vmem>>[vector<16xi32>], vector<16xi32>,
    %jit3A = arith.constant 16 : i32
    %div3A = arith.divsi %scan3A_8#0, %jit3A : i32
    %sign3A = arith.constant 0 : i32
    %sign3A_17 = arith.cmpi sgt, %scan3A_8#0, %sign3A : i32
    %sign3A_18 = arith.extui %sign3A_17 : i1 to i32
    %sign3A_19 = arith.constant 0 : i32
    %sign3A_20 = arith.cmpi slt, %scan3A_8#0, %sign3A_19 : i32
    %sign3A_21 = arith.extui %sign3A_20 : i1 to i32
    %sign3A_22 = arith.subi %sign3A_18, %sign3A_21 : i32
    %sign3A_23 = arith.constant 0 : i32
    %sign3A_24 = arith.cmpi sgt, %jit3A, %sign3A_23 : i32
    %sign3A_25 = arith.extui %sign3A_24 : i1 to i32
    %sign3A_26 = arith.constant 0 : i32
    %sign3A_27 = arith.cmpi slt, %jit3A, %sign3A_26 : i32
    %sign3A_28 = arith.extui %sign3A_27 : i1 to i32
    %sign3A_29 = arith.subi %sign3A_25, %sign3A_28 : i32
    %ne3A = arith.cmpi ne, %sign3A_22, %sign3A_29 : i32
    %rem3A = arith.remsi %scan3A_8#0, %jit3A : i32
    %ne3A_30 = arith.constant 0 : i32
    %ne3A_31 = arith.cmpi ne, %rem3A, %ne3A_30 : i32
    %and3A = arith.andi %ne3A, %ne3A_31 : i1
    %sub3A_32 = arith.constant 1 : i32
    %sub3A_33 = arith.subi %div3A, %sub3A_32 : i32
    %select_n3A = arith.select %and3A, %sub3A_33, %div3A : i32
    %mul3A_34 = arith.constant 16 : i32
    %mul3A_35 = arith.muli %select_n3A, %mul3A_34 : i32
    %add3A_36 = arith.constant 0 : i32
    %add3A_37 = arith.addi %mul3A_35, %add3A_36 : i32
    %add3A_38 = vector.broadcast %add3A_37 : i32 to vector<16xi32>
    %add3A_39 = arith.addi %iota3A_10, %add3A_38 : vector<16xi32>
    %ge3A = vector.broadcast %scan3A_8#0 : i32 to vector<16xi32>
    %ge3A_40 = arith.cmpi sge, %add3A_39, %ge3A : vector<16xi32>
    tpu.vector_store_idx %arg7[%add3A_39], %gather3A masked %ge3A_40 : memref<6544xi32, #tpu.memory_space<vmem>>[vector<16xi32>], vector<16xi32>, vector<16xi1>
    tpu.vector_store_idx %arg8[%add3A_39], %gather3A_16 masked %ge3A_40 : memref<6544xi32, #tpu.memory_space<vmem>>[vector<16xi32>], vector<16xi32>, vector<16xi1>
    %add3A_41 = arith.constant 16 : i32
    %add3A_42 = arith.addi %mul3A_35, %add3A_41 : i32
    %add3A_43 = vector.broadcast %add3A_42 : i32 to vector<16xi32>
    %add3A_44 = arith.addi %iota3A_10, %add3A_43 : vector<16xi32>
    %ge3A_45 = vector.broadcast %scan3A_8#0 : i32 to vector<16xi32>
    %ge3A_46 = arith.cmpi sge, %add3A_44, %ge3A_45 : vector<16xi32>
    tpu.vector_store_idx %arg7[%add3A_44], %gather3A masked %ge3A_46 : memref<6544xi32, #tpu.memory_space<vmem>>[vector<16xi32>], vector<16xi32>, vector<16xi1>
    tpu.vector_store_idx %arg8[%add3A_44], %gather3A_16 masked %ge3A_46 : memref<6544xi32, #tpu.memory_space<vmem>>[vector<16xi32>], vector<16xi32>, vector<16xi1>
    %add3A_47 = arith.constant 32 : i32
    %add3A_48 = arith.addi %mul3A_35, %add3A_47 : i32
    %add3A_49 = vector.broadcast %add3A_48 : i32 to vector<16xi32>
    %add3A_50 = arith.addi %iota3A_10, %add3A_49 : vector<16xi32>
    %ge3A_51 = vector.broadcast %scan3A_8#0 : i32 to vector<16xi32>
    %ge3A_52 = arith.cmpi sge, %add3A_50, %ge3A_51 : vector<16xi32>
    tpu.vector_store_idx %arg7[%add3A_50], %gather3A masked %ge3A_52 : memref<6544xi32, #tpu.memory_space<vmem>>[vector<16xi32>], vector<16xi32>, vector<16xi1>
    tpu.vector_store_idx %arg8[%add3A_50], %gather3A_16 masked %ge3A_52 : memref<6544xi32, #tpu.memory_space<vmem>>[vector<16xi32>], vector<16xi32>, vector<16xi1>
    %add3A_53 = arith.constant 48 : i32
    %add3A_54 = arith.addi %mul3A_35, %add3A_53 : i32
    %add3A_55 = vector.broadcast %add3A_54 : i32 to vector<16xi32>
    %add3A_56 = arith.addi %iota3A_10, %add3A_55 : vector<16xi32>
    %ge3A_57 = vector.broadcast %scan3A_8#0 : i32 to vector<16xi32>
    %ge3A_58 = arith.cmpi sge, %add3A_56, %ge3A_57 : vector<16xi32>
    tpu.vector_store_idx %arg7[%add3A_56], %gather3A masked %ge3A_58 : memref<6544xi32, #tpu.memory_space<vmem>>[vector<16xi32>], vector<16xi32>, vector<16xi1>
    tpu.vector_store_idx %arg8[%add3A_56], %gather3A_16 masked %ge3A_58 : memref<6544xi32, #tpu.memory_space<vmem>>[vector<16xi32>], vector<16xi32>, vector<16xi1>
    %add3A_59 = arith.constant 64 : i32
    %add3A_60 = arith.addi %mul3A_35, %add3A_59 : i32
    %add3A_61 = vector.broadcast %add3A_60 : i32 to vector<16xi32>
    %add3A_62 = arith.addi %iota3A_10, %add3A_61 : vector<16xi32>
    %ge3A_63 = vector.broadcast %scan3A_8#0 : i32 to vector<16xi32>
    %ge3A_64 = arith.cmpi sge, %add3A_62, %ge3A_63 : vector<16xi32>
    tpu.vector_store_idx %arg7[%add3A_62], %gather3A masked %ge3A_64 : memref<6544xi32, #tpu.memory_space<vmem>>[vector<16xi32>], vector<16xi32>, vector<16xi1>
    tpu.vector_store_idx %arg8[%add3A_62], %gather3A_16 masked %ge3A_64 : memref<6544xi32, #tpu.memory_space<vmem>>[vector<16xi32>], vector<16xi32>, vector<16xi1>
    %add3A_65 = arith.constant 80 : i32
    %add3A_66 = arith.addi %mul3A_35, %add3A_65 : i32
    %add3A_67 = vector.broadcast %add3A_66 : i32 to vector<16xi32>
    %add3A_68 = arith.addi %iota3A_10, %add3A_67 : vector<16xi32>
    %ge3A_69 = vector.broadcast %scan3A_8#0 : i32 to vector<16xi32>
    %ge3A_70 = arith.cmpi sge, %add3A_68, %ge3A_69 : vector<16xi32>
    tpu.vector_store_idx %arg7[%add3A_68], %gather3A masked %ge3A_70 : memref<6544xi32, #tpu.memory_space<vmem>>[vector<16xi32>], vector<16xi32>, vector<16xi1>
    tpu.vector_store_idx %arg8[%add3A_68], %gather3A_16 masked %ge3A_70 : memref<6544xi32, #tpu.memory_space<vmem>>[vector<16xi32>], vector<16xi32>, vector<16xi1>
    %add3A_71 = arith.constant 96 : i32
    %add3A_72 = arith.addi %mul3A_35, %add3A_71 : i32
    %add3A_73 = vector.broadcast %add3A_72 : i32 to vector<16xi32>
    %add3A_74 = arith.addi %iota3A_10, %add3A_73 : vector<16xi32>
    %ge3A_75 = vector.broadcast %scan3A_8#0 : i32 to vector<16xi32>
    %ge3A_76 = arith.cmpi sge, %add3A_74, %ge3A_75 : vector<16xi32>
    tpu.vector_store_idx %arg7[%add3A_74], %gather3A masked %ge3A_76 : memref<6544xi32, #tpu.memory_space<vmem>>[vector<16xi32>], vector<16xi32>, vector<16xi1>
    tpu.vector_store_idx %arg8[%add3A_74], %gather3A_16 masked %ge3A_76 : memref<6544xi32, #tpu.memory_space<vmem>>[vector<16xi32>], vector<16xi32>, vector<16xi1>
    %add3A_77 = arith.constant 112 : i32
    %add3A_78 = arith.addi %mul3A_35, %add3A_77 : i32
    %add3A_79 = vector.broadcast %add3A_78 : i32 to vector<16xi32>
    %add3A_80 = arith.addi %iota3A_10, %add3A_79 : vector<16xi32>
    %ge3A_81 = vector.broadcast %scan3A_8#0 : i32 to vector<16xi32>
    %ge3A_82 = arith.cmpi sge, %add3A_80, %ge3A_81 : vector<16xi32>
    tpu.vector_store_idx %arg7[%add3A_80], %gather3A masked %ge3A_82 : memref<6544xi32, #tpu.memory_space<vmem>>[vector<16xi32>], vector<16xi32>, vector<16xi1>
    tpu.vector_store_idx %arg8[%add3A_80], %gather3A_16 masked %ge3A_82 : memref<6544xi32, #tpu.memory_space<vmem>>[vector<16xi32>], vector<16xi32>, vector<16xi1>
    %add3A_83 = arith.constant 128 : i32
    %add3A_84 = arith.addi %mul3A_35, %add3A_83 : i32
    %add3A_85 = vector.broadcast %add3A_84 : i32 to vector<16xi32>
    %add3A_86 = arith.addi %iota3A_10, %add3A_85 : vector<16xi32>
    %ge3A_87 = vector.broadcast %scan3A_8#0 : i32 to vector<16xi32>
    %ge3A_88 = arith.cmpi sge, %add3A_86, %ge3A_87 : vector<16xi32>
    tpu.vector_store_idx %arg7[%add3A_86], %gather3A masked %ge3A_88 : memref<6544xi32, #tpu.memory_space<vmem>>[vector<16xi32>], vector<16xi32>, vector<16xi1>
    tpu.vector_store_idx %arg8[%add3A_86], %gather3A_16 masked %ge3A_88 : memref<6544xi32, #tpu.memory_space<vmem>>[vector<16xi32>], vector<16xi32>, vector<16xi1>
    %iota3A_89 = tpu.iota {dimensions = array<i32: 0>} : vector<16xi32>
    %broadcast_in_dim3A_90 = arith.constant 0 : i32
    %broadcast_in_dim3A_91 = vector.broadcast %broadcast_in_dim3A_90 : i32 to vector<16xi32>
    %sub3A_92 = arith.constant 1 : i32
    %sub3A_93 = arith.subi %scan3A_8#1, %sub3A_92 : i32
    %max3A_94 = arith.constant 0 : i32
    %max3A_95 = arith.maxsi %sub3A_93, %max3A_94 : i32
    %add3A_96 = vector.broadcast %max3A_95 : i32 to vector<16xi32>
    %add3A_97 = arith.addi %broadcast_in_dim3A_91, %add3A_96 : vector<16xi32>
    %gather3A_98 = tpu.vector_load_idx %arg9[%add3A_97] : memref<6544xi32, #tpu.memory_space<vmem>>[vector<16xi32>], vector<16xi32>,
    %gather3A_99 = tpu.vector_load_idx %arg10[%add3A_97] : memref<6544xi32, #tpu.memory_space<vmem>>[vector<16xi32>], vector<16xi32>,
    %jit3A_100 = arith.constant 16 : i32
    %div3A_101 = arith.divsi %scan3A_8#1, %jit3A_100 : i32
    %sign3A_102 = arith.constant 0 : i32
    %sign3A_103 = arith.cmpi sgt, %scan3A_8#1, %sign3A_102 : i32
    %sign3A_104 = arith.extui %sign3A_103 : i1 to i32
    %sign3A_105 = arith.constant 0 : i32
    %sign3A_106 = arith.cmpi slt, %scan3A_8#1, %sign3A_105 : i32
    %sign3A_107 = arith.extui %sign3A_106 : i1 to i32
    %sign3A_108 = arith.subi %sign3A_104, %sign3A_107 : i32
    %sign3A_109 = arith.constant 0 : i32
    %sign3A_110 = arith.cmpi sgt, %jit3A_100, %sign3A_109 : i32
    %sign3A_111 = arith.extui %sign3A_110 : i1 to i32
    %sign3A_112 = arith.constant 0 : i32
    %sign3A_113 = arith.cmpi slt, %jit3A_100, %sign3A_112 : i32
    %sign3A_114 = arith.extui %sign3A_113 : i1 to i32
    %sign3A_115 = arith.subi %sign3A_111, %sign3A_114 : i32
    %ne3A_116 = arith.cmpi ne, %sign3A_108, %sign3A_115 : i32
    %rem3A_117 = arith.remsi %scan3A_8#1, %jit3A_100 : i32
    %ne3A_118 = arith.constant 0 : i32
    %ne3A_119 = arith.cmpi ne, %rem3A_117, %ne3A_118 : i32
    %and3A_120 = arith.andi %ne3A_116, %ne3A_119 : i1
    %sub3A_121 = arith.constant 1 : i32
    %sub3A_122 = arith.subi %div3A_101, %sub3A_121 : i32
    %select_n3A_123 = arith.select %and3A_120, %sub3A_122, %div3A_101 : i32
    %mul3A_124 = arith.constant 16 : i32
    %mul3A_125 = arith.muli %select_n3A_123, %mul3A_124 : i32
    %add3A_126 = arith.constant 0 : i32
    %add3A_127 = arith.addi %mul3A_125, %add3A_126 : i32
    %add3A_128 = vector.broadcast %add3A_127 : i32 to vector<16xi32>
    %add3A_129 = arith.addi %iota3A_89, %add3A_128 : vector<16xi32>
    %ge3A_130 = vector.broadcast %scan3A_8#1 : i32 to vector<16xi32>
    %ge3A_131 = arith.cmpi sge, %add3A_129, %ge3A_130 : vector<16xi32>
    tpu.vector_store_idx %arg9[%add3A_129], %gather3A_98 masked %ge3A_131 : memref<6544xi32, #tpu.memory_space<vmem>>[vector<16xi32>], vector<16xi32>, vector<16xi1>
    tpu.vector_store_idx %arg10[%add3A_129], %gather3A_99 masked %ge3A_131 : memref<6544xi32, #tpu.memory_space<vmem>>[vector<16xi32>], vector<16xi32>, vector<16xi1>
    %add3A_132 = arith.constant 16 : i32
    %add3A_133 = arith.addi %mul3A_125, %add3A_132 : i32
    %add3A_134 = vector.broadcast %add3A_133 : i32 to vector<16xi32>
    %add3A_135 = arith.addi %iota3A_89, %add3A_134 : vector<16xi32>
    %ge3A_136 = vector.broadcast %scan3A_8#1 : i32 to vector<16xi32>
    %ge3A_137 = arith.cmpi sge, %add3A_135, %ge3A_136 : vector<16xi32>
    tpu.vector_store_idx %arg9[%add3A_135], %gather3A_98 masked %ge3A_137 : memref<6544xi32, #tpu.memory_space<vmem>>[vector<16xi32>], vector<16xi32>, vector<16xi1>
    tpu.vector_store_idx %arg10[%add3A_135], %gather3A_99 masked %ge3A_137 : memref<6544xi32, #tpu.memory_space<vmem>>[vector<16xi32>], vector<16xi32>, vector<16xi1>
    %add3A_138 = arith.constant 32 : i32
    %add3A_139 = arith.addi %mul3A_125, %add3A_138 : i32
    %add3A_140 = vector.broadcast %add3A_139 : i32 to vector<16xi32>
    %add3A_141 = arith.addi %iota3A_89, %add3A_140 : vector<16xi32>
    %ge3A_142 = vector.broadcast %scan3A_8#1 : i32 to vector<16xi32>
    %ge3A_143 = arith.cmpi sge, %add3A_141, %ge3A_142 : vector<16xi32>
    tpu.vector_store_idx %arg9[%add3A_141], %gather3A_98 masked %ge3A_143 : memref<6544xi32, #tpu.memory_space<vmem>>[vector<16xi32>], vector<16xi32>, vector<16xi1>
    tpu.vector_store_idx %arg10[%add3A_141], %gather3A_99 masked %ge3A_143 : memref<6544xi32, #tpu.memory_space<vmem>>[vector<16xi32>], vector<16xi32>, vector<16xi1>
    %add3A_144 = arith.constant 48 : i32
    %add3A_145 = arith.addi %mul3A_125, %add3A_144 : i32
    %add3A_146 = vector.broadcast %add3A_145 : i32 to vector<16xi32>
    %add3A_147 = arith.addi %iota3A_89, %add3A_146 : vector<16xi32>
    %ge3A_148 = vector.broadcast %scan3A_8#1 : i32 to vector<16xi32>
    %ge3A_149 = arith.cmpi sge, %add3A_147, %ge3A_148 : vector<16xi32>
    tpu.vector_store_idx %arg9[%add3A_147], %gather3A_98 masked %ge3A_149 : memref<6544xi32, #tpu.memory_space<vmem>>[vector<16xi32>], vector<16xi32>, vector<16xi1>
    tpu.vector_store_idx %arg10[%add3A_147], %gather3A_99 masked %ge3A_149 : memref<6544xi32, #tpu.memory_space<vmem>>[vector<16xi32>], vector<16xi32>, vector<16xi1>
    %add3A_150 = arith.constant 64 : i32
    %add3A_151 = arith.addi %mul3A_125, %add3A_150 : i32
    %add3A_152 = vector.broadcast %add3A_151 : i32 to vector<16xi32>
    %add3A_153 = arith.addi %iota3A_89, %add3A_152 : vector<16xi32>
    %ge3A_154 = vector.broadcast %scan3A_8#1 : i32 to vector<16xi32>
    %ge3A_155 = arith.cmpi sge, %add3A_153, %ge3A_154 : vector<16xi32>
    tpu.vector_store_idx %arg9[%add3A_153], %gather3A_98 masked %ge3A_155 : memref<6544xi32, #tpu.memory_space<vmem>>[vector<16xi32>], vector<16xi32>, vector<16xi1>
    tpu.vector_store_idx %arg10[%add3A_153], %gather3A_99 masked %ge3A_155 : memref<6544xi32, #tpu.memory_space<vmem>>[vector<16xi32>], vector<16xi32>, vector<16xi1>
    %add3A_156 = arith.constant 80 : i32
    %add3A_157 = arith.addi %mul3A_125, %add3A_156 : i32
    %add3A_158 = vector.broadcast %add3A_157 : i32 to vector<16xi32>
    %add3A_159 = arith.addi %iota3A_89, %add3A_158 : vector<16xi32>
    %ge3A_160 = vector.broadcast %scan3A_8#1 : i32 to vector<16xi32>
    %ge3A_161 = arith.cmpi sge, %add3A_159, %ge3A_160 : vector<16xi32>
    tpu.vector_store_idx %arg9[%add3A_159], %gather3A_98 masked %ge3A_161 : memref<6544xi32, #tpu.memory_space<vmem>>[vector<16xi32>], vector<16xi32>, vector<16xi1>
    tpu.vector_store_idx %arg10[%add3A_159], %gather3A_99 masked %ge3A_161 : memref<6544xi32, #tpu.memory_space<vmem>>[vector<16xi32>], vector<16xi32>, vector<16xi1>
    %add3A_162 = arith.constant 96 : i32
    %add3A_163 = arith.addi %mul3A_125, %add3A_162 : i32
    %add3A_164 = vector.broadcast %add3A_163 : i32 to vector<16xi32>
    %add3A_165 = arith.addi %iota3A_89, %add3A_164 : vector<16xi32>
    %ge3A_166 = vector.broadcast %scan3A_8#1 : i32 to vector<16xi32>
    %ge3A_167 = arith.cmpi sge, %add3A_165, %ge3A_166 : vector<16xi32>
    tpu.vector_store_idx %arg9[%add3A_165], %gather3A_98 masked %ge3A_167 : memref<6544xi32, #tpu.memory_space<vmem>>[vector<16xi32>], vector<16xi32>, vector<16xi1>
    tpu.vector_store_idx %arg10[%add3A_165], %gather3A_99 masked %ge3A_167 : memref<6544xi32, #tpu.memory_space<vmem>>[vector<16xi32>], vector<16xi32>, vector<16xi1>
    %add3A_168 = arith.constant 112 : i32
    %add3A_169 = arith.addi %mul3A_125, %add3A_168 : i32
    %add3A_170 = vector.broadcast %add3A_169 : i32 to vector<16xi32>
    %add3A_171 = arith.addi %iota3A_89, %add3A_170 : vector<16xi32>
    %ge3A_172 = vector.broadcast %scan3A_8#1 : i32 to vector<16xi32>
    %ge3A_173 = arith.cmpi sge, %add3A_171, %ge3A_172 : vector<16xi32>
    tpu.vector_store_idx %arg9[%add3A_171], %gather3A_98 masked %ge3A_173 : memref<6544xi32, #tpu.memory_space<vmem>>[vector<16xi32>], vector<16xi32>, vector<16xi1>
    tpu.vector_store_idx %arg10[%add3A_171], %gather3A_99 masked %ge3A_173 : memref<6544xi32, #tpu.memory_space<vmem>>[vector<16xi32>], vector<16xi32>, vector<16xi1>
    %add3A_174 = arith.constant 128 : i32
    %add3A_175 = arith.addi %mul3A_125, %add3A_174 : i32
    %add3A_176 = vector.broadcast %add3A_175 : i32 to vector<16xi32>
    %add3A_177 = arith.addi %iota3A_89, %add3A_176 : vector<16xi32>
    %ge3A_178 = vector.broadcast %scan3A_8#1 : i32 to vector<16xi32>
    %ge3A_179 = arith.cmpi sge, %add3A_177, %ge3A_178 : vector<16xi32>
    tpu.vector_store_idx %arg9[%add3A_177], %gather3A_98 masked %ge3A_179 : memref<6544xi32, #tpu.memory_space<vmem>>[vector<16xi32>], vector<16xi32>, vector<16xi1>
    tpu.vector_store_idx %arg10[%add3A_177], %gather3A_99 masked %ge3A_179 : memref<6544xi32, #tpu.memory_space<vmem>>[vector<16xi32>], vector<16xi32>, vector<16xi1>
    %add3A_180 = arith.constant 128 : i32
    %add3A_181 = arith.addi %scan3A_8#0, %add3A_180 : i32
    %sub3A_182 = arith.constant 1 : i32
    %sub3A_183 = arith.subi %add3A_181, %sub3A_182 : i32
    %jit3A_184 = arith.constant 128 : i32
    %div3A_185 = arith.divsi %sub3A_183, %jit3A_184 : i32
    %sign3A_186 = arith.constant 0 : i32
    %sign3A_187 = arith.cmpi sgt, %sub3A_183, %sign3A_186 : i32
    %sign3A_188 = arith.extui %sign3A_187 : i1 to i32
    %sign3A_189 = arith.constant 0 : i32
    %sign3A_190 = arith.cmpi slt, %sub3A_183, %sign3A_189 : i32
    %sign3A_191 = arith.extui %sign3A_190 : i1 to i32
    %sign3A_192 = arith.subi %sign3A_188, %sign3A_191 : i32
    %sign3A_193 = arith.constant 0 : i32
    %sign3A_194 = arith.cmpi sgt, %jit3A_184, %sign3A_193 : i32
    %sign3A_195 = arith.extui %sign3A_194 : i1 to i32
    %sign3A_196 = arith.constant 0 : i32
    %sign3A_197 = arith.cmpi slt, %jit3A_184, %sign3A_196 : i32
    %sign3A_198 = arith.extui %sign3A_197 : i1 to i32
    %sign3A_199 = arith.subi %sign3A_195, %sign3A_198 : i32
    %ne3A_200 = arith.cmpi ne, %sign3A_192, %sign3A_199 : i32
    %rem3A_201 = arith.remsi %sub3A_183, %jit3A_184 : i32
    %ne3A_202 = arith.constant 0 : i32
    %ne3A_203 = arith.cmpi ne, %rem3A_201, %ne3A_202 : i32
    %and3A_204 = arith.andi %ne3A_200, %ne3A_203 : i1
    %sub3A_205 = arith.constant 1 : i32
    %sub3A_206 = arith.subi %div3A_185, %sub3A_205 : i32
    %select_n3A_207 = arith.select %and3A_204, %sub3A_206, %div3A_185 : i32
    %scan3A_208 = arith.constant 0 : i32
    %scan3A_209 = arith.constant 0 : i32
    %scan3A_210 = arith.constant 7 : i32
    %scan3A_211 = arith.addi %scan3A_209, %scan3A_210 : i32
    %scan3A_212 = arith.constant 1 : i32
    scf.for %scan3A_325 = %scan3A_209 to %scan3A_211 step %scan3A_212  : i32 {
      %mul3A_326 = arith.constant 8 : i32
      %mul3A_327 = arith.muli %scan3A_325, %mul3A_326 : i32
      %add3A_328 = arith.constant 0 : i32
      %add3A_329 = arith.addi %mul3A_327, %add3A_328 : i32
      %lt3A = arith.cmpi slt, %add3A_329, %select_n3A_207 : i32
      %gt3A_330 = arith.constant 0 : i32
      %gt3A_331 = arith.cmpi sgt, %scan3A_325, %gt3A_330 : i32
      %and3A_332 = arith.andi %lt3A, %gt3A_331 : i1
      %convert_element_type3A_333 = arith.extui %and3A_332 : i1 to i32
      %cond3A_334 = arith.constant 0 : i32
      %cond3A_335 = arith.cmpi ne, %convert_element_type3A_333, %cond3A_334 : i32
      scf.if %cond3A_335 {
        %dma_wait3A = arith.constant 0 : i32
        %dma_wait3A_509 = arith.constant 0 : i32
        %dma_wait3A_510 = arith.constant 0 : i32
        %dma_wait3A_511 = tpu.memref_slice %arg11[%dma_wait3A, %dma_wait3A_509, %dma_wait3A_510] : memref<8x128x64xf32, #tpu.memory_space<vmem>> -> memref<1x128x64xf32, #tpu.memory_space<vmem>>
        %dma_wait3A_512 = tpu.memref_squeeze %dma_wait3A_511 : memref<1x128x64xf32, #tpu.memory_space<vmem>> -> memref<128x64xf32, #tpu.memory_space<vmem>>
        %dma_wait3A_513 = arith.constant 0 : i32
        %dma_wait3A_514 = arith.constant 0 : i32
        %dma_wait3A_515 = tpu.memref_slice %arg5[%dma_wait3A_513, %dma_wait3A_514] : memref<204800x64xf32, #tpu.memory_space<hbm>> -> memref<128x64xf32, #tpu.memory_space<hbm>>
        %dma_wait3A_516 = arith.constant 0 : i32
        %dma_wait3A_517 = arith.constant 0 : i32
        %dma_wait3A_518 = tpu.memref_slice %arg5[%dma_wait3A_516, %dma_wait3A_517] : memref<204800x64xf32, #tpu.memory_space<hbm>> -> memref<128x64xf32, #tpu.memory_space<hbm>>
        %dma_wait3A_519 = arith.constant 0 : i32
        %dma_wait3A_520 = arith.constant 0 : i32
        %dma_wait3A_521 = tpu.memref_slice %arg11[%dma_wait3A, %dma_wait3A_519, %dma_wait3A_520] : memref<8x128x64xf32, #tpu.memory_space<vmem>> -> memref<1x128x64xf32, #tpu.memory_space<vmem>>
        %dma_wait3A_522 = tpu.memref_squeeze %dma_wait3A_521 : memref<1x128x64xf32, #tpu.memory_space<vmem>> -> memref<128x64xf32, #tpu.memory_space<vmem>>
        tpu.wait_dma2 semaphore(%arg36 : memref<!tpu.dma_semaphore, #tpu.memory_space<semaphore_mem>>) src(%dma_wait3A_522 : memref<128x64xf32, #tpu.memory_space<vmem>>) dst(%dma_wait3A_518 : memref<128x64xf32, #tpu.memory_space<hbm>>)
      } else {
      }
      %lt3A_336 = arith.cmpi slt, %add3A_329, %select_n3A_207 : i32
      %convert_element_type3A_337 = arith.extui %lt3A_336 : i1 to i32
      %cond3A_338 = arith.constant 0 : i32
      %cond3A_339 = arith.cmpi ne, %convert_element_type3A_337, %cond3A_338 : i32
      scf.if %cond3A_339 {
        %mul3A_509 = arith.constant 128 : i32
        %mul3A_510 = arith.muli %add3A_329, %mul3A_509 : i32
        %add3A_511 = arith.constant 0 : i32
        %add3A_512 = arith.addi %mul3A_510, %add3A_511 : i32
        %get3A = arith.index_cast %add3A_512 : i32 to index
        %get3A_513 = tpu.vector_load %arg7[%get3A] {strides = array<i32>} : memref<6544xi32, #tpu.memory_space<vmem>>, vector<16xi32>,
        %swap3A = arith.constant 0 : index
        %swap3A_514 = tpu.vector_load %arg12[%swap3A] {strides = array<i32>} : memref<128xi32, #tpu.memory_space<vmem>>, vector<16xi32>,
        tpu.vector_store %arg12[%swap3A], %get3A_513 {strides = array<i32>} : memref<128xi32, #tpu.memory_space<vmem>>, vector<16xi32>,
        %mul3A_515 = arith.constant 128 : i32
        %mul3A_516 = arith.muli %add3A_329, %mul3A_515 : i32
        %add3A_517 = arith.constant 0 : i32
        %add3A_518 = arith.addi %mul3A_516, %add3A_517 : i32
        %get3A_519 = arith.index_cast %add3A_518 : i32 to index
        %get3A_520 = tpu.vector_load %arg8[%get3A_519] {strides = array<i32>} : memref<6544xi32, #tpu.memory_space<vmem>>, vector<16xi32>,
        %swap3A_521 = arith.constant 0 : index
        %swap3A_522 = tpu.vector_load %arg20[%swap3A_521] {strides = array<i32>} : memref<128xi32, #tpu.memory_space<vmem>>, vector<16xi32>,
        tpu.vector_store %arg20[%swap3A_521], %get3A_520 {strides = array<i32>} : memref<128xi32, #tpu.memory_space<vmem>>, vector<16xi32>,
        %mul3A_523 = arith.constant 128 : i32
        %mul3A_524 = arith.muli %add3A_329, %mul3A_523 : i32
        %add3A_525 = arith.constant 16 : i32
        %add3A_526 = arith.addi %mul3A_524, %add3A_525 : i32
        %get3A_527 = arith.index_cast %add3A_526 : i32 to index
        %get3A_528 = tpu.vector_load %arg7[%get3A_527] {strides = array<i32>} : memref<6544xi32, #tpu.memory_space<vmem>>, vector<16xi32>,
        %swap3A_529 = arith.constant 16 : index
        %swap3A_530 = tpu.vector_load %arg12[%swap3A_529] {strides = array<i32>} : memref<128xi32, #tpu.memory_space<vmem>>, vector<16xi32>,
        tpu.vector_store %arg12[%swap3A_529], %get3A_528 {strides = array<i32>} : memref<128xi32, #tpu.memory_space<vmem>>, vector<16xi32>,
        %mul3A_531 = arith.constant 128 : i32
        %mul3A_532 = arith.muli %add3A_329, %mul3A_531 : i32
        %add3A_533 = arith.constant 16 : i32
        %add3A_534 = arith.addi %mul3A_532, %add3A_533 : i32
        %get3A_535 = arith.index_cast %add3A_534 : i32 to index
        %get3A_536 = tpu.vector_load %arg8[%get3A_535] {strides = array<i32>} : memref<6544xi32, #tpu.memory_space<vmem>>, vector<16xi32>,
        %swap3A_537 = arith.constant 16 : index
        %swap3A_538 = tpu.vector_load %arg20[%swap3A_537] {strides = array<i32>} : memref<128xi32, #tpu.memory_space<vmem>>, vector<16xi32>,
        tpu.vector_store %arg20[%swap3A_537], %get3A_536 {strides = array<i32>} : memref<128xi32, #tpu.memory_space<vmem>>, vector<16xi32>,
        %mul3A_539 = arith.constant 128 : i32
        %mul3A_540 = arith.muli %add3A_329, %mul3A_539 : i32
        %add3A_541 = arith.constant 32 : i32
        %add3A_542 = arith.addi %mul3A_540, %add3A_541 : i32
        %get3A_543 = arith.index_cast %add3A_542 : i32 to index
        %get3A_544 = tpu.vector_load %arg7[%get3A_543] {strides = array<i32>} : memref<6544xi32, #tpu.memory_space<vmem>>, vector<16xi32>,
        %swap3A_545 = arith.constant 32 : index
        %swap3A_546 = tpu.vector_load %arg12[%swap3A_545] {strides = array<i32>} : memref<128xi32, #tpu.memory_space<vmem>>, vector<16xi32>,
        tpu.vector_store %arg12[%swap3A_545], %get3A_544 {strides = array<i32>} : memref<128xi32, #tpu.memory_space<vmem>>, vector<16xi32>,
        %mul3A_547 = arith.constant 128 : i32
        %mul3A_548 = arith.muli %add3A_329, %mul3A_547 : i32
        %add3A_549 = arith.constant 32 : i32
        %add3A_550 = arith.addi %mul3A_548, %add3A_549 : i32
        %get3A_551 = arith.index_cast %add3A_550 : i32 to index
        %get3A_552 = tpu.vector_load %arg8[%get3A_551] {strides = array<i32>} : memref<6544xi32, #tpu.memory_space<vmem>>, vector<16xi32>,
        %swap3A_553 = arith.constant 32 : index
        %swap3A_554 = tpu.vector_load %arg20[%swap3A_553] {strides = array<i32>} : memref<128xi32, #tpu.memory_space<vmem>>, vector<16xi32>,
        tpu.vector_store %arg20[%swap3A_553], %get3A_552 {strides = array<i32>} : memref<128xi32, #tpu.memory_space<vmem>>, vector<16xi32>,
        %mul3A_555 = arith.constant 128 : i32
        %mul3A_556 = arith.muli %add3A_329, %mul3A_555 : i32
        %add3A_557 = arith.constant 48 : i32
        %add3A_558 = arith.addi %mul3A_556, %add3A_557 : i32
        %get3A_559 = arith.index_cast %add3A_558 : i32 to index
        %get3A_560 = tpu.vector_load %arg7[%get3A_559] {strides = array<i32>} : memref<6544xi32, #tpu.memory_space<vmem>>, vector<16xi32>,
        %swap3A_561 = arith.constant 48 : index
        %swap3A_562 = tpu.vector_load %arg12[%swap3A_561] {strides = array<i32>} : memref<128xi32, #tpu.memory_space<vmem>>, vector<16xi32>,
        tpu.vector_store %arg12[%swap3A_561], %get3A_560 {strides = array<i32>} : memref<128xi32, #tpu.memory_space<vmem>>, vector<16xi32>,
        %mul3A_563 = arith.constant 128 : i32
        %mul3A_564 = arith.muli %add3A_329, %mul3A_563 : i32
        %add3A_565 = arith.constant 48 : i32
        %add3A_566 = arith.addi %mul3A_564, %add3A_565 : i32
        %get3A_567 = arith.index_cast %add3A_566 : i32 to index
        %get3A_568 = tpu.vector_load %arg8[%get3A_567] {strides = array<i32>} : memref<6544xi32, #tpu.memory_space<vmem>>, vector<16xi32>,
        %swap3A_569 = arith.constant 48 : index
        %swap3A_570 = tpu.vector_load %arg20[%swap3A_569] {strides = array<i32>} : memref<128xi32, #tpu.memory_space<vmem>>, vector<16xi32>,
        tpu.vector_store %arg20[%swap3A_569], %get3A_568 {strides = array<i32>} : memref<128xi32, #tpu.memory_space<vmem>>, vector<16xi32>,
        %mul3A_571 = arith.constant 128 : i32
        %mul3A_572 = arith.muli %add3A_329, %mul3A_571 : i32
        %add3A_573 = arith.constant 64 : i32
        %add3A_574 = arith.addi %mul3A_572, %add3A_573 : i32
        %get3A_575 = arith.index_cast %add3A_574 : i32 to index
        %get3A_576 = tpu.vector_load %arg7[%get3A_575] {strides = array<i32>} : memref<6544xi32, #tpu.memory_space<vmem>>, vector<16xi32>,
        %swap3A_577 = arith.constant 64 : index
        %swap3A_578 = tpu.vector_load %arg12[%swap3A_577] {strides = array<i32>} : memref<128xi32, #tpu.memory_space<vmem>>, vector<16xi32>,
        tpu.vector_store %arg12[%swap3A_577], %get3A_576 {strides = array<i32>} : memref<128xi32, #tpu.memory_space<vmem>>, vector<16xi32>,
        %mul3A_579 = arith.constant 128 : i32
        %mul3A_580 = arith.muli %add3A_329, %mul3A_579 : i32
        %add3A_581 = arith.constant 64 : i32
        %add3A_582 = arith.addi %mul3A_580, %add3A_581 : i32
        %get3A_583 = arith.index_cast %add3A_582 : i32 to index
        %get3A_584 = tpu.vector_load %arg8[%get3A_583] {strides = array<i32>} : memref<6544xi32, #tpu.memory_space<vmem>>, vector<16xi32>,
        %swap3A_585 = arith.constant 64 : index
        %swap3A_586 = tpu.vector_load %arg20[%swap3A_585] {strides = array<i32>} : memref<128xi32, #tpu.memory_space<vmem>>, vector<16xi32>,
        tpu.vector_store %arg20[%swap3A_585], %get3A_584 {strides = array<i32>} : memref<128xi32, #tpu.memory_space<vmem>>, vector<16xi32>,
        %mul3A_587 = arith.constant 128 : i32
        %mul3A_588 = arith.muli %add3A_329, %mul3A_587 : i32
        %add3A_589 = arith.constant 80 : i32
        %add3A_590 = arith.addi %mul3A_588, %add3A_589 : i32
        %get3A_591 = arith.index_cast %add3A_590 : i32 to index
        %get3A_592 = tpu.vector_load %arg7[%get3A_591] {strides = array<i32>} : memref<6544xi32, #tpu.memory_space<vmem>>, vector<16xi32>,
        %swap3A_593 = arith.constant 80 : index
        %swap3A_594 = tpu.vector_load %arg12[%swap3A_593] {strides = array<i32>} : memref<128xi32, #tpu.memory_space<vmem>>, vector<16xi32>,
        tpu.vector_store %arg12[%swap3A_593], %get3A_592 {strides = array<i32>} : memref<128xi32, #tpu.memory_space<vmem>>, vector<16xi32>,
        %mul3A_595 = arith.constant 128 : i32
        %mul3A_596 = arith.muli %add3A_329, %mul3A_595 : i32
        %add3A_597 = arith.constant 80 : i32
        %add3A_598 = arith.addi %mul3A_596, %add3A_597 : i32
        %get3A_599 = arith.index_cast %add3A_598 : i32 to index
        %get3A_600 = tpu.vector_load %arg8[%get3A_599] {strides = array<i32>} : memref<6544xi32, #tpu.memory_space<vmem>>, vector<16xi32>,
        %swap3A_601 = arith.constant 80 : index
        %swap3A_602 = tpu.vector_load %arg20[%swap3A_601] {strides = array<i32>} : memref<128xi32, #tpu.memory_space<vmem>>, vector<16xi32>,
        tpu.vector_store %arg20[%swap3A_601], %get3A_600 {strides = array<i32>} : memref<128xi32, #tpu.memory_space<vmem>>, vector<16xi32>,
        %mul3A_603 = arith.constant 128 : i32
        %mul3A_604 = arith.muli %add3A_329, %mul3A_603 : i32
        %add3A_605 = arith.constant 96 : i32
        %add3A_606 = arith.addi %mul3A_604, %add3A_605 : i32
        %get3A_607 = arith.index_cast %add3A_606 : i32 to index
        %get3A_608 = tpu.vector_load %arg7[%get3A_607] {strides = array<i32>} : memref<6544xi32, #tpu.memory_space<vmem>>, vector<16xi32>,
        %swap3A_609 = arith.constant 96 : index
        %swap3A_610 = tpu.vector_load %arg12[%swap3A_609] {strides = array<i32>} : memref<128xi32, #tpu.memory_space<vmem>>, vector<16xi32>,
        tpu.vector_store %arg12[%swap3A_609], %get3A_608 {strides = array<i32>} : memref<128xi32, #tpu.memory_space<vmem>>, vector<16xi32>,
        %mul3A_611 = arith.constant 128 : i32
        %mul3A_612 = arith.muli %add3A_329, %mul3A_611 : i32
        %add3A_613 = arith.constant 96 : i32
        %add3A_614 = arith.addi %mul3A_612, %add3A_613 : i32
        %get3A_615 = arith.index_cast %add3A_614 : i32 to index
        %get3A_616 = tpu.vector_load %arg8[%get3A_615] {strides = array<i32>} : memref<6544xi32, #tpu.memory_space<vmem>>, vector<16xi32>,
        %swap3A_617 = arith.constant 96 : index
        %swap3A_618 = tpu.vector_load %arg20[%swap3A_617] {strides = array<i32>} : memref<128xi32, #tpu.memory_space<vmem>>, vector<16xi32>,
        tpu.vector_store %arg20[%swap3A_617], %get3A_616 {strides = array<i32>} : memref<128xi32, #tpu.memory_space<vmem>>, vector<16xi32>,
        %mul3A_619 = arith.constant 128 : i32
        %mul3A_620 = arith.muli %add3A_329, %mul3A_619 : i32
        %add3A_621 = arith.constant 112 : i32
        %add3A_622 = arith.addi %mul3A_620, %add3A_621 : i32
        %get3A_623 = arith.index_cast %add3A_622 : i32 to index
        %get3A_624 = tpu.vector_load %arg7[%get3A_623] {strides = array<i32>} : memref<6544xi32, #tpu.memory_space<vmem>>, vector<16xi32>,
        %swap3A_625 = arith.constant 112 : index
        %swap3A_626 = tpu.vector_load %arg12[%swap3A_625] {strides = array<i32>} : memref<128xi32, #tpu.memory_space<vmem>>, vector<16xi32>,
        tpu.vector_store %arg12[%swap3A_625], %get3A_624 {strides = array<i32>} : memref<128xi32, #tpu.memory_space<vmem>>, vector<16xi32>,
        %mul3A_627 = arith.constant 128 : i32
        %mul3A_628 = arith.muli %add3A_329, %mul3A_627 : i32
        %add3A_629 = arith.constant 112 : i32
        %add3A_630 = arith.addi %mul3A_628, %add3A_629 : i32
        %get3A_631 = arith.index_cast %add3A_630 : i32 to index
        %get3A_632 = tpu.vector_load %arg8[%get3A_631] {strides = array<i32>} : memref<6544xi32, #tpu.memory_space<vmem>>, vector<16xi32>,
        %swap3A_633 = arith.constant 112 : index
        %swap3A_634 = tpu.vector_load %arg20[%swap3A_633] {strides = array<i32>} : memref<128xi32, #tpu.memory_space<vmem>>, vector<16xi32>,
        tpu.vector_store %arg20[%swap3A_633], %get3A_632 {strides = array<i32>} : memref<128xi32, #tpu.memory_space<vmem>>, vector<16xi32>,
        %dma_start3A = arith.constant 0 : i32
        %dma_start3A_635 = arith.constant 0 : i32
        %dma_start3A_636 = arith.constant 0 : i32
        %dma_start3A_637 = tpu.memref_slice %arg11[%dma_start3A, %dma_start3A_635, %dma_start3A_636] : memref<8x128x64xf32, #tpu.memory_space<vmem>> -> memref<1x128x64xf32, #tpu.memory_space<vmem>>
        %dma_start3A_638 = tpu.memref_squeeze %dma_start3A_637 : memref<1x128x64xf32, #tpu.memory_space<vmem>> -> memref<128x64xf32, #tpu.memory_space<vmem>>
        %dma_start3A_639 = arith.constant 0 : i32
        %dma_start3A_640 = arith.constant 0 : i32
        %dma_start3A_641 = tpu.memref_slice %arg3[%dma_start3A_639, %dma_start3A_640] : memref<50000x64xf32, #tpu.memory_space<hbm>> -> memref<50000x64xf32, #tpu.memory_space<hbm>>
        tpu.enqueue_indirect_dma source(%dma_start3A_641 : memref<50000x64xf32, #tpu.memory_space<hbm>>) target(%dma_start3A_638 : memref<128x64xf32, #tpu.memory_space<vmem>>) offsets(%arg12 : memref<128xi32, #tpu.memory_space<vmem>>) semaphore(%arg28 : memref<!tpu.dma_semaphore, #tpu.memory_space<semaphore_mem>>)
      } else {
      }
      %mul3A_340 = arith.constant 8 : i32
      %mul3A_341 = arith.muli %scan3A_325, %mul3A_340 : i32
      %add3A_342 = arith.constant 1 : i32
      %add3A_343 = arith.addi %mul3A_341, %add3A_342 : i32
      %lt3A_344 = arith.cmpi slt, %add3A_343, %select_n3A_207 : i32
      %gt3A_345 = arith.constant 0 : i32
      %gt3A_346 = arith.cmpi sgt, %scan3A_325, %gt3A_345 : i32
      %and3A_347 = arith.andi %lt3A_344, %gt3A_346 : i1
      %convert_element_type3A_348 = arith.extui %and3A_347 : i1 to i32
      %cond3A_349 = arith.constant 0 : i32
      %cond3A_350 = arith.cmpi ne, %convert_element_type3A_348, %cond3A_349 : i32
      scf.if %cond3A_350 {
        %dma_wait3A = arith.constant 1 : i32
        %dma_wait3A_509 = arith.constant 0 : i32
        %dma_wait3A_510 = arith.constant 0 : i32
        %dma_wait3A_511 = tpu.memref_slice %arg11[%dma_wait3A, %dma_wait3A_509, %dma_wait3A_510] : memref<8x128x64xf32, #tpu.memory_space<vmem>> -> memref<1x128x64xf32, #tpu.memory_space<vmem>>
        %dma_wait3A_512 = tpu.memref_squeeze %dma_wait3A_511 : memref<1x128x64xf32, #tpu.memory_space<vmem>> -> memref<128x64xf32, #tpu.memory_space<vmem>>
        %dma_wait3A_513 = arith.constant 0 : i32
        %dma_wait3A_514 = arith.constant 0 : i32
        %dma_wait3A_515 = tpu.memref_slice %arg5[%dma_wait3A_513, %dma_wait3A_514] : memref<204800x64xf32, #tpu.memory_space<hbm>> -> memref<128x64xf32, #tpu.memory_space<hbm>>
        %dma_wait3A_516 = arith.constant 0 : i32
        %dma_wait3A_517 = arith.constant 0 : i32
        %dma_wait3A_518 = tpu.memref_slice %arg5[%dma_wait3A_516, %dma_wait3A_517] : memref<204800x64xf32, #tpu.memory_space<hbm>> -> memref<128x64xf32, #tpu.memory_space<hbm>>
        %dma_wait3A_519 = arith.constant 0 : i32
        %dma_wait3A_520 = arith.constant 0 : i32
        %dma_wait3A_521 = tpu.memref_slice %arg11[%dma_wait3A, %dma_wait3A_519, %dma_wait3A_520] : memref<8x128x64xf32, #tpu.memory_space<vmem>> -> memref<1x128x64xf32, #tpu.memory_space<vmem>>
        %dma_wait3A_522 = tpu.memref_squeeze %dma_wait3A_521 : memref<1x128x64xf32, #tpu.memory_space<vmem>> -> memref<128x64xf32, #tpu.memory_space<vmem>>
        tpu.wait_dma2 semaphore(%arg37 : memref<!tpu.dma_semaphore, #tpu.memory_space<semaphore_mem>>) src(%dma_wait3A_522 : memref<128x64xf32, #tpu.memory_space<vmem>>) dst(%dma_wait3A_518 : memref<128x64xf32, #tpu.memory_space<hbm>>)
      } else {
      }
      %lt3A_351 = arith.cmpi slt, %add3A_343, %select_n3A_207 : i32
      %convert_element_type3A_352 = arith.extui %lt3A_351 : i1 to i32
      %cond3A_353 = arith.constant 0 : i32
      %cond3A_354 = arith.cmpi ne, %convert_element_type3A_352, %cond3A_353 : i32
      scf.if %cond3A_354 {
        %mul3A_509 = arith.constant 128 : i32
        %mul3A_510 = arith.muli %add3A_343, %mul3A_509 : i32
        %add3A_511 = arith.constant 0 : i32
        %add3A_512 = arith.addi %mul3A_510, %add3A_511 : i32
        %get3A = arith.index_cast %add3A_512 : i32 to index
        %get3A_513 = tpu.vector_load %arg7[%get3A] {strides = array<i32>} : memref<6544xi32, #tpu.memory_space<vmem>>, vector<16xi32>,
        %swap3A = arith.constant 0 : index
        %swap3A_514 = tpu.vector_load %arg13[%swap3A] {strides = array<i32>} : memref<128xi32, #tpu.memory_space<vmem>>, vector<16xi32>,
        tpu.vector_store %arg13[%swap3A], %get3A_513 {strides = array<i32>} : memref<128xi32, #tpu.memory_space<vmem>>, vector<16xi32>,
        %mul3A_515 = arith.constant 128 : i32
        %mul3A_516 = arith.muli %add3A_343, %mul3A_515 : i32
        %add3A_517 = arith.constant 0 : i32
        %add3A_518 = arith.addi %mul3A_516, %add3A_517 : i32
        %get3A_519 = arith.index_cast %add3A_518 : i32 to index
        %get3A_520 = tpu.vector_load %arg8[%get3A_519] {strides = array<i32>} : memref<6544xi32, #tpu.memory_space<vmem>>, vector<16xi32>,
        %swap3A_521 = arith.constant 0 : index
        %swap3A_522 = tpu.vector_load %arg21[%swap3A_521] {strides = array<i32>} : memref<128xi32, #tpu.memory_space<vmem>>, vector<16xi32>,
        tpu.vector_store %arg21[%swap3A_521], %get3A_520 {strides = array<i32>} : memref<128xi32, #tpu.memory_space<vmem>>, vector<16xi32>,
        %mul3A_523 = arith.constant 128 : i32
        %mul3A_524 = arith.muli %add3A_343, %mul3A_523 : i32
        %add3A_525 = arith.constant 16 : i32
        %add3A_526 = arith.addi %mul3A_524, %add3A_525 : i32
        %get3A_527 = arith.index_cast %add3A_526 : i32 to index
        %get3A_528 = tpu.vector_load %arg7[%get3A_527] {strides = array<i32>} : memref<6544xi32, #tpu.memory_space<vmem>>, vector<16xi32>,
        %swap3A_529 = arith.constant 16 : index
        %swap3A_530 = tpu.vector_load %arg13[%swap3A_529] {strides = array<i32>} : memref<128xi32, #tpu.memory_space<vmem>>, vector<16xi32>,
        tpu.vector_store %arg13[%swap3A_529], %get3A_528 {strides = array<i32>} : memref<128xi32, #tpu.memory_space<vmem>>, vector<16xi32>,
        %mul3A_531 = arith.constant 128 : i32
        %mul3A_532 = arith.muli %add3A_343, %mul3A_531 : i32
        %add3A_533 = arith.constant 16 : i32
        %add3A_534 = arith.addi %mul3A_532, %add3A_533 : i32
        %get3A_535 = arith.index_cast %add3A_534 : i32 to index
        %get3A_536 = tpu.vector_load %arg8[%get3A_535] {strides = array<i32>} : memref<6544xi32, #tpu.memory_space<vmem>>, vector<16xi32>,
        %swap3A_537 = arith.constant 16 : index
        %swap3A_538 = tpu.vector_load %arg21[%swap3A_537] {strides = array<i32>} : memref<128xi32, #tpu.memory_space<vmem>>, vector<16xi32>,
        tpu.vector_store %arg21[%swap3A_537], %get3A_536 {strides = array<i32>} : memref<128xi32, #tpu.memory_space<vmem>>, vector<16xi32>,
        %mul3A_539 = arith.constant 128 : i32
        %mul3A_540 = arith.muli %add3A_343, %mul3A_539 : i32
        %add3A_541 = arith.constant 32 : i32
        %add3A_542 = arith.addi %mul3A_540, %add3A_541 : i32
        %get3A_543 = arith.index_cast %add3A_542 : i32 to index
        %get3A_544 = tpu.vector_load %arg7[%get3A_543] {strides = array<i32>} : memref<6544xi32, #tpu.memory_space<vmem>>, vector<16xi32>,
        %swap3A_545 = arith.constant 32 : index
        %swap3A_546 = tpu.vector_load %arg13[%swap3A_545] {strides = array<i32>} : memref<128xi32, #tpu.memory_space<vmem>>, vector<16xi32>,
        tpu.vector_store %arg13[%swap3A_545], %get3A_544 {strides = array<i32>} : memref<128xi32, #tpu.memory_space<vmem>>, vector<16xi32>,
        %mul3A_547 = arith.constant 128 : i32
        %mul3A_548 = arith.muli %add3A_343, %mul3A_547 : i32
        %add3A_549 = arith.constant 32 : i32
        %add3A_550 = arith.addi %mul3A_548, %add3A_549 : i32
        %get3A_551 = arith.index_cast %add3A_550 : i32 to index
        %get3A_552 = tpu.vector_load %arg8[%get3A_551] {strides = array<i32>} : memref<6544xi32, #tpu.memory_space<vmem>>, vector<16xi32>,
        %swap3A_553 = arith.constant 32 : index
        %swap3A_554 = tpu.vector_load %arg21[%swap3A_553] {strides = array<i32>} : memref<128xi32, #tpu.memory_space<vmem>>, vector<16xi32>,
        tpu.vector_store %arg21[%swap3A_553], %get3A_552 {strides = array<i32>} : memref<128xi32, #tpu.memory_space<vmem>>, vector<16xi32>,
        %mul3A_555 = arith.constant 128 : i32
        %mul3A_556 = arith.muli %add3A_343, %mul3A_555 : i32
        %add3A_557 = arith.constant 48 : i32
        %add3A_558 = arith.addi %mul3A_556, %add3A_557 : i32
        %get3A_559 = arith.index_cast %add3A_558 : i32 to index
        %get3A_560 = tpu.vector_load %arg7[%get3A_559] {strides = array<i32>} : memref<6544xi32, #tpu.memory_space<vmem>>, vector<16xi32>,
        %swap3A_561 = arith.constant 48 : index
        %swap3A_562 = tpu.vector_load %arg13[%swap3A_561] {strides = array<i32>} : memref<128xi32, #tpu.memory_space<vmem>>, vector<16xi32>,
        tpu.vector_store %arg13[%swap3A_561], %get3A_560 {strides = array<i32>} : memref<128xi32, #tpu.memory_space<vmem>>, vector<16xi32>,
        %mul3A_563 = arith.constant 128 : i32
        %mul3A_564 = arith.muli %add3A_343, %mul3A_563 : i32
        %add3A_565 = arith.constant 48 : i32
        %add3A_566 = arith.addi %mul3A_564, %add3A_565 : i32
        %get3A_567 = arith.index_cast %add3A_566 : i32 to index
        %get3A_568 = tpu.vector_load %arg8[%get3A_567] {strides = array<i32>} : memref<6544xi32, #tpu.memory_space<vmem>>, vector<16xi32>,
        %swap3A_569 = arith.constant 48 : index
        %swap3A_570 = tpu.vector_load %arg21[%swap3A_569] {strides = array<i32>} : memref<128xi32, #tpu.memory_space<vmem>>, vector<16xi32>,
        tpu.vector_store %arg21[%swap3A_569], %get3A_568 {strides = array<i32>} : memref<128xi32, #tpu.memory_space<vmem>>, vector<16xi32>,
        %mul3A_571 = arith.constant 128 : i32
        %mul3A_572 = arith.muli %add3A_343, %mul3A_571 : i32
        %add3A_573 = arith.constant 64 : i32
        %add3A_574 = arith.addi %mul3A_572, %add3A_573 : i32
        %get3A_575 = arith.index_cast %add3A_574 : i32 to index
        %get3A_576 = tpu.vector_load %arg7[%get3A_575] {strides = array<i32>} : memref<6544xi32, #tpu.memory_space<vmem>>, vector<16xi32>,
        %swap3A_577 = arith.constant 64 : index
        %swap3A_578 = tpu.vector_load %arg13[%swap3A_577] {strides = array<i32>} : memref<128xi32, #tpu.memory_space<vmem>>, vector<16xi32>,
        tpu.vector_store %arg13[%swap3A_577], %get3A_576 {strides = array<i32>} : memref<128xi32, #tpu.memory_space<vmem>>, vector<16xi32>,
        %mul3A_579 = arith.constant 128 : i32
        %mul3A_580 = arith.muli %add3A_343, %mul3A_579 : i32
        %add3A_581 = arith.constant 64 : i32
        %add3A_582 = arith.addi %mul3A_580, %add3A_581 : i32
        %get3A_583 = arith.index_cast %add3A_582 : i32 to index
        %get3A_584 = tpu.vector_load %arg8[%get3A_583] {strides = array<i32>} : memref<6544xi32, #tpu.memory_space<vmem>>, vector<16xi32>,
        %swap3A_585 = arith.constant 64 : index
        %swap3A_586 = tpu.vector_load %arg21[%swap3A_585] {strides = array<i32>} : memref<128xi32, #tpu.memory_space<vmem>>, vector<16xi32>,
        tpu.vector_store %arg21[%swap3A_585], %get3A_584 {strides = array<i32>} : memref<128xi32, #tpu.memory_space<vmem>>, vector<16xi32>,
        %mul3A_587 = arith.constant 128 : i32
        %mul3A_588 = arith.muli %add3A_343, %mul3A_587 : i32
        %add3A_589 = arith.constant 80 : i32
        %add3A_590 = arith.addi %mul3A_588, %add3A_589 : i32
        %get3A_591 = arith.index_cast %add3A_590 : i32 to index
        %get3A_592 = tpu.vector_load %arg7[%get3A_591] {strides = array<i32>} : memref<6544xi32, #tpu.memory_space<vmem>>, vector<16xi32>,
        %swap3A_593 = arith.constant 80 : index
        %swap3A_594 = tpu.vector_load %arg13[%swap3A_593] {strides = array<i32>} : memref<128xi32, #tpu.memory_space<vmem>>, vector<16xi32>,
        tpu.vector_store %arg13[%swap3A_593], %get3A_592 {strides = array<i32>} : memref<128xi32, #tpu.memory_space<vmem>>, vector<16xi32>,
        %mul3A_595 = arith.constant 128 : i32
        %mul3A_596 = arith.muli %add3A_343, %mul3A_595 : i32
        %add3A_597 = arith.constant 80 : i32
        %add3A_598 = arith.addi %mul3A_596, %add3A_597 : i32
        %get3A_599 = arith.index_cast %add3A_598 : i32 to index
        %get3A_600 = tpu.vector_load %arg8[%get3A_599] {strides = array<i32>} : memref<6544xi32, #tpu.memory_space<vmem>>, vector<16xi32>,
        %swap3A_601 = arith.constant 80 : index
        %swap3A_602 = tpu.vector_load %arg21[%swap3A_601] {strides = array<i32>} : memref<128xi32, #tpu.memory_space<vmem>>, vector<16xi32>,
        tpu.vector_store %arg21[%swap3A_601], %get3A_600 {strides = array<i32>} : memref<128xi32, #tpu.memory_space<vmem>>, vector<16xi32>,
        %mul3A_603 = arith.constant 128 : i32
        %mul3A_604 = arith.muli %add3A_343, %mul3A_603 : i32
        %add3A_605 = arith.constant 96 : i32
        %add3A_606 = arith.addi %mul3A_604, %add3A_605 : i32
        %get3A_607 = arith.index_cast %add3A_606 : i32 to index
        %get3A_608 = tpu.vector_load %arg7[%get3A_607] {strides = array<i32>} : memref<6544xi32, #tpu.memory_space<vmem>>, vector<16xi32>,
        %swap3A_609 = arith.constant 96 : index
        %swap3A_610 = tpu.vector_load %arg13[%swap3A_609] {strides = array<i32>} : memref<128xi32, #tpu.memory_space<vmem>>, vector<16xi32>,
        tpu.vector_store %arg13[%swap3A_609], %get3A_608 {strides = array<i32>} : memref<128xi32, #tpu.memory_space<vmem>>, vector<16xi32>,
        %mul3A_611 = arith.constant 128 : i32
        %mul3A_612 = arith.muli %add3A_343, %mul3A_611 : i32
        %add3A_613 = arith.constant 96 : i32
        %add3A_614 = arith.addi %mul3A_612, %add3A_613 : i32
        %get3A_615 = arith.index_cast %add3A_614 : i32 to index
        %get3A_616 = tpu.vector_load %arg8[%get3A_615] {strides = array<i32>} : memref<6544xi32, #tpu.memory_space<vmem>>, vector<16xi32>,
        %swap3A_617 = arith.constant 96 : index
        %swap3A_618 = tpu.vector_load %arg21[%swap3A_617] {strides = array<i32>} : memref<128xi32, #tpu.memory_space<vmem>>, vector<16xi32>,
        tpu.vector_store %arg21[%swap3A_617], %get3A_616 {strides = array<i32>} : memref<128xi32, #tpu.memory_space<vmem>>, vector<16xi32>,
        %mul3A_619 = arith.constant 128 : i32
        %mul3A_620 = arith.muli %add3A_343, %mul3A_619 : i32
        %add3A_621 = arith.constant 112 : i32
        %add3A_622 = arith.addi %mul3A_620, %add3A_621 : i32
        %get3A_623 = arith.index_cast %add3A_622 : i32 to index
        %get3A_624 = tpu.vector_load %arg7[%get3A_623] {strides = array<i32>} : memref<6544xi32, #tpu.memory_space<vmem>>, vector<16xi32>,
        %swap3A_625 = arith.constant 112 : index
        %swap3A_626 = tpu.vector_load %arg13[%swap3A_625] {strides = array<i32>} : memref<128xi32, #tpu.memory_space<vmem>>, vector<16xi32>,
        tpu.vector_store %arg13[%swap3A_625], %get3A_624 {strides = array<i32>} : memref<128xi32, #tpu.memory_space<vmem>>, vector<16xi32>,
        %mul3A_627 = arith.constant 128 : i32
        %mul3A_628 = arith.muli %add3A_343, %mul3A_627 : i32
        %add3A_629 = arith.constant 112 : i32
        %add3A_630 = arith.addi %mul3A_628, %add3A_629 : i32
        %get3A_631 = arith.index_cast %add3A_630 : i32 to index
        %get3A_632 = tpu.vector_load %arg8[%get3A_631] {strides = array<i32>} : memref<6544xi32, #tpu.memory_space<vmem>>, vector<16xi32>,
        %swap3A_633 = arith.constant 112 : index
        %swap3A_634 = tpu.vector_load %arg21[%swap3A_633] {strides = array<i32>} : memref<128xi32, #tpu.memory_space<vmem>>, vector<16xi32>,
        tpu.vector_store %arg21[%swap3A_633], %get3A_632 {strides = array<i32>} : memref<128xi32, #tpu.memory_space<vmem>>, vector<16xi32>,
        %dma_start3A = arith.constant 1 : i32
        %dma_start3A_635 = arith.constant 0 : i32
        %dma_start3A_636 = arith.constant 0 : i32
        %dma_start3A_637 = tpu.memref_slice %arg11[%dma_start3A, %dma_start3A_635, %dma_start3A_636] : memref<8x128x64xf32, #tpu.memory_space<vmem>> -> memref<1x128x64xf32, #tpu.memory_space<vmem>>
        %dma_start3A_638 = tpu.memref_squeeze %dma_start3A_637 : memref<1x128x64xf32, #tpu.memory_space<vmem>> -> memref<128x64xf32, #tpu.memory_space<vmem>>
        %dma_start3A_639 = arith.constant 0 : i32
        %dma_start3A_640 = arith.constant 0 : i32
        %dma_start3A_641 = tpu.memref_slice %arg3[%dma_start3A_639, %dma_start3A_640] : memref<50000x64xf32, #tpu.memory_space<hbm>> -> memref<50000x64xf32, #tpu.memory_space<hbm>>
        tpu.enqueue_indirect_dma source(%dma_start3A_641 : memref<50000x64xf32, #tpu.memory_space<hbm>>) target(%dma_start3A_638 : memref<128x64xf32, #tpu.memory_space<vmem>>) offsets(%arg13 : memref<128xi32, #tpu.memory_space<vmem>>) semaphore(%arg29 : memref<!tpu.dma_semaphore, #tpu.memory_space<semaphore_mem>>)
      } else {
      }
      %mul3A_355 = arith.constant 8 : i32
      %mul3A_356 = arith.muli %scan3A_325, %mul3A_355 : i32
      %add3A_357 = arith.constant 2 : i32
      %add3A_358 = arith.addi %mul3A_356, %add3A_357 : i32
      %lt3A_359 = arith.cmpi slt, %add3A_358, %select_n3A_207 : i32
      %gt3A_360 = arith.constant 0 : i32
      %gt3A_361 = arith.cmpi sgt, %scan3A_325, %gt3A_360 : i32
      %and3A_362 = arith.andi %lt3A_359, %gt3A_361 : i1
      %convert_element_type3A_363 = arith.extui %and3A_362 : i1 to i32
      %cond3A_364 = arith.constant 0 : i32
      %cond3A_365 = arith.cmpi ne, %convert_element_type3A_363, %cond3A_364 : i32
      scf.if %cond3A_365 {
        %dma_wait3A = arith.constant 2 : i32
        %dma_wait3A_509 = arith.constant 0 : i32
        %dma_wait3A_510 = arith.constant 0 : i32
        %dma_wait3A_511 = tpu.memref_slice %arg11[%dma_wait3A, %dma_wait3A_509, %dma_wait3A_510] : memref<8x128x64xf32, #tpu.memory_space<vmem>> -> memref<1x128x64xf32, #tpu.memory_space<vmem>>
        %dma_wait3A_512 = tpu.memref_squeeze %dma_wait3A_511 : memref<1x128x64xf32, #tpu.memory_space<vmem>> -> memref<128x64xf32, #tpu.memory_space<vmem>>
        %dma_wait3A_513 = arith.constant 0 : i32
        %dma_wait3A_514 = arith.constant 0 : i32
        %dma_wait3A_515 = tpu.memref_slice %arg5[%dma_wait3A_513, %dma_wait3A_514] : memref<204800x64xf32, #tpu.memory_space<hbm>> -> memref<128x64xf32, #tpu.memory_space<hbm>>
        %dma_wait3A_516 = arith.constant 0 : i32
        %dma_wait3A_517 = arith.constant 0 : i32
        %dma_wait3A_518 = tpu.memref_slice %arg5[%dma_wait3A_516, %dma_wait3A_517] : memref<204800x64xf32, #tpu.memory_space<hbm>> -> memref<128x64xf32, #tpu.memory_space<hbm>>
        %dma_wait3A_519 = arith.constant 0 : i32
        %dma_wait3A_520 = arith.constant 0 : i32
        %dma_wait3A_521 = tpu.memref_slice %arg11[%dma_wait3A, %dma_wait3A_519, %dma_wait3A_520] : memref<8x128x64xf32, #tpu.memory_space<vmem>> -> memref<1x128x64xf32, #tpu.memory_space<vmem>>
        %dma_wait3A_522 = tpu.memref_squeeze %dma_wait3A_521 : memref<1x128x64xf32, #tpu.memory_space<vmem>> -> memref<128x64xf32, #tpu.memory_space<vmem>>
        tpu.wait_dma2 semaphore(%arg38 : memref<!tpu.dma_semaphore, #tpu.memory_space<semaphore_mem>>) src(%dma_wait3A_522 : memref<128x64xf32, #tpu.memory_space<vmem>>) dst(%dma_wait3A_518 : memref<128x64xf32, #tpu.memory_space<hbm>>)
      } else {
      }
      %lt3A_366 = arith.cmpi slt, %add3A_358, %select_n3A_207 : i32
      %convert_element_type3A_367 = arith.extui %lt3A_366 : i1 to i32
      %cond3A_368 = arith.constant 0 : i32
      %cond3A_369 = arith.cmpi ne, %convert_element_type3A_367, %cond3A_368 : i32
      scf.if %cond3A_369 {
        %mul3A_509 = arith.constant 128 : i32
        %mul3A_510 = arith.muli %add3A_358, %mul3A_509 : i32
        %add3A_511 = arith.constant 0 : i32
        %add3A_512 = arith.addi %mul3A_510, %add3A_511 : i32
        %get3A = arith.index_cast %add3A_512 : i32 to index
        %get3A_513 = tpu.vector_load %arg7[%get3A] {strides = array<i32>} : memref<6544xi32, #tpu.memory_space<vmem>>, vector<16xi32>,
        %swap3A = arith.constant 0 : index
        %swap3A_514 = tpu.vector_load %arg14[%swap3A] {strides = array<i32>} : memref<128xi32, #tpu.memory_space<vmem>>, vector<16xi32>,
        tpu.vector_store %arg14[%swap3A], %get3A_513 {strides = array<i32>} : memref<128xi32, #tpu.memory_space<vmem>>, vector<16xi32>,
        %mul3A_515 = arith.constant 128 : i32
        %mul3A_516 = arith.muli %add3A_358, %mul3A_515 : i32
        %add3A_517 = arith.constant 0 : i32
        %add3A_518 = arith.addi %mul3A_516, %add3A_517 : i32
        %get3A_519 = arith.index_cast %add3A_518 : i32 to index
        %get3A_520 = tpu.vector_load %arg8[%get3A_519] {strides = array<i32>} : memref<6544xi32, #tpu.memory_space<vmem>>, vector<16xi32>,
        %swap3A_521 = arith.constant 0 : index
        %swap3A_522 = tpu.vector_load %arg22[%swap3A_521] {strides = array<i32>} : memref<128xi32, #tpu.memory_space<vmem>>, vector<16xi32>,
        tpu.vector_store %arg22[%swap3A_521], %get3A_520 {strides = array<i32>} : memref<128xi32, #tpu.memory_space<vmem>>, vector<16xi32>,
        %mul3A_523 = arith.constant 128 : i32
        %mul3A_524 = arith.muli %add3A_358, %mul3A_523 : i32
        %add3A_525 = arith.constant 16 : i32
        %add3A_526 = arith.addi %mul3A_524, %add3A_525 : i32
        %get3A_527 = arith.index_cast %add3A_526 : i32 to index
        %get3A_528 = tpu.vector_load %arg7[%get3A_527] {strides = array<i32>} : memref<6544xi32, #tpu.memory_space<vmem>>, vector<16xi32>,
        %swap3A_529 = arith.constant 16 : index
        %swap3A_530 = tpu.vector_load %arg14[%swap3A_529] {strides = array<i32>} : memref<128xi32, #tpu.memory_space<vmem>>, vector<16xi32>,
        tpu.vector_store %arg14[%swap3A_529], %get3A_528 {strides = array<i32>} : memref<128xi32, #tpu.memory_space<vmem>>, vector<16xi32>,
        %mul3A_531 = arith.constant 128 : i32
        %mul3A_532 = arith.muli %add3A_358, %mul3A_531 : i32
        %add3A_533 = arith.constant 16 : i32
        %add3A_534 = arith.addi %mul3A_532, %add3A_533 : i32
        %get3A_535 = arith.index_cast %add3A_534 : i32 to index
        %get3A_536 = tpu.vector_load %arg8[%get3A_535] {strides = array<i32>} : memref<6544xi32, #tpu.memory_space<vmem>>, vector<16xi32>,
        %swap3A_537 = arith.constant 16 : index
        %swap3A_538 = tpu.vector_load %arg22[%swap3A_537] {strides = array<i32>} : memref<128xi32, #tpu.memory_space<vmem>>, vector<16xi32>,
        tpu.vector_store %arg22[%swap3A_537], %get3A_536 {strides = array<i32>} : memref<128xi32, #tpu.memory_space<vmem>>, vector<16xi32>,
        %mul3A_539 = arith.constant 128 : i32
        %mul3A_540 = arith.muli %add3A_358, %mul3A_539 : i32
        %add3A_541 = arith.constant 32 : i32
        %add3A_542 = arith.addi %mul3A_540, %add3A_541 : i32
        %get3A_543 = arith.index_cast %add3A_542 : i32 to index
        %get3A_544 = tpu.vector_load %arg7[%get3A_543] {strides = array<i32>} : memref<6544xi32, #tpu.memory_space<vmem>>, vector<16xi32>,
        %swap3A_545 = arith.constant 32 : index
        %swap3A_546 = tpu.vector_load %arg14[%swap3A_545] {strides = array<i32>} : memref<128xi32, #tpu.memory_space<vmem>>, vector<16xi32>,
        tpu.vector_store %arg14[%swap3A_545], %get3A_544 {strides = array<i32>} : memref<128xi32, #tpu.memory_space<vmem>>, vector<16xi32>,
        %mul3A_547 = arith.constant 128 : i32
        %mul3A_548 = arith.muli %add3A_358, %mul3A_547 : i32
        %add3A_549 = arith.constant 32 : i32
        %add3A_550 = arith.addi %mul3A_548, %add3A_549 : i32
        %get3A_551 = arith.index_cast %add3A_550 : i32 to index
        %get3A_552 = tpu.vector_load %arg8[%get3A_551] {strides = array<i32>} : memref<6544xi32, #tpu.memory_space<vmem>>, vector<16xi32>,
        %swap3A_553 = arith.constant 32 : index
        %swap3A_554 = tpu.vector_load %arg22[%swap3A_553] {strides = array<i32>} : memref<128xi32, #tpu.memory_space<vmem>>, vector<16xi32>,
        tpu.vector_store %arg22[%swap3A_553], %get3A_552 {strides = array<i32>} : memref<128xi32, #tpu.memory_space<vmem>>, vector<16xi32>,
        %mul3A_555 = arith.constant 128 : i32
        %mul3A_556 = arith.muli %add3A_358, %mul3A_555 : i32
        %add3A_557 = arith.constant 48 : i32
        %add3A_558 = arith.addi %mul3A_556, %add3A_557 : i32
        %get3A_559 = arith.index_cast %add3A_558 : i32 to index
        %get3A_560 = tpu.vector_load %arg7[%get3A_559] {strides = array<i32>} : memref<6544xi32, #tpu.memory_space<vmem>>, vector<16xi32>,
        %swap3A_561 = arith.constant 48 : index
        %swap3A_562 = tpu.vector_load %arg14[%swap3A_561] {strides = array<i32>} : memref<128xi32, #tpu.memory_space<vmem>>, vector<16xi32>,
        tpu.vector_store %arg14[%swap3A_561], %get3A_560 {strides = array<i32>} : memref<128xi32, #tpu.memory_space<vmem>>, vector<16xi32>,
        %mul3A_563 = arith.constant 128 : i32
        %mul3A_564 = arith.muli %add3A_358, %mul3A_563 : i32
        %add3A_565 = arith.constant 48 : i32
        %add3A_566 = arith.addi %mul3A_564, %add3A_565 : i32
        %get3A_567 = arith.index_cast %add3A_566 : i32 to index
        %get3A_568 = tpu.vector_load %arg8[%get3A_567] {strides = array<i32>} : memref<6544xi32, #tpu.memory_space<vmem>>, vector<16xi32>,
        %swap3A_569 = arith.constant 48 : index
        %swap3A_570 = tpu.vector_load %arg22[%swap3A_569] {strides = array<i32>} : memref<128xi32, #tpu.memory_space<vmem>>, vector<16xi32>,
        tpu.vector_store %arg22[%swap3A_569], %get3A_568 {strides = array<i32>} : memref<128xi32, #tpu.memory_space<vmem>>, vector<16xi32>,
        %mul3A_571 = arith.constant 128 : i32
        %mul3A_572 = arith.muli %add3A_358, %mul3A_571 : i32
        %add3A_573 = arith.constant 64 : i32
        %add3A_574 = arith.addi %mul3A_572, %add3A_573 : i32
        %get3A_575 = arith.index_cast %add3A_574 : i32 to index
        %get3A_576 = tpu.vector_load %arg7[%get3A_575] {strides = array<i32>} : memref<6544xi32, #tpu.memory_space<vmem>>, vector<16xi32>,
        %swap3A_577 = arith.constant 64 : index
        %swap3A_578 = tpu.vector_load %arg14[%swap3A_577] {strides = array<i32>} : memref<128xi32, #tpu.memory_space<vmem>>, vector<16xi32>,
        tpu.vector_store %arg14[%swap3A_577], %get3A_576 {strides = array<i32>} : memref<128xi32, #tpu.memory_space<vmem>>, vector<16xi32>,
        %mul3A_579 = arith.constant 128 : i32
        %mul3A_580 = arith.muli %add3A_358, %mul3A_579 : i32
        %add3A_581 = arith.constant 64 : i32
        %add3A_582 = arith.addi %mul3A_580, %add3A_581 : i32
        %get3A_583 = arith.index_cast %add3A_582 : i32 to index
        %get3A_584 = tpu.vector_load %arg8[%get3A_583] {strides = array<i32>} : memref<6544xi32, #tpu.memory_space<vmem>>, vector<16xi32>,
        %swap3A_585 = arith.constant 64 : index
        %swap3A_586 = tpu.vector_load %arg22[%swap3A_585] {strides = array<i32>} : memref<128xi32, #tpu.memory_space<vmem>>, vector<16xi32>,
        tpu.vector_store %arg22[%swap3A_585], %get3A_584 {strides = array<i32>} : memref<128xi32, #tpu.memory_space<vmem>>, vector<16xi32>,
        %mul3A_587 = arith.constant 128 : i32
        %mul3A_588 = arith.muli %add3A_358, %mul3A_587 : i32
        %add3A_589 = arith.constant 80 : i32
        %add3A_590 = arith.addi %mul3A_588, %add3A_589 : i32
        %get3A_591 = arith.index_cast %add3A_590 : i32 to index
        %get3A_592 = tpu.vector_load %arg7[%get3A_591] {strides = array<i32>} : memref<6544xi32, #tpu.memory_space<vmem>>, vector<16xi32>,
        %swap3A_593 = arith.constant 80 : index
        %swap3A_594 = tpu.vector_load %arg14[%swap3A_593] {strides = array<i32>} : memref<128xi32, #tpu.memory_space<vmem>>, vector<16xi32>,
        tpu.vector_store %arg14[%swap3A_593], %get3A_592 {strides = array<i32>} : memref<128xi32, #tpu.memory_space<vmem>>, vector<16xi32>,
        %mul3A_595 = arith.constant 128 : i32
        %mul3A_596 = arith.muli %add3A_358, %mul3A_595 : i32
        %add3A_597 = arith.constant 80 : i32
        %add3A_598 = arith.addi %mul3A_596, %add3A_597 : i32
        %get3A_599 = arith.index_cast %add3A_598 : i32 to index
        %get3A_600 = tpu.vector_load %arg8[%get3A_599] {strides = array<i32>} : memref<6544xi32, #tpu.memory_space<vmem>>, vector<16xi32>,
        %swap3A_601 = arith.constant 80 : index
        %swap3A_602 = tpu.vector_load %arg22[%swap3A_601] {strides = array<i32>} : memref<128xi32, #tpu.memory_space<vmem>>, vector<16xi32>,
        tpu.vector_store %arg22[%swap3A_601], %get3A_600 {strides = array<i32>} : memref<128xi32, #tpu.memory_space<vmem>>, vector<16xi32>,
        %mul3A_603 = arith.constant 128 : i32
        %mul3A_604 = arith.muli %add3A_358, %mul3A_603 : i32
        %add3A_605 = arith.constant 96 : i32
        %add3A_606 = arith.addi %mul3A_604, %add3A_605 : i32
        %get3A_607 = arith.index_cast %add3A_606 : i32 to index
        %get3A_608 = tpu.vector_load %arg7[%get3A_607] {strides = array<i32>} : memref<6544xi32, #tpu.memory_space<vmem>>, vector<16xi32>,
        %swap3A_609 = arith.constant 96 : index
        %swap3A_610 = tpu.vector_load %arg14[%swap3A_609] {strides = array<i32>} : memref<128xi32, #tpu.memory_space<vmem>>, vector<16xi32>,
        tpu.vector_store %arg14[%swap3A_609], %get3A_608 {strides = array<i32>} : memref<128xi32, #tpu.memory_space<vmem>>, vector<16xi32>,
        %mul3A_611 = arith.constant 128 : i32
        %mul3A_612 = arith.muli %add3A_358, %mul3A_611 : i32
        %add3A_613 = arith.constant 96 : i32
        %add3A_614 = arith.addi %mul3A_612, %add3A_613 : i32
        %get3A_615 = arith.index_cast %add3A_614 : i32 to index
        %get3A_616 = tpu.vector_load %arg8[%get3A_615] {strides = array<i32>} : memref<6544xi32, #tpu.memory_space<vmem>>, vector<16xi32>,
        %swap3A_617 = arith.constant 96 : index
        %swap3A_618 = tpu.vector_load %arg22[%swap3A_617] {strides = array<i32>} : memref<128xi32, #tpu.memory_space<vmem>>, vector<16xi32>,
        tpu.vector_store %arg22[%swap3A_617], %get3A_616 {strides = array<i32>} : memref<128xi32, #tpu.memory_space<vmem>>, vector<16xi32>,
        %mul3A_619 = arith.constant 128 : i32
        %mul3A_620 = arith.muli %add3A_358, %mul3A_619 : i32
        %add3A_621 = arith.constant 112 : i32
        %add3A_622 = arith.addi %mul3A_620, %add3A_621 : i32
        %get3A_623 = arith.index_cast %add3A_622 : i32 to index
        %get3A_624 = tpu.vector_load %arg7[%get3A_623] {strides = array<i32>} : memref<6544xi32, #tpu.memory_space<vmem>>, vector<16xi32>,
        %swap3A_625 = arith.constant 112 : index
        %swap3A_626 = tpu.vector_load %arg14[%swap3A_625] {strides = array<i32>} : memref<128xi32, #tpu.memory_space<vmem>>, vector<16xi32>,
        tpu.vector_store %arg14[%swap3A_625], %get3A_624 {strides = array<i32>} : memref<128xi32, #tpu.memory_space<vmem>>, vector<16xi32>,
        %mul3A_627 = arith.constant 128 : i32
        %mul3A_628 = arith.muli %add3A_358, %mul3A_627 : i32
        %add3A_629 = arith.constant 112 : i32
        %add3A_630 = arith.addi %mul3A_628, %add3A_629 : i32
        %get3A_631 = arith.index_cast %add3A_630 : i32 to index
        %get3A_632 = tpu.vector_load %arg8[%get3A_631] {strides = array<i32>} : memref<6544xi32, #tpu.memory_space<vmem>>, vector<16xi32>,
        %swap3A_633 = arith.constant 112 : index
        %swap3A_634 = tpu.vector_load %arg22[%swap3A_633] {strides = array<i32>} : memref<128xi32, #tpu.memory_space<vmem>>, vector<16xi32>,
        tpu.vector_store %arg22[%swap3A_633], %get3A_632 {strides = array<i32>} : memref<128xi32, #tpu.memory_space<vmem>>, vector<16xi32>,
        %dma_start3A = arith.constant 2 : i32
        %dma_start3A_635 = arith.constant 0 : i32
        %dma_start3A_636 = arith.constant 0 : i32
        %dma_start3A_637 = tpu.memref_slice %arg11[%dma_start3A, %dma_start3A_635, %dma_start3A_636] : memref<8x128x64xf32, #tpu.memory_space<vmem>> -> memref<1x128x64xf32, #tpu.memory_space<vmem>>
        %dma_start3A_638 = tpu.memref_squeeze %dma_start3A_637 : memref<1x128x64xf32, #tpu.memory_space<vmem>> -> memref<128x64xf32, #tpu.memory_space<vmem>>
        %dma_start3A_639 = arith.constant 0 : i32
        %dma_start3A_640 = arith.constant 0 : i32
        %dma_start3A_641 = tpu.memref_slice %arg3[%dma_start3A_639, %dma_start3A_640] : memref<50000x64xf32, #tpu.memory_space<hbm>> -> memref<50000x64xf32, #tpu.memory_space<hbm>>
        tpu.enqueue_indirect_dma source(%dma_start3A_641 : memref<50000x64xf32, #tpu.memory_space<hbm>>) target(%dma_start3A_638 : memref<128x64xf32, #tpu.memory_space<vmem>>) offsets(%arg14 : memref<128xi32, #tpu.memory_space<vmem>>) semaphore(%arg30 : memref<!tpu.dma_semaphore, #tpu.memory_space<semaphore_mem>>)
      } else {
      }
      %mul3A_370 = arith.constant 8 : i32
      %mul3A_371 = arith.muli %scan3A_325, %mul3A_370 : i32
      %add3A_372 = arith.constant 3 : i32
      %add3A_373 = arith.addi %mul3A_371, %add3A_372 : i32
      %lt3A_374 = arith.cmpi slt, %add3A_373, %select_n3A_207 : i32
      %gt3A_375 = arith.constant 0 : i32
      %gt3A_376 = arith.cmpi sgt, %scan3A_325, %gt3A_375 : i32
      %and3A_377 = arith.andi %lt3A_374, %gt3A_376 : i1
      %convert_element_type3A_378 = arith.extui %and3A_377 : i1 to i32
      %cond3A_379 = arith.constant 0 : i32
      %cond3A_380 = arith.cmpi ne, %convert_element_type3A_378, %cond3A_379 : i32
      scf.if %cond3A_380 {
        %dma_wait3A = arith.constant 3 : i32
        %dma_wait3A_509 = arith.constant 0 : i32
        %dma_wait3A_510 = arith.constant 0 : i32
        %dma_wait3A_511 = tpu.memref_slice %arg11[%dma_wait3A, %dma_wait3A_509, %dma_wait3A_510] : memref<8x128x64xf32, #tpu.memory_space<vmem>> -> memref<1x128x64xf32, #tpu.memory_space<vmem>>
        %dma_wait3A_512 = tpu.memref_squeeze %dma_wait3A_511 : memref<1x128x64xf32, #tpu.memory_space<vmem>> -> memref<128x64xf32, #tpu.memory_space<vmem>>
        %dma_wait3A_513 = arith.constant 0 : i32
        %dma_wait3A_514 = arith.constant 0 : i32
        %dma_wait3A_515 = tpu.memref_slice %arg5[%dma_wait3A_513, %dma_wait3A_514] : memref<204800x64xf32, #tpu.memory_space<hbm>> -> memref<128x64xf32, #tpu.memory_space<hbm>>
        %dma_wait3A_516 = arith.constant 0 : i32
        %dma_wait3A_517 = arith.constant 0 : i32
        %dma_wait3A_518 = tpu.memref_slice %arg5[%dma_wait3A_516, %dma_wait3A_517] : memref<204800x64xf32, #tpu.memory_space<hbm>> -> memref<128x64xf32, #tpu.memory_space<hbm>>
        %dma_wait3A_519 = arith.constant 0 : i32
        %dma_wait3A_520 = arith.constant 0 : i32
        %dma_wait3A_521 = tpu.memref_slice %arg11[%dma_wait3A, %dma_wait3A_519, %dma_wait3A_520] : memref<8x128x64xf32, #tpu.memory_space<vmem>> -> memref<1x128x64xf32, #tpu.memory_space<vmem>>
        %dma_wait3A_522 = tpu.memref_squeeze %dma_wait3A_521 : memref<1x128x64xf32, #tpu.memory_space<vmem>> -> memref<128x64xf32, #tpu.memory_space<vmem>>
        tpu.wait_dma2 semaphore(%arg39 : memref<!tpu.dma_semaphore, #tpu.memory_space<semaphore_mem>>) src(%dma_wait3A_522 : memref<128x64xf32, #tpu.memory_space<vmem>>) dst(%dma_wait3A_518 : memref<128x64xf32, #tpu.memory_space<hbm>>)
      } else {
      }
      %lt3A_381 = arith.cmpi slt, %add3A_373, %select_n3A_207 : i32
      %convert_element_type3A_382 = arith.extui %lt3A_381 : i1 to i32
      %cond3A_383 = arith.constant 0 : i32
      %cond3A_384 = arith.cmpi ne, %convert_element_type3A_382, %cond3A_383 : i32
      scf.if %cond3A_384 {
        %mul3A_509 = arith.constant 128 : i32
        %mul3A_510 = arith.muli %add3A_373, %mul3A_509 : i32
        %add3A_511 = arith.constant 0 : i32
        %add3A_512 = arith.addi %mul3A_510, %add3A_511 : i32
        %get3A = arith.index_cast %add3A_512 : i32 to index
        %get3A_513 = tpu.vector_load %arg7[%get3A] {strides = array<i32>} : memref<6544xi32, #tpu.memory_space<vmem>>, vector<16xi32>,
        %swap3A = arith.constant 0 : index
        %swap3A_514 = tpu.vector_load %arg15[%swap3A] {strides = array<i32>} : memref<128xi32, #tpu.memory_space<vmem>>, vector<16xi32>,
        tpu.vector_store %arg15[%swap3A], %get3A_513 {strides = array<i32>} : memref<128xi32, #tpu.memory_space<vmem>>, vector<16xi32>,
        %mul3A_515 = arith.constant 128 : i32
        %mul3A_516 = arith.muli %add3A_373, %mul3A_515 : i32
        %add3A_517 = arith.constant 0 : i32
        %add3A_518 = arith.addi %mul3A_516, %add3A_517 : i32
        %get3A_519 = arith.index_cast %add3A_518 : i32 to index
        %get3A_520 = tpu.vector_load %arg8[%get3A_519] {strides = array<i32>} : memref<6544xi32, #tpu.memory_space<vmem>>, vector<16xi32>,
        %swap3A_521 = arith.constant 0 : index
        %swap3A_522 = tpu.vector_load %arg23[%swap3A_521] {strides = array<i32>} : memref<128xi32, #tpu.memory_space<vmem>>, vector<16xi32>,
        tpu.vector_store %arg23[%swap3A_521], %get3A_520 {strides = array<i32>} : memref<128xi32, #tpu.memory_space<vmem>>, vector<16xi32>,
        %mul3A_523 = arith.constant 128 : i32
        %mul3A_524 = arith.muli %add3A_373, %mul3A_523 : i32
        %add3A_525 = arith.constant 16 : i32
        %add3A_526 = arith.addi %mul3A_524, %add3A_525 : i32
        %get3A_527 = arith.index_cast %add3A_526 : i32 to index
        %get3A_528 = tpu.vector_load %arg7[%get3A_527] {strides = array<i32>} : memref<6544xi32, #tpu.memory_space<vmem>>, vector<16xi32>,
        %swap3A_529 = arith.constant 16 : index
        %swap3A_530 = tpu.vector_load %arg15[%swap3A_529] {strides = array<i32>} : memref<128xi32, #tpu.memory_space<vmem>>, vector<16xi32>,
        tpu.vector_store %arg15[%swap3A_529], %get3A_528 {strides = array<i32>} : memref<128xi32, #tpu.memory_space<vmem>>, vector<16xi32>,
        %mul3A_531 = arith.constant 128 : i32
        %mul3A_532 = arith.muli %add3A_373, %mul3A_531 : i32
        %add3A_533 = arith.constant 16 : i32
        %add3A_534 = arith.addi %mul3A_532, %add3A_533 : i32
        %get3A_535 = arith.index_cast %add3A_534 : i32 to index
        %get3A_536 = tpu.vector_load %arg8[%get3A_535] {strides = array<i32>} : memref<6544xi32, #tpu.memory_space<vmem>>, vector<16xi32>,
        %swap3A_537 = arith.constant 16 : index
        %swap3A_538 = tpu.vector_load %arg23[%swap3A_537] {strides = array<i32>} : memref<128xi32, #tpu.memory_space<vmem>>, vector<16xi32>,
        tpu.vector_store %arg23[%swap3A_537], %get3A_536 {strides = array<i32>} : memref<128xi32, #tpu.memory_space<vmem>>, vector<16xi32>,
        %mul3A_539 = arith.constant 128 : i32
        %mul3A_540 = arith.muli %add3A_373, %mul3A_539 : i32
        %add3A_541 = arith.constant 32 : i32
        %add3A_542 = arith.addi %mul3A_540, %add3A_541 : i32
        %get3A_543 = arith.index_cast %add3A_542 : i32 to index
        %get3A_544 = tpu.vector_load %arg7[%get3A_543] {strides = array<i32>} : memref<6544xi32, #tpu.memory_space<vmem>>, vector<16xi32>,
        %swap3A_545 = arith.constant 32 : index
        %swap3A_546 = tpu.vector_load %arg15[%swap3A_545] {strides = array<i32>} : memref<128xi32, #tpu.memory_space<vmem>>, vector<16xi32>,
        tpu.vector_store %arg15[%swap3A_545], %get3A_544 {strides = array<i32>} : memref<128xi32, #tpu.memory_space<vmem>>, vector<16xi32>,
        %mul3A_547 = arith.constant 128 : i32
        %mul3A_548 = arith.muli %add3A_373, %mul3A_547 : i32
        %add3A_549 = arith.constant 32 : i32
        %add3A_550 = arith.addi %mul3A_548, %add3A_549 : i32
        %get3A_551 = arith.index_cast %add3A_550 : i32 to index
        %get3A_552 = tpu.vector_load %arg8[%get3A_551] {strides = array<i32>} : memref<6544xi32, #tpu.memory_space<vmem>>, vector<16xi32>,
        %swap3A_553 = arith.constant 32 : index
        %swap3A_554 = tpu.vector_load %arg23[%swap3A_553] {strides = array<i32>} : memref<128xi32, #tpu.memory_space<vmem>>, vector<16xi32>,
        tpu.vector_store %arg23[%swap3A_553], %get3A_552 {strides = array<i32>} : memref<128xi32, #tpu.memory_space<vmem>>, vector<16xi32>,
        %mul3A_555 = arith.constant 128 : i32
        %mul3A_556 = arith.muli %add3A_373, %mul3A_555 : i32
        %add3A_557 = arith.constant 48 : i32
        %add3A_558 = arith.addi %mul3A_556, %add3A_557 : i32
        %get3A_559 = arith.index_cast %add3A_558 : i32 to index
        %get3A_560 = tpu.vector_load %arg7[%get3A_559] {strides = array<i32>} : memref<6544xi32, #tpu.memory_space<vmem>>, vector<16xi32>,
        %swap3A_561 = arith.constant 48 : index
        %swap3A_562 = tpu.vector_load %arg15[%swap3A_561] {strides = array<i32>} : memref<128xi32, #tpu.memory_space<vmem>>, vector<16xi32>,
        tpu.vector_store %arg15[%swap3A_561], %get3A_560 {strides = array<i32>} : memref<128xi32, #tpu.memory_space<vmem>>, vector<16xi32>,
        %mul3A_563 = arith.constant 128 : i32
        %mul3A_564 = arith.muli %add3A_373, %mul3A_563 : i32
        %add3A_565 = arith.constant 48 : i32
        %add3A_566 = arith.addi %mul3A_564, %add3A_565 : i32
        %get3A_567 = arith.index_cast %add3A_566 : i32 to index
        %get3A_568 = tpu.vector_load %arg8[%get3A_567] {strides = array<i32>} : memref<6544xi32, #tpu.memory_space<vmem>>, vector<16xi32>,
        %swap3A_569 = arith.constant 48 : index
        %swap3A_570 = tpu.vector_load %arg23[%swap3A_569] {strides = array<i32>} : memref<128xi32, #tpu.memory_space<vmem>>, vector<16xi32>,
        tpu.vector_store %arg23[%swap3A_569], %get3A_568 {strides = array<i32>} : memref<128xi32, #tpu.memory_space<vmem>>, vector<16xi32>,
        %mul3A_571 = arith.constant 128 : i32
        %mul3A_572 = arith.muli %add3A_373, %mul3A_571 : i32
        %add3A_573 = arith.constant 64 : i32
        %add3A_574 = arith.addi %mul3A_572, %add3A_573 : i32
        %get3A_575 = arith.index_cast %add3A_574 : i32 to index
        %get3A_576 = tpu.vector_load %arg7[%get3A_575] {strides = array<i32>} : memref<6544xi32, #tpu.memory_space<vmem>>, vector<16xi32>,
        %swap3A_577 = arith.constant 64 : index
        %swap3A_578 = tpu.vector_load %arg15[%swap3A_577] {strides = array<i32>} : memref<128xi32, #tpu.memory_space<vmem>>, vector<16xi32>,
        tpu.vector_store %arg15[%swap3A_577], %get3A_576 {strides = array<i32>} : memref<128xi32, #tpu.memory_space<vmem>>, vector<16xi32>,
        %mul3A_579 = arith.constant 128 : i32
        %mul3A_580 = arith.muli %add3A_373, %mul3A_579 : i32
        %add3A_581 = arith.constant 64 : i32
        %add3A_582 = arith.addi %mul3A_580, %add3A_581 : i32
        %get3A_583 = arith.index_cast %add3A_582 : i32 to index
        %get3A_584 = tpu.vector_load %arg8[%get3A_583] {strides = array<i32>} : memref<6544xi32, #tpu.memory_space<vmem>>, vector<16xi32>,
        %swap3A_585 = arith.constant 64 : index
        %swap3A_586 = tpu.vector_load %arg23[%swap3A_585] {strides = array<i32>} : memref<128xi32, #tpu.memory_space<vmem>>, vector<16xi32>,
        tpu.vector_store %arg23[%swap3A_585], %get3A_584 {strides = array<i32>} : memref<128xi32, #tpu.memory_space<vmem>>, vector<16xi32>,
        %mul3A_587 = arith.constant 128 : i32
        %mul3A_588 = arith.muli %add3A_373, %mul3A_587 : i32
        %add3A_589 = arith.constant 80 : i32
        %add3A_590 = arith.addi %mul3A_588, %add3A_589 : i32
        %get3A_591 = arith.index_cast %add3A_590 : i32 to index
        %get3A_592 = tpu.vector_load %arg7[%get3A_591] {strides = array<i32>} : memref<6544xi32, #tpu.memory_space<vmem>>, vector<16xi32>,
        %swap3A_593 = arith.constant 80 : index
        %swap3A_594 = tpu.vector_load %arg15[%swap3A_593] {strides = array<i32>} : memref<128xi32, #tpu.memory_space<vmem>>, vector<16xi32>,
        tpu.vector_store %arg15[%swap3A_593], %get3A_592 {strides = array<i32>} : memref<128xi32, #tpu.memory_space<vmem>>, vector<16xi32>,
        %mul3A_595 = arith.constant 128 : i32
        %mul3A_596 = arith.muli %add3A_373, %mul3A_595 : i32
        %add3A_597 = arith.constant 80 : i32
        %add3A_598 = arith.addi %mul3A_596, %add3A_597 : i32
        %get3A_599 = arith.index_cast %add3A_598 : i32 to index
        %get3A_600 = tpu.vector_load %arg8[%get3A_599] {strides = array<i32>} : memref<6544xi32, #tpu.memory_space<vmem>>, vector<16xi32>,
        %swap3A_601 = arith.constant 80 : index
        %swap3A_602 = tpu.vector_load %arg23[%swap3A_601] {strides = array<i32>} : memref<128xi32, #tpu.memory_space<vmem>>, vector<16xi32>,
        tpu.vector_store %arg23[%swap3A_601], %get3A_600 {strides = array<i32>} : memref<128xi32, #tpu.memory_space<vmem>>, vector<16xi32>,
        %mul3A_603 = arith.constant 128 : i32
        %mul3A_604 = arith.muli %add3A_373, %mul3A_603 : i32
        %add3A_605 = arith.constant 96 : i32
        %add3A_606 = arith.addi %mul3A_604, %add3A_605 : i32
        %get3A_607 = arith.index_cast %add3A_606 : i32 to index
        %get3A_608 = tpu.vector_load %arg7[%get3A_607] {strides = array<i32>} : memref<6544xi32, #tpu.memory_space<vmem>>, vector<16xi32>,
        %swap3A_609 = arith.constant 96 : index
        %swap3A_610 = tpu.vector_load %arg15[%swap3A_609] {strides = array<i32>} : memref<128xi32, #tpu.memory_space<vmem>>, vector<16xi32>,
        tpu.vector_store %arg15[%swap3A_609], %get3A_608 {strides = array<i32>} : memref<128xi32, #tpu.memory_space<vmem>>, vector<16xi32>,
        %mul3A_611 = arith.constant 128 : i32
        %mul3A_612 = arith.muli %add3A_373, %mul3A_611 : i32
        %add3A_613 = arith.constant 96 : i32
        %add3A_614 = arith.addi %mul3A_612, %add3A_613 : i32
        %get3A_615 = arith.index_cast %add3A_614 : i32 to index
        %get3A_616 = tpu.vector_load %arg8[%get3A_615] {strides = array<i32>} : memref<6544xi32, #tpu.memory_space<vmem>>, vector<16xi32>,
        %swap3A_617 = arith.constant 96 : index
        %swap3A_618 = tpu.vector_load %arg23[%swap3A_617] {strides = array<i32>} : memref<128xi32, #tpu.memory_space<vmem>>, vector<16xi32>,
        tpu.vector_store %arg23[%swap3A_617], %get3A_616 {strides = array<i32>} : memref<128xi32, #tpu.memory_space<vmem>>, vector<16xi32>,
        %mul3A_619 = arith.constant 128 : i32
        %mul3A_620 = arith.muli %add3A_373, %mul3A_619 : i32
        %add3A_621 = arith.constant 112 : i32
        %add3A_622 = arith.addi %mul3A_620, %add3A_621 : i32
        %get3A_623 = arith.index_cast %add3A_622 : i32 to index
        %get3A_624 = tpu.vector_load %arg7[%get3A_623] {strides = array<i32>} : memref<6544xi32, #tpu.memory_space<vmem>>, vector<16xi32>,
        %swap3A_625 = arith.constant 112 : index
        %swap3A_626 = tpu.vector_load %arg15[%swap3A_625] {strides = array<i32>} : memref<128xi32, #tpu.memory_space<vmem>>, vector<16xi32>,
        tpu.vector_store %arg15[%swap3A_625], %get3A_624 {strides = array<i32>} : memref<128xi32, #tpu.memory_space<vmem>>, vector<16xi32>,
        %mul3A_627 = arith.constant 128 : i32
        %mul3A_628 = arith.muli %add3A_373, %mul3A_627 : i32
        %add3A_629 = arith.constant 112 : i32
        %add3A_630 = arith.addi %mul3A_628, %add3A_629 : i32
        %get3A_631 = arith.index_cast %add3A_630 : i32 to index
        %get3A_632 = tpu.vector_load %arg8[%get3A_631] {strides = array<i32>} : memref<6544xi32, #tpu.memory_space<vmem>>, vector<16xi32>,
        %swap3A_633 = arith.constant 112 : index
        %swap3A_634 = tpu.vector_load %arg23[%swap3A_633] {strides = array<i32>} : memref<128xi32, #tpu.memory_space<vmem>>, vector<16xi32>,
        tpu.vector_store %arg23[%swap3A_633], %get3A_632 {strides = array<i32>} : memref<128xi32, #tpu.memory_space<vmem>>, vector<16xi32>,
        %dma_start3A = arith.constant 3 : i32
        %dma_start3A_635 = arith.constant 0 : i32
        %dma_start3A_636 = arith.constant 0 : i32
        %dma_start3A_637 = tpu.memref_slice %arg11[%dma_start3A, %dma_start3A_635, %dma_start3A_636] : memref<8x128x64xf32, #tpu.memory_space<vmem>> -> memref<1x128x64xf32, #tpu.memory_space<vmem>>
        %dma_start3A_638 = tpu.memref_squeeze %dma_start3A_637 : memref<1x128x64xf32, #tpu.memory_space<vmem>> -> memref<128x64xf32, #tpu.memory_space<vmem>>
        %dma_start3A_639 = arith.constant 0 : i32
        %dma_start3A_640 = arith.constant 0 : i32
        %dma_start3A_641 = tpu.memref_slice %arg3[%dma_start3A_639, %dma_start3A_640] : memref<50000x64xf32, #tpu.memory_space<hbm>> -> memref<50000x64xf32, #tpu.memory_space<hbm>>
        tpu.enqueue_indirect_dma source(%dma_start3A_641 : memref<50000x64xf32, #tpu.memory_space<hbm>>) target(%dma_start3A_638 : memref<128x64xf32, #tpu.memory_space<vmem>>) offsets(%arg15 : memref<128xi32, #tpu.memory_space<vmem>>) semaphore(%arg31 : memref<!tpu.dma_semaphore, #tpu.memory_space<semaphore_mem>>)
      } else {
      }
      %mul3A_385 = arith.constant 8 : i32
      %mul3A_386 = arith.muli %scan3A_325, %mul3A_385 : i32
      %add3A_387 = arith.constant 4 : i32
      %add3A_388 = arith.addi %mul3A_386, %add3A_387 : i32
      %lt3A_389 = arith.cmpi slt, %add3A_388, %select_n3A_207 : i32
      %gt3A_390 = arith.constant 0 : i32
      %gt3A_391 = arith.cmpi sgt, %scan3A_325, %gt3A_390 : i32
      %and3A_392 = arith.andi %lt3A_389, %gt3A_391 : i1
      %convert_element_type3A_393 = arith.extui %and3A_392 : i1 to i32
      %cond3A_394 = arith.constant 0 : i32
      %cond3A_395 = arith.cmpi ne, %convert_element_type3A_393, %cond3A_394 : i32
      scf.if %cond3A_395 {
        %dma_wait3A = arith.constant 4 : i32
        %dma_wait3A_509 = arith.constant 0 : i32
        %dma_wait3A_510 = arith.constant 0 : i32
        %dma_wait3A_511 = tpu.memref_slice %arg11[%dma_wait3A, %dma_wait3A_509, %dma_wait3A_510] : memref<8x128x64xf32, #tpu.memory_space<vmem>> -> memref<1x128x64xf32, #tpu.memory_space<vmem>>
        %dma_wait3A_512 = tpu.memref_squeeze %dma_wait3A_511 : memref<1x128x64xf32, #tpu.memory_space<vmem>> -> memref<128x64xf32, #tpu.memory_space<vmem>>
        %dma_wait3A_513 = arith.constant 0 : i32
        %dma_wait3A_514 = arith.constant 0 : i32
        %dma_wait3A_515 = tpu.memref_slice %arg5[%dma_wait3A_513, %dma_wait3A_514] : memref<204800x64xf32, #tpu.memory_space<hbm>> -> memref<128x64xf32, #tpu.memory_space<hbm>>
        %dma_wait3A_516 = arith.constant 0 : i32
        %dma_wait3A_517 = arith.constant 0 : i32
        %dma_wait3A_518 = tpu.memref_slice %arg5[%dma_wait3A_516, %dma_wait3A_517] : memref<204800x64xf32, #tpu.memory_space<hbm>> -> memref<128x64xf32, #tpu.memory_space<hbm>>
        %dma_wait3A_519 = arith.constant 0 : i32
        %dma_wait3A_520 = arith.constant 0 : i32
        %dma_wait3A_521 = tpu.memref_slice %arg11[%dma_wait3A, %dma_wait3A_519, %dma_wait3A_520] : memref<8x128x64xf32, #tpu.memory_space<vmem>> -> memref<1x128x64xf32, #tpu.memory_space<vmem>>
        %dma_wait3A_522 = tpu.memref_squeeze %dma_wait3A_521 : memref<1x128x64xf32, #tpu.memory_space<vmem>> -> memref<128x64xf32, #tpu.memory_space<vmem>>
        tpu.wait_dma2 semaphore(%arg40 : memref<!tpu.dma_semaphore, #tpu.memory_space<semaphore_mem>>) src(%dma_wait3A_522 : memref<128x64xf32, #tpu.memory_space<vmem>>) dst(%dma_wait3A_518 : memref<128x64xf32, #tpu.memory_space<hbm>>)
      } else {
      }
      %lt3A_396 = arith.cmpi slt, %add3A_388, %select_n3A_207 : i32
      %convert_element_type3A_397 = arith.extui %lt3A_396 : i1 to i32
      %cond3A_398 = arith.constant 0 : i32
      %cond3A_399 = arith.cmpi ne, %convert_element_type3A_397, %cond3A_398 : i32
      scf.if %cond3A_399 {
        %mul3A_509 = arith.constant 128 : i32
        %mul3A_510 = arith.muli %add3A_388, %mul3A_509 : i32
        %add3A_511 = arith.constant 0 : i32
        %add3A_512 = arith.addi %mul3A_510, %add3A_511 : i32
        %get3A = arith.index_cast %add3A_512 : i32 to index
        %get3A_513 = tpu.vector_load %arg7[%get3A] {strides = array<i32>} : memref<6544xi32, #tpu.memory_space<vmem>>, vector<16xi32>,
        %swap3A = arith.constant 0 : index
        %swap3A_514 = tpu.vector_load %arg16[%swap3A] {strides = array<i32>} : memref<128xi32, #tpu.memory_space<vmem>>, vector<16xi32>,
        tpu.vector_store %arg16[%swap3A], %get3A_513 {strides = array<i32>} : memref<128xi32, #tpu.memory_space<vmem>>, vector<16xi32>,
        %mul3A_515 = arith.constant 128 : i32
        %mul3A_516 = arith.muli %add3A_388, %mul3A_515 : i32
        %add3A_517 = arith.constant 0 : i32
        %add3A_518 = arith.addi %mul3A_516, %add3A_517 : i32
        %get3A_519 = arith.index_cast %add3A_518 : i32 to index
        %get3A_520 = tpu.vector_load %arg8[%get3A_519] {strides = array<i32>} : memref<6544xi32, #tpu.memory_space<vmem>>, vector<16xi32>,
        %swap3A_521 = arith.constant 0 : index
        %swap3A_522 = tpu.vector_load %arg24[%swap3A_521] {strides = array<i32>} : memref<128xi32, #tpu.memory_space<vmem>>, vector<16xi32>,
        tpu.vector_store %arg24[%swap3A_521], %get3A_520 {strides = array<i32>} : memref<128xi32, #tpu.memory_space<vmem>>, vector<16xi32>,
        %mul3A_523 = arith.constant 128 : i32
        %mul3A_524 = arith.muli %add3A_388, %mul3A_523 : i32
        %add3A_525 = arith.constant 16 : i32
        %add3A_526 = arith.addi %mul3A_524, %add3A_525 : i32
        %get3A_527 = arith.index_cast %add3A_526 : i32 to index
        %get3A_528 = tpu.vector_load %arg7[%get3A_527] {strides = array<i32>} : memref<6544xi32, #tpu.memory_space<vmem>>, vector<16xi32>,
        %swap3A_529 = arith.constant 16 : index
        %swap3A_530 = tpu.vector_load %arg16[%swap3A_529] {strides = array<i32>} : memref<128xi32, #tpu.memory_space<vmem>>, vector<16xi32>,
        tpu.vector_store %arg16[%swap3A_529], %get3A_528 {strides = array<i32>} : memref<128xi32, #tpu.memory_space<vmem>>, vector<16xi32>,
        %mul3A_531 = arith.constant 128 : i32
        %mul3A_532 = arith.muli %add3A_388, %mul3A_531 : i32
        %add3A_533 = arith.constant 16 : i32
        %add3A_534 = arith.addi %mul3A_532, %add3A_533 : i32
        %get3A_535 = arith.index_cast %add3A_534 : i32 to index
        %get3A_536 = tpu.vector_load %arg8[%get3A_535] {strides = array<i32>} : memref<6544xi32, #tpu.memory_space<vmem>>, vector<16xi32>,
        %swap3A_537 = arith.constant 16 : index
        %swap3A_538 = tpu.vector_load %arg24[%swap3A_537] {strides = array<i32>} : memref<128xi32, #tpu.memory_space<vmem>>, vector<16xi32>,
        tpu.vector_store %arg24[%swap3A_537], %get3A_536 {strides = array<i32>} : memref<128xi32, #tpu.memory_space<vmem>>, vector<16xi32>,
        %mul3A_539 = arith.constant 128 : i32
        %mul3A_540 = arith.muli %add3A_388, %mul3A_539 : i32
        %add3A_541 = arith.constant 32 : i32
        %add3A_542 = arith.addi %mul3A_540, %add3A_541 : i32
        %get3A_543 = arith.index_cast %add3A_542 : i32 to index
        %get3A_544 = tpu.vector_load %arg7[%get3A_543] {strides = array<i32>} : memref<6544xi32, #tpu.memory_space<vmem>>, vector<16xi32>,
        %swap3A_545 = arith.constant 32 : index
        %swap3A_546 = tpu.vector_load %arg16[%swap3A_545] {strides = array<i32>} : memref<128xi32, #tpu.memory_space<vmem>>, vector<16xi32>,
        tpu.vector_store %arg16[%swap3A_545], %get3A_544 {strides = array<i32>} : memref<128xi32, #tpu.memory_space<vmem>>, vector<16xi32>,
        %mul3A_547 = arith.constant 128 : i32
        %mul3A_548 = arith.muli %add3A_388, %mul3A_547 : i32
        %add3A_549 = arith.constant 32 : i32
        %add3A_550 = arith.addi %mul3A_548, %add3A_549 : i32
        %get3A_551 = arith.index_cast %add3A_550 : i32 to index
        %get3A_552 = tpu.vector_load %arg8[%get3A_551] {strides = array<i32>} : memref<6544xi32, #tpu.memory_space<vmem>>, vector<16xi32>,
        %swap3A_553 = arith.constant 32 : index
        %swap3A_554 = tpu.vector_load %arg24[%swap3A_553] {strides = array<i32>} : memref<128xi32, #tpu.memory_space<vmem>>, vector<16xi32>,
        tpu.vector_store %arg24[%swap3A_553], %get3A_552 {strides = array<i32>} : memref<128xi32, #tpu.memory_space<vmem>>, vector<16xi32>,
        %mul3A_555 = arith.constant 128 : i32
        %mul3A_556 = arith.muli %add3A_388, %mul3A_555 : i32
        %add3A_557 = arith.constant 48 : i32
        %add3A_558 = arith.addi %mul3A_556, %add3A_557 : i32
        %get3A_559 = arith.index_cast %add3A_558 : i32 to index
        %get3A_560 = tpu.vector_load %arg7[%get3A_559] {strides = array<i32>} : memref<6544xi32, #tpu.memory_space<vmem>>, vector<16xi32>,
        %swap3A_561 = arith.constant 48 : index
        %swap3A_562 = tpu.vector_load %arg16[%swap3A_561] {strides = array<i32>} : memref<128xi32, #tpu.memory_space<vmem>>, vector<16xi32>,
        tpu.vector_store %arg16[%swap3A_561], %get3A_560 {strides = array<i32>} : memref<128xi32, #tpu.memory_space<vmem>>, vector<16xi32>,
        %mul3A_563 = arith.constant 128 : i32
        %mul3A_564 = arith.muli %add3A_388, %mul3A_563 : i32
        %add3A_565 = arith.constant 48 : i32
        %add3A_566 = arith.addi %mul3A_564, %add3A_565 : i32
        %get3A_567 = arith.index_cast %add3A_566 : i32 to index
        %get3A_568 = tpu.vector_load %arg8[%get3A_567] {strides = array<i32>} : memref<6544xi32, #tpu.memory_space<vmem>>, vector<16xi32>,
        %swap3A_569 = arith.constant 48 : index
        %swap3A_570 = tpu.vector_load %arg24[%swap3A_569] {strides = array<i32>} : memref<128xi32, #tpu.memory_space<vmem>>, vector<16xi32>,
        tpu.vector_store %arg24[%swap3A_569], %get3A_568 {strides = array<i32>} : memref<128xi32, #tpu.memory_space<vmem>>, vector<16xi32>,
        %mul3A_571 = arith.constant 128 : i32
        %mul3A_572 = arith.muli %add3A_388, %mul3A_571 : i32
        %add3A_573 = arith.constant 64 : i32
        %add3A_574 = arith.addi %mul3A_572, %add3A_573 : i32
        %get3A_575 = arith.index_cast %add3A_574 : i32 to index
        %get3A_576 = tpu.vector_load %arg7[%get3A_575] {strides = array<i32>} : memref<6544xi32, #tpu.memory_space<vmem>>, vector<16xi32>,
        %swap3A_577 = arith.constant 64 : index
        %swap3A_578 = tpu.vector_load %arg16[%swap3A_577] {strides = array<i32>} : memref<128xi32, #tpu.memory_space<vmem>>, vector<16xi32>,
        tpu.vector_store %arg16[%swap3A_577], %get3A_576 {strides = array<i32>} : memref<128xi32, #tpu.memory_space<vmem>>, vector<16xi32>,
        %mul3A_579 = arith.constant 128 : i32
        %mul3A_580 = arith.muli %add3A_388, %mul3A_579 : i32
        %add3A_581 = arith.constant 64 : i32
        %add3A_582 = arith.addi %mul3A_580, %add3A_581 : i32
        %get3A_583 = arith.index_cast %add3A_582 : i32 to index
        %get3A_584 = tpu.vector_load %arg8[%get3A_583] {strides = array<i32>} : memref<6544xi32, #tpu.memory_space<vmem>>, vector<16xi32>,
        %swap3A_585 = arith.constant 64 : index
        %swap3A_586 = tpu.vector_load %arg24[%swap3A_585] {strides = array<i32>} : memref<128xi32, #tpu.memory_space<vmem>>, vector<16xi32>,
        tpu.vector_store %arg24[%swap3A_585], %get3A_584 {strides = array<i32>} : memref<128xi32, #tpu.memory_space<vmem>>, vector<16xi32>,
        %mul3A_587 = arith.constant 128 : i32
        %mul3A_588 = arith.muli %add3A_388, %mul3A_587 : i32
        %add3A_589 = arith.constant 80 : i32
        %add3A_590 = arith.addi %mul3A_588, %add3A_589 : i32
        %get3A_591 = arith.index_cast %add3A_590 : i32 to index
        %get3A_592 = tpu.vector_load %arg7[%get3A_591] {strides = array<i32>} : memref<6544xi32, #tpu.memory_space<vmem>>, vector<16xi32>,
        %swap3A_593 = arith.constant 80 : index
        %swap3A_594 = tpu.vector_load %arg16[%swap3A_593] {strides = array<i32>} : memref<128xi32, #tpu.memory_space<vmem>>, vector<16xi32>,
        tpu.vector_store %arg16[%swap3A_593], %get3A_592 {strides = array<i32>} : memref<128xi32, #tpu.memory_space<vmem>>, vector<16xi32>,
        %mul3A_595 = arith.constant 128 : i32
        %mul3A_596 = arith.muli %add3A_388, %mul3A_595 : i32
        %add3A_597 = arith.constant 80 : i32
        %add3A_598 = arith.addi %mul3A_596, %add3A_597 : i32
        %get3A_599 = arith.index_cast %add3A_598 : i32 to index
        %get3A_600 = tpu.vector_load %arg8[%get3A_599] {strides = array<i32>} : memref<6544xi32, #tpu.memory_space<vmem>>, vector<16xi32>,
        %swap3A_601 = arith.constant 80 : index
        %swap3A_602 = tpu.vector_load %arg24[%swap3A_601] {strides = array<i32>} : memref<128xi32, #tpu.memory_space<vmem>>, vector<16xi32>,
        tpu.vector_store %arg24[%swap3A_601], %get3A_600 {strides = array<i32>} : memref<128xi32, #tpu.memory_space<vmem>>, vector<16xi32>,
        %mul3A_603 = arith.constant 128 : i32
        %mul3A_604 = arith.muli %add3A_388, %mul3A_603 : i32
        %add3A_605 = arith.constant 96 : i32
        %add3A_606 = arith.addi %mul3A_604, %add3A_605 : i32
        %get3A_607 = arith.index_cast %add3A_606 : i32 to index
        %get3A_608 = tpu.vector_load %arg7[%get3A_607] {strides = array<i32>} : memref<6544xi32, #tpu.memory_space<vmem>>, vector<16xi32>,
        %swap3A_609 = arith.constant 96 : index
        %swap3A_610 = tpu.vector_load %arg16[%swap3A_609] {strides = array<i32>} : memref<128xi32, #tpu.memory_space<vmem>>, vector<16xi32>,
        tpu.vector_store %arg16[%swap3A_609], %get3A_608 {strides = array<i32>} : memref<128xi32, #tpu.memory_space<vmem>>, vector<16xi32>,
        %mul3A_611 = arith.constant 128 : i32
        %mul3A_612 = arith.muli %add3A_388, %mul3A_611 : i32
        %add3A_613 = arith.constant 96 : i32
        %add3A_614 = arith.addi %mul3A_612, %add3A_613 : i32
        %get3A_615 = arith.index_cast %add3A_614 : i32 to index
        %get3A_616 = tpu.vector_load %arg8[%get3A_615] {strides = array<i32>} : memref<6544xi32, #tpu.memory_space<vmem>>, vector<16xi32>,
        %swap3A_617 = arith.constant 96 : index
        %swap3A_618 = tpu.vector_load %arg24[%swap3A_617] {strides = array<i32>} : memref<128xi32, #tpu.memory_space<vmem>>, vector<16xi32>,
        tpu.vector_store %arg24[%swap3A_617], %get3A_616 {strides = array<i32>} : memref<128xi32, #tpu.memory_space<vmem>>, vector<16xi32>,
        %mul3A_619 = arith.constant 128 : i32
        %mul3A_620 = arith.muli %add3A_388, %mul3A_619 : i32
        %add3A_621 = arith.constant 112 : i32
        %add3A_622 = arith.addi %mul3A_620, %add3A_621 : i32
        %get3A_623 = arith.index_cast %add3A_622 : i32 to index
        %get3A_624 = tpu.vector_load %arg7[%get3A_623] {strides = array<i32>} : memref<6544xi32, #tpu.memory_space<vmem>>, vector<16xi32>,
        %swap3A_625 = arith.constant 112 : index
        %swap3A_626 = tpu.vector_load %arg16[%swap3A_625] {strides = array<i32>} : memref<128xi32, #tpu.memory_space<vmem>>, vector<16xi32>,
        tpu.vector_store %arg16[%swap3A_625], %get3A_624 {strides = array<i32>} : memref<128xi32, #tpu.memory_space<vmem>>, vector<16xi32>,
        %mul3A_627 = arith.constant 128 : i32
        %mul3A_628 = arith.muli %add3A_388, %mul3A_627 : i32
        %add3A_629 = arith.constant 112 : i32
        %add3A_630 = arith.addi %mul3A_628, %add3A_629 : i32
        %get3A_631 = arith.index_cast %add3A_630 : i32 to index
        %get3A_632 = tpu.vector_load %arg8[%get3A_631] {strides = array<i32>} : memref<6544xi32, #tpu.memory_space<vmem>>, vector<16xi32>,
        %swap3A_633 = arith.constant 112 : index
        %swap3A_634 = tpu.vector_load %arg24[%swap3A_633] {strides = array<i32>} : memref<128xi32, #tpu.memory_space<vmem>>, vector<16xi32>,
        tpu.vector_store %arg24[%swap3A_633], %get3A_632 {strides = array<i32>} : memref<128xi32, #tpu.memory_space<vmem>>, vector<16xi32>,
        %dma_start3A = arith.constant 4 : i32
        %dma_start3A_635 = arith.constant 0 : i32
        %dma_start3A_636 = arith.constant 0 : i32
        %dma_start3A_637 = tpu.memref_slice %arg11[%dma_start3A, %dma_start3A_635, %dma_start3A_636] : memref<8x128x64xf32, #tpu.memory_space<vmem>> -> memref<1x128x64xf32, #tpu.memory_space<vmem>>
        %dma_start3A_638 = tpu.memref_squeeze %dma_start3A_637 : memref<1x128x64xf32, #tpu.memory_space<vmem>> -> memref<128x64xf32, #tpu.memory_space<vmem>>
        %dma_start3A_639 = arith.constant 0 : i32
        %dma_start3A_640 = arith.constant 0 : i32
        %dma_start3A_641 = tpu.memref_slice %arg3[%dma_start3A_639, %dma_start3A_640] : memref<50000x64xf32, #tpu.memory_space<hbm>> -> memref<50000x64xf32, #tpu.memory_space<hbm>>
        tpu.enqueue_indirect_dma source(%dma_start3A_641 : memref<50000x64xf32, #tpu.memory_space<hbm>>) target(%dma_start3A_638 : memref<128x64xf32, #tpu.memory_space<vmem>>) offsets(%arg16 : memref<128xi32, #tpu.memory_space<vmem>>) semaphore(%arg32 : memref<!tpu.dma_semaphore, #tpu.memory_space<semaphore_mem>>)
      } else {
      }
      %mul3A_400 = arith.constant 8 : i32
      %mul3A_401 = arith.muli %scan3A_325, %mul3A_400 : i32
      %add3A_402 = arith.constant 5 : i32
      %add3A_403 = arith.addi %mul3A_401, %add3A_402 : i32
      %lt3A_404 = arith.cmpi slt, %add3A_403, %select_n3A_207 : i32
      %gt3A_405 = arith.constant 0 : i32
      %gt3A_406 = arith.cmpi sgt, %scan3A_325, %gt3A_405 : i32
      %and3A_407 = arith.andi %lt3A_404, %gt3A_406 : i1
      %convert_element_type3A_408 = arith.extui %and3A_407 : i1 to i32
      %cond3A_409 = arith.constant 0 : i32
      %cond3A_410 = arith.cmpi ne, %convert_element_type3A_408, %cond3A_409 : i32
      scf.if %cond3A_410 {
        %dma_wait3A = arith.constant 5 : i32
        %dma_wait3A_509 = arith.constant 0 : i32
        %dma_wait3A_510 = arith.constant 0 : i32
        %dma_wait3A_511 = tpu.memref_slice %arg11[%dma_wait3A, %dma_wait3A_509, %dma_wait3A_510] : memref<8x128x64xf32, #tpu.memory_space<vmem>> -> memref<1x128x64xf32, #tpu.memory_space<vmem>>
        %dma_wait3A_512 = tpu.memref_squeeze %dma_wait3A_511 : memref<1x128x64xf32, #tpu.memory_space<vmem>> -> memref<128x64xf32, #tpu.memory_space<vmem>>
        %dma_wait3A_513 = arith.constant 0 : i32
        %dma_wait3A_514 = arith.constant 0 : i32
        %dma_wait3A_515 = tpu.memref_slice %arg5[%dma_wait3A_513, %dma_wait3A_514] : memref<204800x64xf32, #tpu.memory_space<hbm>> -> memref<128x64xf32, #tpu.memory_space<hbm>>
        %dma_wait3A_516 = arith.constant 0 : i32
        %dma_wait3A_517 = arith.constant 0 : i32
        %dma_wait3A_518 = tpu.memref_slice %arg5[%dma_wait3A_516, %dma_wait3A_517] : memref<204800x64xf32, #tpu.memory_space<hbm>> -> memref<128x64xf32, #tpu.memory_space<hbm>>
        %dma_wait3A_519 = arith.constant 0 : i32
        %dma_wait3A_520 = arith.constant 0 : i32
        %dma_wait3A_521 = tpu.memref_slice %arg11[%dma_wait3A, %dma_wait3A_519, %dma_wait3A_520] : memref<8x128x64xf32, #tpu.memory_space<vmem>> -> memref<1x128x64xf32, #tpu.memory_space<vmem>>
        %dma_wait3A_522 = tpu.memref_squeeze %dma_wait3A_521 : memref<1x128x64xf32, #tpu.memory_space<vmem>> -> memref<128x64xf32, #tpu.memory_space<vmem>>
        tpu.wait_dma2 semaphore(%arg41 : memref<!tpu.dma_semaphore, #tpu.memory_space<semaphore_mem>>) src(%dma_wait3A_522 : memref<128x64xf32, #tpu.memory_space<vmem>>) dst(%dma_wait3A_518 : memref<128x64xf32, #tpu.memory_space<hbm>>)
      } else {
      }
      %lt3A_411 = arith.cmpi slt, %add3A_403, %select_n3A_207 : i32
      %convert_element_type3A_412 = arith.extui %lt3A_411 : i1 to i32
      %cond3A_413 = arith.constant 0 : i32
      %cond3A_414 = arith.cmpi ne, %convert_element_type3A_412, %cond3A_413 : i32
      scf.if %cond3A_414 {
        %mul3A_509 = arith.constant 128 : i32
        %mul3A_510 = arith.muli %add3A_403, %mul3A_509 : i32
        %add3A_511 = arith.constant 0 : i32
        %add3A_512 = arith.addi %mul3A_510, %add3A_511 : i32
        %get3A = arith.index_cast %add3A_512 : i32 to index
        %get3A_513 = tpu.vector_load %arg7[%get3A] {strides = array<i32>} : memref<6544xi32, #tpu.memory_space<vmem>>, vector<16xi32>,
        %swap3A = arith.constant 0 : index
        %swap3A_514 = tpu.vector_load %arg17[%swap3A] {strides = array<i32>} : memref<128xi32, #tpu.memory_space<vmem>>, vector<16xi32>,
        tpu.vector_store %arg17[%swap3A], %get3A_513 {strides = array<i32>} : memref<128xi32, #tpu.memory_space<vmem>>, vector<16xi32>,
        %mul3A_515 = arith.constant 128 : i32
        %mul3A_516 = arith.muli %add3A_403, %mul3A_515 : i32
        %add3A_517 = arith.constant 0 : i32
        %add3A_518 = arith.addi %mul3A_516, %add3A_517 : i32
        %get3A_519 = arith.index_cast %add3A_518 : i32 to index
        %get3A_520 = tpu.vector_load %arg8[%get3A_519] {strides = array<i32>} : memref<6544xi32, #tpu.memory_space<vmem>>, vector<16xi32>,
        %swap3A_521 = arith.constant 0 : index
        %swap3A_522 = tpu.vector_load %arg25[%swap3A_521] {strides = array<i32>} : memref<128xi32, #tpu.memory_space<vmem>>, vector<16xi32>,
        tpu.vector_store %arg25[%swap3A_521], %get3A_520 {strides = array<i32>} : memref<128xi32, #tpu.memory_space<vmem>>, vector<16xi32>,
        %mul3A_523 = arith.constant 128 : i32
        %mul3A_524 = arith.muli %add3A_403, %mul3A_523 : i32
        %add3A_525 = arith.constant 16 : i32
        %add3A_526 = arith.addi %mul3A_524, %add3A_525 : i32
        %get3A_527 = arith.index_cast %add3A_526 : i32 to index
        %get3A_528 = tpu.vector_load %arg7[%get3A_527] {strides = array<i32>} : memref<6544xi32, #tpu.memory_space<vmem>>, vector<16xi32>,
        %swap3A_529 = arith.constant 16 : index
        %swap3A_530 = tpu.vector_load %arg17[%swap3A_529] {strides = array<i32>} : memref<128xi32, #tpu.memory_space<vmem>>, vector<16xi32>,
        tpu.vector_store %arg17[%swap3A_529], %get3A_528 {strides = array<i32>} : memref<128xi32, #tpu.memory_space<vmem>>, vector<16xi32>,
        %mul3A_531 = arith.constant 128 : i32
        %mul3A_532 = arith.muli %add3A_403, %mul3A_531 : i32
        %add3A_533 = arith.constant 16 : i32
        %add3A_534 = arith.addi %mul3A_532, %add3A_533 : i32
        %get3A_535 = arith.index_cast %add3A_534 : i32 to index
        %get3A_536 = tpu.vector_load %arg8[%get3A_535] {strides = array<i32>} : memref<6544xi32, #tpu.memory_space<vmem>>, vector<16xi32>,
        %swap3A_537 = arith.constant 16 : index
        %swap3A_538 = tpu.vector_load %arg25[%swap3A_537] {strides = array<i32>} : memref<128xi32, #tpu.memory_space<vmem>>, vector<16xi32>,
        tpu.vector_store %arg25[%swap3A_537], %get3A_536 {strides = array<i32>} : memref<128xi32, #tpu.memory_space<vmem>>, vector<16xi32>,
        %mul3A_539 = arith.constant 128 : i32
        %mul3A_540 = arith.muli %add3A_403, %mul3A_539 : i32
        %add3A_541 = arith.constant 32 : i32
        %add3A_542 = arith.addi %mul3A_540, %add3A_541 : i32
        %get3A_543 = arith.index_cast %add3A_542 : i32 to index
        %get3A_544 = tpu.vector_load %arg7[%get3A_543] {strides = array<i32>} : memref<6544xi32, #tpu.memory_space<vmem>>, vector<16xi32>,
        %swap3A_545 = arith.constant 32 : index
        %swap3A_546 = tpu.vector_load %arg17[%swap3A_545] {strides = array<i32>} : memref<128xi32, #tpu.memory_space<vmem>>, vector<16xi32>,
        tpu.vector_store %arg17[%swap3A_545], %get3A_544 {strides = array<i32>} : memref<128xi32, #tpu.memory_space<vmem>>, vector<16xi32>,
        %mul3A_547 = arith.constant 128 : i32
        %mul3A_548 = arith.muli %add3A_403, %mul3A_547 : i32
        %add3A_549 = arith.constant 32 : i32
        %add3A_550 = arith.addi %mul3A_548, %add3A_549 : i32
        %get3A_551 = arith.index_cast %add3A_550 : i32 to index
        %get3A_552 = tpu.vector_load %arg8[%get3A_551] {strides = array<i32>} : memref<6544xi32, #tpu.memory_space<vmem>>, vector<16xi32>,
        %swap3A_553 = arith.constant 32 : index
        %swap3A_554 = tpu.vector_load %arg25[%swap3A_553] {strides = array<i32>} : memref<128xi32, #tpu.memory_space<vmem>>, vector<16xi32>,
        tpu.vector_store %arg25[%swap3A_553], %get3A_552 {strides = array<i32>} : memref<128xi32, #tpu.memory_space<vmem>>, vector<16xi32>,
        %mul3A_555 = arith.constant 128 : i32
        %mul3A_556 = arith.muli %add3A_403, %mul3A_555 : i32
        %add3A_557 = arith.constant 48 : i32
        %add3A_558 = arith.addi %mul3A_556, %add3A_557 : i32
        %get3A_559 = arith.index_cast %add3A_558 : i32 to index
        %get3A_560 = tpu.vector_load %arg7[%get3A_559] {strides = array<i32>} : memref<6544xi32, #tpu.memory_space<vmem>>, vector<16xi32>,
        %swap3A_561 = arith.constant 48 : index
        %swap3A_562 = tpu.vector_load %arg17[%swap3A_561] {strides = array<i32>} : memref<128xi32, #tpu.memory_space<vmem>>, vector<16xi32>,
        tpu.vector_store %arg17[%swap3A_561], %get3A_560 {strides = array<i32>} : memref<128xi32, #tpu.memory_space<vmem>>, vector<16xi32>,
        %mul3A_563 = arith.constant 128 : i32
        %mul3A_564 = arith.muli %add3A_403, %mul3A_563 : i32
        %add3A_565 = arith.constant 48 : i32
        %add3A_566 = arith.addi %mul3A_564, %add3A_565 : i32
        %get3A_567 = arith.index_cast %add3A_566 : i32 to index
        %get3A_568 = tpu.vector_load %arg8[%get3A_567] {strides = array<i32>} : memref<6544xi32, #tpu.memory_space<vmem>>, vector<16xi32>,
        %swap3A_569 = arith.constant 48 : index
        %swap3A_570 = tpu.vector_load %arg25[%swap3A_569] {strides = array<i32>} : memref<128xi32, #tpu.memory_space<vmem>>, vector<16xi32>,
        tpu.vector_store %arg25[%swap3A_569], %get3A_568 {strides = array<i32>} : memref<128xi32, #tpu.memory_space<vmem>>, vector<16xi32>,
        %mul3A_571 = arith.constant 128 : i32
        %mul3A_572 = arith.muli %add3A_403, %mul3A_571 : i32
        %add3A_573 = arith.constant 64 : i32
        %add3A_574 = arith.addi %mul3A_572, %add3A_573 : i32
        %get3A_575 = arith.index_cast %add3A_574 : i32 to index
        %get3A_576 = tpu.vector_load %arg7[%get3A_575] {strides = array<i32>} : memref<6544xi32, #tpu.memory_space<vmem>>, vector<16xi32>,
        %swap3A_577 = arith.constant 64 : index
        %swap3A_578 = tpu.vector_load %arg17[%swap3A_577] {strides = array<i32>} : memref<128xi32, #tpu.memory_space<vmem>>, vector<16xi32>,
        tpu.vector_store %arg17[%swap3A_577], %get3A_576 {strides = array<i32>} : memref<128xi32, #tpu.memory_space<vmem>>, vector<16xi32>,
        %mul3A_579 = arith.constant 128 : i32
        %mul3A_580 = arith.muli %add3A_403, %mul3A_579 : i32
        %add3A_581 = arith.constant 64 : i32
        %add3A_582 = arith.addi %mul3A_580, %add3A_581 : i32
        %get3A_583 = arith.index_cast %add3A_582 : i32 to index
        %get3A_584 = tpu.vector_load %arg8[%get3A_583] {strides = array<i32>} : memref<6544xi32, #tpu.memory_space<vmem>>, vector<16xi32>,
        %swap3A_585 = arith.constant 64 : index
        %swap3A_586 = tpu.vector_load %arg25[%swap3A_585] {strides = array<i32>} : memref<128xi32, #tpu.memory_space<vmem>>, vector<16xi32>,
        tpu.vector_store %arg25[%swap3A_585], %get3A_584 {strides = array<i32>} : memref<128xi32, #tpu.memory_space<vmem>>, vector<16xi32>,
        %mul3A_587 = arith.constant 128 : i32
        %mul3A_588 = arith.muli %add3A_403, %mul3A_587 : i32
        %add3A_589 = arith.constant 80 : i32
        %add3A_590 = arith.addi %mul3A_588, %add3A_589 : i32
        %get3A_591 = arith.index_cast %add3A_590 : i32 to index
        %get3A_592 = tpu.vector_load %arg7[%get3A_591] {strides = array<i32>} : memref<6544xi32, #tpu.memory_space<vmem>>, vector<16xi32>,
        %swap3A_593 = arith.constant 80 : index
        %swap3A_594 = tpu.vector_load %arg17[%swap3A_593] {strides = array<i32>} : memref<128xi32, #tpu.memory_space<vmem>>, vector<16xi32>,
        tpu.vector_store %arg17[%swap3A_593], %get3A_592 {strides = array<i32>} : memref<128xi32, #tpu.memory_space<vmem>>, vector<16xi32>,
        %mul3A_595 = arith.constant 128 : i32
        %mul3A_596 = arith.muli %add3A_403, %mul3A_595 : i32
        %add3A_597 = arith.constant 80 : i32
        %add3A_598 = arith.addi %mul3A_596, %add3A_597 : i32
        %get3A_599 = arith.index_cast %add3A_598 : i32 to index
        %get3A_600 = tpu.vector_load %arg8[%get3A_599] {strides = array<i32>} : memref<6544xi32, #tpu.memory_space<vmem>>, vector<16xi32>,
        %swap3A_601 = arith.constant 80 : index
        %swap3A_602 = tpu.vector_load %arg25[%swap3A_601] {strides = array<i32>} : memref<128xi32, #tpu.memory_space<vmem>>, vector<16xi32>,
        tpu.vector_store %arg25[%swap3A_601], %get3A_600 {strides = array<i32>} : memref<128xi32, #tpu.memory_space<vmem>>, vector<16xi32>,
        %mul3A_603 = arith.constant 128 : i32
        %mul3A_604 = arith.muli %add3A_403, %mul3A_603 : i32
        %add3A_605 = arith.constant 96 : i32
        %add3A_606 = arith.addi %mul3A_604, %add3A_605 : i32
        %get3A_607 = arith.index_cast %add3A_606 : i32 to index
        %get3A_608 = tpu.vector_load %arg7[%get3A_607] {strides = array<i32>} : memref<6544xi32, #tpu.memory_space<vmem>>, vector<16xi32>,
        %swap3A_609 = arith.constant 96 : index
        %swap3A_610 = tpu.vector_load %arg17[%swap3A_609] {strides = array<i32>} : memref<128xi32, #tpu.memory_space<vmem>>, vector<16xi32>,
        tpu.vector_store %arg17[%swap3A_609], %get3A_608 {strides = array<i32>} : memref<128xi32, #tpu.memory_space<vmem>>, vector<16xi32>,
        %mul3A_611 = arith.constant 128 : i32
        %mul3A_612 = arith.muli %add3A_403, %mul3A_611 : i32
        %add3A_613 = arith.constant 96 : i32
        %add3A_614 = arith.addi %mul3A_612, %add3A_613 : i32
        %get3A_615 = arith.index_cast %add3A_614 : i32 to index
        %get3A_616 = tpu.vector_load %arg8[%get3A_615] {strides = array<i32>} : memref<6544xi32, #tpu.memory_space<vmem>>, vector<16xi32>,
        %swap3A_617 = arith.constant 96 : index
        %swap3A_618 = tpu.vector_load %arg25[%swap3A_617] {strides = array<i32>} : memref<128xi32, #tpu.memory_space<vmem>>, vector<16xi32>,
        tpu.vector_store %arg25[%swap3A_617], %get3A_616 {strides = array<i32>} : memref<128xi32, #tpu.memory_space<vmem>>, vector<16xi32>,
        %mul3A_619 = arith.constant 128 : i32
        %mul3A_620 = arith.muli %add3A_403, %mul3A_619 : i32
        %add3A_621 = arith.constant 112 : i32
        %add3A_622 = arith.addi %mul3A_620, %add3A_621 : i32
        %get3A_623 = arith.index_cast %add3A_622 : i32 to index
        %get3A_624 = tpu.vector_load %arg7[%get3A_623] {strides = array<i32>} : memref<6544xi32, #tpu.memory_space<vmem>>, vector<16xi32>,
        %swap3A_625 = arith.constant 112 : index
        %swap3A_626 = tpu.vector_load %arg17[%swap3A_625] {strides = array<i32>} : memref<128xi32, #tpu.memory_space<vmem>>, vector<16xi32>,
        tpu.vector_store %arg17[%swap3A_625], %get3A_624 {strides = array<i32>} : memref<128xi32, #tpu.memory_space<vmem>>, vector<16xi32>,
        %mul3A_627 = arith.constant 128 : i32
        %mul3A_628 = arith.muli %add3A_403, %mul3A_627 : i32
        %add3A_629 = arith.constant 112 : i32
        %add3A_630 = arith.addi %mul3A_628, %add3A_629 : i32
        %get3A_631 = arith.index_cast %add3A_630 : i32 to index
        %get3A_632 = tpu.vector_load %arg8[%get3A_631] {strides = array<i32>} : memref<6544xi32, #tpu.memory_space<vmem>>, vector<16xi32>,
        %swap3A_633 = arith.constant 112 : index
        %swap3A_634 = tpu.vector_load %arg25[%swap3A_633] {strides = array<i32>} : memref<128xi32, #tpu.memory_space<vmem>>, vector<16xi32>,
        tpu.vector_store %arg25[%swap3A_633], %get3A_632 {strides = array<i32>} : memref<128xi32, #tpu.memory_space<vmem>>, vector<16xi32>,
        %dma_start3A = arith.constant 5 : i32
        %dma_start3A_635 = arith.constant 0 : i32
        %dma_start3A_636 = arith.constant 0 : i32
        %dma_start3A_637 = tpu.memref_slice %arg11[%dma_start3A, %dma_start3A_635, %dma_start3A_636] : memref<8x128x64xf32, #tpu.memory_space<vmem>> -> memref<1x128x64xf32, #tpu.memory_space<vmem>>
        %dma_start3A_638 = tpu.memref_squeeze %dma_start3A_637 : memref<1x128x64xf32, #tpu.memory_space<vmem>> -> memref<128x64xf32, #tpu.memory_space<vmem>>
        %dma_start3A_639 = arith.constant 0 : i32
        %dma_start3A_640 = arith.constant 0 : i32
        %dma_start3A_641 = tpu.memref_slice %arg3[%dma_start3A_639, %dma_start3A_640] : memref<50000x64xf32, #tpu.memory_space<hbm>> -> memref<50000x64xf32, #tpu.memory_space<hbm>>
        tpu.enqueue_indirect_dma source(%dma_start3A_641 : memref<50000x64xf32, #tpu.memory_space<hbm>>) target(%dma_start3A_638 : memref<128x64xf32, #tpu.memory_space<vmem>>) offsets(%arg17 : memref<128xi32, #tpu.memory_space<vmem>>) semaphore(%arg33 : memref<!tpu.dma_semaphore, #tpu.memory_space<semaphore_mem>>)
      } else {
      }
      %mul3A_415 = arith.constant 8 : i32
      %mul3A_416 = arith.muli %scan3A_325, %mul3A_415 : i32
      %add3A_417 = arith.constant 6 : i32
      %add3A_418 = arith.addi %mul3A_416, %add3A_417 : i32
      %lt3A_419 = arith.cmpi slt, %add3A_418, %select_n3A_207 : i32
      %gt3A_420 = arith.constant 0 : i32
      %gt3A_421 = arith.cmpi sgt, %scan3A_325, %gt3A_420 : i32
      %and3A_422 = arith.andi %lt3A_419, %gt3A_421 : i1
      %convert_element_type3A_423 = arith.extui %and3A_422 : i1 to i32
      %cond3A_424 = arith.constant 0 : i32
      %cond3A_425 = arith.cmpi ne, %convert_element_type3A_423, %cond3A_424 : i32
      scf.if %cond3A_425 {
        %dma_wait3A = arith.constant 6 : i32
        %dma_wait3A_509 = arith.constant 0 : i32
        %dma_wait3A_510 = arith.constant 0 : i32
        %dma_wait3A_511 = tpu.memref_slice %arg11[%dma_wait3A, %dma_wait3A_509, %dma_wait3A_510] : memref<8x128x64xf32, #tpu.memory_space<vmem>> -> memref<1x128x64xf32, #tpu.memory_space<vmem>>
        %dma_wait3A_512 = tpu.memref_squeeze %dma_wait3A_511 : memref<1x128x64xf32, #tpu.memory_space<vmem>> -> memref<128x64xf32, #tpu.memory_space<vmem>>
        %dma_wait3A_513 = arith.constant 0 : i32
        %dma_wait3A_514 = arith.constant 0 : i32
        %dma_wait3A_515 = tpu.memref_slice %arg5[%dma_wait3A_513, %dma_wait3A_514] : memref<204800x64xf32, #tpu.memory_space<hbm>> -> memref<128x64xf32, #tpu.memory_space<hbm>>
        %dma_wait3A_516 = arith.constant 0 : i32
        %dma_wait3A_517 = arith.constant 0 : i32
        %dma_wait3A_518 = tpu.memref_slice %arg5[%dma_wait3A_516, %dma_wait3A_517] : memref<204800x64xf32, #tpu.memory_space<hbm>> -> memref<128x64xf32, #tpu.memory_space<hbm>>
        %dma_wait3A_519 = arith.constant 0 : i32
        %dma_wait3A_520 = arith.constant 0 : i32
        %dma_wait3A_521 = tpu.memref_slice %arg11[%dma_wait3A, %dma_wait3A_519, %dma_wait3A_520] : memref<8x128x64xf32, #tpu.memory_space<vmem>> -> memref<1x128x64xf32, #tpu.memory_space<vmem>>
        %dma_wait3A_522 = tpu.memref_squeeze %dma_wait3A_521 : memref<1x128x64xf32, #tpu.memory_space<vmem>> -> memref<128x64xf32, #tpu.memory_space<vmem>>
        tpu.wait_dma2 semaphore(%arg42 : memref<!tpu.dma_semaphore, #tpu.memory_space<semaphore_mem>>) src(%dma_wait3A_522 : memref<128x64xf32, #tpu.memory_space<vmem>>) dst(%dma_wait3A_518 : memref<128x64xf32, #tpu.memory_space<hbm>>)
      } else {
      }
      %lt3A_426 = arith.cmpi slt, %add3A_418, %select_n3A_207 : i32
      %convert_element_type3A_427 = arith.extui %lt3A_426 : i1 to i32
      %cond3A_428 = arith.constant 0 : i32
      %cond3A_429 = arith.cmpi ne, %convert_element_type3A_427, %cond3A_428 : i32
      scf.if %cond3A_429 {
        %mul3A_509 = arith.constant 128 : i32
        %mul3A_510 = arith.muli %add3A_418, %mul3A_509 : i32
        %add3A_511 = arith.constant 0 : i32
        %add3A_512 = arith.addi %mul3A_510, %add3A_511 : i32
        %get3A = arith.index_cast %add3A_512 : i32 to index
        %get3A_513 = tpu.vector_load %arg7[%get3A] {strides = array<i32>} : memref<6544xi32, #tpu.memory_space<vmem>>, vector<16xi32>,
        %swap3A = arith.constant 0 : index
        %swap3A_514 = tpu.vector_load %arg18[%swap3A] {strides = array<i32>} : memref<128xi32, #tpu.memory_space<vmem>>, vector<16xi32>,
        tpu.vector_store %arg18[%swap3A], %get3A_513 {strides = array<i32>} : memref<128xi32, #tpu.memory_space<vmem>>, vector<16xi32>,
        %mul3A_515 = arith.constant 128 : i32
        %mul3A_516 = arith.muli %add3A_418, %mul3A_515 : i32
        %add3A_517 = arith.constant 0 : i32
        %add3A_518 = arith.addi %mul3A_516, %add3A_517 : i32
        %get3A_519 = arith.index_cast %add3A_518 : i32 to index
        %get3A_520 = tpu.vector_load %arg8[%get3A_519] {strides = array<i32>} : memref<6544xi32, #tpu.memory_space<vmem>>, vector<16xi32>,
        %swap3A_521 = arith.constant 0 : index
        %swap3A_522 = tpu.vector_load %arg26[%swap3A_521] {strides = array<i32>} : memref<128xi32, #tpu.memory_space<vmem>>, vector<16xi32>,
        tpu.vector_store %arg26[%swap3A_521], %get3A_520 {strides = array<i32>} : memref<128xi32, #tpu.memory_space<vmem>>, vector<16xi32>,
        %mul3A_523 = arith.constant 128 : i32
        %mul3A_524 = arith.muli %add3A_418, %mul3A_523 : i32
        %add3A_525 = arith.constant 16 : i32
        %add3A_526 = arith.addi %mul3A_524, %add3A_525 : i32
        %get3A_527 = arith.index_cast %add3A_526 : i32 to index
        %get3A_528 = tpu.vector_load %arg7[%get3A_527] {strides = array<i32>} : memref<6544xi32, #tpu.memory_space<vmem>>, vector<16xi32>,
        %swap3A_529 = arith.constant 16 : index
        %swap3A_530 = tpu.vector_load %arg18[%swap3A_529] {strides = array<i32>} : memref<128xi32, #tpu.memory_space<vmem>>, vector<16xi32>,
        tpu.vector_store %arg18[%swap3A_529], %get3A_528 {strides = array<i32>} : memref<128xi32, #tpu.memory_space<vmem>>, vector<16xi32>,
        %mul3A_531 = arith.constant 128 : i32
        %mul3A_532 = arith.muli %add3A_418, %mul3A_531 : i32
        %add3A_533 = arith.constant 16 : i32
        %add3A_534 = arith.addi %mul3A_532, %add3A_533 : i32
        %get3A_535 = arith.index_cast %add3A_534 : i32 to index
        %get3A_536 = tpu.vector_load %arg8[%get3A_535] {strides = array<i32>} : memref<6544xi32, #tpu.memory_space<vmem>>, vector<16xi32>,
        %swap3A_537 = arith.constant 16 : index
        %swap3A_538 = tpu.vector_load %arg26[%swap3A_537] {strides = array<i32>} : memref<128xi32, #tpu.memory_space<vmem>>, vector<16xi32>,
        tpu.vector_store %arg26[%swap3A_537], %get3A_536 {strides = array<i32>} : memref<128xi32, #tpu.memory_space<vmem>>, vector<16xi32>,
        %mul3A_539 = arith.constant 128 : i32
        %mul3A_540 = arith.muli %add3A_418, %mul3A_539 : i32
        %add3A_541 = arith.constant 32 : i32
        %add3A_542 = arith.addi %mul3A_540, %add3A_541 : i32
        %get3A_543 = arith.index_cast %add3A_542 : i32 to index
        %get3A_544 = tpu.vector_load %arg7[%get3A_543] {strides = array<i32>} : memref<6544xi32, #tpu.memory_space<vmem>>, vector<16xi32>,
        %swap3A_545 = arith.constant 32 : index
        %swap3A_546 = tpu.vector_load %arg18[%swap3A_545] {strides = array<i32>} : memref<128xi32, #tpu.memory_space<vmem>>, vector<16xi32>,
        tpu.vector_store %arg18[%swap3A_545], %get3A_544 {strides = array<i32>} : memref<128xi32, #tpu.memory_space<vmem>>, vector<16xi32>,
        %mul3A_547 = arith.constant 128 : i32
        %mul3A_548 = arith.muli %add3A_418, %mul3A_547 : i32
        %add3A_549 = arith.constant 32 : i32
        %add3A_550 = arith.addi %mul3A_548, %add3A_549 : i32
        %get3A_551 = arith.index_cast %add3A_550 : i32 to index
        %get3A_552 = tpu.vector_load %arg8[%get3A_551] {strides = array<i32>} : memref<6544xi32, #tpu.memory_space<vmem>>, vector<16xi32>,
        %swap3A_553 = arith.constant 32 : index
        %swap3A_554 = tpu.vector_load %arg26[%swap3A_553] {strides = array<i32>} : memref<128xi32, #tpu.memory_space<vmem>>, vector<16xi32>,
        tpu.vector_store %arg26[%swap3A_553], %get3A_552 {strides = array<i32>} : memref<128xi32, #tpu.memory_space<vmem>>, vector<16xi32>,
        %mul3A_555 = arith.constant 128 : i32
        %mul3A_556 = arith.muli %add3A_418, %mul3A_555 : i32
        %add3A_557 = arith.constant 48 : i32
        %add3A_558 = arith.addi %mul3A_556, %add3A_557 : i32
        %get3A_559 = arith.index_cast %add3A_558 : i32 to index
        %get3A_560 = tpu.vector_load %arg7[%get3A_559] {strides = array<i32>} : memref<6544xi32, #tpu.memory_space<vmem>>, vector<16xi32>,
        %swap3A_561 = arith.constant 48 : index
        %swap3A_562 = tpu.vector_load %arg18[%swap3A_561] {strides = array<i32>} : memref<128xi32, #tpu.memory_space<vmem>>, vector<16xi32>,
        tpu.vector_store %arg18[%swap3A_561], %get3A_560 {strides = array<i32>} : memref<128xi32, #tpu.memory_space<vmem>>, vector<16xi32>,
        %mul3A_563 = arith.constant 128 : i32
        %mul3A_564 = arith.muli %add3A_418, %mul3A_563 : i32
        %add3A_565 = arith.constant 48 : i32
        %add3A_566 = arith.addi %mul3A_564, %add3A_565 : i32
        %get3A_567 = arith.index_cast %add3A_566 : i32 to index
        %get3A_568 = tpu.vector_load %arg8[%get3A_567] {strides = array<i32>} : memref<6544xi32, #tpu.memory_space<vmem>>, vector<16xi32>,
        %swap3A_569 = arith.constant 48 : index
        %swap3A_570 = tpu.vector_load %arg26[%swap3A_569] {strides = array<i32>} : memref<128xi32, #tpu.memory_space<vmem>>, vector<16xi32>,
        tpu.vector_store %arg26[%swap3A_569], %get3A_568 {strides = array<i32>} : memref<128xi32, #tpu.memory_space<vmem>>, vector<16xi32>,
        %mul3A_571 = arith.constant 128 : i32
        %mul3A_572 = arith.muli %add3A_418, %mul3A_571 : i32
        %add3A_573 = arith.constant 64 : i32
        %add3A_574 = arith.addi %mul3A_572, %add3A_573 : i32
        %get3A_575 = arith.index_cast %add3A_574 : i32 to index
        %get3A_576 = tpu.vector_load %arg7[%get3A_575] {strides = array<i32>} : memref<6544xi32, #tpu.memory_space<vmem>>, vector<16xi32>,
        %swap3A_577 = arith.constant 64 : index
        %swap3A_578 = tpu.vector_load %arg18[%swap3A_577] {strides = array<i32>} : memref<128xi32, #tpu.memory_space<vmem>>, vector<16xi32>,
        tpu.vector_store %arg18[%swap3A_577], %get3A_576 {strides = array<i32>} : memref<128xi32, #tpu.memory_space<vmem>>, vector<16xi32>,
        %mul3A_579 = arith.constant 128 : i32
        %mul3A_580 = arith.muli %add3A_418, %mul3A_579 : i32
        %add3A_581 = arith.constant 64 : i32
        %add3A_582 = arith.addi %mul3A_580, %add3A_581 : i32
        %get3A_583 = arith.index_cast %add3A_582 : i32 to index
        %get3A_584 = tpu.vector_load %arg8[%get3A_583] {strides = array<i32>} : memref<6544xi32, #tpu.memory_space<vmem>>, vector<16xi32>,
        %swap3A_585 = arith.constant 64 : index
        %swap3A_586 = tpu.vector_load %arg26[%swap3A_585] {strides = array<i32>} : memref<128xi32, #tpu.memory_space<vmem>>, vector<16xi32>,
        tpu.vector_store %arg26[%swap3A_585], %get3A_584 {strides = array<i32>} : memref<128xi32, #tpu.memory_space<vmem>>, vector<16xi32>,
        %mul3A_587 = arith.constant 128 : i32
        %mul3A_588 = arith.muli %add3A_418, %mul3A_587 : i32
        %add3A_589 = arith.constant 80 : i32
        %add3A_590 = arith.addi %mul3A_588, %add3A_589 : i32
        %get3A_591 = arith.index_cast %add3A_590 : i32 to index
        %get3A_592 = tpu.vector_load %arg7[%get3A_591] {strides = array<i32>} : memref<6544xi32, #tpu.memory_space<vmem>>, vector<16xi32>,
        %swap3A_593 = arith.constant 80 : index
        %swap3A_594 = tpu.vector_load %arg18[%swap3A_593] {strides = array<i32>} : memref<128xi32, #tpu.memory_space<vmem>>, vector<16xi32>,
        tpu.vector_store %arg18[%swap3A_593], %get3A_592 {strides = array<i32>} : memref<128xi32, #tpu.memory_space<vmem>>, vector<16xi32>,
        %mul3A_595 = arith.constant 128 : i32
        %mul3A_596 = arith.muli %add3A_418, %mul3A_595 : i32
        %add3A_597 = arith.constant 80 : i32
        %add3A_598 = arith.addi %mul3A_596, %add3A_597 : i32
        %get3A_599 = arith.index_cast %add3A_598 : i32 to index
        %get3A_600 = tpu.vector_load %arg8[%get3A_599] {strides = array<i32>} : memref<6544xi32, #tpu.memory_space<vmem>>, vector<16xi32>,
        %swap3A_601 = arith.constant 80 : index
        %swap3A_602 = tpu.vector_load %arg26[%swap3A_601] {strides = array<i32>} : memref<128xi32, #tpu.memory_space<vmem>>, vector<16xi32>,
        tpu.vector_store %arg26[%swap3A_601], %get3A_600 {strides = array<i32>} : memref<128xi32, #tpu.memory_space<vmem>>, vector<16xi32>,
        %mul3A_603 = arith.constant 128 : i32
        %mul3A_604 = arith.muli %add3A_418, %mul3A_603 : i32
        %add3A_605 = arith.constant 96 : i32
        %add3A_606 = arith.addi %mul3A_604, %add3A_605 : i32
        %get3A_607 = arith.index_cast %add3A_606 : i32 to index
        %get3A_608 = tpu.vector_load %arg7[%get3A_607] {strides = array<i32>} : memref<6544xi32, #tpu.memory_space<vmem>>, vector<16xi32>,
        %swap3A_609 = arith.constant 96 : index
        %swap3A_610 = tpu.vector_load %arg18[%swap3A_609] {strides = array<i32>} : memref<128xi32, #tpu.memory_space<vmem>>, vector<16xi32>,
        tpu.vector_store %arg18[%swap3A_609], %get3A_608 {strides = array<i32>} : memref<128xi32, #tpu.memory_space<vmem>>, vector<16xi32>,
        %mul3A_611 = arith.constant 128 : i32
        %mul3A_612 = arith.muli %add3A_418, %mul3A_611 : i32
        %add3A_613 = arith.constant 96 : i32
        %add3A_614 = arith.addi %mul3A_612, %add3A_613 : i32
        %get3A_615 = arith.index_cast %add3A_614 : i32 to index
        %get3A_616 = tpu.vector_load %arg8[%get3A_615] {strides = array<i32>} : memref<6544xi32, #tpu.memory_space<vmem>>, vector<16xi32>,
        %swap3A_617 = arith.constant 96 : index
        %swap3A_618 = tpu.vector_load %arg26[%swap3A_617] {strides = array<i32>} : memref<128xi32, #tpu.memory_space<vmem>>, vector<16xi32>,
        tpu.vector_store %arg26[%swap3A_617], %get3A_616 {strides = array<i32>} : memref<128xi32, #tpu.memory_space<vmem>>, vector<16xi32>,
        %mul3A_619 = arith.constant 128 : i32
        %mul3A_620 = arith.muli %add3A_418, %mul3A_619 : i32
        %add3A_621 = arith.constant 112 : i32
        %add3A_622 = arith.addi %mul3A_620, %add3A_621 : i32
        %get3A_623 = arith.index_cast %add3A_622 : i32 to index
        %get3A_624 = tpu.vector_load %arg7[%get3A_623] {strides = array<i32>} : memref<6544xi32, #tpu.memory_space<vmem>>, vector<16xi32>,
        %swap3A_625 = arith.constant 112 : index
        %swap3A_626 = tpu.vector_load %arg18[%swap3A_625] {strides = array<i32>} : memref<128xi32, #tpu.memory_space<vmem>>, vector<16xi32>,
        tpu.vector_store %arg18[%swap3A_625], %get3A_624 {strides = array<i32>} : memref<128xi32, #tpu.memory_space<vmem>>, vector<16xi32>,
        %mul3A_627 = arith.constant 128 : i32
        %mul3A_628 = arith.muli %add3A_418, %mul3A_627 : i32
        %add3A_629 = arith.constant 112 : i32
        %add3A_630 = arith.addi %mul3A_628, %add3A_629 : i32
        %get3A_631 = arith.index_cast %add3A_630 : i32 to index
        %get3A_632 = tpu.vector_load %arg8[%get3A_631] {strides = array<i32>} : memref<6544xi32, #tpu.memory_space<vmem>>, vector<16xi32>,
        %swap3A_633 = arith.constant 112 : index
        %swap3A_634 = tpu.vector_load %arg26[%swap3A_633] {strides = array<i32>} : memref<128xi32, #tpu.memory_space<vmem>>, vector<16xi32>,
        tpu.vector_store %arg26[%swap3A_633], %get3A_632 {strides = array<i32>} : memref<128xi32, #tpu.memory_space<vmem>>, vector<16xi32>,
        %dma_start3A = arith.constant 6 : i32
        %dma_start3A_635 = arith.constant 0 : i32
        %dma_start3A_636 = arith.constant 0 : i32
        %dma_start3A_637 = tpu.memref_slice %arg11[%dma_start3A, %dma_start3A_635, %dma_start3A_636] : memref<8x128x64xf32, #tpu.memory_space<vmem>> -> memref<1x128x64xf32, #tpu.memory_space<vmem>>
        %dma_start3A_638 = tpu.memref_squeeze %dma_start3A_637 : memref<1x128x64xf32, #tpu.memory_space<vmem>> -> memref<128x64xf32, #tpu.memory_space<vmem>>
        %dma_start3A_639 = arith.constant 0 : i32
        %dma_start3A_640 = arith.constant 0 : i32
        %dma_start3A_641 = tpu.memref_slice %arg3[%dma_start3A_639, %dma_start3A_640] : memref<50000x64xf32, #tpu.memory_space<hbm>> -> memref<50000x64xf32, #tpu.memory_space<hbm>>
        tpu.enqueue_indirect_dma source(%dma_start3A_641 : memref<50000x64xf32, #tpu.memory_space<hbm>>) target(%dma_start3A_638 : memref<128x64xf32, #tpu.memory_space<vmem>>) offsets(%arg18 : memref<128xi32, #tpu.memory_space<vmem>>) semaphore(%arg34 : memref<!tpu.dma_semaphore, #tpu.memory_space<semaphore_mem>>)
      } else {
      }
      %mul3A_430 = arith.constant 8 : i32
      %mul3A_431 = arith.muli %scan3A_325, %mul3A_430 : i32
      %add3A_432 = arith.constant 7 : i32
      %add3A_433 = arith.addi %mul3A_431, %add3A_432 : i32
      %lt3A_434 = arith.cmpi slt, %add3A_433, %select_n3A_207 : i32
      %gt3A_435 = arith.constant 0 : i32
      %gt3A_436 = arith.cmpi sgt, %scan3A_325, %gt3A_435 : i32
      %and3A_437 = arith.andi %lt3A_434, %gt3A_436 : i1
      %convert_element_type3A_438 = arith.extui %and3A_437 : i1 to i32
      %cond3A_439 = arith.constant 0 : i32
      %cond3A_440 = arith.cmpi ne, %convert_element_type3A_438, %cond3A_439 : i32
      scf.if %cond3A_440 {
        %dma_wait3A = arith.constant 7 : i32
        %dma_wait3A_509 = arith.constant 0 : i32
        %dma_wait3A_510 = arith.constant 0 : i32
        %dma_wait3A_511 = tpu.memref_slice %arg11[%dma_wait3A, %dma_wait3A_509, %dma_wait3A_510] : memref<8x128x64xf32, #tpu.memory_space<vmem>> -> memref<1x128x64xf32, #tpu.memory_space<vmem>>
        %dma_wait3A_512 = tpu.memref_squeeze %dma_wait3A_511 : memref<1x128x64xf32, #tpu.memory_space<vmem>> -> memref<128x64xf32, #tpu.memory_space<vmem>>
        %dma_wait3A_513 = arith.constant 0 : i32
        %dma_wait3A_514 = arith.constant 0 : i32
        %dma_wait3A_515 = tpu.memref_slice %arg5[%dma_wait3A_513, %dma_wait3A_514] : memref<204800x64xf32, #tpu.memory_space<hbm>> -> memref<128x64xf32, #tpu.memory_space<hbm>>
        %dma_wait3A_516 = arith.constant 0 : i32
        %dma_wait3A_517 = arith.constant 0 : i32
        %dma_wait3A_518 = tpu.memref_slice %arg5[%dma_wait3A_516, %dma_wait3A_517] : memref<204800x64xf32, #tpu.memory_space<hbm>> -> memref<128x64xf32, #tpu.memory_space<hbm>>
        %dma_wait3A_519 = arith.constant 0 : i32
        %dma_wait3A_520 = arith.constant 0 : i32
        %dma_wait3A_521 = tpu.memref_slice %arg11[%dma_wait3A, %dma_wait3A_519, %dma_wait3A_520] : memref<8x128x64xf32, #tpu.memory_space<vmem>> -> memref<1x128x64xf32, #tpu.memory_space<vmem>>
        %dma_wait3A_522 = tpu.memref_squeeze %dma_wait3A_521 : memref<1x128x64xf32, #tpu.memory_space<vmem>> -> memref<128x64xf32, #tpu.memory_space<vmem>>
        tpu.wait_dma2 semaphore(%arg43 : memref<!tpu.dma_semaphore, #tpu.memory_space<semaphore_mem>>) src(%dma_wait3A_522 : memref<128x64xf32, #tpu.memory_space<vmem>>) dst(%dma_wait3A_518 : memref<128x64xf32, #tpu.memory_space<hbm>>)
      } else {
      }
      %lt3A_441 = arith.cmpi slt, %add3A_433, %select_n3A_207 : i32
      %convert_element_type3A_442 = arith.extui %lt3A_441 : i1 to i32
      %cond3A_443 = arith.constant 0 : i32
      %cond3A_444 = arith.cmpi ne, %convert_element_type3A_442, %cond3A_443 : i32
      scf.if %cond3A_444 {
        %mul3A_509 = arith.constant 128 : i32
        %mul3A_510 = arith.muli %add3A_433, %mul3A_509 : i32
        %add3A_511 = arith.constant 0 : i32
        %add3A_512 = arith.addi %mul3A_510, %add3A_511 : i32
        %get3A = arith.index_cast %add3A_512 : i32 to index
        %get3A_513 = tpu.vector_load %arg7[%get3A] {strides = array<i32>} : memref<6544xi32, #tpu.memory_space<vmem>>, vector<16xi32>,
        %swap3A = arith.constant 0 : index
        %swap3A_514 = tpu.vector_load %arg19[%swap3A] {strides = array<i32>} : memref<128xi32, #tpu.memory_space<vmem>>, vector<16xi32>,
        tpu.vector_store %arg19[%swap3A], %get3A_513 {strides = array<i32>} : memref<128xi32, #tpu.memory_space<vmem>>, vector<16xi32>,
        %mul3A_515 = arith.constant 128 : i32
        %mul3A_516 = arith.muli %add3A_433, %mul3A_515 : i32
        %add3A_517 = arith.constant 0 : i32
        %add3A_518 = arith.addi %mul3A_516, %add3A_517 : i32
        %get3A_519 = arith.index_cast %add3A_518 : i32 to index
        %get3A_520 = tpu.vector_load %arg8[%get3A_519] {strides = array<i32>} : memref<6544xi32, #tpu.memory_space<vmem>>, vector<16xi32>,
        %swap3A_521 = arith.constant 0 : index
        %swap3A_522 = tpu.vector_load %arg27[%swap3A_521] {strides = array<i32>} : memref<128xi32, #tpu.memory_space<vmem>>, vector<16xi32>,
        tpu.vector_store %arg27[%swap3A_521], %get3A_520 {strides = array<i32>} : memref<128xi32, #tpu.memory_space<vmem>>, vector<16xi32>,
        %mul3A_523 = arith.constant 128 : i32
        %mul3A_524 = arith.muli %add3A_433, %mul3A_523 : i32
        %add3A_525 = arith.constant 16 : i32
        %add3A_526 = arith.addi %mul3A_524, %add3A_525 : i32
        %get3A_527 = arith.index_cast %add3A_526 : i32 to index
        %get3A_528 = tpu.vector_load %arg7[%get3A_527] {strides = array<i32>} : memref<6544xi32, #tpu.memory_space<vmem>>, vector<16xi32>,
        %swap3A_529 = arith.constant 16 : index
        %swap3A_530 = tpu.vector_load %arg19[%swap3A_529] {strides = array<i32>} : memref<128xi32, #tpu.memory_space<vmem>>, vector<16xi32>,
        tpu.vector_store %arg19[%swap3A_529], %get3A_528 {strides = array<i32>} : memref<128xi32, #tpu.memory_space<vmem>>, vector<16xi32>,
        %mul3A_531 = arith.constant 128 : i32
        %mul3A_532 = arith.muli %add3A_433, %mul3A_531 : i32
        %add3A_533 = arith.constant 16 : i32
        %add3A_534 = arith.addi %mul3A_532, %add3A_533 : i32
        %get3A_535 = arith.index_cast %add3A_534 : i32 to index
        %get3A_536 = tpu.vector_load %arg8[%get3A_535] {strides = array<i32>} : memref<6544xi32, #tpu.memory_space<vmem>>, vector<16xi32>,
        %swap3A_537 = arith.constant 16 : index
        %swap3A_538 = tpu.vector_load %arg27[%swap3A_537] {strides = array<i32>} : memref<128xi32, #tpu.memory_space<vmem>>, vector<16xi32>,
        tpu.vector_store %arg27[%swap3A_537], %get3A_536 {strides = array<i32>} : memref<128xi32, #tpu.memory_space<vmem>>, vector<16xi32>,
        %mul3A_539 = arith.constant 128 : i32
        %mul3A_540 = arith.muli %add3A_433, %mul3A_539 : i32
        %add3A_541 = arith.constant 32 : i32
        %add3A_542 = arith.addi %mul3A_540, %add3A_541 : i32
        %get3A_543 = arith.index_cast %add3A_542 : i32 to index
        %get3A_544 = tpu.vector_load %arg7[%get3A_543] {strides = array<i32>} : memref<6544xi32, #tpu.memory_space<vmem>>, vector<16xi32>,
        %swap3A_545 = arith.constant 32 : index
        %swap3A_546 = tpu.vector_load %arg19[%swap3A_545] {strides = array<i32>} : memref<128xi32, #tpu.memory_space<vmem>>, vector<16xi32>,
        tpu.vector_store %arg19[%swap3A_545], %get3A_544 {strides = array<i32>} : memref<128xi32, #tpu.memory_space<vmem>>, vector<16xi32>,
        %mul3A_547 = arith.constant 128 : i32
        %mul3A_548 = arith.muli %add3A_433, %mul3A_547 : i32
        %add3A_549 = arith.constant 32 : i32
        %add3A_550 = arith.addi %mul3A_548, %add3A_549 : i32
        %get3A_551 = arith.index_cast %add3A_550 : i32 to index
        %get3A_552 = tpu.vector_load %arg8[%get3A_551] {strides = array<i32>} : memref<6544xi32, #tpu.memory_space<vmem>>, vector<16xi32>,
        %swap3A_553 = arith.constant 32 : index
        %swap3A_554 = tpu.vector_load %arg27[%swap3A_553] {strides = array<i32>} : memref<128xi32, #tpu.memory_space<vmem>>, vector<16xi32>,
        tpu.vector_store %arg27[%swap3A_553], %get3A_552 {strides = array<i32>} : memref<128xi32, #tpu.memory_space<vmem>>, vector<16xi32>,
        %mul3A_555 = arith.constant 128 : i32
        %mul3A_556 = arith.muli %add3A_433, %mul3A_555 : i32
        %add3A_557 = arith.constant 48 : i32
        %add3A_558 = arith.addi %mul3A_556, %add3A_557 : i32
        %get3A_559 = arith.index_cast %add3A_558 : i32 to index
        %get3A_560 = tpu.vector_load %arg7[%get3A_559] {strides = array<i32>} : memref<6544xi32, #tpu.memory_space<vmem>>, vector<16xi32>,
        %swap3A_561 = arith.constant 48 : index
        %swap3A_562 = tpu.vector_load %arg19[%swap3A_561] {strides = array<i32>} : memref<128xi32, #tpu.memory_space<vmem>>, vector<16xi32>,
        tpu.vector_store %arg19[%swap3A_561], %get3A_560 {strides = array<i32>} : memref<128xi32, #tpu.memory_space<vmem>>, vector<16xi32>,
        %mul3A_563 = arith.constant 128 : i32
        %mul3A_564 = arith.muli %add3A_433, %mul3A_563 : i32
        %add3A_565 = arith.constant 48 : i32
        %add3A_566 = arith.addi %mul3A_564, %add3A_565 : i32
        %get3A_567 = arith.index_cast %add3A_566 : i32 to index
        %get3A_568 = tpu.vector_load %arg8[%get3A_567] {strides = array<i32>} : memref<6544xi32, #tpu.memory_space<vmem>>, vector<16xi32>,
        %swap3A_569 = arith.constant 48 : index
        %swap3A_570 = tpu.vector_load %arg27[%swap3A_569] {strides = array<i32>} : memref<128xi32, #tpu.memory_space<vmem>>, vector<16xi32>,
        tpu.vector_store %arg27[%swap3A_569], %get3A_568 {strides = array<i32>} : memref<128xi32, #tpu.memory_space<vmem>>, vector<16xi32>,
        %mul3A_571 = arith.constant 128 : i32
        %mul3A_572 = arith.muli %add3A_433, %mul3A_571 : i32
        %add3A_573 = arith.constant 64 : i32
        %add3A_574 = arith.addi %mul3A_572, %add3A_573 : i32
        %get3A_575 = arith.index_cast %add3A_574 : i32 to index
        %get3A_576 = tpu.vector_load %arg7[%get3A_575] {strides = array<i32>} : memref<6544xi32, #tpu.memory_space<vmem>>, vector<16xi32>,
        %swap3A_577 = arith.constant 64 : index
        %swap3A_578 = tpu.vector_load %arg19[%swap3A_577] {strides = array<i32>} : memref<128xi32, #tpu.memory_space<vmem>>, vector<16xi32>,
        tpu.vector_store %arg19[%swap3A_577], %get3A_576 {strides = array<i32>} : memref<128xi32, #tpu.memory_space<vmem>>, vector<16xi32>,
        %mul3A_579 = arith.constant 128 : i32
        %mul3A_580 = arith.muli %add3A_433, %mul3A_579 : i32
        %add3A_581 = arith.constant 64 : i32
        %add3A_582 = arith.addi %mul3A_580, %add3A_581 : i32
        %get3A_583 = arith.index_cast %add3A_582 : i32 to index
        %get3A_584 = tpu.vector_load %arg8[%get3A_583] {strides = array<i32>} : memref<6544xi32, #tpu.memory_space<vmem>>, vector<16xi32>,
        %swap3A_585 = arith.constant 64 : index
        %swap3A_586 = tpu.vector_load %arg27[%swap3A_585] {strides = array<i32>} : memref<128xi32, #tpu.memory_space<vmem>>, vector<16xi32>,
        tpu.vector_store %arg27[%swap3A_585], %get3A_584 {strides = array<i32>} : memref<128xi32, #tpu.memory_space<vmem>>, vector<16xi32>,
        %mul3A_587 = arith.constant 128 : i32
        %mul3A_588 = arith.muli %add3A_433, %mul3A_587 : i32
        %add3A_589 = arith.constant 80 : i32
        %add3A_590 = arith.addi %mul3A_588, %add3A_589 : i32
        %get3A_591 = arith.index_cast %add3A_590 : i32 to index
        %get3A_592 = tpu.vector_load %arg7[%get3A_591] {strides = array<i32>} : memref<6544xi32, #tpu.memory_space<vmem>>, vector<16xi32>,
        %swap3A_593 = arith.constant 80 : index
        %swap3A_594 = tpu.vector_load %arg19[%swap3A_593] {strides = array<i32>} : memref<128xi32, #tpu.memory_space<vmem>>, vector<16xi32>,
        tpu.vector_store %arg19[%swap3A_593], %get3A_592 {strides = array<i32>} : memref<128xi32, #tpu.memory_space<vmem>>, vector<16xi32>,
        %mul3A_595 = arith.constant 128 : i32
        %mul3A_596 = arith.muli %add3A_433, %mul3A_595 : i32
        %add3A_597 = arith.constant 80 : i32
        %add3A_598 = arith.addi %mul3A_596, %add3A_597 : i32
        %get3A_599 = arith.index_cast %add3A_598 : i32 to index
        %get3A_600 = tpu.vector_load %arg8[%get3A_599] {strides = array<i32>} : memref<6544xi32, #tpu.memory_space<vmem>>, vector<16xi32>,
        %swap3A_601 = arith.constant 80 : index
        %swap3A_602 = tpu.vector_load %arg27[%swap3A_601] {strides = array<i32>} : memref<128xi32, #tpu.memory_space<vmem>>, vector<16xi32>,
        tpu.vector_store %arg27[%swap3A_601], %get3A_600 {strides = array<i32>} : memref<128xi32, #tpu.memory_space<vmem>>, vector<16xi32>,
        %mul3A_603 = arith.constant 128 : i32
        %mul3A_604 = arith.muli %add3A_433, %mul3A_603 : i32
        %add3A_605 = arith.constant 96 : i32
        %add3A_606 = arith.addi %mul3A_604, %add3A_605 : i32
        %get3A_607 = arith.index_cast %add3A_606 : i32 to index
        %get3A_608 = tpu.vector_load %arg7[%get3A_607] {strides = array<i32>} : memref<6544xi32, #tpu.memory_space<vmem>>, vector<16xi32>,
        %swap3A_609 = arith.constant 96 : index
        %swap3A_610 = tpu.vector_load %arg19[%swap3A_609] {strides = array<i32>} : memref<128xi32, #tpu.memory_space<vmem>>, vector<16xi32>,
        tpu.vector_store %arg19[%swap3A_609], %get3A_608 {strides = array<i32>} : memref<128xi32, #tpu.memory_space<vmem>>, vector<16xi32>,
        %mul3A_611 = arith.constant 128 : i32
        %mul3A_612 = arith.muli %add3A_433, %mul3A_611 : i32
        %add3A_613 = arith.constant 96 : i32
        %add3A_614 = arith.addi %mul3A_612, %add3A_613 : i32
        %get3A_615 = arith.index_cast %add3A_614 : i32 to index
        %get3A_616 = tpu.vector_load %arg8[%get3A_615] {strides = array<i32>} : memref<6544xi32, #tpu.memory_space<vmem>>, vector<16xi32>,
        %swap3A_617 = arith.constant 96 : index
        %swap3A_618 = tpu.vector_load %arg27[%swap3A_617] {strides = array<i32>} : memref<128xi32, #tpu.memory_space<vmem>>, vector<16xi32>,
        tpu.vector_store %arg27[%swap3A_617], %get3A_616 {strides = array<i32>} : memref<128xi32, #tpu.memory_space<vmem>>, vector<16xi32>,
        %mul3A_619 = arith.constant 128 : i32
        %mul3A_620 = arith.muli %add3A_433, %mul3A_619 : i32
        %add3A_621 = arith.constant 112 : i32
        %add3A_622 = arith.addi %mul3A_620, %add3A_621 : i32
        %get3A_623 = arith.index_cast %add3A_622 : i32 to index
        %get3A_624 = tpu.vector_load %arg7[%get3A_623] {strides = array<i32>} : memref<6544xi32, #tpu.memory_space<vmem>>, vector<16xi32>,
        %swap3A_625 = arith.constant 112 : index
        %swap3A_626 = tpu.vector_load %arg19[%swap3A_625] {strides = array<i32>} : memref<128xi32, #tpu.memory_space<vmem>>, vector<16xi32>,
        tpu.vector_store %arg19[%swap3A_625], %get3A_624 {strides = array<i32>} : memref<128xi32, #tpu.memory_space<vmem>>, vector<16xi32>,
        %mul3A_627 = arith.constant 128 : i32
        %mul3A_628 = arith.muli %add3A_433, %mul3A_627 : i32
        %add3A_629 = arith.constant 112 : i32
        %add3A_630 = arith.addi %mul3A_628, %add3A_629 : i32
        %get3A_631 = arith.index_cast %add3A_630 : i32 to index
        %get3A_632 = tpu.vector_load %arg8[%get3A_631] {strides = array<i32>} : memref<6544xi32, #tpu.memory_space<vmem>>, vector<16xi32>,
        %swap3A_633 = arith.constant 112 : index
        %swap3A_634 = tpu.vector_load %arg27[%swap3A_633] {strides = array<i32>} : memref<128xi32, #tpu.memory_space<vmem>>, vector<16xi32>,
        tpu.vector_store %arg27[%swap3A_633], %get3A_632 {strides = array<i32>} : memref<128xi32, #tpu.memory_space<vmem>>, vector<16xi32>,
        %dma_start3A = arith.constant 7 : i32
        %dma_start3A_635 = arith.constant 0 : i32
        %dma_start3A_636 = arith.constant 0 : i32
        %dma_start3A_637 = tpu.memref_slice %arg11[%dma_start3A, %dma_start3A_635, %dma_start3A_636] : memref<8x128x64xf32, #tpu.memory_space<vmem>> -> memref<1x128x64xf32, #tpu.memory_space<vmem>>
        %dma_start3A_638 = tpu.memref_squeeze %dma_start3A_637 : memref<1x128x64xf32, #tpu.memory_space<vmem>> -> memref<128x64xf32, #tpu.memory_space<vmem>>
        %dma_start3A_639 = arith.constant 0 : i32
        %dma_start3A_640 = arith.constant 0 : i32
        %dma_start3A_641 = tpu.memref_slice %arg3[%dma_start3A_639, %dma_start3A_640] : memref<50000x64xf32, #tpu.memory_space<hbm>> -> memref<50000x64xf32, #tpu.memory_space<hbm>>
        tpu.enqueue_indirect_dma source(%dma_start3A_641 : memref<50000x64xf32, #tpu.memory_space<hbm>>) target(%dma_start3A_638 : memref<128x64xf32, #tpu.memory_space<vmem>>) offsets(%arg19 : memref<128xi32, #tpu.memory_space<vmem>>) semaphore(%arg35 : memref<!tpu.dma_semaphore, #tpu.memory_space<semaphore_mem>>)
      } else {
      }
      %mul3A_445 = arith.constant 8 : i32
      %mul3A_446 = arith.muli %scan3A_325, %mul3A_445 : i32
      %add3A_447 = arith.constant 0 : i32
      %add3A_448 = arith.addi %mul3A_446, %add3A_447 : i32
      %lt3A_449 = arith.cmpi slt, %add3A_448, %select_n3A_207 : i32
      %convert_element_type3A_450 = arith.extui %lt3A_449 : i1 to i32
      %cond3A_451 = arith.constant 0 : i32
      %cond3A_452 = arith.cmpi ne, %convert_element_type3A_450, %cond3A_451 : i32
      scf.if %cond3A_452 {
        %dma_wait3A = arith.constant 0 : i32
        %dma_wait3A_509 = arith.constant 0 : i32
        %dma_wait3A_510 = arith.constant 0 : i32
        %dma_wait3A_511 = tpu.memref_slice %arg11[%dma_wait3A, %dma_wait3A_509, %dma_wait3A_510] : memref<8x128x64xf32, #tpu.memory_space<vmem>> -> memref<1x128x64xf32, #tpu.memory_space<vmem>>
        %dma_wait3A_512 = tpu.memref_squeeze %dma_wait3A_511 : memref<1x128x64xf32, #tpu.memory_space<vmem>> -> memref<128x64xf32, #tpu.memory_space<vmem>>
        %dma_wait3A_513 = arith.constant 0 : i32
        %dma_wait3A_514 = arith.constant 0 : i32
        %dma_wait3A_515 = tpu.memref_slice %arg3[%dma_wait3A_513, %dma_wait3A_514] : memref<50000x64xf32, #tpu.memory_space<hbm>> -> memref<50000x64xf32, #tpu.memory_space<hbm>>
        tpu.wait_indirect_dma semaphore(%arg28 : memref<!tpu.dma_semaphore, #tpu.memory_space<semaphore_mem>>) src(%dma_wait3A_515 : memref<50000x64xf32, #tpu.memory_space<hbm>>) dst(%dma_wait3A_512 : memref<128x64xf32, #tpu.memory_space<vmem>>)
        %dma_start3A = arith.constant 0 : i32
        %dma_start3A_516 = arith.constant 0 : i32
        %dma_start3A_517 = arith.constant 0 : i32
        %dma_start3A_518 = tpu.memref_slice %arg11[%dma_start3A, %dma_start3A_516, %dma_start3A_517] : memref<8x128x64xf32, #tpu.memory_space<vmem>> -> memref<1x128x64xf32, #tpu.memory_space<vmem>>
        %dma_start3A_519 = tpu.memref_squeeze %dma_start3A_518 : memref<1x128x64xf32, #tpu.memory_space<vmem>> -> memref<128x64xf32, #tpu.memory_space<vmem>>
        %dma_start3A_520 = arith.constant 0 : i32
        %dma_start3A_521 = arith.constant 0 : i32
        %dma_start3A_522 = tpu.memref_slice %arg5[%dma_start3A_520, %dma_start3A_521] : memref<204800x64xf32, #tpu.memory_space<hbm>> -> memref<204800x64xf32, #tpu.memory_space<hbm>>
        tpu.enqueue_indirect_dma source(%dma_start3A_519 : memref<128x64xf32, #tpu.memory_space<vmem>>) target(%dma_start3A_522 : memref<204800x64xf32, #tpu.memory_space<hbm>>) offsets(%arg20 : memref<128xi32, #tpu.memory_space<vmem>>) semaphore(%arg36 : memref<!tpu.dma_semaphore, #tpu.memory_space<semaphore_mem>>)
      } else {
      }
      %mul3A_453 = arith.constant 8 : i32
      %mul3A_454 = arith.muli %scan3A_325, %mul3A_453 : i32
      %add3A_455 = arith.constant 1 : i32
      %add3A_456 = arith.addi %mul3A_454, %add3A_455 : i32
      %lt3A_457 = arith.cmpi slt, %add3A_456, %select_n3A_207 : i32
      %convert_element_type3A_458 = arith.extui %lt3A_457 : i1 to i32
      %cond3A_459 = arith.constant 0 : i32
      %cond3A_460 = arith.cmpi ne, %convert_element_type3A_458, %cond3A_459 : i32
      scf.if %cond3A_460 {
        %dma_wait3A = arith.constant 1 : i32
        %dma_wait3A_509 = arith.constant 0 : i32
        %dma_wait3A_510 = arith.constant 0 : i32
        %dma_wait3A_511 = tpu.memref_slice %arg11[%dma_wait3A, %dma_wait3A_509, %dma_wait3A_510] : memref<8x128x64xf32, #tpu.memory_space<vmem>> -> memref<1x128x64xf32, #tpu.memory_space<vmem>>
        %dma_wait3A_512 = tpu.memref_squeeze %dma_wait3A_511 : memref<1x128x64xf32, #tpu.memory_space<vmem>> -> memref<128x64xf32, #tpu.memory_space<vmem>>
        %dma_wait3A_513 = arith.constant 0 : i32
        %dma_wait3A_514 = arith.constant 0 : i32
        %dma_wait3A_515 = tpu.memref_slice %arg3[%dma_wait3A_513, %dma_wait3A_514] : memref<50000x64xf32, #tpu.memory_space<hbm>> -> memref<50000x64xf32, #tpu.memory_space<hbm>>
        tpu.wait_indirect_dma semaphore(%arg29 : memref<!tpu.dma_semaphore, #tpu.memory_space<semaphore_mem>>) src(%dma_wait3A_515 : memref<50000x64xf32, #tpu.memory_space<hbm>>) dst(%dma_wait3A_512 : memref<128x64xf32, #tpu.memory_space<vmem>>)
        %dma_start3A = arith.constant 1 : i32
        %dma_start3A_516 = arith.constant 0 : i32
        %dma_start3A_517 = arith.constant 0 : i32
        %dma_start3A_518 = tpu.memref_slice %arg11[%dma_start3A, %dma_start3A_516, %dma_start3A_517] : memref<8x128x64xf32, #tpu.memory_space<vmem>> -> memref<1x128x64xf32, #tpu.memory_space<vmem>>
        %dma_start3A_519 = tpu.memref_squeeze %dma_start3A_518 : memref<1x128x64xf32, #tpu.memory_space<vmem>> -> memref<128x64xf32, #tpu.memory_space<vmem>>
        %dma_start3A_520 = arith.constant 0 : i32
        %dma_start3A_521 = arith.constant 0 : i32
        %dma_start3A_522 = tpu.memref_slice %arg5[%dma_start3A_520, %dma_start3A_521] : memref<204800x64xf32, #tpu.memory_space<hbm>> -> memref<204800x64xf32, #tpu.memory_space<hbm>>
        tpu.enqueue_indirect_dma source(%dma_start3A_519 : memref<128x64xf32, #tpu.memory_space<vmem>>) target(%dma_start3A_522 : memref<204800x64xf32, #tpu.memory_space<hbm>>) offsets(%arg21 : memref<128xi32, #tpu.memory_space<vmem>>) semaphore(%arg37 : memref<!tpu.dma_semaphore, #tpu.memory_space<semaphore_mem>>)
      } else {
      }
      %mul3A_461 = arith.constant 8 : i32
      %mul3A_462 = arith.muli %scan3A_325, %mul3A_461 : i32
      %add3A_463 = arith.constant 2 : i32
      %add3A_464 = arith.addi %mul3A_462, %add3A_463 : i32
      %lt3A_465 = arith.cmpi slt, %add3A_464, %select_n3A_207 : i32
      %convert_element_type3A_466 = arith.extui %lt3A_465 : i1 to i32
      %cond3A_467 = arith.constant 0 : i32
      %cond3A_468 = arith.cmpi ne, %convert_element_type3A_466, %cond3A_467 : i32
      scf.if %cond3A_468 {
        %dma_wait3A = arith.constant 2 : i32
        %dma_wait3A_509 = arith.constant 0 : i32
        %dma_wait3A_510 = arith.constant 0 : i32
        %dma_wait3A_511 = tpu.memref_slice %arg11[%dma_wait3A, %dma_wait3A_509, %dma_wait3A_510] : memref<8x128x64xf32, #tpu.memory_space<vmem>> -> memref<1x128x64xf32, #tpu.memory_space<vmem>>
        %dma_wait3A_512 = tpu.memref_squeeze %dma_wait3A_511 : memref<1x128x64xf32, #tpu.memory_space<vmem>> -> memref<128x64xf32, #tpu.memory_space<vmem>>
        %dma_wait3A_513 = arith.constant 0 : i32
        %dma_wait3A_514 = arith.constant 0 : i32
        %dma_wait3A_515 = tpu.memref_slice %arg3[%dma_wait3A_513, %dma_wait3A_514] : memref<50000x64xf32, #tpu.memory_space<hbm>> -> memref<50000x64xf32, #tpu.memory_space<hbm>>
        tpu.wait_indirect_dma semaphore(%arg30 : memref<!tpu.dma_semaphore, #tpu.memory_space<semaphore_mem>>) src(%dma_wait3A_515 : memref<50000x64xf32, #tpu.memory_space<hbm>>) dst(%dma_wait3A_512 : memref<128x64xf32, #tpu.memory_space<vmem>>)
        %dma_start3A = arith.constant 2 : i32
        %dma_start3A_516 = arith.constant 0 : i32
        %dma_start3A_517 = arith.constant 0 : i32
        %dma_start3A_518 = tpu.memref_slice %arg11[%dma_start3A, %dma_start3A_516, %dma_start3A_517] : memref<8x128x64xf32, #tpu.memory_space<vmem>> -> memref<1x128x64xf32, #tpu.memory_space<vmem>>
        %dma_start3A_519 = tpu.memref_squeeze %dma_start3A_518 : memref<1x128x64xf32, #tpu.memory_space<vmem>> -> memref<128x64xf32, #tpu.memory_space<vmem>>
        %dma_start3A_520 = arith.constant 0 : i32
        %dma_start3A_521 = arith.constant 0 : i32
        %dma_start3A_522 = tpu.memref_slice %arg5[%dma_start3A_520, %dma_start3A_521] : memref<204800x64xf32, #tpu.memory_space<hbm>> -> memref<204800x64xf32, #tpu.memory_space<hbm>>
        tpu.enqueue_indirect_dma source(%dma_start3A_519 : memref<128x64xf32, #tpu.memory_space<vmem>>) target(%dma_start3A_522 : memref<204800x64xf32, #tpu.memory_space<hbm>>) offsets(%arg22 : memref<128xi32, #tpu.memory_space<vmem>>) semaphore(%arg38 : memref<!tpu.dma_semaphore, #tpu.memory_space<semaphore_mem>>)
      } else {
      }
      %mul3A_469 = arith.constant 8 : i32
      %mul3A_470 = arith.muli %scan3A_325, %mul3A_469 : i32
      %add3A_471 = arith.constant 3 : i32
      %add3A_472 = arith.addi %mul3A_470, %add3A_471 : i32
      %lt3A_473 = arith.cmpi slt, %add3A_472, %select_n3A_207 : i32
      %convert_element_type3A_474 = arith.extui %lt3A_473 : i1 to i32
      %cond3A_475 = arith.constant 0 : i32
      %cond3A_476 = arith.cmpi ne, %convert_element_type3A_474, %cond3A_475 : i32
      scf.if %cond3A_476 {
        %dma_wait3A = arith.constant 3 : i32
        %dma_wait3A_509 = arith.constant 0 : i32
        %dma_wait3A_510 = arith.constant 0 : i32
        %dma_wait3A_511 = tpu.memref_slice %arg11[%dma_wait3A, %dma_wait3A_509, %dma_wait3A_510] : memref<8x128x64xf32, #tpu.memory_space<vmem>> -> memref<1x128x64xf32, #tpu.memory_space<vmem>>
        %dma_wait3A_512 = tpu.memref_squeeze %dma_wait3A_511 : memref<1x128x64xf32, #tpu.memory_space<vmem>> -> memref<128x64xf32, #tpu.memory_space<vmem>>
        %dma_wait3A_513 = arith.constant 0 : i32
        %dma_wait3A_514 = arith.constant 0 : i32
        %dma_wait3A_515 = tpu.memref_slice %arg3[%dma_wait3A_513, %dma_wait3A_514] : memref<50000x64xf32, #tpu.memory_space<hbm>> -> memref<50000x64xf32, #tpu.memory_space<hbm>>
        tpu.wait_indirect_dma semaphore(%arg31 : memref<!tpu.dma_semaphore, #tpu.memory_space<semaphore_mem>>) src(%dma_wait3A_515 : memref<50000x64xf32, #tpu.memory_space<hbm>>) dst(%dma_wait3A_512 : memref<128x64xf32, #tpu.memory_space<vmem>>)
        %dma_start3A = arith.constant 3 : i32
        %dma_start3A_516 = arith.constant 0 : i32
        %dma_start3A_517 = arith.constant 0 : i32
        %dma_start3A_518 = tpu.memref_slice %arg11[%dma_start3A, %dma_start3A_516, %dma_start3A_517] : memref<8x128x64xf32, #tpu.memory_space<vmem>> -> memref<1x128x64xf32, #tpu.memory_space<vmem>>
        %dma_start3A_519 = tpu.memref_squeeze %dma_start3A_518 : memref<1x128x64xf32, #tpu.memory_space<vmem>> -> memref<128x64xf32, #tpu.memory_space<vmem>>
        %dma_start3A_520 = arith.constant 0 : i32
        %dma_start3A_521 = arith.constant 0 : i32
        %dma_start3A_522 = tpu.memref_slice %arg5[%dma_start3A_520, %dma_start3A_521] : memref<204800x64xf32, #tpu.memory_space<hbm>> -> memref<204800x64xf32, #tpu.memory_space<hbm>>
        tpu.enqueue_indirect_dma source(%dma_start3A_519 : memref<128x64xf32, #tpu.memory_space<vmem>>) target(%dma_start3A_522 : memref<204800x64xf32, #tpu.memory_space<hbm>>) offsets(%arg23 : memref<128xi32, #tpu.memory_space<vmem>>) semaphore(%arg39 : memref<!tpu.dma_semaphore, #tpu.memory_space<semaphore_mem>>)
      } else {
      }
      %mul3A_477 = arith.constant 8 : i32
      %mul3A_478 = arith.muli %scan3A_325, %mul3A_477 : i32
      %add3A_479 = arith.constant 4 : i32
      %add3A_480 = arith.addi %mul3A_478, %add3A_479 : i32
      %lt3A_481 = arith.cmpi slt, %add3A_480, %select_n3A_207 : i32
      %convert_element_type3A_482 = arith.extui %lt3A_481 : i1 to i32
      %cond3A_483 = arith.constant 0 : i32
      %cond3A_484 = arith.cmpi ne, %convert_element_type3A_482, %cond3A_483 : i32
      scf.if %cond3A_484 {
        %dma_wait3A = arith.constant 4 : i32
        %dma_wait3A_509 = arith.constant 0 : i32
        %dma_wait3A_510 = arith.constant 0 : i32
        %dma_wait3A_511 = tpu.memref_slice %arg11[%dma_wait3A, %dma_wait3A_509, %dma_wait3A_510] : memref<8x128x64xf32, #tpu.memory_space<vmem>> -> memref<1x128x64xf32, #tpu.memory_space<vmem>>
        %dma_wait3A_512 = tpu.memref_squeeze %dma_wait3A_511 : memref<1x128x64xf32, #tpu.memory_space<vmem>> -> memref<128x64xf32, #tpu.memory_space<vmem>>
        %dma_wait3A_513 = arith.constant 0 : i32
        %dma_wait3A_514 = arith.constant 0 : i32
        %dma_wait3A_515 = tpu.memref_slice %arg3[%dma_wait3A_513, %dma_wait3A_514] : memref<50000x64xf32, #tpu.memory_space<hbm>> -> memref<50000x64xf32, #tpu.memory_space<hbm>>
        tpu.wait_indirect_dma semaphore(%arg32 : memref<!tpu.dma_semaphore, #tpu.memory_space<semaphore_mem>>) src(%dma_wait3A_515 : memref<50000x64xf32, #tpu.memory_space<hbm>>) dst(%dma_wait3A_512 : memref<128x64xf32, #tpu.memory_space<vmem>>)
        %dma_start3A = arith.constant 4 : i32
        %dma_start3A_516 = arith.constant 0 : i32
        %dma_start3A_517 = arith.constant 0 : i32
        %dma_start3A_518 = tpu.memref_slice %arg11[%dma_start3A, %dma_start3A_516, %dma_start3A_517] : memref<8x128x64xf32, #tpu.memory_space<vmem>> -> memref<1x128x64xf32, #tpu.memory_space<vmem>>
        %dma_start3A_519 = tpu.memref_squeeze %dma_start3A_518 : memref<1x128x64xf32, #tpu.memory_space<vmem>> -> memref<128x64xf32, #tpu.memory_space<vmem>>
        %dma_start3A_520 = arith.constant 0 : i32
        %dma_start3A_521 = arith.constant 0 : i32
        %dma_start3A_522 = tpu.memref_slice %arg5[%dma_start3A_520, %dma_start3A_521] : memref<204800x64xf32, #tpu.memory_space<hbm>> -> memref<204800x64xf32, #tpu.memory_space<hbm>>
        tpu.enqueue_indirect_dma source(%dma_start3A_519 : memref<128x64xf32, #tpu.memory_space<vmem>>) target(%dma_start3A_522 : memref<204800x64xf32, #tpu.memory_space<hbm>>) offsets(%arg24 : memref<128xi32, #tpu.memory_space<vmem>>) semaphore(%arg40 : memref<!tpu.dma_semaphore, #tpu.memory_space<semaphore_mem>>)
      } else {
      }
      %mul3A_485 = arith.constant 8 : i32
      %mul3A_486 = arith.muli %scan3A_325, %mul3A_485 : i32
      %add3A_487 = arith.constant 5 : i32
      %add3A_488 = arith.addi %mul3A_486, %add3A_487 : i32
      %lt3A_489 = arith.cmpi slt, %add3A_488, %select_n3A_207 : i32
      %convert_element_type3A_490 = arith.extui %lt3A_489 : i1 to i32
      %cond3A_491 = arith.constant 0 : i32
      %cond3A_492 = arith.cmpi ne, %convert_element_type3A_490, %cond3A_491 : i32
      scf.if %cond3A_492 {
        %dma_wait3A = arith.constant 5 : i32
        %dma_wait3A_509 = arith.constant 0 : i32
        %dma_wait3A_510 = arith.constant 0 : i32
        %dma_wait3A_511 = tpu.memref_slice %arg11[%dma_wait3A, %dma_wait3A_509, %dma_wait3A_510] : memref<8x128x64xf32, #tpu.memory_space<vmem>> -> memref<1x128x64xf32, #tpu.memory_space<vmem>>
        %dma_wait3A_512 = tpu.memref_squeeze %dma_wait3A_511 : memref<1x128x64xf32, #tpu.memory_space<vmem>> -> memref<128x64xf32, #tpu.memory_space<vmem>>
        %dma_wait3A_513 = arith.constant 0 : i32
        %dma_wait3A_514 = arith.constant 0 : i32
        %dma_wait3A_515 = tpu.memref_slice %arg3[%dma_wait3A_513, %dma_wait3A_514] : memref<50000x64xf32, #tpu.memory_space<hbm>> -> memref<50000x64xf32, #tpu.memory_space<hbm>>
        tpu.wait_indirect_dma semaphore(%arg33 : memref<!tpu.dma_semaphore, #tpu.memory_space<semaphore_mem>>) src(%dma_wait3A_515 : memref<50000x64xf32, #tpu.memory_space<hbm>>) dst(%dma_wait3A_512 : memref<128x64xf32, #tpu.memory_space<vmem>>)
        %dma_start3A = arith.constant 5 : i32
        %dma_start3A_516 = arith.constant 0 : i32
        %dma_start3A_517 = arith.constant 0 : i32
        %dma_start3A_518 = tpu.memref_slice %arg11[%dma_start3A, %dma_start3A_516, %dma_start3A_517] : memref<8x128x64xf32, #tpu.memory_space<vmem>> -> memref<1x128x64xf32, #tpu.memory_space<vmem>>
        %dma_start3A_519 = tpu.memref_squeeze %dma_start3A_518 : memref<1x128x64xf32, #tpu.memory_space<vmem>> -> memref<128x64xf32, #tpu.memory_space<vmem>>
        %dma_start3A_520 = arith.constant 0 : i32
        %dma_start3A_521 = arith.constant 0 : i32
        %dma_start3A_522 = tpu.memref_slice %arg5[%dma_start3A_520, %dma_start3A_521] : memref<204800x64xf32, #tpu.memory_space<hbm>> -> memref<204800x64xf32, #tpu.memory_space<hbm>>
        tpu.enqueue_indirect_dma source(%dma_start3A_519 : memref<128x64xf32, #tpu.memory_space<vmem>>) target(%dma_start3A_522 : memref<204800x64xf32, #tpu.memory_space<hbm>>) offsets(%arg25 : memref<128xi32, #tpu.memory_space<vmem>>) semaphore(%arg41 : memref<!tpu.dma_semaphore, #tpu.memory_space<semaphore_mem>>)
      } else {
      }
      %mul3A_493 = arith.constant 8 : i32
      %mul3A_494 = arith.muli %scan3A_325, %mul3A_493 : i32
      %add3A_495 = arith.constant 6 : i32
      %add3A_496 = arith.addi %mul3A_494, %add3A_495 : i32
      %lt3A_497 = arith.cmpi slt, %add3A_496, %select_n3A_207 : i32
      %convert_element_type3A_498 = arith.extui %lt3A_497 : i1 to i32
      %cond3A_499 = arith.constant 0 : i32
      %cond3A_500 = arith.cmpi ne, %convert_element_type3A_498, %cond3A_499 : i32
      scf.if %cond3A_500 {
        %dma_wait3A = arith.constant 6 : i32
        %dma_wait3A_509 = arith.constant 0 : i32
        %dma_wait3A_510 = arith.constant 0 : i32
        %dma_wait3A_511 = tpu.memref_slice %arg11[%dma_wait3A, %dma_wait3A_509, %dma_wait3A_510] : memref<8x128x64xf32, #tpu.memory_space<vmem>> -> memref<1x128x64xf32, #tpu.memory_space<vmem>>
        %dma_wait3A_512 = tpu.memref_squeeze %dma_wait3A_511 : memref<1x128x64xf32, #tpu.memory_space<vmem>> -> memref<128x64xf32, #tpu.memory_space<vmem>>
        %dma_wait3A_513 = arith.constant 0 : i32
        %dma_wait3A_514 = arith.constant 0 : i32
        %dma_wait3A_515 = tpu.memref_slice %arg3[%dma_wait3A_513, %dma_wait3A_514] : memref<50000x64xf32, #tpu.memory_space<hbm>> -> memref<50000x64xf32, #tpu.memory_space<hbm>>
        tpu.wait_indirect_dma semaphore(%arg34 : memref<!tpu.dma_semaphore, #tpu.memory_space<semaphore_mem>>) src(%dma_wait3A_515 : memref<50000x64xf32, #tpu.memory_space<hbm>>) dst(%dma_wait3A_512 : memref<128x64xf32, #tpu.memory_space<vmem>>)
        %dma_start3A = arith.constant 6 : i32
        %dma_start3A_516 = arith.constant 0 : i32
        %dma_start3A_517 = arith.constant 0 : i32
        %dma_start3A_518 = tpu.memref_slice %arg11[%dma_start3A, %dma_start3A_516, %dma_start3A_517] : memref<8x128x64xf32, #tpu.memory_space<vmem>> -> memref<1x128x64xf32, #tpu.memory_space<vmem>>
        %dma_start3A_519 = tpu.memref_squeeze %dma_start3A_518 : memref<1x128x64xf32, #tpu.memory_space<vmem>> -> memref<128x64xf32, #tpu.memory_space<vmem>>
        %dma_start3A_520 = arith.constant 0 : i32
        %dma_start3A_521 = arith.constant 0 : i32
        %dma_start3A_522 = tpu.memref_slice %arg5[%dma_start3A_520, %dma_start3A_521] : memref<204800x64xf32, #tpu.memory_space<hbm>> -> memref<204800x64xf32, #tpu.memory_space<hbm>>
        tpu.enqueue_indirect_dma source(%dma_start3A_519 : memref<128x64xf32, #tpu.memory_space<vmem>>) target(%dma_start3A_522 : memref<204800x64xf32, #tpu.memory_space<hbm>>) offsets(%arg26 : memref<128xi32, #tpu.memory_space<vmem>>) semaphore(%arg42 : memref<!tpu.dma_semaphore, #tpu.memory_space<semaphore_mem>>)
      } else {
      }
      %mul3A_501 = arith.constant 8 : i32
      %mul3A_502 = arith.muli %scan3A_325, %mul3A_501 : i32
      %add3A_503 = arith.constant 7 : i32
      %add3A_504 = arith.addi %mul3A_502, %add3A_503 : i32
      %lt3A_505 = arith.cmpi slt, %add3A_504, %select_n3A_207 : i32
      %convert_element_type3A_506 = arith.extui %lt3A_505 : i1 to i32
      %cond3A_507 = arith.constant 0 : i32
      %cond3A_508 = arith.cmpi ne, %convert_element_type3A_506, %cond3A_507 : i32
      scf.if %cond3A_508 {
        %dma_wait3A = arith.constant 7 : i32
        %dma_wait3A_509 = arith.constant 0 : i32
        %dma_wait3A_510 = arith.constant 0 : i32
        %dma_wait3A_511 = tpu.memref_slice %arg11[%dma_wait3A, %dma_wait3A_509, %dma_wait3A_510] : memref<8x128x64xf32, #tpu.memory_space<vmem>> -> memref<1x128x64xf32, #tpu.memory_space<vmem>>
        %dma_wait3A_512 = tpu.memref_squeeze %dma_wait3A_511 : memref<1x128x64xf32, #tpu.memory_space<vmem>> -> memref<128x64xf32, #tpu.memory_space<vmem>>
        %dma_wait3A_513 = arith.constant 0 : i32
        %dma_wait3A_514 = arith.constant 0 : i32
        %dma_wait3A_515 = tpu.memref_slice %arg3[%dma_wait3A_513, %dma_wait3A_514] : memref<50000x64xf32, #tpu.memory_space<hbm>> -> memref<50000x64xf32, #tpu.memory_space<hbm>>
        tpu.wait_indirect_dma semaphore(%arg35 : memref<!tpu.dma_semaphore, #tpu.memory_space<semaphore_mem>>) src(%dma_wait3A_515 : memref<50000x64xf32, #tpu.memory_space<hbm>>) dst(%dma_wait3A_512 : memref<128x64xf32, #tpu.memory_space<vmem>>)
        %dma_start3A = arith.constant 7 : i32
        %dma_start3A_516 = arith.constant 0 : i32
        %dma_start3A_517 = arith.constant 0 : i32
        %dma_start3A_518 = tpu.memref_slice %arg11[%dma_start3A, %dma_start3A_516, %dma_start3A_517] : memref<8x128x64xf32, #tpu.memory_space<vmem>> -> memref<1x128x64xf32, #tpu.memory_space<vmem>>
        %dma_start3A_519 = tpu.memref_squeeze %dma_start3A_518 : memref<1x128x64xf32, #tpu.memory_space<vmem>> -> memref<128x64xf32, #tpu.memory_space<vmem>>
        %dma_start3A_520 = arith.constant 0 : i32
        %dma_start3A_521 = arith.constant 0 : i32
        %dma_start3A_522 = tpu.memref_slice %arg5[%dma_start3A_520, %dma_start3A_521] : memref<204800x64xf32, #tpu.memory_space<hbm>> -> memref<204800x64xf32, #tpu.memory_space<hbm>>
        tpu.enqueue_indirect_dma source(%dma_start3A_519 : memref<128x64xf32, #tpu.memory_space<vmem>>) target(%dma_start3A_522 : memref<204800x64xf32, #tpu.memory_space<hbm>>) offsets(%arg27 : memref<128xi32, #tpu.memory_space<vmem>>) semaphore(%arg43 : memref<!tpu.dma_semaphore, #tpu.memory_space<semaphore_mem>>)
      } else {
      }
    }
    %scan3A_213 = arith.constant 7 : i32
    %gt3A = arith.constant 0 : i32
    %gt3A_214 = arith.cmpi sgt, %select_n3A_207, %gt3A : i32
    %convert_element_type3A = arith.extui %gt3A_214 : i1 to i32
    %cond3A = arith.constant 0 : i32
    %cond3A_215 = arith.cmpi ne, %convert_element_type3A, %cond3A : i32
    scf.if %cond3A_215 {
      %dma_wait3A = arith.constant 0 : i32
      %dma_wait3A_325 = arith.constant 0 : i32
      %dma_wait3A_326 = arith.constant 0 : i32
      %dma_wait3A_327 = tpu.memref_slice %arg11[%dma_wait3A, %dma_wait3A_325, %dma_wait3A_326] : memref<8x128x64xf32, #tpu.memory_space<vmem>> -> memref<1x128x64xf32, #tpu.memory_space<vmem>>
      %dma_wait3A_328 = tpu.memref_squeeze %dma_wait3A_327 : memref<1x128x64xf32, #tpu.memory_space<vmem>> -> memref<128x64xf32, #tpu.memory_space<vmem>>
      %dma_wait3A_329 = arith.constant 0 : i32
      %dma_wait3A_330 = arith.constant 0 : i32
      %dma_wait3A_331 = tpu.memref_slice %arg5[%dma_wait3A_329, %dma_wait3A_330] : memref<204800x64xf32, #tpu.memory_space<hbm>> -> memref<128x64xf32, #tpu.memory_space<hbm>>
      %dma_wait3A_332 = arith.constant 0 : i32
      %dma_wait3A_333 = arith.constant 0 : i32
      %dma_wait3A_334 = tpu.memref_slice %arg5[%dma_wait3A_332, %dma_wait3A_333] : memref<204800x64xf32, #tpu.memory_space<hbm>> -> memref<128x64xf32, #tpu.memory_space<hbm>>
      %dma_wait3A_335 = arith.constant 0 : i32
      %dma_wait3A_336 = arith.constant 0 : i32
      %dma_wait3A_337 = tpu.memref_slice %arg11[%dma_wait3A, %dma_wait3A_335, %dma_wait3A_336] : memref<8x128x64xf32, #tpu.memory_space<vmem>> -> memref<1x128x64xf32, #tpu.memory_space<vmem>>
      %dma_wait3A_338 = tpu.memref_squeeze %dma_wait3A_337 : memref<1x128x64xf32, #tpu.memory_space<vmem>> -> memref<128x64xf32, #tpu.memory_space<vmem>>
      tpu.wait_dma2 semaphore(%arg36 : memref<!tpu.dma_semaphore, #tpu.memory_space<semaphore_mem>>) src(%dma_wait3A_338 : memref<128x64xf32, #tpu.memory_space<vmem>>) dst(%dma_wait3A_334 : memref<128x64xf32, #tpu.memory_space<hbm>>)
    } else {
    }
    %gt3A_216 = arith.constant 1 : i32
    %gt3A_217 = arith.cmpi sgt, %select_n3A_207, %gt3A_216 : i32
    %convert_element_type3A_218 = arith.extui %gt3A_217 : i1 to i32
    %cond3A_219 = arith.constant 0 : i32
    %cond3A_220 = arith.cmpi ne, %convert_element_type3A_218, %cond3A_219 : i32
    scf.if %cond3A_220 {
      %dma_wait3A = arith.constant 1 : i32
      %dma_wait3A_325 = arith.constant 0 : i32
      %dma_wait3A_326 = arith.constant 0 : i32
      %dma_wait3A_327 = tpu.memref_slice %arg11[%dma_wait3A, %dma_wait3A_325, %dma_wait3A_326] : memref<8x128x64xf32, #tpu.memory_space<vmem>> -> memref<1x128x64xf32, #tpu.memory_space<vmem>>
      %dma_wait3A_328 = tpu.memref_squeeze %dma_wait3A_327 : memref<1x128x64xf32, #tpu.memory_space<vmem>> -> memref<128x64xf32, #tpu.memory_space<vmem>>
      %dma_wait3A_329 = arith.constant 0 : i32
      %dma_wait3A_330 = arith.constant 0 : i32
      %dma_wait3A_331 = tpu.memref_slice %arg5[%dma_wait3A_329, %dma_wait3A_330] : memref<204800x64xf32, #tpu.memory_space<hbm>> -> memref<128x64xf32, #tpu.memory_space<hbm>>
      %dma_wait3A_332 = arith.constant 0 : i32
      %dma_wait3A_333 = arith.constant 0 : i32
      %dma_wait3A_334 = tpu.memref_slice %arg5[%dma_wait3A_332, %dma_wait3A_333] : memref<204800x64xf32, #tpu.memory_space<hbm>> -> memref<128x64xf32, #tpu.memory_space<hbm>>
      %dma_wait3A_335 = arith.constant 0 : i32
      %dma_wait3A_336 = arith.constant 0 : i32
      %dma_wait3A_337 = tpu.memref_slice %arg11[%dma_wait3A, %dma_wait3A_335, %dma_wait3A_336] : memref<8x128x64xf32, #tpu.memory_space<vmem>> -> memref<1x128x64xf32, #tpu.memory_space<vmem>>
      %dma_wait3A_338 = tpu.memref_squeeze %dma_wait3A_337 : memref<1x128x64xf32, #tpu.memory_space<vmem>> -> memref<128x64xf32, #tpu.memory_space<vmem>>
      tpu.wait_dma2 semaphore(%arg37 : memref<!tpu.dma_semaphore, #tpu.memory_space<semaphore_mem>>) src(%dma_wait3A_338 : memref<128x64xf32, #tpu.memory_space<vmem>>) dst(%dma_wait3A_334 : memref<128x64xf32, #tpu.memory_space<hbm>>)
    } else {
    }
    %gt3A_221 = arith.constant 2 : i32
    %gt3A_222 = arith.cmpi sgt, %select_n3A_207, %gt3A_221 : i32
    %convert_element_type3A_223 = arith.extui %gt3A_222 : i1 to i32
    %cond3A_224 = arith.constant 0 : i32
    %cond3A_225 = arith.cmpi ne, %convert_element_type3A_223, %cond3A_224 : i32
    scf.if %cond3A_225 {
      %dma_wait3A = arith.constant 2 : i32
      %dma_wait3A_325 = arith.constant 0 : i32
      %dma_wait3A_326 = arith.constant 0 : i32
      %dma_wait3A_327 = tpu.memref_slice %arg11[%dma_wait3A, %dma_wait3A_325, %dma_wait3A_326] : memref<8x128x64xf32, #tpu.memory_space<vmem>> -> memref<1x128x64xf32, #tpu.memory_space<vmem>>
      %dma_wait3A_328 = tpu.memref_squeeze %dma_wait3A_327 : memref<1x128x64xf32, #tpu.memory_space<vmem>> -> memref<128x64xf32, #tpu.memory_space<vmem>>
      %dma_wait3A_329 = arith.constant 0 : i32
      %dma_wait3A_330 = arith.constant 0 : i32
      %dma_wait3A_331 = tpu.memref_slice %arg5[%dma_wait3A_329, %dma_wait3A_330] : memref<204800x64xf32, #tpu.memory_space<hbm>> -> memref<128x64xf32, #tpu.memory_space<hbm>>
      %dma_wait3A_332 = arith.constant 0 : i32
      %dma_wait3A_333 = arith.constant 0 : i32
      %dma_wait3A_334 = tpu.memref_slice %arg5[%dma_wait3A_332, %dma_wait3A_333] : memref<204800x64xf32, #tpu.memory_space<hbm>> -> memref<128x64xf32, #tpu.memory_space<hbm>>
      %dma_wait3A_335 = arith.constant 0 : i32
      %dma_wait3A_336 = arith.constant 0 : i32
      %dma_wait3A_337 = tpu.memref_slice %arg11[%dma_wait3A, %dma_wait3A_335, %dma_wait3A_336] : memref<8x128x64xf32, #tpu.memory_space<vmem>> -> memref<1x128x64xf32, #tpu.memory_space<vmem>>
      %dma_wait3A_338 = tpu.memref_squeeze %dma_wait3A_337 : memref<1x128x64xf32, #tpu.memory_space<vmem>> -> memref<128x64xf32, #tpu.memory_space<vmem>>
      tpu.wait_dma2 semaphore(%arg38 : memref<!tpu.dma_semaphore, #tpu.memory_space<semaphore_mem>>) src(%dma_wait3A_338 : memref<128x64xf32, #tpu.memory_space<vmem>>) dst(%dma_wait3A_334 : memref<128x64xf32, #tpu.memory_space<hbm>>)
    } else {
    }
    %gt3A_226 = arith.constant 3 : i32
    %gt3A_227 = arith.cmpi sgt, %select_n3A_207, %gt3A_226 : i32
    %convert_element_type3A_228 = arith.extui %gt3A_227 : i1 to i32
    %cond3A_229 = arith.constant 0 : i32
    %cond3A_230 = arith.cmpi ne, %convert_element_type3A_228, %cond3A_229 : i32
    scf.if %cond3A_230 {
      %dma_wait3A = arith.constant 3 : i32
      %dma_wait3A_325 = arith.constant 0 : i32
      %dma_wait3A_326 = arith.constant 0 : i32
      %dma_wait3A_327 = tpu.memref_slice %arg11[%dma_wait3A, %dma_wait3A_325, %dma_wait3A_326] : memref<8x128x64xf32, #tpu.memory_space<vmem>> -> memref<1x128x64xf32, #tpu.memory_space<vmem>>
      %dma_wait3A_328 = tpu.memref_squeeze %dma_wait3A_327 : memref<1x128x64xf32, #tpu.memory_space<vmem>> -> memref<128x64xf32, #tpu.memory_space<vmem>>
      %dma_wait3A_329 = arith.constant 0 : i32
      %dma_wait3A_330 = arith.constant 0 : i32
      %dma_wait3A_331 = tpu.memref_slice %arg5[%dma_wait3A_329, %dma_wait3A_330] : memref<204800x64xf32, #tpu.memory_space<hbm>> -> memref<128x64xf32, #tpu.memory_space<hbm>>
      %dma_wait3A_332 = arith.constant 0 : i32
      %dma_wait3A_333 = arith.constant 0 : i32
      %dma_wait3A_334 = tpu.memref_slice %arg5[%dma_wait3A_332, %dma_wait3A_333] : memref<204800x64xf32, #tpu.memory_space<hbm>> -> memref<128x64xf32, #tpu.memory_space<hbm>>
      %dma_wait3A_335 = arith.constant 0 : i32
      %dma_wait3A_336 = arith.constant 0 : i32
      %dma_wait3A_337 = tpu.memref_slice %arg11[%dma_wait3A, %dma_wait3A_335, %dma_wait3A_336] : memref<8x128x64xf32, #tpu.memory_space<vmem>> -> memref<1x128x64xf32, #tpu.memory_space<vmem>>
      %dma_wait3A_338 = tpu.memref_squeeze %dma_wait3A_337 : memref<1x128x64xf32, #tpu.memory_space<vmem>> -> memref<128x64xf32, #tpu.memory_space<vmem>>
      tpu.wait_dma2 semaphore(%arg39 : memref<!tpu.dma_semaphore, #tpu.memory_space<semaphore_mem>>) src(%dma_wait3A_338 : memref<128x64xf32, #tpu.memory_space<vmem>>) dst(%dma_wait3A_334 : memref<128x64xf32, #tpu.memory_space<hbm>>)
    } else {
    }
    %gt3A_231 = arith.constant 4 : i32
    %gt3A_232 = arith.cmpi sgt, %select_n3A_207, %gt3A_231 : i32
    %convert_element_type3A_233 = arith.extui %gt3A_232 : i1 to i32
    %cond3A_234 = arith.constant 0 : i32
    %cond3A_235 = arith.cmpi ne, %convert_element_type3A_233, %cond3A_234 : i32
    scf.if %cond3A_235 {
      %dma_wait3A = arith.constant 4 : i32
      %dma_wait3A_325 = arith.constant 0 : i32
      %dma_wait3A_326 = arith.constant 0 : i32
      %dma_wait3A_327 = tpu.memref_slice %arg11[%dma_wait3A, %dma_wait3A_325, %dma_wait3A_326] : memref<8x128x64xf32, #tpu.memory_space<vmem>> -> memref<1x128x64xf32, #tpu.memory_space<vmem>>
      %dma_wait3A_328 = tpu.memref_squeeze %dma_wait3A_327 : memref<1x128x64xf32, #tpu.memory_space<vmem>> -> memref<128x64xf32, #tpu.memory_space<vmem>>
      %dma_wait3A_329 = arith.constant 0 : i32
      %dma_wait3A_330 = arith.constant 0 : i32
      %dma_wait3A_331 = tpu.memref_slice %arg5[%dma_wait3A_329, %dma_wait3A_330] : memref<204800x64xf32, #tpu.memory_space<hbm>> -> memref<128x64xf32, #tpu.memory_space<hbm>>
      %dma_wait3A_332 = arith.constant 0 : i32
      %dma_wait3A_333 = arith.constant 0 : i32
      %dma_wait3A_334 = tpu.memref_slice %arg5[%dma_wait3A_332, %dma_wait3A_333] : memref<204800x64xf32, #tpu.memory_space<hbm>> -> memref<128x64xf32, #tpu.memory_space<hbm>>
      %dma_wait3A_335 = arith.constant 0 : i32
      %dma_wait3A_336 = arith.constant 0 : i32
      %dma_wait3A_337 = tpu.memref_slice %arg11[%dma_wait3A, %dma_wait3A_335, %dma_wait3A_336] : memref<8x128x64xf32, #tpu.memory_space<vmem>> -> memref<1x128x64xf32, #tpu.memory_space<vmem>>
      %dma_wait3A_338 = tpu.memref_squeeze %dma_wait3A_337 : memref<1x128x64xf32, #tpu.memory_space<vmem>> -> memref<128x64xf32, #tpu.memory_space<vmem>>
      tpu.wait_dma2 semaphore(%arg40 : memref<!tpu.dma_semaphore, #tpu.memory_space<semaphore_mem>>) src(%dma_wait3A_338 : memref<128x64xf32, #tpu.memory_space<vmem>>) dst(%dma_wait3A_334 : memref<128x64xf32, #tpu.memory_space<hbm>>)
    } else {
    }
    %gt3A_236 = arith.constant 5 : i32
    %gt3A_237 = arith.cmpi sgt, %select_n3A_207, %gt3A_236 : i32
    %convert_element_type3A_238 = arith.extui %gt3A_237 : i1 to i32
    %cond3A_239 = arith.constant 0 : i32
    %cond3A_240 = arith.cmpi ne, %convert_element_type3A_238, %cond3A_239 : i32
    scf.if %cond3A_240 {
      %dma_wait3A = arith.constant 5 : i32
      %dma_wait3A_325 = arith.constant 0 : i32
      %dma_wait3A_326 = arith.constant 0 : i32
      %dma_wait3A_327 = tpu.memref_slice %arg11[%dma_wait3A, %dma_wait3A_325, %dma_wait3A_326] : memref<8x128x64xf32, #tpu.memory_space<vmem>> -> memref<1x128x64xf32, #tpu.memory_space<vmem>>
      %dma_wait3A_328 = tpu.memref_squeeze %dma_wait3A_327 : memref<1x128x64xf32, #tpu.memory_space<vmem>> -> memref<128x64xf32, #tpu.memory_space<vmem>>
      %dma_wait3A_329 = arith.constant 0 : i32
      %dma_wait3A_330 = arith.constant 0 : i32
      %dma_wait3A_331 = tpu.memref_slice %arg5[%dma_wait3A_329, %dma_wait3A_330] : memref<204800x64xf32, #tpu.memory_space<hbm>> -> memref<128x64xf32, #tpu.memory_space<hbm>>
      %dma_wait3A_332 = arith.constant 0 : i32
      %dma_wait3A_333 = arith.constant 0 : i32
      %dma_wait3A_334 = tpu.memref_slice %arg5[%dma_wait3A_332, %dma_wait3A_333] : memref<204800x64xf32, #tpu.memory_space<hbm>> -> memref<128x64xf32, #tpu.memory_space<hbm>>
      %dma_wait3A_335 = arith.constant 0 : i32
      %dma_wait3A_336 = arith.constant 0 : i32
      %dma_wait3A_337 = tpu.memref_slice %arg11[%dma_wait3A, %dma_wait3A_335, %dma_wait3A_336] : memref<8x128x64xf32, #tpu.memory_space<vmem>> -> memref<1x128x64xf32, #tpu.memory_space<vmem>>
      %dma_wait3A_338 = tpu.memref_squeeze %dma_wait3A_337 : memref<1x128x64xf32, #tpu.memory_space<vmem>> -> memref<128x64xf32, #tpu.memory_space<vmem>>
      tpu.wait_dma2 semaphore(%arg41 : memref<!tpu.dma_semaphore, #tpu.memory_space<semaphore_mem>>) src(%dma_wait3A_338 : memref<128x64xf32, #tpu.memory_space<vmem>>) dst(%dma_wait3A_334 : memref<128x64xf32, #tpu.memory_space<hbm>>)
    } else {
    }
    %gt3A_241 = arith.constant 6 : i32
    %gt3A_242 = arith.cmpi sgt, %select_n3A_207, %gt3A_241 : i32
    %convert_element_type3A_243 = arith.extui %gt3A_242 : i1 to i32
    %cond3A_244 = arith.constant 0 : i32
    %cond3A_245 = arith.cmpi ne, %convert_element_type3A_243, %cond3A_244 : i32
    scf.if %cond3A_245 {
      %dma_wait3A = arith.constant 6 : i32
      %dma_wait3A_325 = arith.constant 0 : i32
      %dma_wait3A_326 = arith.constant 0 : i32
      %dma_wait3A_327 = tpu.memref_slice %arg11[%dma_wait3A, %dma_wait3A_325, %dma_wait3A_326] : memref<8x128x64xf32, #tpu.memory_space<vmem>> -> memref<1x128x64xf32, #tpu.memory_space<vmem>>
      %dma_wait3A_328 = tpu.memref_squeeze %dma_wait3A_327 : memref<1x128x64xf32, #tpu.memory_space<vmem>> -> memref<128x64xf32, #tpu.memory_space<vmem>>
      %dma_wait3A_329 = arith.constant 0 : i32
      %dma_wait3A_330 = arith.constant 0 : i32
      %dma_wait3A_331 = tpu.memref_slice %arg5[%dma_wait3A_329, %dma_wait3A_330] : memref<204800x64xf32, #tpu.memory_space<hbm>> -> memref<128x64xf32, #tpu.memory_space<hbm>>
      %dma_wait3A_332 = arith.constant 0 : i32
      %dma_wait3A_333 = arith.constant 0 : i32
      %dma_wait3A_334 = tpu.memref_slice %arg5[%dma_wait3A_332, %dma_wait3A_333] : memref<204800x64xf32, #tpu.memory_space<hbm>> -> memref<128x64xf32, #tpu.memory_space<hbm>>
      %dma_wait3A_335 = arith.constant 0 : i32
      %dma_wait3A_336 = arith.constant 0 : i32
      %dma_wait3A_337 = tpu.memref_slice %arg11[%dma_wait3A, %dma_wait3A_335, %dma_wait3A_336] : memref<8x128x64xf32, #tpu.memory_space<vmem>> -> memref<1x128x64xf32, #tpu.memory_space<vmem>>
      %dma_wait3A_338 = tpu.memref_squeeze %dma_wait3A_337 : memref<1x128x64xf32, #tpu.memory_space<vmem>> -> memref<128x64xf32, #tpu.memory_space<vmem>>
      tpu.wait_dma2 semaphore(%arg42 : memref<!tpu.dma_semaphore, #tpu.memory_space<semaphore_mem>>) src(%dma_wait3A_338 : memref<128x64xf32, #tpu.memory_space<vmem>>) dst(%dma_wait3A_334 : memref<128x64xf32, #tpu.memory_space<hbm>>)
    } else {
    }
    %gt3A_246 = arith.constant 7 : i32
    %gt3A_247 = arith.cmpi sgt, %select_n3A_207, %gt3A_246 : i32
    %convert_element_type3A_248 = arith.extui %gt3A_247 : i1 to i32
    %cond3A_249 = arith.constant 0 : i32
    %cond3A_250 = arith.cmpi ne, %convert_element_type3A_248, %cond3A_249 : i32
    scf.if %cond3A_250 {
      %dma_wait3A = arith.constant 7 : i32
      %dma_wait3A_325 = arith.constant 0 : i32
      %dma_wait3A_326 = arith.constant 0 : i32
      %dma_wait3A_327 = tpu.memref_slice %arg11[%dma_wait3A, %dma_wait3A_325, %dma_wait3A_326] : memref<8x128x64xf32, #tpu.memory_space<vmem>> -> memref<1x128x64xf32, #tpu.memory_space<vmem>>
      %dma_wait3A_328 = tpu.memref_squeeze %dma_wait3A_327 : memref<1x128x64xf32, #tpu.memory_space<vmem>> -> memref<128x64xf32, #tpu.memory_space<vmem>>
      %dma_wait3A_329 = arith.constant 0 : i32
      %dma_wait3A_330 = arith.constant 0 : i32
      %dma_wait3A_331 = tpu.memref_slice %arg5[%dma_wait3A_329, %dma_wait3A_330] : memref<204800x64xf32, #tpu.memory_space<hbm>> -> memref<128x64xf32, #tpu.memory_space<hbm>>
      %dma_wait3A_332 = arith.constant 0 : i32
      %dma_wait3A_333 = arith.constant 0 : i32
      %dma_wait3A_334 = tpu.memref_slice %arg5[%dma_wait3A_332, %dma_wait3A_333] : memref<204800x64xf32, #tpu.memory_space<hbm>> -> memref<128x64xf32, #tpu.memory_space<hbm>>
      %dma_wait3A_335 = arith.constant 0 : i32
      %dma_wait3A_336 = arith.constant 0 : i32
      %dma_wait3A_337 = tpu.memref_slice %arg11[%dma_wait3A, %dma_wait3A_335, %dma_wait3A_336] : memref<8x128x64xf32, #tpu.memory_space<vmem>> -> memref<1x128x64xf32, #tpu.memory_space<vmem>>
      %dma_wait3A_338 = tpu.memref_squeeze %dma_wait3A_337 : memref<1x128x64xf32, #tpu.memory_space<vmem>> -> memref<128x64xf32, #tpu.memory_space<vmem>>
      tpu.wait_dma2 semaphore(%arg43 : memref<!tpu.dma_semaphore, #tpu.memory_space<semaphore_mem>>) src(%dma_wait3A_338 : memref<128x64xf32, #tpu.memory_space<vmem>>) dst(%dma_wait3A_334 : memref<128x64xf32, #tpu.memory_space<hbm>>)
    } else {
    }
    %add3A_251 = arith.constant 128 : i32
    %add3A_252 = arith.addi %scan3A_8#1, %add3A_251 : i32
    %sub3A_253 = arith.constant 1 : i32
    %sub3A_254 = arith.subi %add3A_252, %sub3A_253 : i32
    %jit3A_255 = arith.constant 128 : i32
    %div3A_256 = arith.divsi %sub3A_254, %jit3A_255 : i32
    %sign3A_257 = arith.constant 0 : i32
    %sign3A_258 = arith.cmpi sgt, %sub3A_254, %sign3A_257 : i32
    %sign3A_259 = arith.extui %sign3A_258 : i1 to i32
    %sign3A_260 = arith.constant 0 : i32
    %sign3A_261 = arith.cmpi slt, %sub3A_254, %sign3A_260 : i32
    %sign3A_262 = arith.extui %sign3A_261 : i1 to i32
    %sign3A_263 = arith.subi %sign3A_259, %sign3A_262 : i32
    %sign3A_264 = arith.constant 0 : i32
    %sign3A_265 = arith.cmpi sgt, %jit3A_255, %sign3A_264 : i32
    %sign3A_266 = arith.extui %sign3A_265 : i1 to i32
    %sign3A_267 = arith.constant 0 : i32
    %sign3A_268 = arith.cmpi slt, %jit3A_255, %sign3A_267 : i32
    %sign3A_269 = arith.extui %sign3A_268 : i1 to i32
    %sign3A_270 = arith.subi %sign3A_266, %sign3A_269 : i32
    %ne3A_271 = arith.cmpi ne, %sign3A_263, %sign3A_270 : i32
    %rem3A_272 = arith.remsi %sub3A_254, %jit3A_255 : i32
    %ne3A_273 = arith.constant 0 : i32
    %ne3A_274 = arith.cmpi ne, %rem3A_272, %ne3A_273 : i32
    %and3A_275 = arith.andi %ne3A_271, %ne3A_274 : i1
    %sub3A_276 = arith.constant 1 : i32
    %sub3A_277 = arith.subi %div3A_256, %sub3A_276 : i32
    %select_n3A_278 = arith.select %and3A_275, %sub3A_277, %div3A_256 : i32
    %scan3A_279 = arith.constant 0 : i32
    %scan3A_280 = arith.constant 0 : i32
    %scan3A_281 = arith.constant 7 : i32
    %scan3A_282 = arith.addi %scan3A_280, %scan3A_281 : i32
    %scan3A_283 = arith.constant 1 : i32
    scf.for %scan3A_325 = %scan3A_280 to %scan3A_282 step %scan3A_283  : i32 {
      %mul3A_326 = arith.constant 8 : i32
      %mul3A_327 = arith.muli %scan3A_325, %mul3A_326 : i32
      %add3A_328 = arith.constant 0 : i32
      %add3A_329 = arith.addi %mul3A_327, %add3A_328 : i32
      %lt3A = arith.cmpi slt, %add3A_329, %select_n3A_278 : i32
      %gt3A_330 = arith.constant 0 : i32
      %gt3A_331 = arith.cmpi sgt, %scan3A_325, %gt3A_330 : i32
      %and3A_332 = arith.andi %lt3A, %gt3A_331 : i1
      %convert_element_type3A_333 = arith.extui %and3A_332 : i1 to i32
      %cond3A_334 = arith.constant 0 : i32
      %cond3A_335 = arith.cmpi ne, %convert_element_type3A_333, %cond3A_334 : i32
      scf.if %cond3A_335 {
        %dma_wait3A = arith.constant 0 : i32
        %dma_wait3A_509 = arith.constant 0 : i32
        %dma_wait3A_510 = arith.constant 0 : i32
        %dma_wait3A_511 = tpu.memref_slice %arg11[%dma_wait3A, %dma_wait3A_509, %dma_wait3A_510] : memref<8x128x64xf32, #tpu.memory_space<vmem>> -> memref<1x128x64xf32, #tpu.memory_space<vmem>>
        %dma_wait3A_512 = tpu.memref_squeeze %dma_wait3A_511 : memref<1x128x64xf32, #tpu.memory_space<vmem>> -> memref<128x64xf32, #tpu.memory_space<vmem>>
        %dma_wait3A_513 = arith.constant 0 : i32
        %dma_wait3A_514 = arith.constant 0 : i32
        %dma_wait3A_515 = tpu.memref_slice %arg5[%dma_wait3A_513, %dma_wait3A_514] : memref<204800x64xf32, #tpu.memory_space<hbm>> -> memref<128x64xf32, #tpu.memory_space<hbm>>
        %dma_wait3A_516 = arith.constant 0 : i32
        %dma_wait3A_517 = arith.constant 0 : i32
        %dma_wait3A_518 = tpu.memref_slice %arg5[%dma_wait3A_516, %dma_wait3A_517] : memref<204800x64xf32, #tpu.memory_space<hbm>> -> memref<128x64xf32, #tpu.memory_space<hbm>>
        %dma_wait3A_519 = arith.constant 0 : i32
        %dma_wait3A_520 = arith.constant 0 : i32
        %dma_wait3A_521 = tpu.memref_slice %arg11[%dma_wait3A, %dma_wait3A_519, %dma_wait3A_520] : memref<8x128x64xf32, #tpu.memory_space<vmem>> -> memref<1x128x64xf32, #tpu.memory_space<vmem>>
        %dma_wait3A_522 = tpu.memref_squeeze %dma_wait3A_521 : memref<1x128x64xf32, #tpu.memory_space<vmem>> -> memref<128x64xf32, #tpu.memory_space<vmem>>
        tpu.wait_dma2 semaphore(%arg36 : memref<!tpu.dma_semaphore, #tpu.memory_space<semaphore_mem>>) src(%dma_wait3A_522 : memref<128x64xf32, #tpu.memory_space<vmem>>) dst(%dma_wait3A_518 : memref<128x64xf32, #tpu.memory_space<hbm>>)
      } else {
      }
      %lt3A_336 = arith.cmpi slt, %add3A_329, %select_n3A_278 : i32
      %convert_element_type3A_337 = arith.extui %lt3A_336 : i1 to i32
      %cond3A_338 = arith.constant 0 : i32
      %cond3A_339 = arith.cmpi ne, %convert_element_type3A_337, %cond3A_338 : i32
      scf.if %cond3A_339 {
        %mul3A_509 = arith.constant 128 : i32
        %mul3A_510 = arith.muli %add3A_329, %mul3A_509 : i32
        %add3A_511 = arith.constant 0 : i32
        %add3A_512 = arith.addi %mul3A_510, %add3A_511 : i32
        %get3A = arith.index_cast %add3A_512 : i32 to index
        %get3A_513 = tpu.vector_load %arg9[%get3A] {strides = array<i32>} : memref<6544xi32, #tpu.memory_space<vmem>>, vector<16xi32>,
        %swap3A = arith.constant 0 : index
        %swap3A_514 = tpu.vector_load %arg12[%swap3A] {strides = array<i32>} : memref<128xi32, #tpu.memory_space<vmem>>, vector<16xi32>,
        tpu.vector_store %arg12[%swap3A], %get3A_513 {strides = array<i32>} : memref<128xi32, #tpu.memory_space<vmem>>, vector<16xi32>,
        %mul3A_515 = arith.constant 128 : i32
        %mul3A_516 = arith.muli %add3A_329, %mul3A_515 : i32
        %add3A_517 = arith.constant 0 : i32
        %add3A_518 = arith.addi %mul3A_516, %add3A_517 : i32
        %get3A_519 = arith.index_cast %add3A_518 : i32 to index
        %get3A_520 = tpu.vector_load %arg10[%get3A_519] {strides = array<i32>} : memref<6544xi32, #tpu.memory_space<vmem>>, vector<16xi32>,
        %swap3A_521 = arith.constant 0 : index
        %swap3A_522 = tpu.vector_load %arg20[%swap3A_521] {strides = array<i32>} : memref<128xi32, #tpu.memory_space<vmem>>, vector<16xi32>,
        tpu.vector_store %arg20[%swap3A_521], %get3A_520 {strides = array<i32>} : memref<128xi32, #tpu.memory_space<vmem>>, vector<16xi32>,
        %mul3A_523 = arith.constant 128 : i32
        %mul3A_524 = arith.muli %add3A_329, %mul3A_523 : i32
        %add3A_525 = arith.constant 16 : i32
        %add3A_526 = arith.addi %mul3A_524, %add3A_525 : i32
        %get3A_527 = arith.index_cast %add3A_526 : i32 to index
        %get3A_528 = tpu.vector_load %arg9[%get3A_527] {strides = array<i32>} : memref<6544xi32, #tpu.memory_space<vmem>>, vector<16xi32>,
        %swap3A_529 = arith.constant 16 : index
        %swap3A_530 = tpu.vector_load %arg12[%swap3A_529] {strides = array<i32>} : memref<128xi32, #tpu.memory_space<vmem>>, vector<16xi32>,
        tpu.vector_store %arg12[%swap3A_529], %get3A_528 {strides = array<i32>} : memref<128xi32, #tpu.memory_space<vmem>>, vector<16xi32>,
        %mul3A_531 = arith.constant 128 : i32
        %mul3A_532 = arith.muli %add3A_329, %mul3A_531 : i32
        %add3A_533 = arith.constant 16 : i32
        %add3A_534 = arith.addi %mul3A_532, %add3A_533 : i32
        %get3A_535 = arith.index_cast %add3A_534 : i32 to index
        %get3A_536 = tpu.vector_load %arg10[%get3A_535] {strides = array<i32>} : memref<6544xi32, #tpu.memory_space<vmem>>, vector<16xi32>,
        %swap3A_537 = arith.constant 16 : index
        %swap3A_538 = tpu.vector_load %arg20[%swap3A_537] {strides = array<i32>} : memref<128xi32, #tpu.memory_space<vmem>>, vector<16xi32>,
        tpu.vector_store %arg20[%swap3A_537], %get3A_536 {strides = array<i32>} : memref<128xi32, #tpu.memory_space<vmem>>, vector<16xi32>,
        %mul3A_539 = arith.constant 128 : i32
        %mul3A_540 = arith.muli %add3A_329, %mul3A_539 : i32
        %add3A_541 = arith.constant 32 : i32
        %add3A_542 = arith.addi %mul3A_540, %add3A_541 : i32
        %get3A_543 = arith.index_cast %add3A_542 : i32 to index
        %get3A_544 = tpu.vector_load %arg9[%get3A_543] {strides = array<i32>} : memref<6544xi32, #tpu.memory_space<vmem>>, vector<16xi32>,
        %swap3A_545 = arith.constant 32 : index
        %swap3A_546 = tpu.vector_load %arg12[%swap3A_545] {strides = array<i32>} : memref<128xi32, #tpu.memory_space<vmem>>, vector<16xi32>,
        tpu.vector_store %arg12[%swap3A_545], %get3A_544 {strides = array<i32>} : memref<128xi32, #tpu.memory_space<vmem>>, vector<16xi32>,
        %mul3A_547 = arith.constant 128 : i32
        %mul3A_548 = arith.muli %add3A_329, %mul3A_547 : i32
        %add3A_549 = arith.constant 32 : i32
        %add3A_550 = arith.addi %mul3A_548, %add3A_549 : i32
        %get3A_551 = arith.index_cast %add3A_550 : i32 to index
        %get3A_552 = tpu.vector_load %arg10[%get3A_551] {strides = array<i32>} : memref<6544xi32, #tpu.memory_space<vmem>>, vector<16xi32>,
        %swap3A_553 = arith.constant 32 : index
        %swap3A_554 = tpu.vector_load %arg20[%swap3A_553] {strides = array<i32>} : memref<128xi32, #tpu.memory_space<vmem>>, vector<16xi32>,
        tpu.vector_store %arg20[%swap3A_553], %get3A_552 {strides = array<i32>} : memref<128xi32, #tpu.memory_space<vmem>>, vector<16xi32>,
        %mul3A_555 = arith.constant 128 : i32
        %mul3A_556 = arith.muli %add3A_329, %mul3A_555 : i32
        %add3A_557 = arith.constant 48 : i32
        %add3A_558 = arith.addi %mul3A_556, %add3A_557 : i32
        %get3A_559 = arith.index_cast %add3A_558 : i32 to index
        %get3A_560 = tpu.vector_load %arg9[%get3A_559] {strides = array<i32>} : memref<6544xi32, #tpu.memory_space<vmem>>, vector<16xi32>,
        %swap3A_561 = arith.constant 48 : index
        %swap3A_562 = tpu.vector_load %arg12[%swap3A_561] {strides = array<i32>} : memref<128xi32, #tpu.memory_space<vmem>>, vector<16xi32>,
        tpu.vector_store %arg12[%swap3A_561], %get3A_560 {strides = array<i32>} : memref<128xi32, #tpu.memory_space<vmem>>, vector<16xi32>,
        %mul3A_563 = arith.constant 128 : i32
        %mul3A_564 = arith.muli %add3A_329, %mul3A_563 : i32
        %add3A_565 = arith.constant 48 : i32
        %add3A_566 = arith.addi %mul3A_564, %add3A_565 : i32
        %get3A_567 = arith.index_cast %add3A_566 : i32 to index
        %get3A_568 = tpu.vector_load %arg10[%get3A_567] {strides = array<i32>} : memref<6544xi32, #tpu.memory_space<vmem>>, vector<16xi32>,
        %swap3A_569 = arith.constant 48 : index
        %swap3A_570 = tpu.vector_load %arg20[%swap3A_569] {strides = array<i32>} : memref<128xi32, #tpu.memory_space<vmem>>, vector<16xi32>,
        tpu.vector_store %arg20[%swap3A_569], %get3A_568 {strides = array<i32>} : memref<128xi32, #tpu.memory_space<vmem>>, vector<16xi32>,
        %mul3A_571 = arith.constant 128 : i32
        %mul3A_572 = arith.muli %add3A_329, %mul3A_571 : i32
        %add3A_573 = arith.constant 64 : i32
        %add3A_574 = arith.addi %mul3A_572, %add3A_573 : i32
        %get3A_575 = arith.index_cast %add3A_574 : i32 to index
        %get3A_576 = tpu.vector_load %arg9[%get3A_575] {strides = array<i32>} : memref<6544xi32, #tpu.memory_space<vmem>>, vector<16xi32>,
        %swap3A_577 = arith.constant 64 : index
        %swap3A_578 = tpu.vector_load %arg12[%swap3A_577] {strides = array<i32>} : memref<128xi32, #tpu.memory_space<vmem>>, vector<16xi32>,
        tpu.vector_store %arg12[%swap3A_577], %get3A_576 {strides = array<i32>} : memref<128xi32, #tpu.memory_space<vmem>>, vector<16xi32>,
        %mul3A_579 = arith.constant 128 : i32
        %mul3A_580 = arith.muli %add3A_329, %mul3A_579 : i32
        %add3A_581 = arith.constant 64 : i32
        %add3A_582 = arith.addi %mul3A_580, %add3A_581 : i32
        %get3A_583 = arith.index_cast %add3A_582 : i32 to index
        %get3A_584 = tpu.vector_load %arg10[%get3A_583] {strides = array<i32>} : memref<6544xi32, #tpu.memory_space<vmem>>, vector<16xi32>,
        %swap3A_585 = arith.constant 64 : index
        %swap3A_586 = tpu.vector_load %arg20[%swap3A_585] {strides = array<i32>} : memref<128xi32, #tpu.memory_space<vmem>>, vector<16xi32>,
        tpu.vector_store %arg20[%swap3A_585], %get3A_584 {strides = array<i32>} : memref<128xi32, #tpu.memory_space<vmem>>, vector<16xi32>,
        %mul3A_587 = arith.constant 128 : i32
        %mul3A_588 = arith.muli %add3A_329, %mul3A_587 : i32
        %add3A_589 = arith.constant 80 : i32
        %add3A_590 = arith.addi %mul3A_588, %add3A_589 : i32
        %get3A_591 = arith.index_cast %add3A_590 : i32 to index
        %get3A_592 = tpu.vector_load %arg9[%get3A_591] {strides = array<i32>} : memref<6544xi32, #tpu.memory_space<vmem>>, vector<16xi32>,
        %swap3A_593 = arith.constant 80 : index
        %swap3A_594 = tpu.vector_load %arg12[%swap3A_593] {strides = array<i32>} : memref<128xi32, #tpu.memory_space<vmem>>, vector<16xi32>,
        tpu.vector_store %arg12[%swap3A_593], %get3A_592 {strides = array<i32>} : memref<128xi32, #tpu.memory_space<vmem>>, vector<16xi32>,
        %mul3A_595 = arith.constant 128 : i32
        %mul3A_596 = arith.muli %add3A_329, %mul3A_595 : i32
        %add3A_597 = arith.constant 80 : i32
        %add3A_598 = arith.addi %mul3A_596, %add3A_597 : i32
        %get3A_599 = arith.index_cast %add3A_598 : i32 to index
        %get3A_600 = tpu.vector_load %arg10[%get3A_599] {strides = array<i32>} : memref<6544xi32, #tpu.memory_space<vmem>>, vector<16xi32>,
        %swap3A_601 = arith.constant 80 : index
        %swap3A_602 = tpu.vector_load %arg20[%swap3A_601] {strides = array<i32>} : memref<128xi32, #tpu.memory_space<vmem>>, vector<16xi32>,
        tpu.vector_store %arg20[%swap3A_601], %get3A_600 {strides = array<i32>} : memref<128xi32, #tpu.memory_space<vmem>>, vector<16xi32>,
        %mul3A_603 = arith.constant 128 : i32
        %mul3A_604 = arith.muli %add3A_329, %mul3A_603 : i32
        %add3A_605 = arith.constant 96 : i32
        %add3A_606 = arith.addi %mul3A_604, %add3A_605 : i32
        %get3A_607 = arith.index_cast %add3A_606 : i32 to index
        %get3A_608 = tpu.vector_load %arg9[%get3A_607] {strides = array<i32>} : memref<6544xi32, #tpu.memory_space<vmem>>, vector<16xi32>,
        %swap3A_609 = arith.constant 96 : index
        %swap3A_610 = tpu.vector_load %arg12[%swap3A_609] {strides = array<i32>} : memref<128xi32, #tpu.memory_space<vmem>>, vector<16xi32>,
        tpu.vector_store %arg12[%swap3A_609], %get3A_608 {strides = array<i32>} : memref<128xi32, #tpu.memory_space<vmem>>, vector<16xi32>,
        %mul3A_611 = arith.constant 128 : i32
        %mul3A_612 = arith.muli %add3A_329, %mul3A_611 : i32
        %add3A_613 = arith.constant 96 : i32
        %add3A_614 = arith.addi %mul3A_612, %add3A_613 : i32
        %get3A_615 = arith.index_cast %add3A_614 : i32 to index
        %get3A_616 = tpu.vector_load %arg10[%get3A_615] {strides = array<i32>} : memref<6544xi32, #tpu.memory_space<vmem>>, vector<16xi32>,
        %swap3A_617 = arith.constant 96 : index
        %swap3A_618 = tpu.vector_load %arg20[%swap3A_617] {strides = array<i32>} : memref<128xi32, #tpu.memory_space<vmem>>, vector<16xi32>,
        tpu.vector_store %arg20[%swap3A_617], %get3A_616 {strides = array<i32>} : memref<128xi32, #tpu.memory_space<vmem>>, vector<16xi32>,
        %mul3A_619 = arith.constant 128 : i32
        %mul3A_620 = arith.muli %add3A_329, %mul3A_619 : i32
        %add3A_621 = arith.constant 112 : i32
        %add3A_622 = arith.addi %mul3A_620, %add3A_621 : i32
        %get3A_623 = arith.index_cast %add3A_622 : i32 to index
        %get3A_624 = tpu.vector_load %arg9[%get3A_623] {strides = array<i32>} : memref<6544xi32, #tpu.memory_space<vmem>>, vector<16xi32>,
        %swap3A_625 = arith.constant 112 : index
        %swap3A_626 = tpu.vector_load %arg12[%swap3A_625] {strides = array<i32>} : memref<128xi32, #tpu.memory_space<vmem>>, vector<16xi32>,
        tpu.vector_store %arg12[%swap3A_625], %get3A_624 {strides = array<i32>} : memref<128xi32, #tpu.memory_space<vmem>>, vector<16xi32>,
        %mul3A_627 = arith.constant 128 : i32
        %mul3A_628 = arith.muli %add3A_329, %mul3A_627 : i32
        %add3A_629 = arith.constant 112 : i32
        %add3A_630 = arith.addi %mul3A_628, %add3A_629 : i32
        %get3A_631 = arith.index_cast %add3A_630 : i32 to index
        %get3A_632 = tpu.vector_load %arg10[%get3A_631] {strides = array<i32>} : memref<6544xi32, #tpu.memory_space<vmem>>, vector<16xi32>,
        %swap3A_633 = arith.constant 112 : index
        %swap3A_634 = tpu.vector_load %arg20[%swap3A_633] {strides = array<i32>} : memref<128xi32, #tpu.memory_space<vmem>>, vector<16xi32>,
        tpu.vector_store %arg20[%swap3A_633], %get3A_632 {strides = array<i32>} : memref<128xi32, #tpu.memory_space<vmem>>, vector<16xi32>,
        %dma_start3A = arith.constant 0 : i32
        %dma_start3A_635 = arith.constant 0 : i32
        %dma_start3A_636 = arith.constant 0 : i32
        %dma_start3A_637 = tpu.memref_slice %arg11[%dma_start3A, %dma_start3A_635, %dma_start3A_636] : memref<8x128x64xf32, #tpu.memory_space<vmem>> -> memref<1x128x64xf32, #tpu.memory_space<vmem>>
        %dma_start3A_638 = tpu.memref_squeeze %dma_start3A_637 : memref<1x128x64xf32, #tpu.memory_space<vmem>> -> memref<128x64xf32, #tpu.memory_space<vmem>>
        %dma_start3A_639 = arith.constant 0 : i32
        %dma_start3A_640 = arith.constant 0 : i32
        %dma_start3A_641 = tpu.memref_slice %arg4[%dma_start3A_639, %dma_start3A_640] : memref<50000x64xf32, #tpu.memory_space<hbm>> -> memref<50000x64xf32, #tpu.memory_space<hbm>>
        tpu.enqueue_indirect_dma source(%dma_start3A_641 : memref<50000x64xf32, #tpu.memory_space<hbm>>) target(%dma_start3A_638 : memref<128x64xf32, #tpu.memory_space<vmem>>) offsets(%arg12 : memref<128xi32, #tpu.memory_space<vmem>>) semaphore(%arg28 : memref<!tpu.dma_semaphore, #tpu.memory_space<semaphore_mem>>)
      } else {
      }
      %mul3A_340 = arith.constant 8 : i32
      %mul3A_341 = arith.muli %scan3A_325, %mul3A_340 : i32
      %add3A_342 = arith.constant 1 : i32
      %add3A_343 = arith.addi %mul3A_341, %add3A_342 : i32
      %lt3A_344 = arith.cmpi slt, %add3A_343, %select_n3A_278 : i32
      %gt3A_345 = arith.constant 0 : i32
      %gt3A_346 = arith.cmpi sgt, %scan3A_325, %gt3A_345 : i32
      %and3A_347 = arith.andi %lt3A_344, %gt3A_346 : i1
      %convert_element_type3A_348 = arith.extui %and3A_347 : i1 to i32
      %cond3A_349 = arith.constant 0 : i32
      %cond3A_350 = arith.cmpi ne, %convert_element_type3A_348, %cond3A_349 : i32
      scf.if %cond3A_350 {
        %dma_wait3A = arith.constant 1 : i32
        %dma_wait3A_509 = arith.constant 0 : i32
        %dma_wait3A_510 = arith.constant 0 : i32
        %dma_wait3A_511 = tpu.memref_slice %arg11[%dma_wait3A, %dma_wait3A_509, %dma_wait3A_510] : memref<8x128x64xf32, #tpu.memory_space<vmem>> -> memref<1x128x64xf32, #tpu.memory_space<vmem>>
        %dma_wait3A_512 = tpu.memref_squeeze %dma_wait3A_511 : memref<1x128x64xf32, #tpu.memory_space<vmem>> -> memref<128x64xf32, #tpu.memory_space<vmem>>
        %dma_wait3A_513 = arith.constant 0 : i32
        %dma_wait3A_514 = arith.constant 0 : i32
        %dma_wait3A_515 = tpu.memref_slice %arg5[%dma_wait3A_513, %dma_wait3A_514] : memref<204800x64xf32, #tpu.memory_space<hbm>> -> memref<128x64xf32, #tpu.memory_space<hbm>>
        %dma_wait3A_516 = arith.constant 0 : i32
        %dma_wait3A_517 = arith.constant 0 : i32
        %dma_wait3A_518 = tpu.memref_slice %arg5[%dma_wait3A_516, %dma_wait3A_517] : memref<204800x64xf32, #tpu.memory_space<hbm>> -> memref<128x64xf32, #tpu.memory_space<hbm>>
        %dma_wait3A_519 = arith.constant 0 : i32
        %dma_wait3A_520 = arith.constant 0 : i32
        %dma_wait3A_521 = tpu.memref_slice %arg11[%dma_wait3A, %dma_wait3A_519, %dma_wait3A_520] : memref<8x128x64xf32, #tpu.memory_space<vmem>> -> memref<1x128x64xf32, #tpu.memory_space<vmem>>
        %dma_wait3A_522 = tpu.memref_squeeze %dma_wait3A_521 : memref<1x128x64xf32, #tpu.memory_space<vmem>> -> memref<128x64xf32, #tpu.memory_space<vmem>>
        tpu.wait_dma2 semaphore(%arg37 : memref<!tpu.dma_semaphore, #tpu.memory_space<semaphore_mem>>) src(%dma_wait3A_522 : memref<128x64xf32, #tpu.memory_space<vmem>>) dst(%dma_wait3A_518 : memref<128x64xf32, #tpu.memory_space<hbm>>)
      } else {
      }
      %lt3A_351 = arith.cmpi slt, %add3A_343, %select_n3A_278 : i32
      %convert_element_type3A_352 = arith.extui %lt3A_351 : i1 to i32
      %cond3A_353 = arith.constant 0 : i32
      %cond3A_354 = arith.cmpi ne, %convert_element_type3A_352, %cond3A_353 : i32
      scf.if %cond3A_354 {
        %mul3A_509 = arith.constant 128 : i32
        %mul3A_510 = arith.muli %add3A_343, %mul3A_509 : i32
        %add3A_511 = arith.constant 0 : i32
        %add3A_512 = arith.addi %mul3A_510, %add3A_511 : i32
        %get3A = arith.index_cast %add3A_512 : i32 to index
        %get3A_513 = tpu.vector_load %arg9[%get3A] {strides = array<i32>} : memref<6544xi32, #tpu.memory_space<vmem>>, vector<16xi32>,
        %swap3A = arith.constant 0 : index
        %swap3A_514 = tpu.vector_load %arg13[%swap3A] {strides = array<i32>} : memref<128xi32, #tpu.memory_space<vmem>>, vector<16xi32>,
        tpu.vector_store %arg13[%swap3A], %get3A_513 {strides = array<i32>} : memref<128xi32, #tpu.memory_space<vmem>>, vector<16xi32>,
        %mul3A_515 = arith.constant 128 : i32
        %mul3A_516 = arith.muli %add3A_343, %mul3A_515 : i32
        %add3A_517 = arith.constant 0 : i32
        %add3A_518 = arith.addi %mul3A_516, %add3A_517 : i32
        %get3A_519 = arith.index_cast %add3A_518 : i32 to index
        %get3A_520 = tpu.vector_load %arg10[%get3A_519] {strides = array<i32>} : memref<6544xi32, #tpu.memory_space<vmem>>, vector<16xi32>,
        %swap3A_521 = arith.constant 0 : index
        %swap3A_522 = tpu.vector_load %arg21[%swap3A_521] {strides = array<i32>} : memref<128xi32, #tpu.memory_space<vmem>>, vector<16xi32>,
        tpu.vector_store %arg21[%swap3A_521], %get3A_520 {strides = array<i32>} : memref<128xi32, #tpu.memory_space<vmem>>, vector<16xi32>,
        %mul3A_523 = arith.constant 128 : i32
        %mul3A_524 = arith.muli %add3A_343, %mul3A_523 : i32
        %add3A_525 = arith.constant 16 : i32
        %add3A_526 = arith.addi %mul3A_524, %add3A_525 : i32
        %get3A_527 = arith.index_cast %add3A_526 : i32 to index
        %get3A_528 = tpu.vector_load %arg9[%get3A_527] {strides = array<i32>} : memref<6544xi32, #tpu.memory_space<vmem>>, vector<16xi32>,
        %swap3A_529 = arith.constant 16 : index
        %swap3A_530 = tpu.vector_load %arg13[%swap3A_529] {strides = array<i32>} : memref<128xi32, #tpu.memory_space<vmem>>, vector<16xi32>,
        tpu.vector_store %arg13[%swap3A_529], %get3A_528 {strides = array<i32>} : memref<128xi32, #tpu.memory_space<vmem>>, vector<16xi32>,
        %mul3A_531 = arith.constant 128 : i32
        %mul3A_532 = arith.muli %add3A_343, %mul3A_531 : i32
        %add3A_533 = arith.constant 16 : i32
        %add3A_534 = arith.addi %mul3A_532, %add3A_533 : i32
        %get3A_535 = arith.index_cast %add3A_534 : i32 to index
        %get3A_536 = tpu.vector_load %arg10[%get3A_535] {strides = array<i32>} : memref<6544xi32, #tpu.memory_space<vmem>>, vector<16xi32>,
        %swap3A_537 = arith.constant 16 : index
        %swap3A_538 = tpu.vector_load %arg21[%swap3A_537] {strides = array<i32>} : memref<128xi32, #tpu.memory_space<vmem>>, vector<16xi32>,
        tpu.vector_store %arg21[%swap3A_537], %get3A_536 {strides = array<i32>} : memref<128xi32, #tpu.memory_space<vmem>>, vector<16xi32>,
        %mul3A_539 = arith.constant 128 : i32
        %mul3A_540 = arith.muli %add3A_343, %mul3A_539 : i32
        %add3A_541 = arith.constant 32 : i32
        %add3A_542 = arith.addi %mul3A_540, %add3A_541 : i32
        %get3A_543 = arith.index_cast %add3A_542 : i32 to index
        %get3A_544 = tpu.vector_load %arg9[%get3A_543] {strides = array<i32>} : memref<6544xi32, #tpu.memory_space<vmem>>, vector<16xi32>,
        %swap3A_545 = arith.constant 32 : index
        %swap3A_546 = tpu.vector_load %arg13[%swap3A_545] {strides = array<i32>} : memref<128xi32, #tpu.memory_space<vmem>>, vector<16xi32>,
        tpu.vector_store %arg13[%swap3A_545], %get3A_544 {strides = array<i32>} : memref<128xi32, #tpu.memory_space<vmem>>, vector<16xi32>,
        %mul3A_547 = arith.constant 128 : i32
        %mul3A_548 = arith.muli %add3A_343, %mul3A_547 : i32
        %add3A_549 = arith.constant 32 : i32
        %add3A_550 = arith.addi %mul3A_548, %add3A_549 : i32
        %get3A_551 = arith.index_cast %add3A_550 : i32 to index
        %get3A_552 = tpu.vector_load %arg10[%get3A_551] {strides = array<i32>} : memref<6544xi32, #tpu.memory_space<vmem>>, vector<16xi32>,
        %swap3A_553 = arith.constant 32 : index
        %swap3A_554 = tpu.vector_load %arg21[%swap3A_553] {strides = array<i32>} : memref<128xi32, #tpu.memory_space<vmem>>, vector<16xi32>,
        tpu.vector_store %arg21[%swap3A_553], %get3A_552 {strides = array<i32>} : memref<128xi32, #tpu.memory_space<vmem>>, vector<16xi32>,
        %mul3A_555 = arith.constant 128 : i32
        %mul3A_556 = arith.muli %add3A_343, %mul3A_555 : i32
        %add3A_557 = arith.constant 48 : i32
        %add3A_558 = arith.addi %mul3A_556, %add3A_557 : i32
        %get3A_559 = arith.index_cast %add3A_558 : i32 to index
        %get3A_560 = tpu.vector_load %arg9[%get3A_559] {strides = array<i32>} : memref<6544xi32, #tpu.memory_space<vmem>>, vector<16xi32>,
        %swap3A_561 = arith.constant 48 : index
        %swap3A_562 = tpu.vector_load %arg13[%swap3A_561] {strides = array<i32>} : memref<128xi32, #tpu.memory_space<vmem>>, vector<16xi32>,
        tpu.vector_store %arg13[%swap3A_561], %get3A_560 {strides = array<i32>} : memref<128xi32, #tpu.memory_space<vmem>>, vector<16xi32>,
        %mul3A_563 = arith.constant 128 : i32
        %mul3A_564 = arith.muli %add3A_343, %mul3A_563 : i32
        %add3A_565 = arith.constant 48 : i32
        %add3A_566 = arith.addi %mul3A_564, %add3A_565 : i32
        %get3A_567 = arith.index_cast %add3A_566 : i32 to index
        %get3A_568 = tpu.vector_load %arg10[%get3A_567] {strides = array<i32>} : memref<6544xi32, #tpu.memory_space<vmem>>, vector<16xi32>,
        %swap3A_569 = arith.constant 48 : index
        %swap3A_570 = tpu.vector_load %arg21[%swap3A_569] {strides = array<i32>} : memref<128xi32, #tpu.memory_space<vmem>>, vector<16xi32>,
        tpu.vector_store %arg21[%swap3A_569], %get3A_568 {strides = array<i32>} : memref<128xi32, #tpu.memory_space<vmem>>, vector<16xi32>,
        %mul3A_571 = arith.constant 128 : i32
        %mul3A_572 = arith.muli %add3A_343, %mul3A_571 : i32
        %add3A_573 = arith.constant 64 : i32
        %add3A_574 = arith.addi %mul3A_572, %add3A_573 : i32
        %get3A_575 = arith.index_cast %add3A_574 : i32 to index
        %get3A_576 = tpu.vector_load %arg9[%get3A_575] {strides = array<i32>} : memref<6544xi32, #tpu.memory_space<vmem>>, vector<16xi32>,
        %swap3A_577 = arith.constant 64 : index
        %swap3A_578 = tpu.vector_load %arg13[%swap3A_577] {strides = array<i32>} : memref<128xi32, #tpu.memory_space<vmem>>, vector<16xi32>,
        tpu.vector_store %arg13[%swap3A_577], %get3A_576 {strides = array<i32>} : memref<128xi32, #tpu.memory_space<vmem>>, vector<16xi32>,
        %mul3A_579 = arith.constant 128 : i32
        %mul3A_580 = arith.muli %add3A_343, %mul3A_579 : i32
        %add3A_581 = arith.constant 64 : i32
        %add3A_582 = arith.addi %mul3A_580, %add3A_581 : i32
        %get3A_583 = arith.index_cast %add3A_582 : i32 to index
        %get3A_584 = tpu.vector_load %arg10[%get3A_583] {strides = array<i32>} : memref<6544xi32, #tpu.memory_space<vmem>>, vector<16xi32>,
        %swap3A_585 = arith.constant 64 : index
        %swap3A_586 = tpu.vector_load %arg21[%swap3A_585] {strides = array<i32>} : memref<128xi32, #tpu.memory_space<vmem>>, vector<16xi32>,
        tpu.vector_store %arg21[%swap3A_585], %get3A_584 {strides = array<i32>} : memref<128xi32, #tpu.memory_space<vmem>>, vector<16xi32>,
        %mul3A_587 = arith.constant 128 : i32
        %mul3A_588 = arith.muli %add3A_343, %mul3A_587 : i32
        %add3A_589 = arith.constant 80 : i32
        %add3A_590 = arith.addi %mul3A_588, %add3A_589 : i32
        %get3A_591 = arith.index_cast %add3A_590 : i32 to index
        %get3A_592 = tpu.vector_load %arg9[%get3A_591] {strides = array<i32>} : memref<6544xi32, #tpu.memory_space<vmem>>, vector<16xi32>,
        %swap3A_593 = arith.constant 80 : index
        %swap3A_594 = tpu.vector_load %arg13[%swap3A_593] {strides = array<i32>} : memref<128xi32, #tpu.memory_space<vmem>>, vector<16xi32>,
        tpu.vector_store %arg13[%swap3A_593], %get3A_592 {strides = array<i32>} : memref<128xi32, #tpu.memory_space<vmem>>, vector<16xi32>,
        %mul3A_595 = arith.constant 128 : i32
        %mul3A_596 = arith.muli %add3A_343, %mul3A_595 : i32
        %add3A_597 = arith.constant 80 : i32
        %add3A_598 = arith.addi %mul3A_596, %add3A_597 : i32
        %get3A_599 = arith.index_cast %add3A_598 : i32 to index
        %get3A_600 = tpu.vector_load %arg10[%get3A_599] {strides = array<i32>} : memref<6544xi32, #tpu.memory_space<vmem>>, vector<16xi32>,
        %swap3A_601 = arith.constant 80 : index
        %swap3A_602 = tpu.vector_load %arg21[%swap3A_601] {strides = array<i32>} : memref<128xi32, #tpu.memory_space<vmem>>, vector<16xi32>,
        tpu.vector_store %arg21[%swap3A_601], %get3A_600 {strides = array<i32>} : memref<128xi32, #tpu.memory_space<vmem>>, vector<16xi32>,
        %mul3A_603 = arith.constant 128 : i32
        %mul3A_604 = arith.muli %add3A_343, %mul3A_603 : i32
        %add3A_605 = arith.constant 96 : i32
        %add3A_606 = arith.addi %mul3A_604, %add3A_605 : i32
        %get3A_607 = arith.index_cast %add3A_606 : i32 to index
        %get3A_608 = tpu.vector_load %arg9[%get3A_607] {strides = array<i32>} : memref<6544xi32, #tpu.memory_space<vmem>>, vector<16xi32>,
        %swap3A_609 = arith.constant 96 : index
        %swap3A_610 = tpu.vector_load %arg13[%swap3A_609] {strides = array<i32>} : memref<128xi32, #tpu.memory_space<vmem>>, vector<16xi32>,
        tpu.vector_store %arg13[%swap3A_609], %get3A_608 {strides = array<i32>} : memref<128xi32, #tpu.memory_space<vmem>>, vector<16xi32>,
        %mul3A_611 = arith.constant 128 : i32
        %mul3A_612 = arith.muli %add3A_343, %mul3A_611 : i32
        %add3A_613 = arith.constant 96 : i32
        %add3A_614 = arith.addi %mul3A_612, %add3A_613 : i32
        %get3A_615 = arith.index_cast %add3A_614 : i32 to index
        %get3A_616 = tpu.vector_load %arg10[%get3A_615] {strides = array<i32>} : memref<6544xi32, #tpu.memory_space<vmem>>, vector<16xi32>,
        %swap3A_617 = arith.constant 96 : index
        %swap3A_618 = tpu.vector_load %arg21[%swap3A_617] {strides = array<i32>} : memref<128xi32, #tpu.memory_space<vmem>>, vector<16xi32>,
        tpu.vector_store %arg21[%swap3A_617], %get3A_616 {strides = array<i32>} : memref<128xi32, #tpu.memory_space<vmem>>, vector<16xi32>,
        %mul3A_619 = arith.constant 128 : i32
        %mul3A_620 = arith.muli %add3A_343, %mul3A_619 : i32
        %add3A_621 = arith.constant 112 : i32
        %add3A_622 = arith.addi %mul3A_620, %add3A_621 : i32
        %get3A_623 = arith.index_cast %add3A_622 : i32 to index
        %get3A_624 = tpu.vector_load %arg9[%get3A_623] {strides = array<i32>} : memref<6544xi32, #tpu.memory_space<vmem>>, vector<16xi32>,
        %swap3A_625 = arith.constant 112 : index
        %swap3A_626 = tpu.vector_load %arg13[%swap3A_625] {strides = array<i32>} : memref<128xi32, #tpu.memory_space<vmem>>, vector<16xi32>,
        tpu.vector_store %arg13[%swap3A_625], %get3A_624 {strides = array<i32>} : memref<128xi32, #tpu.memory_space<vmem>>, vector<16xi32>,
        %mul3A_627 = arith.constant 128 : i32
        %mul3A_628 = arith.muli %add3A_343, %mul3A_627 : i32
        %add3A_629 = arith.constant 112 : i32
        %add3A_630 = arith.addi %mul3A_628, %add3A_629 : i32
        %get3A_631 = arith.index_cast %add3A_630 : i32 to index
        %get3A_632 = tpu.vector_load %arg10[%get3A_631] {strides = array<i32>} : memref<6544xi32, #tpu.memory_space<vmem>>, vector<16xi32>,
        %swap3A_633 = arith.constant 112 : index
        %swap3A_634 = tpu.vector_load %arg21[%swap3A_633] {strides = array<i32>} : memref<128xi32, #tpu.memory_space<vmem>>, vector<16xi32>,
        tpu.vector_store %arg21[%swap3A_633], %get3A_632 {strides = array<i32>} : memref<128xi32, #tpu.memory_space<vmem>>, vector<16xi32>,
        %dma_start3A = arith.constant 1 : i32
        %dma_start3A_635 = arith.constant 0 : i32
        %dma_start3A_636 = arith.constant 0 : i32
        %dma_start3A_637 = tpu.memref_slice %arg11[%dma_start3A, %dma_start3A_635, %dma_start3A_636] : memref<8x128x64xf32, #tpu.memory_space<vmem>> -> memref<1x128x64xf32, #tpu.memory_space<vmem>>
        %dma_start3A_638 = tpu.memref_squeeze %dma_start3A_637 : memref<1x128x64xf32, #tpu.memory_space<vmem>> -> memref<128x64xf32, #tpu.memory_space<vmem>>
        %dma_start3A_639 = arith.constant 0 : i32
        %dma_start3A_640 = arith.constant 0 : i32
        %dma_start3A_641 = tpu.memref_slice %arg4[%dma_start3A_639, %dma_start3A_640] : memref<50000x64xf32, #tpu.memory_space<hbm>> -> memref<50000x64xf32, #tpu.memory_space<hbm>>
        tpu.enqueue_indirect_dma source(%dma_start3A_641 : memref<50000x64xf32, #tpu.memory_space<hbm>>) target(%dma_start3A_638 : memref<128x64xf32, #tpu.memory_space<vmem>>) offsets(%arg13 : memref<128xi32, #tpu.memory_space<vmem>>) semaphore(%arg29 : memref<!tpu.dma_semaphore, #tpu.memory_space<semaphore_mem>>)
      } else {
      }
      %mul3A_355 = arith.constant 8 : i32
      %mul3A_356 = arith.muli %scan3A_325, %mul3A_355 : i32
      %add3A_357 = arith.constant 2 : i32
      %add3A_358 = arith.addi %mul3A_356, %add3A_357 : i32
      %lt3A_359 = arith.cmpi slt, %add3A_358, %select_n3A_278 : i32
      %gt3A_360 = arith.constant 0 : i32
      %gt3A_361 = arith.cmpi sgt, %scan3A_325, %gt3A_360 : i32
      %and3A_362 = arith.andi %lt3A_359, %gt3A_361 : i1
      %convert_element_type3A_363 = arith.extui %and3A_362 : i1 to i32
      %cond3A_364 = arith.constant 0 : i32
      %cond3A_365 = arith.cmpi ne, %convert_element_type3A_363, %cond3A_364 : i32
      scf.if %cond3A_365 {
        %dma_wait3A = arith.constant 2 : i32
        %dma_wait3A_509 = arith.constant 0 : i32
        %dma_wait3A_510 = arith.constant 0 : i32
        %dma_wait3A_511 = tpu.memref_slice %arg11[%dma_wait3A, %dma_wait3A_509, %dma_wait3A_510] : memref<8x128x64xf32, #tpu.memory_space<vmem>> -> memref<1x128x64xf32, #tpu.memory_space<vmem>>
        %dma_wait3A_512 = tpu.memref_squeeze %dma_wait3A_511 : memref<1x128x64xf32, #tpu.memory_space<vmem>> -> memref<128x64xf32, #tpu.memory_space<vmem>>
        %dma_wait3A_513 = arith.constant 0 : i32
        %dma_wait3A_514 = arith.constant 0 : i32
        %dma_wait3A_515 = tpu.memref_slice %arg5[%dma_wait3A_513, %dma_wait3A_514] : memref<204800x64xf32, #tpu.memory_space<hbm>> -> memref<128x64xf32, #tpu.memory_space<hbm>>
        %dma_wait3A_516 = arith.constant 0 : i32
        %dma_wait3A_517 = arith.constant 0 : i32
        %dma_wait3A_518 = tpu.memref_slice %arg5[%dma_wait3A_516, %dma_wait3A_517] : memref<204800x64xf32, #tpu.memory_space<hbm>> -> memref<128x64xf32, #tpu.memory_space<hbm>>
        %dma_wait3A_519 = arith.constant 0 : i32
        %dma_wait3A_520 = arith.constant 0 : i32
        %dma_wait3A_521 = tpu.memref_slice %arg11[%dma_wait3A, %dma_wait3A_519, %dma_wait3A_520] : memref<8x128x64xf32, #tpu.memory_space<vmem>> -> memref<1x128x64xf32, #tpu.memory_space<vmem>>
        %dma_wait3A_522 = tpu.memref_squeeze %dma_wait3A_521 : memref<1x128x64xf32, #tpu.memory_space<vmem>> -> memref<128x64xf32, #tpu.memory_space<vmem>>
        tpu.wait_dma2 semaphore(%arg38 : memref<!tpu.dma_semaphore, #tpu.memory_space<semaphore_mem>>) src(%dma_wait3A_522 : memref<128x64xf32, #tpu.memory_space<vmem>>) dst(%dma_wait3A_518 : memref<128x64xf32, #tpu.memory_space<hbm>>)
      } else {
      }
      %lt3A_366 = arith.cmpi slt, %add3A_358, %select_n3A_278 : i32
      %convert_element_type3A_367 = arith.extui %lt3A_366 : i1 to i32
      %cond3A_368 = arith.constant 0 : i32
      %cond3A_369 = arith.cmpi ne, %convert_element_type3A_367, %cond3A_368 : i32
      scf.if %cond3A_369 {
        %mul3A_509 = arith.constant 128 : i32
        %mul3A_510 = arith.muli %add3A_358, %mul3A_509 : i32
        %add3A_511 = arith.constant 0 : i32
        %add3A_512 = arith.addi %mul3A_510, %add3A_511 : i32
        %get3A = arith.index_cast %add3A_512 : i32 to index
        %get3A_513 = tpu.vector_load %arg9[%get3A] {strides = array<i32>} : memref<6544xi32, #tpu.memory_space<vmem>>, vector<16xi32>,
        %swap3A = arith.constant 0 : index
        %swap3A_514 = tpu.vector_load %arg14[%swap3A] {strides = array<i32>} : memref<128xi32, #tpu.memory_space<vmem>>, vector<16xi32>,
        tpu.vector_store %arg14[%swap3A], %get3A_513 {strides = array<i32>} : memref<128xi32, #tpu.memory_space<vmem>>, vector<16xi32>,
        %mul3A_515 = arith.constant 128 : i32
        %mul3A_516 = arith.muli %add3A_358, %mul3A_515 : i32
        %add3A_517 = arith.constant 0 : i32
        %add3A_518 = arith.addi %mul3A_516, %add3A_517 : i32
        %get3A_519 = arith.index_cast %add3A_518 : i32 to index
        %get3A_520 = tpu.vector_load %arg10[%get3A_519] {strides = array<i32>} : memref<6544xi32, #tpu.memory_space<vmem>>, vector<16xi32>,
        %swap3A_521 = arith.constant 0 : index
        %swap3A_522 = tpu.vector_load %arg22[%swap3A_521] {strides = array<i32>} : memref<128xi32, #tpu.memory_space<vmem>>, vector<16xi32>,
        tpu.vector_store %arg22[%swap3A_521], %get3A_520 {strides = array<i32>} : memref<128xi32, #tpu.memory_space<vmem>>, vector<16xi32>,
        %mul3A_523 = arith.constant 128 : i32
        %mul3A_524 = arith.muli %add3A_358, %mul3A_523 : i32
        %add3A_525 = arith.constant 16 : i32
        %add3A_526 = arith.addi %mul3A_524, %add3A_525 : i32
        %get3A_527 = arith.index_cast %add3A_526 : i32 to index
        %get3A_528 = tpu.vector_load %arg9[%get3A_527] {strides = array<i32>} : memref<6544xi32, #tpu.memory_space<vmem>>, vector<16xi32>,
        %swap3A_529 = arith.constant 16 : index
        %swap3A_530 = tpu.vector_load %arg14[%swap3A_529] {strides = array<i32>} : memref<128xi32, #tpu.memory_space<vmem>>, vector<16xi32>,
        tpu.vector_store %arg14[%swap3A_529], %get3A_528 {strides = array<i32>} : memref<128xi32, #tpu.memory_space<vmem>>, vector<16xi32>,
        %mul3A_531 = arith.constant 128 : i32
        %mul3A_532 = arith.muli %add3A_358, %mul3A_531 : i32
        %add3A_533 = arith.constant 16 : i32
        %add3A_534 = arith.addi %mul3A_532, %add3A_533 : i32
        %get3A_535 = arith.index_cast %add3A_534 : i32 to index
        %get3A_536 = tpu.vector_load %arg10[%get3A_535] {strides = array<i32>} : memref<6544xi32, #tpu.memory_space<vmem>>, vector<16xi32>,
        %swap3A_537 = arith.constant 16 : index
        %swap3A_538 = tpu.vector_load %arg22[%swap3A_537] {strides = array<i32>} : memref<128xi32, #tpu.memory_space<vmem>>, vector<16xi32>,
        tpu.vector_store %arg22[%swap3A_537], %get3A_536 {strides = array<i32>} : memref<128xi32, #tpu.memory_space<vmem>>, vector<16xi32>,
        %mul3A_539 = arith.constant 128 : i32
        %mul3A_540 = arith.muli %add3A_358, %mul3A_539 : i32
        %add3A_541 = arith.constant 32 : i32
        %add3A_542 = arith.addi %mul3A_540, %add3A_541 : i32
        %get3A_543 = arith.index_cast %add3A_542 : i32 to index
        %get3A_544 = tpu.vector_load %arg9[%get3A_543] {strides = array<i32>} : memref<6544xi32, #tpu.memory_space<vmem>>, vector<16xi32>,
        %swap3A_545 = arith.constant 32 : index
        %swap3A_546 = tpu.vector_load %arg14[%swap3A_545] {strides = array<i32>} : memref<128xi32, #tpu.memory_space<vmem>>, vector<16xi32>,
        tpu.vector_store %arg14[%swap3A_545], %get3A_544 {strides = array<i32>} : memref<128xi32, #tpu.memory_space<vmem>>, vector<16xi32>,
        %mul3A_547 = arith.constant 128 : i32
        %mul3A_548 = arith.muli %add3A_358, %mul3A_547 : i32
        %add3A_549 = arith.constant 32 : i32
        %add3A_550 = arith.addi %mul3A_548, %add3A_549 : i32
        %get3A_551 = arith.index_cast %add3A_550 : i32 to index
        %get3A_552 = tpu.vector_load %arg10[%get3A_551] {strides = array<i32>} : memref<6544xi32, #tpu.memory_space<vmem>>, vector<16xi32>,
        %swap3A_553 = arith.constant 32 : index
        %swap3A_554 = tpu.vector_load %arg22[%swap3A_553] {strides = array<i32>} : memref<128xi32, #tpu.memory_space<vmem>>, vector<16xi32>,
        tpu.vector_store %arg22[%swap3A_553], %get3A_552 {strides = array<i32>} : memref<128xi32, #tpu.memory_space<vmem>>, vector<16xi32>,
        %mul3A_555 = arith.constant 128 : i32
        %mul3A_556 = arith.muli %add3A_358, %mul3A_555 : i32
        %add3A_557 = arith.constant 48 : i32
        %add3A_558 = arith.addi %mul3A_556, %add3A_557 : i32
        %get3A_559 = arith.index_cast %add3A_558 : i32 to index
        %get3A_560 = tpu.vector_load %arg9[%get3A_559] {strides = array<i32>} : memref<6544xi32, #tpu.memory_space<vmem>>, vector<16xi32>,
        %swap3A_561 = arith.constant 48 : index
        %swap3A_562 = tpu.vector_load %arg14[%swap3A_561] {strides = array<i32>} : memref<128xi32, #tpu.memory_space<vmem>>, vector<16xi32>,
        tpu.vector_store %arg14[%swap3A_561], %get3A_560 {strides = array<i32>} : memref<128xi32, #tpu.memory_space<vmem>>, vector<16xi32>,
        %mul3A_563 = arith.constant 128 : i32
        %mul3A_564 = arith.muli %add3A_358, %mul3A_563 : i32
        %add3A_565 = arith.constant 48 : i32
        %add3A_566 = arith.addi %mul3A_564, %add3A_565 : i32
        %get3A_567 = arith.index_cast %add3A_566 : i32 to index
        %get3A_568 = tpu.vector_load %arg10[%get3A_567] {strides = array<i32>} : memref<6544xi32, #tpu.memory_space<vmem>>, vector<16xi32>,
        %swap3A_569 = arith.constant 48 : index
        %swap3A_570 = tpu.vector_load %arg22[%swap3A_569] {strides = array<i32>} : memref<128xi32, #tpu.memory_space<vmem>>, vector<16xi32>,
        tpu.vector_store %arg22[%swap3A_569], %get3A_568 {strides = array<i32>} : memref<128xi32, #tpu.memory_space<vmem>>, vector<16xi32>,
        %mul3A_571 = arith.constant 128 : i32
        %mul3A_572 = arith.muli %add3A_358, %mul3A_571 : i32
        %add3A_573 = arith.constant 64 : i32
        %add3A_574 = arith.addi %mul3A_572, %add3A_573 : i32
        %get3A_575 = arith.index_cast %add3A_574 : i32 to index
        %get3A_576 = tpu.vector_load %arg9[%get3A_575] {strides = array<i32>} : memref<6544xi32, #tpu.memory_space<vmem>>, vector<16xi32>,
        %swap3A_577 = arith.constant 64 : index
        %swap3A_578 = tpu.vector_load %arg14[%swap3A_577] {strides = array<i32>} : memref<128xi32, #tpu.memory_space<vmem>>, vector<16xi32>,
        tpu.vector_store %arg14[%swap3A_577], %get3A_576 {strides = array<i32>} : memref<128xi32, #tpu.memory_space<vmem>>, vector<16xi32>,
        %mul3A_579 = arith.constant 128 : i32
        %mul3A_580 = arith.muli %add3A_358, %mul3A_579 : i32
        %add3A_581 = arith.constant 64 : i32
        %add3A_582 = arith.addi %mul3A_580, %add3A_581 : i32
        %get3A_583 = arith.index_cast %add3A_582 : i32 to index
        %get3A_584 = tpu.vector_load %arg10[%get3A_583] {strides = array<i32>} : memref<6544xi32, #tpu.memory_space<vmem>>, vector<16xi32>,
        %swap3A_585 = arith.constant 64 : index
        %swap3A_586 = tpu.vector_load %arg22[%swap3A_585] {strides = array<i32>} : memref<128xi32, #tpu.memory_space<vmem>>, vector<16xi32>,
        tpu.vector_store %arg22[%swap3A_585], %get3A_584 {strides = array<i32>} : memref<128xi32, #tpu.memory_space<vmem>>, vector<16xi32>,
        %mul3A_587 = arith.constant 128 : i32
        %mul3A_588 = arith.muli %add3A_358, %mul3A_587 : i32
        %add3A_589 = arith.constant 80 : i32
        %add3A_590 = arith.addi %mul3A_588, %add3A_589 : i32
        %get3A_591 = arith.index_cast %add3A_590 : i32 to index
        %get3A_592 = tpu.vector_load %arg9[%get3A_591] {strides = array<i32>} : memref<6544xi32, #tpu.memory_space<vmem>>, vector<16xi32>,
        %swap3A_593 = arith.constant 80 : index
        %swap3A_594 = tpu.vector_load %arg14[%swap3A_593] {strides = array<i32>} : memref<128xi32, #tpu.memory_space<vmem>>, vector<16xi32>,
        tpu.vector_store %arg14[%swap3A_593], %get3A_592 {strides = array<i32>} : memref<128xi32, #tpu.memory_space<vmem>>, vector<16xi32>,
        %mul3A_595 = arith.constant 128 : i32
        %mul3A_596 = arith.muli %add3A_358, %mul3A_595 : i32
        %add3A_597 = arith.constant 80 : i32
        %add3A_598 = arith.addi %mul3A_596, %add3A_597 : i32
        %get3A_599 = arith.index_cast %add3A_598 : i32 to index
        %get3A_600 = tpu.vector_load %arg10[%get3A_599] {strides = array<i32>} : memref<6544xi32, #tpu.memory_space<vmem>>, vector<16xi32>,
        %swap3A_601 = arith.constant 80 : index
        %swap3A_602 = tpu.vector_load %arg22[%swap3A_601] {strides = array<i32>} : memref<128xi32, #tpu.memory_space<vmem>>, vector<16xi32>,
        tpu.vector_store %arg22[%swap3A_601], %get3A_600 {strides = array<i32>} : memref<128xi32, #tpu.memory_space<vmem>>, vector<16xi32>,
        %mul3A_603 = arith.constant 128 : i32
        %mul3A_604 = arith.muli %add3A_358, %mul3A_603 : i32
        %add3A_605 = arith.constant 96 : i32
        %add3A_606 = arith.addi %mul3A_604, %add3A_605 : i32
        %get3A_607 = arith.index_cast %add3A_606 : i32 to index
        %get3A_608 = tpu.vector_load %arg9[%get3A_607] {strides = array<i32>} : memref<6544xi32, #tpu.memory_space<vmem>>, vector<16xi32>,
        %swap3A_609 = arith.constant 96 : index
        %swap3A_610 = tpu.vector_load %arg14[%swap3A_609] {strides = array<i32>} : memref<128xi32, #tpu.memory_space<vmem>>, vector<16xi32>,
        tpu.vector_store %arg14[%swap3A_609], %get3A_608 {strides = array<i32>} : memref<128xi32, #tpu.memory_space<vmem>>, vector<16xi32>,
        %mul3A_611 = arith.constant 128 : i32
        %mul3A_612 = arith.muli %add3A_358, %mul3A_611 : i32
        %add3A_613 = arith.constant 96 : i32
        %add3A_614 = arith.addi %mul3A_612, %add3A_613 : i32
        %get3A_615 = arith.index_cast %add3A_614 : i32 to index
        %get3A_616 = tpu.vector_load %arg10[%get3A_615] {strides = array<i32>} : memref<6544xi32, #tpu.memory_space<vmem>>, vector<16xi32>,
        %swap3A_617 = arith.constant 96 : index
        %swap3A_618 = tpu.vector_load %arg22[%swap3A_617] {strides = array<i32>} : memref<128xi32, #tpu.memory_space<vmem>>, vector<16xi32>,
        tpu.vector_store %arg22[%swap3A_617], %get3A_616 {strides = array<i32>} : memref<128xi32, #tpu.memory_space<vmem>>, vector<16xi32>,
        %mul3A_619 = arith.constant 128 : i32
        %mul3A_620 = arith.muli %add3A_358, %mul3A_619 : i32
        %add3A_621 = arith.constant 112 : i32
        %add3A_622 = arith.addi %mul3A_620, %add3A_621 : i32
        %get3A_623 = arith.index_cast %add3A_622 : i32 to index
        %get3A_624 = tpu.vector_load %arg9[%get3A_623] {strides = array<i32>} : memref<6544xi32, #tpu.memory_space<vmem>>, vector<16xi32>,
        %swap3A_625 = arith.constant 112 : index
        %swap3A_626 = tpu.vector_load %arg14[%swap3A_625] {strides = array<i32>} : memref<128xi32, #tpu.memory_space<vmem>>, vector<16xi32>,
        tpu.vector_store %arg14[%swap3A_625], %get3A_624 {strides = array<i32>} : memref<128xi32, #tpu.memory_space<vmem>>, vector<16xi32>,
        %mul3A_627 = arith.constant 128 : i32
        %mul3A_628 = arith.muli %add3A_358, %mul3A_627 : i32
        %add3A_629 = arith.constant 112 : i32
        %add3A_630 = arith.addi %mul3A_628, %add3A_629 : i32
        %get3A_631 = arith.index_cast %add3A_630 : i32 to index
        %get3A_632 = tpu.vector_load %arg10[%get3A_631] {strides = array<i32>} : memref<6544xi32, #tpu.memory_space<vmem>>, vector<16xi32>,
        %swap3A_633 = arith.constant 112 : index
        %swap3A_634 = tpu.vector_load %arg22[%swap3A_633] {strides = array<i32>} : memref<128xi32, #tpu.memory_space<vmem>>, vector<16xi32>,
        tpu.vector_store %arg22[%swap3A_633], %get3A_632 {strides = array<i32>} : memref<128xi32, #tpu.memory_space<vmem>>, vector<16xi32>,
        %dma_start3A = arith.constant 2 : i32
        %dma_start3A_635 = arith.constant 0 : i32
        %dma_start3A_636 = arith.constant 0 : i32
        %dma_start3A_637 = tpu.memref_slice %arg11[%dma_start3A, %dma_start3A_635, %dma_start3A_636] : memref<8x128x64xf32, #tpu.memory_space<vmem>> -> memref<1x128x64xf32, #tpu.memory_space<vmem>>
        %dma_start3A_638 = tpu.memref_squeeze %dma_start3A_637 : memref<1x128x64xf32, #tpu.memory_space<vmem>> -> memref<128x64xf32, #tpu.memory_space<vmem>>
        %dma_start3A_639 = arith.constant 0 : i32
        %dma_start3A_640 = arith.constant 0 : i32
        %dma_start3A_641 = tpu.memref_slice %arg4[%dma_start3A_639, %dma_start3A_640] : memref<50000x64xf32, #tpu.memory_space<hbm>> -> memref<50000x64xf32, #tpu.memory_space<hbm>>
        tpu.enqueue_indirect_dma source(%dma_start3A_641 : memref<50000x64xf32, #tpu.memory_space<hbm>>) target(%dma_start3A_638 : memref<128x64xf32, #tpu.memory_space<vmem>>) offsets(%arg14 : memref<128xi32, #tpu.memory_space<vmem>>) semaphore(%arg30 : memref<!tpu.dma_semaphore, #tpu.memory_space<semaphore_mem>>)
      } else {
      }
      %mul3A_370 = arith.constant 8 : i32
      %mul3A_371 = arith.muli %scan3A_325, %mul3A_370 : i32
      %add3A_372 = arith.constant 3 : i32
      %add3A_373 = arith.addi %mul3A_371, %add3A_372 : i32
      %lt3A_374 = arith.cmpi slt, %add3A_373, %select_n3A_278 : i32
      %gt3A_375 = arith.constant 0 : i32
      %gt3A_376 = arith.cmpi sgt, %scan3A_325, %gt3A_375 : i32
      %and3A_377 = arith.andi %lt3A_374, %gt3A_376 : i1
      %convert_element_type3A_378 = arith.extui %and3A_377 : i1 to i32
      %cond3A_379 = arith.constant 0 : i32
      %cond3A_380 = arith.cmpi ne, %convert_element_type3A_378, %cond3A_379 : i32
      scf.if %cond3A_380 {
        %dma_wait3A = arith.constant 3 : i32
        %dma_wait3A_509 = arith.constant 0 : i32
        %dma_wait3A_510 = arith.constant 0 : i32
        %dma_wait3A_511 = tpu.memref_slice %arg11[%dma_wait3A, %dma_wait3A_509, %dma_wait3A_510] : memref<8x128x64xf32, #tpu.memory_space<vmem>> -> memref<1x128x64xf32, #tpu.memory_space<vmem>>
        %dma_wait3A_512 = tpu.memref_squeeze %dma_wait3A_511 : memref<1x128x64xf32, #tpu.memory_space<vmem>> -> memref<128x64xf32, #tpu.memory_space<vmem>>
        %dma_wait3A_513 = arith.constant 0 : i32
        %dma_wait3A_514 = arith.constant 0 : i32
        %dma_wait3A_515 = tpu.memref_slice %arg5[%dma_wait3A_513, %dma_wait3A_514] : memref<204800x64xf32, #tpu.memory_space<hbm>> -> memref<128x64xf32, #tpu.memory_space<hbm>>
        %dma_wait3A_516 = arith.constant 0 : i32
        %dma_wait3A_517 = arith.constant 0 : i32
        %dma_wait3A_518 = tpu.memref_slice %arg5[%dma_wait3A_516, %dma_wait3A_517] : memref<204800x64xf32, #tpu.memory_space<hbm>> -> memref<128x64xf32, #tpu.memory_space<hbm>>
        %dma_wait3A_519 = arith.constant 0 : i32
        %dma_wait3A_520 = arith.constant 0 : i32
        %dma_wait3A_521 = tpu.memref_slice %arg11[%dma_wait3A, %dma_wait3A_519, %dma_wait3A_520] : memref<8x128x64xf32, #tpu.memory_space<vmem>> -> memref<1x128x64xf32, #tpu.memory_space<vmem>>
        %dma_wait3A_522 = tpu.memref_squeeze %dma_wait3A_521 : memref<1x128x64xf32, #tpu.memory_space<vmem>> -> memref<128x64xf32, #tpu.memory_space<vmem>>
        tpu.wait_dma2 semaphore(%arg39 : memref<!tpu.dma_semaphore, #tpu.memory_space<semaphore_mem>>) src(%dma_wait3A_522 : memref<128x64xf32, #tpu.memory_space<vmem>>) dst(%dma_wait3A_518 : memref<128x64xf32, #tpu.memory_space<hbm>>)
      } else {
      }
      %lt3A_381 = arith.cmpi slt, %add3A_373, %select_n3A_278 : i32
      %convert_element_type3A_382 = arith.extui %lt3A_381 : i1 to i32
      %cond3A_383 = arith.constant 0 : i32
      %cond3A_384 = arith.cmpi ne, %convert_element_type3A_382, %cond3A_383 : i32
      scf.if %cond3A_384 {
        %mul3A_509 = arith.constant 128 : i32
        %mul3A_510 = arith.muli %add3A_373, %mul3A_509 : i32
        %add3A_511 = arith.constant 0 : i32
        %add3A_512 = arith.addi %mul3A_510, %add3A_511 : i32
        %get3A = arith.index_cast %add3A_512 : i32 to index
        %get3A_513 = tpu.vector_load %arg9[%get3A] {strides = array<i32>} : memref<6544xi32, #tpu.memory_space<vmem>>, vector<16xi32>,
        %swap3A = arith.constant 0 : index
        %swap3A_514 = tpu.vector_load %arg15[%swap3A] {strides = array<i32>} : memref<128xi32, #tpu.memory_space<vmem>>, vector<16xi32>,
        tpu.vector_store %arg15[%swap3A], %get3A_513 {strides = array<i32>} : memref<128xi32, #tpu.memory_space<vmem>>, vector<16xi32>,
        %mul3A_515 = arith.constant 128 : i32
        %mul3A_516 = arith.muli %add3A_373, %mul3A_515 : i32
        %add3A_517 = arith.constant 0 : i32
        %add3A_518 = arith.addi %mul3A_516, %add3A_517 : i32
        %get3A_519 = arith.index_cast %add3A_518 : i32 to index
        %get3A_520 = tpu.vector_load %arg10[%get3A_519] {strides = array<i32>} : memref<6544xi32, #tpu.memory_space<vmem>>, vector<16xi32>,
        %swap3A_521 = arith.constant 0 : index
        %swap3A_522 = tpu.vector_load %arg23[%swap3A_521] {strides = array<i32>} : memref<128xi32, #tpu.memory_space<vmem>>, vector<16xi32>,
        tpu.vector_store %arg23[%swap3A_521], %get3A_520 {strides = array<i32>} : memref<128xi32, #tpu.memory_space<vmem>>, vector<16xi32>,
        %mul3A_523 = arith.constant 128 : i32
        %mul3A_524 = arith.muli %add3A_373, %mul3A_523 : i32
        %add3A_525 = arith.constant 16 : i32
        %add3A_526 = arith.addi %mul3A_524, %add3A_525 : i32
        %get3A_527 = arith.index_cast %add3A_526 : i32 to index
        %get3A_528 = tpu.vector_load %arg9[%get3A_527] {strides = array<i32>} : memref<6544xi32, #tpu.memory_space<vmem>>, vector<16xi32>,
        %swap3A_529 = arith.constant 16 : index
        %swap3A_530 = tpu.vector_load %arg15[%swap3A_529] {strides = array<i32>} : memref<128xi32, #tpu.memory_space<vmem>>, vector<16xi32>,
        tpu.vector_store %arg15[%swap3A_529], %get3A_528 {strides = array<i32>} : memref<128xi32, #tpu.memory_space<vmem>>, vector<16xi32>,
        %mul3A_531 = arith.constant 128 : i32
        %mul3A_532 = arith.muli %add3A_373, %mul3A_531 : i32
        %add3A_533 = arith.constant 16 : i32
        %add3A_534 = arith.addi %mul3A_532, %add3A_533 : i32
        %get3A_535 = arith.index_cast %add3A_534 : i32 to index
        %get3A_536 = tpu.vector_load %arg10[%get3A_535] {strides = array<i32>} : memref<6544xi32, #tpu.memory_space<vmem>>, vector<16xi32>,
        %swap3A_537 = arith.constant 16 : index
        %swap3A_538 = tpu.vector_load %arg23[%swap3A_537] {strides = array<i32>} : memref<128xi32, #tpu.memory_space<vmem>>, vector<16xi32>,
        tpu.vector_store %arg23[%swap3A_537], %get3A_536 {strides = array<i32>} : memref<128xi32, #tpu.memory_space<vmem>>, vector<16xi32>,
        %mul3A_539 = arith.constant 128 : i32
        %mul3A_540 = arith.muli %add3A_373, %mul3A_539 : i32
        %add3A_541 = arith.constant 32 : i32
        %add3A_542 = arith.addi %mul3A_540, %add3A_541 : i32
        %get3A_543 = arith.index_cast %add3A_542 : i32 to index
        %get3A_544 = tpu.vector_load %arg9[%get3A_543] {strides = array<i32>} : memref<6544xi32, #tpu.memory_space<vmem>>, vector<16xi32>,
        %swap3A_545 = arith.constant 32 : index
        %swap3A_546 = tpu.vector_load %arg15[%swap3A_545] {strides = array<i32>} : memref<128xi32, #tpu.memory_space<vmem>>, vector<16xi32>,
        tpu.vector_store %arg15[%swap3A_545], %get3A_544 {strides = array<i32>} : memref<128xi32, #tpu.memory_space<vmem>>, vector<16xi32>,
        %mul3A_547 = arith.constant 128 : i32
        %mul3A_548 = arith.muli %add3A_373, %mul3A_547 : i32
        %add3A_549 = arith.constant 32 : i32
        %add3A_550 = arith.addi %mul3A_548, %add3A_549 : i32
        %get3A_551 = arith.index_cast %add3A_550 : i32 to index
        %get3A_552 = tpu.vector_load %arg10[%get3A_551] {strides = array<i32>} : memref<6544xi32, #tpu.memory_space<vmem>>, vector<16xi32>,
        %swap3A_553 = arith.constant 32 : index
        %swap3A_554 = tpu.vector_load %arg23[%swap3A_553] {strides = array<i32>} : memref<128xi32, #tpu.memory_space<vmem>>, vector<16xi32>,
        tpu.vector_store %arg23[%swap3A_553], %get3A_552 {strides = array<i32>} : memref<128xi32, #tpu.memory_space<vmem>>, vector<16xi32>,
        %mul3A_555 = arith.constant 128 : i32
        %mul3A_556 = arith.muli %add3A_373, %mul3A_555 : i32
        %add3A_557 = arith.constant 48 : i32
        %add3A_558 = arith.addi %mul3A_556, %add3A_557 : i32
        %get3A_559 = arith.index_cast %add3A_558 : i32 to index
        %get3A_560 = tpu.vector_load %arg9[%get3A_559] {strides = array<i32>} : memref<6544xi32, #tpu.memory_space<vmem>>, vector<16xi32>,
        %swap3A_561 = arith.constant 48 : index
        %swap3A_562 = tpu.vector_load %arg15[%swap3A_561] {strides = array<i32>} : memref<128xi32, #tpu.memory_space<vmem>>, vector<16xi32>,
        tpu.vector_store %arg15[%swap3A_561], %get3A_560 {strides = array<i32>} : memref<128xi32, #tpu.memory_space<vmem>>, vector<16xi32>,
        %mul3A_563 = arith.constant 128 : i32
        %mul3A_564 = arith.muli %add3A_373, %mul3A_563 : i32
        %add3A_565 = arith.constant 48 : i32
        %add3A_566 = arith.addi %mul3A_564, %add3A_565 : i32
        %get3A_567 = arith.index_cast %add3A_566 : i32 to index
        %get3A_568 = tpu.vector_load %arg10[%get3A_567] {strides = array<i32>} : memref<6544xi32, #tpu.memory_space<vmem>>, vector<16xi32>,
        %swap3A_569 = arith.constant 48 : index
        %swap3A_570 = tpu.vector_load %arg23[%swap3A_569] {strides = array<i32>} : memref<128xi32, #tpu.memory_space<vmem>>, vector<16xi32>,
        tpu.vector_store %arg23[%swap3A_569], %get3A_568 {strides = array<i32>} : memref<128xi32, #tpu.memory_space<vmem>>, vector<16xi32>,
        %mul3A_571 = arith.constant 128 : i32
        %mul3A_572 = arith.muli %add3A_373, %mul3A_571 : i32
        %add3A_573 = arith.constant 64 : i32
        %add3A_574 = arith.addi %mul3A_572, %add3A_573 : i32
        %get3A_575 = arith.index_cast %add3A_574 : i32 to index
        %get3A_576 = tpu.vector_load %arg9[%get3A_575] {strides = array<i32>} : memref<6544xi32, #tpu.memory_space<vmem>>, vector<16xi32>,
        %swap3A_577 = arith.constant 64 : index
        %swap3A_578 = tpu.vector_load %arg15[%swap3A_577] {strides = array<i32>} : memref<128xi32, #tpu.memory_space<vmem>>, vector<16xi32>,
        tpu.vector_store %arg15[%swap3A_577], %get3A_576 {strides = array<i32>} : memref<128xi32, #tpu.memory_space<vmem>>, vector<16xi32>,
        %mul3A_579 = arith.constant 128 : i32
        %mul3A_580 = arith.muli %add3A_373, %mul3A_579 : i32
        %add3A_581 = arith.constant 64 : i32
        %add3A_582 = arith.addi %mul3A_580, %add3A_581 : i32
        %get3A_583 = arith.index_cast %add3A_582 : i32 to index
        %get3A_584 = tpu.vector_load %arg10[%get3A_583] {strides = array<i32>} : memref<6544xi32, #tpu.memory_space<vmem>>, vector<16xi32>,
        %swap3A_585 = arith.constant 64 : index
        %swap3A_586 = tpu.vector_load %arg23[%swap3A_585] {strides = array<i32>} : memref<128xi32, #tpu.memory_space<vmem>>, vector<16xi32>,
        tpu.vector_store %arg23[%swap3A_585], %get3A_584 {strides = array<i32>} : memref<128xi32, #tpu.memory_space<vmem>>, vector<16xi32>,
        %mul3A_587 = arith.constant 128 : i32
        %mul3A_588 = arith.muli %add3A_373, %mul3A_587 : i32
        %add3A_589 = arith.constant 80 : i32
        %add3A_590 = arith.addi %mul3A_588, %add3A_589 : i32
        %get3A_591 = arith.index_cast %add3A_590 : i32 to index
        %get3A_592 = tpu.vector_load %arg9[%get3A_591] {strides = array<i32>} : memref<6544xi32, #tpu.memory_space<vmem>>, vector<16xi32>,
        %swap3A_593 = arith.constant 80 : index
        %swap3A_594 = tpu.vector_load %arg15[%swap3A_593] {strides = array<i32>} : memref<128xi32, #tpu.memory_space<vmem>>, vector<16xi32>,
        tpu.vector_store %arg15[%swap3A_593], %get3A_592 {strides = array<i32>} : memref<128xi32, #tpu.memory_space<vmem>>, vector<16xi32>,
        %mul3A_595 = arith.constant 128 : i32
        %mul3A_596 = arith.muli %add3A_373, %mul3A_595 : i32
        %add3A_597 = arith.constant 80 : i32
        %add3A_598 = arith.addi %mul3A_596, %add3A_597 : i32
        %get3A_599 = arith.index_cast %add3A_598 : i32 to index
        %get3A_600 = tpu.vector_load %arg10[%get3A_599] {strides = array<i32>} : memref<6544xi32, #tpu.memory_space<vmem>>, vector<16xi32>,
        %swap3A_601 = arith.constant 80 : index
        %swap3A_602 = tpu.vector_load %arg23[%swap3A_601] {strides = array<i32>} : memref<128xi32, #tpu.memory_space<vmem>>, vector<16xi32>,
        tpu.vector_store %arg23[%swap3A_601], %get3A_600 {strides = array<i32>} : memref<128xi32, #tpu.memory_space<vmem>>, vector<16xi32>,
        %mul3A_603 = arith.constant 128 : i32
        %mul3A_604 = arith.muli %add3A_373, %mul3A_603 : i32
        %add3A_605 = arith.constant 96 : i32
        %add3A_606 = arith.addi %mul3A_604, %add3A_605 : i32
        %get3A_607 = arith.index_cast %add3A_606 : i32 to index
        %get3A_608 = tpu.vector_load %arg9[%get3A_607] {strides = array<i32>} : memref<6544xi32, #tpu.memory_space<vmem>>, vector<16xi32>,
        %swap3A_609 = arith.constant 96 : index
        %swap3A_610 = tpu.vector_load %arg15[%swap3A_609] {strides = array<i32>} : memref<128xi32, #tpu.memory_space<vmem>>, vector<16xi32>,
        tpu.vector_store %arg15[%swap3A_609], %get3A_608 {strides = array<i32>} : memref<128xi32, #tpu.memory_space<vmem>>, vector<16xi32>,
        %mul3A_611 = arith.constant 128 : i32
        %mul3A_612 = arith.muli %add3A_373, %mul3A_611 : i32
        %add3A_613 = arith.constant 96 : i32
        %add3A_614 = arith.addi %mul3A_612, %add3A_613 : i32
        %get3A_615 = arith.index_cast %add3A_614 : i32 to index
        %get3A_616 = tpu.vector_load %arg10[%get3A_615] {strides = array<i32>} : memref<6544xi32, #tpu.memory_space<vmem>>, vector<16xi32>,
        %swap3A_617 = arith.constant 96 : index
        %swap3A_618 = tpu.vector_load %arg23[%swap3A_617] {strides = array<i32>} : memref<128xi32, #tpu.memory_space<vmem>>, vector<16xi32>,
        tpu.vector_store %arg23[%swap3A_617], %get3A_616 {strides = array<i32>} : memref<128xi32, #tpu.memory_space<vmem>>, vector<16xi32>,
        %mul3A_619 = arith.constant 128 : i32
        %mul3A_620 = arith.muli %add3A_373, %mul3A_619 : i32
        %add3A_621 = arith.constant 112 : i32
        %add3A_622 = arith.addi %mul3A_620, %add3A_621 : i32
        %get3A_623 = arith.index_cast %add3A_622 : i32 to index
        %get3A_624 = tpu.vector_load %arg9[%get3A_623] {strides = array<i32>} : memref<6544xi32, #tpu.memory_space<vmem>>, vector<16xi32>,
        %swap3A_625 = arith.constant 112 : index
        %swap3A_626 = tpu.vector_load %arg15[%swap3A_625] {strides = array<i32>} : memref<128xi32, #tpu.memory_space<vmem>>, vector<16xi32>,
        tpu.vector_store %arg15[%swap3A_625], %get3A_624 {strides = array<i32>} : memref<128xi32, #tpu.memory_space<vmem>>, vector<16xi32>,
        %mul3A_627 = arith.constant 128 : i32
        %mul3A_628 = arith.muli %add3A_373, %mul3A_627 : i32
        %add3A_629 = arith.constant 112 : i32
        %add3A_630 = arith.addi %mul3A_628, %add3A_629 : i32
        %get3A_631 = arith.index_cast %add3A_630 : i32 to index
        %get3A_632 = tpu.vector_load %arg10[%get3A_631] {strides = array<i32>} : memref<6544xi32, #tpu.memory_space<vmem>>, vector<16xi32>,
        %swap3A_633 = arith.constant 112 : index
        %swap3A_634 = tpu.vector_load %arg23[%swap3A_633] {strides = array<i32>} : memref<128xi32, #tpu.memory_space<vmem>>, vector<16xi32>,
        tpu.vector_store %arg23[%swap3A_633], %get3A_632 {strides = array<i32>} : memref<128xi32, #tpu.memory_space<vmem>>, vector<16xi32>,
        %dma_start3A = arith.constant 3 : i32
        %dma_start3A_635 = arith.constant 0 : i32
        %dma_start3A_636 = arith.constant 0 : i32
        %dma_start3A_637 = tpu.memref_slice %arg11[%dma_start3A, %dma_start3A_635, %dma_start3A_636] : memref<8x128x64xf32, #tpu.memory_space<vmem>> -> memref<1x128x64xf32, #tpu.memory_space<vmem>>
        %dma_start3A_638 = tpu.memref_squeeze %dma_start3A_637 : memref<1x128x64xf32, #tpu.memory_space<vmem>> -> memref<128x64xf32, #tpu.memory_space<vmem>>
        %dma_start3A_639 = arith.constant 0 : i32
        %dma_start3A_640 = arith.constant 0 : i32
        %dma_start3A_641 = tpu.memref_slice %arg4[%dma_start3A_639, %dma_start3A_640] : memref<50000x64xf32, #tpu.memory_space<hbm>> -> memref<50000x64xf32, #tpu.memory_space<hbm>>
        tpu.enqueue_indirect_dma source(%dma_start3A_641 : memref<50000x64xf32, #tpu.memory_space<hbm>>) target(%dma_start3A_638 : memref<128x64xf32, #tpu.memory_space<vmem>>) offsets(%arg15 : memref<128xi32, #tpu.memory_space<vmem>>) semaphore(%arg31 : memref<!tpu.dma_semaphore, #tpu.memory_space<semaphore_mem>>)
      } else {
      }
      %mul3A_385 = arith.constant 8 : i32
      %mul3A_386 = arith.muli %scan3A_325, %mul3A_385 : i32
      %add3A_387 = arith.constant 4 : i32
      %add3A_388 = arith.addi %mul3A_386, %add3A_387 : i32
      %lt3A_389 = arith.cmpi slt, %add3A_388, %select_n3A_278 : i32
      %gt3A_390 = arith.constant 0 : i32
      %gt3A_391 = arith.cmpi sgt, %scan3A_325, %gt3A_390 : i32
      %and3A_392 = arith.andi %lt3A_389, %gt3A_391 : i1
      %convert_element_type3A_393 = arith.extui %and3A_392 : i1 to i32
      %cond3A_394 = arith.constant 0 : i32
      %cond3A_395 = arith.cmpi ne, %convert_element_type3A_393, %cond3A_394 : i32
      scf.if %cond3A_395 {
        %dma_wait3A = arith.constant 4 : i32
        %dma_wait3A_509 = arith.constant 0 : i32
        %dma_wait3A_510 = arith.constant 0 : i32
        %dma_wait3A_511 = tpu.memref_slice %arg11[%dma_wait3A, %dma_wait3A_509, %dma_wait3A_510] : memref<8x128x64xf32, #tpu.memory_space<vmem>> -> memref<1x128x64xf32, #tpu.memory_space<vmem>>
        %dma_wait3A_512 = tpu.memref_squeeze %dma_wait3A_511 : memref<1x128x64xf32, #tpu.memory_space<vmem>> -> memref<128x64xf32, #tpu.memory_space<vmem>>
        %dma_wait3A_513 = arith.constant 0 : i32
        %dma_wait3A_514 = arith.constant 0 : i32
        %dma_wait3A_515 = tpu.memref_slice %arg5[%dma_wait3A_513, %dma_wait3A_514] : memref<204800x64xf32, #tpu.memory_space<hbm>> -> memref<128x64xf32, #tpu.memory_space<hbm>>
        %dma_wait3A_516 = arith.constant 0 : i32
        %dma_wait3A_517 = arith.constant 0 : i32
        %dma_wait3A_518 = tpu.memref_slice %arg5[%dma_wait3A_516, %dma_wait3A_517] : memref<204800x64xf32, #tpu.memory_space<hbm>> -> memref<128x64xf32, #tpu.memory_space<hbm>>
        %dma_wait3A_519 = arith.constant 0 : i32
        %dma_wait3A_520 = arith.constant 0 : i32
        %dma_wait3A_521 = tpu.memref_slice %arg11[%dma_wait3A, %dma_wait3A_519, %dma_wait3A_520] : memref<8x128x64xf32, #tpu.memory_space<vmem>> -> memref<1x128x64xf32, #tpu.memory_space<vmem>>
        %dma_wait3A_522 = tpu.memref_squeeze %dma_wait3A_521 : memref<1x128x64xf32, #tpu.memory_space<vmem>> -> memref<128x64xf32, #tpu.memory_space<vmem>>
        tpu.wait_dma2 semaphore(%arg40 : memref<!tpu.dma_semaphore, #tpu.memory_space<semaphore_mem>>) src(%dma_wait3A_522 : memref<128x64xf32, #tpu.memory_space<vmem>>) dst(%dma_wait3A_518 : memref<128x64xf32, #tpu.memory_space<hbm>>)
      } else {
      }
      %lt3A_396 = arith.cmpi slt, %add3A_388, %select_n3A_278 : i32
      %convert_element_type3A_397 = arith.extui %lt3A_396 : i1 to i32
      %cond3A_398 = arith.constant 0 : i32
      %cond3A_399 = arith.cmpi ne, %convert_element_type3A_397, %cond3A_398 : i32
      scf.if %cond3A_399 {
        %mul3A_509 = arith.constant 128 : i32
        %mul3A_510 = arith.muli %add3A_388, %mul3A_509 : i32
        %add3A_511 = arith.constant 0 : i32
        %add3A_512 = arith.addi %mul3A_510, %add3A_511 : i32
        %get3A = arith.index_cast %add3A_512 : i32 to index
        %get3A_513 = tpu.vector_load %arg9[%get3A] {strides = array<i32>} : memref<6544xi32, #tpu.memory_space<vmem>>, vector<16xi32>,
        %swap3A = arith.constant 0 : index
        %swap3A_514 = tpu.vector_load %arg16[%swap3A] {strides = array<i32>} : memref<128xi32, #tpu.memory_space<vmem>>, vector<16xi32>,
        tpu.vector_store %arg16[%swap3A], %get3A_513 {strides = array<i32>} : memref<128xi32, #tpu.memory_space<vmem>>, vector<16xi32>,
        %mul3A_515 = arith.constant 128 : i32
        %mul3A_516 = arith.muli %add3A_388, %mul3A_515 : i32
        %add3A_517 = arith.constant 0 : i32
        %add3A_518 = arith.addi %mul3A_516, %add3A_517 : i32
        %get3A_519 = arith.index_cast %add3A_518 : i32 to index
        %get3A_520 = tpu.vector_load %arg10[%get3A_519] {strides = array<i32>} : memref<6544xi32, #tpu.memory_space<vmem>>, vector<16xi32>,
        %swap3A_521 = arith.constant 0 : index
        %swap3A_522 = tpu.vector_load %arg24[%swap3A_521] {strides = array<i32>} : memref<128xi32, #tpu.memory_space<vmem>>, vector<16xi32>,
        tpu.vector_store %arg24[%swap3A_521], %get3A_520 {strides = array<i32>} : memref<128xi32, #tpu.memory_space<vmem>>, vector<16xi32>,
        %mul3A_523 = arith.constant 128 : i32
        %mul3A_524 = arith.muli %add3A_388, %mul3A_523 : i32
        %add3A_525 = arith.constant 16 : i32
        %add3A_526 = arith.addi %mul3A_524, %add3A_525 : i32
        %get3A_527 = arith.index_cast %add3A_526 : i32 to index
        %get3A_528 = tpu.vector_load %arg9[%get3A_527] {strides = array<i32>} : memref<6544xi32, #tpu.memory_space<vmem>>, vector<16xi32>,
        %swap3A_529 = arith.constant 16 : index
        %swap3A_530 = tpu.vector_load %arg16[%swap3A_529] {strides = array<i32>} : memref<128xi32, #tpu.memory_space<vmem>>, vector<16xi32>,
        tpu.vector_store %arg16[%swap3A_529], %get3A_528 {strides = array<i32>} : memref<128xi32, #tpu.memory_space<vmem>>, vector<16xi32>,
        %mul3A_531 = arith.constant 128 : i32
        %mul3A_532 = arith.muli %add3A_388, %mul3A_531 : i32
        %add3A_533 = arith.constant 16 : i32
        %add3A_534 = arith.addi %mul3A_532, %add3A_533 : i32
        %get3A_535 = arith.index_cast %add3A_534 : i32 to index
        %get3A_536 = tpu.vector_load %arg10[%get3A_535] {strides = array<i32>} : memref<6544xi32, #tpu.memory_space<vmem>>, vector<16xi32>,
        %swap3A_537 = arith.constant 16 : index
        %swap3A_538 = tpu.vector_load %arg24[%swap3A_537] {strides = array<i32>} : memref<128xi32, #tpu.memory_space<vmem>>, vector<16xi32>,
        tpu.vector_store %arg24[%swap3A_537], %get3A_536 {strides = array<i32>} : memref<128xi32, #tpu.memory_space<vmem>>, vector<16xi32>,
        %mul3A_539 = arith.constant 128 : i32
        %mul3A_540 = arith.muli %add3A_388, %mul3A_539 : i32
        %add3A_541 = arith.constant 32 : i32
        %add3A_542 = arith.addi %mul3A_540, %add3A_541 : i32
        %get3A_543 = arith.index_cast %add3A_542 : i32 to index
        %get3A_544 = tpu.vector_load %arg9[%get3A_543] {strides = array<i32>} : memref<6544xi32, #tpu.memory_space<vmem>>, vector<16xi32>,
        %swap3A_545 = arith.constant 32 : index
        %swap3A_546 = tpu.vector_load %arg16[%swap3A_545] {strides = array<i32>} : memref<128xi32, #tpu.memory_space<vmem>>, vector<16xi32>,
        tpu.vector_store %arg16[%swap3A_545], %get3A_544 {strides = array<i32>} : memref<128xi32, #tpu.memory_space<vmem>>, vector<16xi32>,
        %mul3A_547 = arith.constant 128 : i32
        %mul3A_548 = arith.muli %add3A_388, %mul3A_547 : i32
        %add3A_549 = arith.constant 32 : i32
        %add3A_550 = arith.addi %mul3A_548, %add3A_549 : i32
        %get3A_551 = arith.index_cast %add3A_550 : i32 to index
        %get3A_552 = tpu.vector_load %arg10[%get3A_551] {strides = array<i32>} : memref<6544xi32, #tpu.memory_space<vmem>>, vector<16xi32>,
        %swap3A_553 = arith.constant 32 : index
        %swap3A_554 = tpu.vector_load %arg24[%swap3A_553] {strides = array<i32>} : memref<128xi32, #tpu.memory_space<vmem>>, vector<16xi32>,
        tpu.vector_store %arg24[%swap3A_553], %get3A_552 {strides = array<i32>} : memref<128xi32, #tpu.memory_space<vmem>>, vector<16xi32>,
        %mul3A_555 = arith.constant 128 : i32
        %mul3A_556 = arith.muli %add3A_388, %mul3A_555 : i32
        %add3A_557 = arith.constant 48 : i32
        %add3A_558 = arith.addi %mul3A_556, %add3A_557 : i32
        %get3A_559 = arith.index_cast %add3A_558 : i32 to index
        %get3A_560 = tpu.vector_load %arg9[%get3A_559] {strides = array<i32>} : memref<6544xi32, #tpu.memory_space<vmem>>, vector<16xi32>,
        %swap3A_561 = arith.constant 48 : index
        %swap3A_562 = tpu.vector_load %arg16[%swap3A_561] {strides = array<i32>} : memref<128xi32, #tpu.memory_space<vmem>>, vector<16xi32>,
        tpu.vector_store %arg16[%swap3A_561], %get3A_560 {strides = array<i32>} : memref<128xi32, #tpu.memory_space<vmem>>, vector<16xi32>,
        %mul3A_563 = arith.constant 128 : i32
        %mul3A_564 = arith.muli %add3A_388, %mul3A_563 : i32
        %add3A_565 = arith.constant 48 : i32
        %add3A_566 = arith.addi %mul3A_564, %add3A_565 : i32
        %get3A_567 = arith.index_cast %add3A_566 : i32 to index
        %get3A_568 = tpu.vector_load %arg10[%get3A_567] {strides = array<i32>} : memref<6544xi32, #tpu.memory_space<vmem>>, vector<16xi32>,
        %swap3A_569 = arith.constant 48 : index
        %swap3A_570 = tpu.vector_load %arg24[%swap3A_569] {strides = array<i32>} : memref<128xi32, #tpu.memory_space<vmem>>, vector<16xi32>,
        tpu.vector_store %arg24[%swap3A_569], %get3A_568 {strides = array<i32>} : memref<128xi32, #tpu.memory_space<vmem>>, vector<16xi32>,
        %mul3A_571 = arith.constant 128 : i32
        %mul3A_572 = arith.muli %add3A_388, %mul3A_571 : i32
        %add3A_573 = arith.constant 64 : i32
        %add3A_574 = arith.addi %mul3A_572, %add3A_573 : i32
        %get3A_575 = arith.index_cast %add3A_574 : i32 to index
        %get3A_576 = tpu.vector_load %arg9[%get3A_575] {strides = array<i32>} : memref<6544xi32, #tpu.memory_space<vmem>>, vector<16xi32>,
        %swap3A_577 = arith.constant 64 : index
        %swap3A_578 = tpu.vector_load %arg16[%swap3A_577] {strides = array<i32>} : memref<128xi32, #tpu.memory_space<vmem>>, vector<16xi32>,
        tpu.vector_store %arg16[%swap3A_577], %get3A_576 {strides = array<i32>} : memref<128xi32, #tpu.memory_space<vmem>>, vector<16xi32>,
        %mul3A_579 = arith.constant 128 : i32
        %mul3A_580 = arith.muli %add3A_388, %mul3A_579 : i32
        %add3A_581 = arith.constant 64 : i32
        %add3A_582 = arith.addi %mul3A_580, %add3A_581 : i32
        %get3A_583 = arith.index_cast %add3A_582 : i32 to index
        %get3A_584 = tpu.vector_load %arg10[%get3A_583] {strides = array<i32>} : memref<6544xi32, #tpu.memory_space<vmem>>, vector<16xi32>,
        %swap3A_585 = arith.constant 64 : index
        %swap3A_586 = tpu.vector_load %arg24[%swap3A_585] {strides = array<i32>} : memref<128xi32, #tpu.memory_space<vmem>>, vector<16xi32>,
        tpu.vector_store %arg24[%swap3A_585], %get3A_584 {strides = array<i32>} : memref<128xi32, #tpu.memory_space<vmem>>, vector<16xi32>,
        %mul3A_587 = arith.constant 128 : i32
        %mul3A_588 = arith.muli %add3A_388, %mul3A_587 : i32
        %add3A_589 = arith.constant 80 : i32
        %add3A_590 = arith.addi %mul3A_588, %add3A_589 : i32
        %get3A_591 = arith.index_cast %add3A_590 : i32 to index
        %get3A_592 = tpu.vector_load %arg9[%get3A_591] {strides = array<i32>} : memref<6544xi32, #tpu.memory_space<vmem>>, vector<16xi32>,
        %swap3A_593 = arith.constant 80 : index
        %swap3A_594 = tpu.vector_load %arg16[%swap3A_593] {strides = array<i32>} : memref<128xi32, #tpu.memory_space<vmem>>, vector<16xi32>,
        tpu.vector_store %arg16[%swap3A_593], %get3A_592 {strides = array<i32>} : memref<128xi32, #tpu.memory_space<vmem>>, vector<16xi32>,
        %mul3A_595 = arith.constant 128 : i32
        %mul3A_596 = arith.muli %add3A_388, %mul3A_595 : i32
        %add3A_597 = arith.constant 80 : i32
        %add3A_598 = arith.addi %mul3A_596, %add3A_597 : i32
        %get3A_599 = arith.index_cast %add3A_598 : i32 to index
        %get3A_600 = tpu.vector_load %arg10[%get3A_599] {strides = array<i32>} : memref<6544xi32, #tpu.memory_space<vmem>>, vector<16xi32>,
        %swap3A_601 = arith.constant 80 : index
        %swap3A_602 = tpu.vector_load %arg24[%swap3A_601] {strides = array<i32>} : memref<128xi32, #tpu.memory_space<vmem>>, vector<16xi32>,
        tpu.vector_store %arg24[%swap3A_601], %get3A_600 {strides = array<i32>} : memref<128xi32, #tpu.memory_space<vmem>>, vector<16xi32>,
        %mul3A_603 = arith.constant 128 : i32
        %mul3A_604 = arith.muli %add3A_388, %mul3A_603 : i32
        %add3A_605 = arith.constant 96 : i32
        %add3A_606 = arith.addi %mul3A_604, %add3A_605 : i32
        %get3A_607 = arith.index_cast %add3A_606 : i32 to index
        %get3A_608 = tpu.vector_load %arg9[%get3A_607] {strides = array<i32>} : memref<6544xi32, #tpu.memory_space<vmem>>, vector<16xi32>,
        %swap3A_609 = arith.constant 96 : index
        %swap3A_610 = tpu.vector_load %arg16[%swap3A_609] {strides = array<i32>} : memref<128xi32, #tpu.memory_space<vmem>>, vector<16xi32>,
        tpu.vector_store %arg16[%swap3A_609], %get3A_608 {strides = array<i32>} : memref<128xi32, #tpu.memory_space<vmem>>, vector<16xi32>,
        %mul3A_611 = arith.constant 128 : i32
        %mul3A_612 = arith.muli %add3A_388, %mul3A_611 : i32
        %add3A_613 = arith.constant 96 : i32
        %add3A_614 = arith.addi %mul3A_612, %add3A_613 : i32
        %get3A_615 = arith.index_cast %add3A_614 : i32 to index
        %get3A_616 = tpu.vector_load %arg10[%get3A_615] {strides = array<i32>} : memref<6544xi32, #tpu.memory_space<vmem>>, vector<16xi32>,
        %swap3A_617 = arith.constant 96 : index
        %swap3A_618 = tpu.vector_load %arg24[%swap3A_617] {strides = array<i32>} : memref<128xi32, #tpu.memory_space<vmem>>, vector<16xi32>,
        tpu.vector_store %arg24[%swap3A_617], %get3A_616 {strides = array<i32>} : memref<128xi32, #tpu.memory_space<vmem>>, vector<16xi32>,
        %mul3A_619 = arith.constant 128 : i32
        %mul3A_620 = arith.muli %add3A_388, %mul3A_619 : i32
        %add3A_621 = arith.constant 112 : i32
        %add3A_622 = arith.addi %mul3A_620, %add3A_621 : i32
        %get3A_623 = arith.index_cast %add3A_622 : i32 to index
        %get3A_624 = tpu.vector_load %arg9[%get3A_623] {strides = array<i32>} : memref<6544xi32, #tpu.memory_space<vmem>>, vector<16xi32>,
        %swap3A_625 = arith.constant 112 : index
        %swap3A_626 = tpu.vector_load %arg16[%swap3A_625] {strides = array<i32>} : memref<128xi32, #tpu.memory_space<vmem>>, vector<16xi32>,
        tpu.vector_store %arg16[%swap3A_625], %get3A_624 {strides = array<i32>} : memref<128xi32, #tpu.memory_space<vmem>>, vector<16xi32>,
        %mul3A_627 = arith.constant 128 : i32
        %mul3A_628 = arith.muli %add3A_388, %mul3A_627 : i32
        %add3A_629 = arith.constant 112 : i32
        %add3A_630 = arith.addi %mul3A_628, %add3A_629 : i32
        %get3A_631 = arith.index_cast %add3A_630 : i32 to index
        %get3A_632 = tpu.vector_load %arg10[%get3A_631] {strides = array<i32>} : memref<6544xi32, #tpu.memory_space<vmem>>, vector<16xi32>,
        %swap3A_633 = arith.constant 112 : index
        %swap3A_634 = tpu.vector_load %arg24[%swap3A_633] {strides = array<i32>} : memref<128xi32, #tpu.memory_space<vmem>>, vector<16xi32>,
        tpu.vector_store %arg24[%swap3A_633], %get3A_632 {strides = array<i32>} : memref<128xi32, #tpu.memory_space<vmem>>, vector<16xi32>,
        %dma_start3A = arith.constant 4 : i32
        %dma_start3A_635 = arith.constant 0 : i32
        %dma_start3A_636 = arith.constant 0 : i32
        %dma_start3A_637 = tpu.memref_slice %arg11[%dma_start3A, %dma_start3A_635, %dma_start3A_636] : memref<8x128x64xf32, #tpu.memory_space<vmem>> -> memref<1x128x64xf32, #tpu.memory_space<vmem>>
        %dma_start3A_638 = tpu.memref_squeeze %dma_start3A_637 : memref<1x128x64xf32, #tpu.memory_space<vmem>> -> memref<128x64xf32, #tpu.memory_space<vmem>>
        %dma_start3A_639 = arith.constant 0 : i32
        %dma_start3A_640 = arith.constant 0 : i32
        %dma_start3A_641 = tpu.memref_slice %arg4[%dma_start3A_639, %dma_start3A_640] : memref<50000x64xf32, #tpu.memory_space<hbm>> -> memref<50000x64xf32, #tpu.memory_space<hbm>>
        tpu.enqueue_indirect_dma source(%dma_start3A_641 : memref<50000x64xf32, #tpu.memory_space<hbm>>) target(%dma_start3A_638 : memref<128x64xf32, #tpu.memory_space<vmem>>) offsets(%arg16 : memref<128xi32, #tpu.memory_space<vmem>>) semaphore(%arg32 : memref<!tpu.dma_semaphore, #tpu.memory_space<semaphore_mem>>)
      } else {
      }
      %mul3A_400 = arith.constant 8 : i32
      %mul3A_401 = arith.muli %scan3A_325, %mul3A_400 : i32
      %add3A_402 = arith.constant 5 : i32
      %add3A_403 = arith.addi %mul3A_401, %add3A_402 : i32
      %lt3A_404 = arith.cmpi slt, %add3A_403, %select_n3A_278 : i32
      %gt3A_405 = arith.constant 0 : i32
      %gt3A_406 = arith.cmpi sgt, %scan3A_325, %gt3A_405 : i32
      %and3A_407 = arith.andi %lt3A_404, %gt3A_406 : i1
      %convert_element_type3A_408 = arith.extui %and3A_407 : i1 to i32
      %cond3A_409 = arith.constant 0 : i32
      %cond3A_410 = arith.cmpi ne, %convert_element_type3A_408, %cond3A_409 : i32
      scf.if %cond3A_410 {
        %dma_wait3A = arith.constant 5 : i32
        %dma_wait3A_509 = arith.constant 0 : i32
        %dma_wait3A_510 = arith.constant 0 : i32
        %dma_wait3A_511 = tpu.memref_slice %arg11[%dma_wait3A, %dma_wait3A_509, %dma_wait3A_510] : memref<8x128x64xf32, #tpu.memory_space<vmem>> -> memref<1x128x64xf32, #tpu.memory_space<vmem>>
        %dma_wait3A_512 = tpu.memref_squeeze %dma_wait3A_511 : memref<1x128x64xf32, #tpu.memory_space<vmem>> -> memref<128x64xf32, #tpu.memory_space<vmem>>
        %dma_wait3A_513 = arith.constant 0 : i32
        %dma_wait3A_514 = arith.constant 0 : i32
        %dma_wait3A_515 = tpu.memref_slice %arg5[%dma_wait3A_513, %dma_wait3A_514] : memref<204800x64xf32, #tpu.memory_space<hbm>> -> memref<128x64xf32, #tpu.memory_space<hbm>>
        %dma_wait3A_516 = arith.constant 0 : i32
        %dma_wait3A_517 = arith.constant 0 : i32
        %dma_wait3A_518 = tpu.memref_slice %arg5[%dma_wait3A_516, %dma_wait3A_517] : memref<204800x64xf32, #tpu.memory_space<hbm>> -> memref<128x64xf32, #tpu.memory_space<hbm>>
        %dma_wait3A_519 = arith.constant 0 : i32
        %dma_wait3A_520 = arith.constant 0 : i32
        %dma_wait3A_521 = tpu.memref_slice %arg11[%dma_wait3A, %dma_wait3A_519, %dma_wait3A_520] : memref<8x128x64xf32, #tpu.memory_space<vmem>> -> memref<1x128x64xf32, #tpu.memory_space<vmem>>
        %dma_wait3A_522 = tpu.memref_squeeze %dma_wait3A_521 : memref<1x128x64xf32, #tpu.memory_space<vmem>> -> memref<128x64xf32, #tpu.memory_space<vmem>>
        tpu.wait_dma2 semaphore(%arg41 : memref<!tpu.dma_semaphore, #tpu.memory_space<semaphore_mem>>) src(%dma_wait3A_522 : memref<128x64xf32, #tpu.memory_space<vmem>>) dst(%dma_wait3A_518 : memref<128x64xf32, #tpu.memory_space<hbm>>)
      } else {
      }
      %lt3A_411 = arith.cmpi slt, %add3A_403, %select_n3A_278 : i32
      %convert_element_type3A_412 = arith.extui %lt3A_411 : i1 to i32
      %cond3A_413 = arith.constant 0 : i32
      %cond3A_414 = arith.cmpi ne, %convert_element_type3A_412, %cond3A_413 : i32
      scf.if %cond3A_414 {
        %mul3A_509 = arith.constant 128 : i32
        %mul3A_510 = arith.muli %add3A_403, %mul3A_509 : i32
        %add3A_511 = arith.constant 0 : i32
        %add3A_512 = arith.addi %mul3A_510, %add3A_511 : i32
        %get3A = arith.index_cast %add3A_512 : i32 to index
        %get3A_513 = tpu.vector_load %arg9[%get3A] {strides = array<i32>} : memref<6544xi32, #tpu.memory_space<vmem>>, vector<16xi32>,
        %swap3A = arith.constant 0 : index
        %swap3A_514 = tpu.vector_load %arg17[%swap3A] {strides = array<i32>} : memref<128xi32, #tpu.memory_space<vmem>>, vector<16xi32>,
        tpu.vector_store %arg17[%swap3A], %get3A_513 {strides = array<i32>} : memref<128xi32, #tpu.memory_space<vmem>>, vector<16xi32>,
        %mul3A_515 = arith.constant 128 : i32
        %mul3A_516 = arith.muli %add3A_403, %mul3A_515 : i32
        %add3A_517 = arith.constant 0 : i32
        %add3A_518 = arith.addi %mul3A_516, %add3A_517 : i32
        %get3A_519 = arith.index_cast %add3A_518 : i32 to index
        %get3A_520 = tpu.vector_load %arg10[%get3A_519] {strides = array<i32>} : memref<6544xi32, #tpu.memory_space<vmem>>, vector<16xi32>,
        %swap3A_521 = arith.constant 0 : index
        %swap3A_522 = tpu.vector_load %arg25[%swap3A_521] {strides = array<i32>} : memref<128xi32, #tpu.memory_space<vmem>>, vector<16xi32>,
        tpu.vector_store %arg25[%swap3A_521], %get3A_520 {strides = array<i32>} : memref<128xi32, #tpu.memory_space<vmem>>, vector<16xi32>,
        %mul3A_523 = arith.constant 128 : i32
        %mul3A_524 = arith.muli %add3A_403, %mul3A_523 : i32
        %add3A_525 = arith.constant 16 : i32
        %add3A_526 = arith.addi %mul3A_524, %add3A_525 : i32
        %get3A_527 = arith.index_cast %add3A_526 : i32 to index
        %get3A_528 = tpu.vector_load %arg9[%get3A_527] {strides = array<i32>} : memref<6544xi32, #tpu.memory_space<vmem>>, vector<16xi32>,
        %swap3A_529 = arith.constant 16 : index
        %swap3A_530 = tpu.vector_load %arg17[%swap3A_529] {strides = array<i32>} : memref<128xi32, #tpu.memory_space<vmem>>, vector<16xi32>,
        tpu.vector_store %arg17[%swap3A_529], %get3A_528 {strides = array<i32>} : memref<128xi32, #tpu.memory_space<vmem>>, vector<16xi32>,
        %mul3A_531 = arith.constant 128 : i32
        %mul3A_532 = arith.muli %add3A_403, %mul3A_531 : i32
        %add3A_533 = arith.constant 16 : i32
        %add3A_534 = arith.addi %mul3A_532, %add3A_533 : i32
        %get3A_535 = arith.index_cast %add3A_534 : i32 to index
        %get3A_536 = tpu.vector_load %arg10[%get3A_535] {strides = array<i32>} : memref<6544xi32, #tpu.memory_space<vmem>>, vector<16xi32>,
        %swap3A_537 = arith.constant 16 : index
        %swap3A_538 = tpu.vector_load %arg25[%swap3A_537] {strides = array<i32>} : memref<128xi32, #tpu.memory_space<vmem>>, vector<16xi32>,
        tpu.vector_store %arg25[%swap3A_537], %get3A_536 {strides = array<i32>} : memref<128xi32, #tpu.memory_space<vmem>>, vector<16xi32>,
        %mul3A_539 = arith.constant 128 : i32
        %mul3A_540 = arith.muli %add3A_403, %mul3A_539 : i32
        %add3A_541 = arith.constant 32 : i32
        %add3A_542 = arith.addi %mul3A_540, %add3A_541 : i32
        %get3A_543 = arith.index_cast %add3A_542 : i32 to index
        %get3A_544 = tpu.vector_load %arg9[%get3A_543] {strides = array<i32>} : memref<6544xi32, #tpu.memory_space<vmem>>, vector<16xi32>,
        %swap3A_545 = arith.constant 32 : index
        %swap3A_546 = tpu.vector_load %arg17[%swap3A_545] {strides = array<i32>} : memref<128xi32, #tpu.memory_space<vmem>>, vector<16xi32>,
        tpu.vector_store %arg17[%swap3A_545], %get3A_544 {strides = array<i32>} : memref<128xi32, #tpu.memory_space<vmem>>, vector<16xi32>,
        %mul3A_547 = arith.constant 128 : i32
        %mul3A_548 = arith.muli %add3A_403, %mul3A_547 : i32
        %add3A_549 = arith.constant 32 : i32
        %add3A_550 = arith.addi %mul3A_548, %add3A_549 : i32
        %get3A_551 = arith.index_cast %add3A_550 : i32 to index
        %get3A_552 = tpu.vector_load %arg10[%get3A_551] {strides = array<i32>} : memref<6544xi32, #tpu.memory_space<vmem>>, vector<16xi32>,
        %swap3A_553 = arith.constant 32 : index
        %swap3A_554 = tpu.vector_load %arg25[%swap3A_553] {strides = array<i32>} : memref<128xi32, #tpu.memory_space<vmem>>, vector<16xi32>,
        tpu.vector_store %arg25[%swap3A_553], %get3A_552 {strides = array<i32>} : memref<128xi32, #tpu.memory_space<vmem>>, vector<16xi32>,
        %mul3A_555 = arith.constant 128 : i32
        %mul3A_556 = arith.muli %add3A_403, %mul3A_555 : i32
        %add3A_557 = arith.constant 48 : i32
        %add3A_558 = arith.addi %mul3A_556, %add3A_557 : i32
        %get3A_559 = arith.index_cast %add3A_558 : i32 to index
        %get3A_560 = tpu.vector_load %arg9[%get3A_559] {strides = array<i32>} : memref<6544xi32, #tpu.memory_space<vmem>>, vector<16xi32>,
        %swap3A_561 = arith.constant 48 : index
        %swap3A_562 = tpu.vector_load %arg17[%swap3A_561] {strides = array<i32>} : memref<128xi32, #tpu.memory_space<vmem>>, vector<16xi32>,
        tpu.vector_store %arg17[%swap3A_561], %get3A_560 {strides = array<i32>} : memref<128xi32, #tpu.memory_space<vmem>>, vector<16xi32>,
        %mul3A_563 = arith.constant 128 : i32
        %mul3A_564 = arith.muli %add3A_403, %mul3A_563 : i32
        %add3A_565 = arith.constant 48 : i32
        %add3A_566 = arith.addi %mul3A_564, %add3A_565 : i32
        %get3A_567 = arith.index_cast %add3A_566 : i32 to index
        %get3A_568 = tpu.vector_load %arg10[%get3A_567] {strides = array<i32>} : memref<6544xi32, #tpu.memory_space<vmem>>, vector<16xi32>,
        %swap3A_569 = arith.constant 48 : index
        %swap3A_570 = tpu.vector_load %arg25[%swap3A_569] {strides = array<i32>} : memref<128xi32, #tpu.memory_space<vmem>>, vector<16xi32>,
        tpu.vector_store %arg25[%swap3A_569], %get3A_568 {strides = array<i32>} : memref<128xi32, #tpu.memory_space<vmem>>, vector<16xi32>,
        %mul3A_571 = arith.constant 128 : i32
        %mul3A_572 = arith.muli %add3A_403, %mul3A_571 : i32
        %add3A_573 = arith.constant 64 : i32
        %add3A_574 = arith.addi %mul3A_572, %add3A_573 : i32
        %get3A_575 = arith.index_cast %add3A_574 : i32 to index
        %get3A_576 = tpu.vector_load %arg9[%get3A_575] {strides = array<i32>} : memref<6544xi32, #tpu.memory_space<vmem>>, vector<16xi32>,
        %swap3A_577 = arith.constant 64 : index
        %swap3A_578 = tpu.vector_load %arg17[%swap3A_577] {strides = array<i32>} : memref<128xi32, #tpu.memory_space<vmem>>, vector<16xi32>,
        tpu.vector_store %arg17[%swap3A_577], %get3A_576 {strides = array<i32>} : memref<128xi32, #tpu.memory_space<vmem>>, vector<16xi32>,
        %mul3A_579 = arith.constant 128 : i32
        %mul3A_580 = arith.muli %add3A_403, %mul3A_579 : i32
        %add3A_581 = arith.constant 64 : i32
        %add3A_582 = arith.addi %mul3A_580, %add3A_581 : i32
        %get3A_583 = arith.index_cast %add3A_582 : i32 to index
        %get3A_584 = tpu.vector_load %arg10[%get3A_583] {strides = array<i32>} : memref<6544xi32, #tpu.memory_space<vmem>>, vector<16xi32>,
        %swap3A_585 = arith.constant 64 : index
        %swap3A_586 = tpu.vector_load %arg25[%swap3A_585] {strides = array<i32>} : memref<128xi32, #tpu.memory_space<vmem>>, vector<16xi32>,
        tpu.vector_store %arg25[%swap3A_585], %get3A_584 {strides = array<i32>} : memref<128xi32, #tpu.memory_space<vmem>>, vector<16xi32>,
        %mul3A_587 = arith.constant 128 : i32
        %mul3A_588 = arith.muli %add3A_403, %mul3A_587 : i32
        %add3A_589 = arith.constant 80 : i32
        %add3A_590 = arith.addi %mul3A_588, %add3A_589 : i32
        %get3A_591 = arith.index_cast %add3A_590 : i32 to index
        %get3A_592 = tpu.vector_load %arg9[%get3A_591] {strides = array<i32>} : memref<6544xi32, #tpu.memory_space<vmem>>, vector<16xi32>,
        %swap3A_593 = arith.constant 80 : index
        %swap3A_594 = tpu.vector_load %arg17[%swap3A_593] {strides = array<i32>} : memref<128xi32, #tpu.memory_space<vmem>>, vector<16xi32>,
        tpu.vector_store %arg17[%swap3A_593], %get3A_592 {strides = array<i32>} : memref<128xi32, #tpu.memory_space<vmem>>, vector<16xi32>,
        %mul3A_595 = arith.constant 128 : i32
        %mul3A_596 = arith.muli %add3A_403, %mul3A_595 : i32
        %add3A_597 = arith.constant 80 : i32
        %add3A_598 = arith.addi %mul3A_596, %add3A_597 : i32
        %get3A_599 = arith.index_cast %add3A_598 : i32 to index
        %get3A_600 = tpu.vector_load %arg10[%get3A_599] {strides = array<i32>} : memref<6544xi32, #tpu.memory_space<vmem>>, vector<16xi32>,
        %swap3A_601 = arith.constant 80 : index
        %swap3A_602 = tpu.vector_load %arg25[%swap3A_601] {strides = array<i32>} : memref<128xi32, #tpu.memory_space<vmem>>, vector<16xi32>,
        tpu.vector_store %arg25[%swap3A_601], %get3A_600 {strides = array<i32>} : memref<128xi32, #tpu.memory_space<vmem>>, vector<16xi32>,
        %mul3A_603 = arith.constant 128 : i32
        %mul3A_604 = arith.muli %add3A_403, %mul3A_603 : i32
        %add3A_605 = arith.constant 96 : i32
        %add3A_606 = arith.addi %mul3A_604, %add3A_605 : i32
        %get3A_607 = arith.index_cast %add3A_606 : i32 to index
        %get3A_608 = tpu.vector_load %arg9[%get3A_607] {strides = array<i32>} : memref<6544xi32, #tpu.memory_space<vmem>>, vector<16xi32>,
        %swap3A_609 = arith.constant 96 : index
        %swap3A_610 = tpu.vector_load %arg17[%swap3A_609] {strides = array<i32>} : memref<128xi32, #tpu.memory_space<vmem>>, vector<16xi32>,
        tpu.vector_store %arg17[%swap3A_609], %get3A_608 {strides = array<i32>} : memref<128xi32, #tpu.memory_space<vmem>>, vector<16xi32>,
        %mul3A_611 = arith.constant 128 : i32
        %mul3A_612 = arith.muli %add3A_403, %mul3A_611 : i32
        %add3A_613 = arith.constant 96 : i32
        %add3A_614 = arith.addi %mul3A_612, %add3A_613 : i32
        %get3A_615 = arith.index_cast %add3A_614 : i32 to index
        %get3A_616 = tpu.vector_load %arg10[%get3A_615] {strides = array<i32>} : memref<6544xi32, #tpu.memory_space<vmem>>, vector<16xi32>,
        %swap3A_617 = arith.constant 96 : index
        %swap3A_618 = tpu.vector_load %arg25[%swap3A_617] {strides = array<i32>} : memref<128xi32, #tpu.memory_space<vmem>>, vector<16xi32>,
        tpu.vector_store %arg25[%swap3A_617], %get3A_616 {strides = array<i32>} : memref<128xi32, #tpu.memory_space<vmem>>, vector<16xi32>,
        %mul3A_619 = arith.constant 128 : i32
        %mul3A_620 = arith.muli %add3A_403, %mul3A_619 : i32
        %add3A_621 = arith.constant 112 : i32
        %add3A_622 = arith.addi %mul3A_620, %add3A_621 : i32
        %get3A_623 = arith.index_cast %add3A_622 : i32 to index
        %get3A_624 = tpu.vector_load %arg9[%get3A_623] {strides = array<i32>} : memref<6544xi32, #tpu.memory_space<vmem>>, vector<16xi32>,
        %swap3A_625 = arith.constant 112 : index
        %swap3A_626 = tpu.vector_load %arg17[%swap3A_625] {strides = array<i32>} : memref<128xi32, #tpu.memory_space<vmem>>, vector<16xi32>,
        tpu.vector_store %arg17[%swap3A_625], %get3A_624 {strides = array<i32>} : memref<128xi32, #tpu.memory_space<vmem>>, vector<16xi32>,
        %mul3A_627 = arith.constant 128 : i32
        %mul3A_628 = arith.muli %add3A_403, %mul3A_627 : i32
        %add3A_629 = arith.constant 112 : i32
        %add3A_630 = arith.addi %mul3A_628, %add3A_629 : i32
        %get3A_631 = arith.index_cast %add3A_630 : i32 to index
        %get3A_632 = tpu.vector_load %arg10[%get3A_631] {strides = array<i32>} : memref<6544xi32, #tpu.memory_space<vmem>>, vector<16xi32>,
        %swap3A_633 = arith.constant 112 : index
        %swap3A_634 = tpu.vector_load %arg25[%swap3A_633] {strides = array<i32>} : memref<128xi32, #tpu.memory_space<vmem>>, vector<16xi32>,
        tpu.vector_store %arg25[%swap3A_633], %get3A_632 {strides = array<i32>} : memref<128xi32, #tpu.memory_space<vmem>>, vector<16xi32>,
        %dma_start3A = arith.constant 5 : i32
        %dma_start3A_635 = arith.constant 0 : i32
        %dma_start3A_636 = arith.constant 0 : i32
        %dma_start3A_637 = tpu.memref_slice %arg11[%dma_start3A, %dma_start3A_635, %dma_start3A_636] : memref<8x128x64xf32, #tpu.memory_space<vmem>> -> memref<1x128x64xf32, #tpu.memory_space<vmem>>
        %dma_start3A_638 = tpu.memref_squeeze %dma_start3A_637 : memref<1x128x64xf32, #tpu.memory_space<vmem>> -> memref<128x64xf32, #tpu.memory_space<vmem>>
        %dma_start3A_639 = arith.constant 0 : i32
        %dma_start3A_640 = arith.constant 0 : i32
        %dma_start3A_641 = tpu.memref_slice %arg4[%dma_start3A_639, %dma_start3A_640] : memref<50000x64xf32, #tpu.memory_space<hbm>> -> memref<50000x64xf32, #tpu.memory_space<hbm>>
        tpu.enqueue_indirect_dma source(%dma_start3A_641 : memref<50000x64xf32, #tpu.memory_space<hbm>>) target(%dma_start3A_638 : memref<128x64xf32, #tpu.memory_space<vmem>>) offsets(%arg17 : memref<128xi32, #tpu.memory_space<vmem>>) semaphore(%arg33 : memref<!tpu.dma_semaphore, #tpu.memory_space<semaphore_mem>>)
      } else {
      }
      %mul3A_415 = arith.constant 8 : i32
      %mul3A_416 = arith.muli %scan3A_325, %mul3A_415 : i32
      %add3A_417 = arith.constant 6 : i32
      %add3A_418 = arith.addi %mul3A_416, %add3A_417 : i32
      %lt3A_419 = arith.cmpi slt, %add3A_418, %select_n3A_278 : i32
      %gt3A_420 = arith.constant 0 : i32
      %gt3A_421 = arith.cmpi sgt, %scan3A_325, %gt3A_420 : i32
      %and3A_422 = arith.andi %lt3A_419, %gt3A_421 : i1
      %convert_element_type3A_423 = arith.extui %and3A_422 : i1 to i32
      %cond3A_424 = arith.constant 0 : i32
      %cond3A_425 = arith.cmpi ne, %convert_element_type3A_423, %cond3A_424 : i32
      scf.if %cond3A_425 {
        %dma_wait3A = arith.constant 6 : i32
        %dma_wait3A_509 = arith.constant 0 : i32
        %dma_wait3A_510 = arith.constant 0 : i32
        %dma_wait3A_511 = tpu.memref_slice %arg11[%dma_wait3A, %dma_wait3A_509, %dma_wait3A_510] : memref<8x128x64xf32, #tpu.memory_space<vmem>> -> memref<1x128x64xf32, #tpu.memory_space<vmem>>
        %dma_wait3A_512 = tpu.memref_squeeze %dma_wait3A_511 : memref<1x128x64xf32, #tpu.memory_space<vmem>> -> memref<128x64xf32, #tpu.memory_space<vmem>>
        %dma_wait3A_513 = arith.constant 0 : i32
        %dma_wait3A_514 = arith.constant 0 : i32
        %dma_wait3A_515 = tpu.memref_slice %arg5[%dma_wait3A_513, %dma_wait3A_514] : memref<204800x64xf32, #tpu.memory_space<hbm>> -> memref<128x64xf32, #tpu.memory_space<hbm>>
        %dma_wait3A_516 = arith.constant 0 : i32
        %dma_wait3A_517 = arith.constant 0 : i32
        %dma_wait3A_518 = tpu.memref_slice %arg5[%dma_wait3A_516, %dma_wait3A_517] : memref<204800x64xf32, #tpu.memory_space<hbm>> -> memref<128x64xf32, #tpu.memory_space<hbm>>
        %dma_wait3A_519 = arith.constant 0 : i32
        %dma_wait3A_520 = arith.constant 0 : i32
        %dma_wait3A_521 = tpu.memref_slice %arg11[%dma_wait3A, %dma_wait3A_519, %dma_wait3A_520] : memref<8x128x64xf32, #tpu.memory_space<vmem>> -> memref<1x128x64xf32, #tpu.memory_space<vmem>>
        %dma_wait3A_522 = tpu.memref_squeeze %dma_wait3A_521 : memref<1x128x64xf32, #tpu.memory_space<vmem>> -> memref<128x64xf32, #tpu.memory_space<vmem>>
        tpu.wait_dma2 semaphore(%arg42 : memref<!tpu.dma_semaphore, #tpu.memory_space<semaphore_mem>>) src(%dma_wait3A_522 : memref<128x64xf32, #tpu.memory_space<vmem>>) dst(%dma_wait3A_518 : memref<128x64xf32, #tpu.memory_space<hbm>>)
      } else {
      }
      %lt3A_426 = arith.cmpi slt, %add3A_418, %select_n3A_278 : i32
      %convert_element_type3A_427 = arith.extui %lt3A_426 : i1 to i32
      %cond3A_428 = arith.constant 0 : i32
      %cond3A_429 = arith.cmpi ne, %convert_element_type3A_427, %cond3A_428 : i32
      scf.if %cond3A_429 {
        %mul3A_509 = arith.constant 128 : i32
        %mul3A_510 = arith.muli %add3A_418, %mul3A_509 : i32
        %add3A_511 = arith.constant 0 : i32
        %add3A_512 = arith.addi %mul3A_510, %add3A_511 : i32
        %get3A = arith.index_cast %add3A_512 : i32 to index
        %get3A_513 = tpu.vector_load %arg9[%get3A] {strides = array<i32>} : memref<6544xi32, #tpu.memory_space<vmem>>, vector<16xi32>,
        %swap3A = arith.constant 0 : index
        %swap3A_514 = tpu.vector_load %arg18[%swap3A] {strides = array<i32>} : memref<128xi32, #tpu.memory_space<vmem>>, vector<16xi32>,
        tpu.vector_store %arg18[%swap3A], %get3A_513 {strides = array<i32>} : memref<128xi32, #tpu.memory_space<vmem>>, vector<16xi32>,
        %mul3A_515 = arith.constant 128 : i32
        %mul3A_516 = arith.muli %add3A_418, %mul3A_515 : i32
        %add3A_517 = arith.constant 0 : i32
        %add3A_518 = arith.addi %mul3A_516, %add3A_517 : i32
        %get3A_519 = arith.index_cast %add3A_518 : i32 to index
        %get3A_520 = tpu.vector_load %arg10[%get3A_519] {strides = array<i32>} : memref<6544xi32, #tpu.memory_space<vmem>>, vector<16xi32>,
        %swap3A_521 = arith.constant 0 : index
        %swap3A_522 = tpu.vector_load %arg26[%swap3A_521] {strides = array<i32>} : memref<128xi32, #tpu.memory_space<vmem>>, vector<16xi32>,
        tpu.vector_store %arg26[%swap3A_521], %get3A_520 {strides = array<i32>} : memref<128xi32, #tpu.memory_space<vmem>>, vector<16xi32>,
        %mul3A_523 = arith.constant 128 : i32
        %mul3A_524 = arith.muli %add3A_418, %mul3A_523 : i32
        %add3A_525 = arith.constant 16 : i32
        %add3A_526 = arith.addi %mul3A_524, %add3A_525 : i32
        %get3A_527 = arith.index_cast %add3A_526 : i32 to index
        %get3A_528 = tpu.vector_load %arg9[%get3A_527] {strides = array<i32>} : memref<6544xi32, #tpu.memory_space<vmem>>, vector<16xi32>,
        %swap3A_529 = arith.constant 16 : index
        %swap3A_530 = tpu.vector_load %arg18[%swap3A_529] {strides = array<i32>} : memref<128xi32, #tpu.memory_space<vmem>>, vector<16xi32>,
        tpu.vector_store %arg18[%swap3A_529], %get3A_528 {strides = array<i32>} : memref<128xi32, #tpu.memory_space<vmem>>, vector<16xi32>,
        %mul3A_531 = arith.constant 128 : i32
        %mul3A_532 = arith.muli %add3A_418, %mul3A_531 : i32
        %add3A_533 = arith.constant 16 : i32
        %add3A_534 = arith.addi %mul3A_532, %add3A_533 : i32
        %get3A_535 = arith.index_cast %add3A_534 : i32 to index
        %get3A_536 = tpu.vector_load %arg10[%get3A_535] {strides = array<i32>} : memref<6544xi32, #tpu.memory_space<vmem>>, vector<16xi32>,
        %swap3A_537 = arith.constant 16 : index
        %swap3A_538 = tpu.vector_load %arg26[%swap3A_537] {strides = array<i32>} : memref<128xi32, #tpu.memory_space<vmem>>, vector<16xi32>,
        tpu.vector_store %arg26[%swap3A_537], %get3A_536 {strides = array<i32>} : memref<128xi32, #tpu.memory_space<vmem>>, vector<16xi32>,
        %mul3A_539 = arith.constant 128 : i32
        %mul3A_540 = arith.muli %add3A_418, %mul3A_539 : i32
        %add3A_541 = arith.constant 32 : i32
        %add3A_542 = arith.addi %mul3A_540, %add3A_541 : i32
        %get3A_543 = arith.index_cast %add3A_542 : i32 to index
        %get3A_544 = tpu.vector_load %arg9[%get3A_543] {strides = array<i32>} : memref<6544xi32, #tpu.memory_space<vmem>>, vector<16xi32>,
        %swap3A_545 = arith.constant 32 : index
        %swap3A_546 = tpu.vector_load %arg18[%swap3A_545] {strides = array<i32>} : memref<128xi32, #tpu.memory_space<vmem>>, vector<16xi32>,
        tpu.vector_store %arg18[%swap3A_545], %get3A_544 {strides = array<i32>} : memref<128xi32, #tpu.memory_space<vmem>>, vector<16xi32>,
        %mul3A_547 = arith.constant 128 : i32
        %mul3A_548 = arith.muli %add3A_418, %mul3A_547 : i32
        %add3A_549 = arith.constant 32 : i32
        %add3A_550 = arith.addi %mul3A_548, %add3A_549 : i32
        %get3A_551 = arith.index_cast %add3A_550 : i32 to index
        %get3A_552 = tpu.vector_load %arg10[%get3A_551] {strides = array<i32>} : memref<6544xi32, #tpu.memory_space<vmem>>, vector<16xi32>,
        %swap3A_553 = arith.constant 32 : index
        %swap3A_554 = tpu.vector_load %arg26[%swap3A_553] {strides = array<i32>} : memref<128xi32, #tpu.memory_space<vmem>>, vector<16xi32>,
        tpu.vector_store %arg26[%swap3A_553], %get3A_552 {strides = array<i32>} : memref<128xi32, #tpu.memory_space<vmem>>, vector<16xi32>,
        %mul3A_555 = arith.constant 128 : i32
        %mul3A_556 = arith.muli %add3A_418, %mul3A_555 : i32
        %add3A_557 = arith.constant 48 : i32
        %add3A_558 = arith.addi %mul3A_556, %add3A_557 : i32
        %get3A_559 = arith.index_cast %add3A_558 : i32 to index
        %get3A_560 = tpu.vector_load %arg9[%get3A_559] {strides = array<i32>} : memref<6544xi32, #tpu.memory_space<vmem>>, vector<16xi32>,
        %swap3A_561 = arith.constant 48 : index
        %swap3A_562 = tpu.vector_load %arg18[%swap3A_561] {strides = array<i32>} : memref<128xi32, #tpu.memory_space<vmem>>, vector<16xi32>,
        tpu.vector_store %arg18[%swap3A_561], %get3A_560 {strides = array<i32>} : memref<128xi32, #tpu.memory_space<vmem>>, vector<16xi32>,
        %mul3A_563 = arith.constant 128 : i32
        %mul3A_564 = arith.muli %add3A_418, %mul3A_563 : i32
        %add3A_565 = arith.constant 48 : i32
        %add3A_566 = arith.addi %mul3A_564, %add3A_565 : i32
        %get3A_567 = arith.index_cast %add3A_566 : i32 to index
        %get3A_568 = tpu.vector_load %arg10[%get3A_567] {strides = array<i32>} : memref<6544xi32, #tpu.memory_space<vmem>>, vector<16xi32>,
        %swap3A_569 = arith.constant 48 : index
        %swap3A_570 = tpu.vector_load %arg26[%swap3A_569] {strides = array<i32>} : memref<128xi32, #tpu.memory_space<vmem>>, vector<16xi32>,
        tpu.vector_store %arg26[%swap3A_569], %get3A_568 {strides = array<i32>} : memref<128xi32, #tpu.memory_space<vmem>>, vector<16xi32>,
        %mul3A_571 = arith.constant 128 : i32
        %mul3A_572 = arith.muli %add3A_418, %mul3A_571 : i32
        %add3A_573 = arith.constant 64 : i32
        %add3A_574 = arith.addi %mul3A_572, %add3A_573 : i32
        %get3A_575 = arith.index_cast %add3A_574 : i32 to index
        %get3A_576 = tpu.vector_load %arg9[%get3A_575] {strides = array<i32>} : memref<6544xi32, #tpu.memory_space<vmem>>, vector<16xi32>,
        %swap3A_577 = arith.constant 64 : index
        %swap3A_578 = tpu.vector_load %arg18[%swap3A_577] {strides = array<i32>} : memref<128xi32, #tpu.memory_space<vmem>>, vector<16xi32>,
        tpu.vector_store %arg18[%swap3A_577], %get3A_576 {strides = array<i32>} : memref<128xi32, #tpu.memory_space<vmem>>, vector<16xi32>,
        %mul3A_579 = arith.constant 128 : i32
        %mul3A_580 = arith.muli %add3A_418, %mul3A_579 : i32
        %add3A_581 = arith.constant 64 : i32
        %add3A_582 = arith.addi %mul3A_580, %add3A_581 : i32
        %get3A_583 = arith.index_cast %add3A_582 : i32 to index
        %get3A_584 = tpu.vector_load %arg10[%get3A_583] {strides = array<i32>} : memref<6544xi32, #tpu.memory_space<vmem>>, vector<16xi32>,
        %swap3A_585 = arith.constant 64 : index
        %swap3A_586 = tpu.vector_load %arg26[%swap3A_585] {strides = array<i32>} : memref<128xi32, #tpu.memory_space<vmem>>, vector<16xi32>,
        tpu.vector_store %arg26[%swap3A_585], %get3A_584 {strides = array<i32>} : memref<128xi32, #tpu.memory_space<vmem>>, vector<16xi32>,
        %mul3A_587 = arith.constant 128 : i32
        %mul3A_588 = arith.muli %add3A_418, %mul3A_587 : i32
        %add3A_589 = arith.constant 80 : i32
        %add3A_590 = arith.addi %mul3A_588, %add3A_589 : i32
        %get3A_591 = arith.index_cast %add3A_590 : i32 to index
        %get3A_592 = tpu.vector_load %arg9[%get3A_591] {strides = array<i32>} : memref<6544xi32, #tpu.memory_space<vmem>>, vector<16xi32>,
        %swap3A_593 = arith.constant 80 : index
        %swap3A_594 = tpu.vector_load %arg18[%swap3A_593] {strides = array<i32>} : memref<128xi32, #tpu.memory_space<vmem>>, vector<16xi32>,
        tpu.vector_store %arg18[%swap3A_593], %get3A_592 {strides = array<i32>} : memref<128xi32, #tpu.memory_space<vmem>>, vector<16xi32>,
        %mul3A_595 = arith.constant 128 : i32
        %mul3A_596 = arith.muli %add3A_418, %mul3A_595 : i32
        %add3A_597 = arith.constant 80 : i32
        %add3A_598 = arith.addi %mul3A_596, %add3A_597 : i32
        %get3A_599 = arith.index_cast %add3A_598 : i32 to index
        %get3A_600 = tpu.vector_load %arg10[%get3A_599] {strides = array<i32>} : memref<6544xi32, #tpu.memory_space<vmem>>, vector<16xi32>,
        %swap3A_601 = arith.constant 80 : index
        %swap3A_602 = tpu.vector_load %arg26[%swap3A_601] {strides = array<i32>} : memref<128xi32, #tpu.memory_space<vmem>>, vector<16xi32>,
        tpu.vector_store %arg26[%swap3A_601], %get3A_600 {strides = array<i32>} : memref<128xi32, #tpu.memory_space<vmem>>, vector<16xi32>,
        %mul3A_603 = arith.constant 128 : i32
        %mul3A_604 = arith.muli %add3A_418, %mul3A_603 : i32
        %add3A_605 = arith.constant 96 : i32
        %add3A_606 = arith.addi %mul3A_604, %add3A_605 : i32
        %get3A_607 = arith.index_cast %add3A_606 : i32 to index
        %get3A_608 = tpu.vector_load %arg9[%get3A_607] {strides = array<i32>} : memref<6544xi32, #tpu.memory_space<vmem>>, vector<16xi32>,
        %swap3A_609 = arith.constant 96 : index
        %swap3A_610 = tpu.vector_load %arg18[%swap3A_609] {strides = array<i32>} : memref<128xi32, #tpu.memory_space<vmem>>, vector<16xi32>,
        tpu.vector_store %arg18[%swap3A_609], %get3A_608 {strides = array<i32>} : memref<128xi32, #tpu.memory_space<vmem>>, vector<16xi32>,
        %mul3A_611 = arith.constant 128 : i32
        %mul3A_612 = arith.muli %add3A_418, %mul3A_611 : i32
        %add3A_613 = arith.constant 96 : i32
        %add3A_614 = arith.addi %mul3A_612, %add3A_613 : i32
        %get3A_615 = arith.index_cast %add3A_614 : i32 to index
        %get3A_616 = tpu.vector_load %arg10[%get3A_615] {strides = array<i32>} : memref<6544xi32, #tpu.memory_space<vmem>>, vector<16xi32>,
        %swap3A_617 = arith.constant 96 : index
        %swap3A_618 = tpu.vector_load %arg26[%swap3A_617] {strides = array<i32>} : memref<128xi32, #tpu.memory_space<vmem>>, vector<16xi32>,
        tpu.vector_store %arg26[%swap3A_617], %get3A_616 {strides = array<i32>} : memref<128xi32, #tpu.memory_space<vmem>>, vector<16xi32>,
        %mul3A_619 = arith.constant 128 : i32
        %mul3A_620 = arith.muli %add3A_418, %mul3A_619 : i32
        %add3A_621 = arith.constant 112 : i32
        %add3A_622 = arith.addi %mul3A_620, %add3A_621 : i32
        %get3A_623 = arith.index_cast %add3A_622 : i32 to index
        %get3A_624 = tpu.vector_load %arg9[%get3A_623] {strides = array<i32>} : memref<6544xi32, #tpu.memory_space<vmem>>, vector<16xi32>,
        %swap3A_625 = arith.constant 112 : index
        %swap3A_626 = tpu.vector_load %arg18[%swap3A_625] {strides = array<i32>} : memref<128xi32, #tpu.memory_space<vmem>>, vector<16xi32>,
        tpu.vector_store %arg18[%swap3A_625], %get3A_624 {strides = array<i32>} : memref<128xi32, #tpu.memory_space<vmem>>, vector<16xi32>,
        %mul3A_627 = arith.constant 128 : i32
        %mul3A_628 = arith.muli %add3A_418, %mul3A_627 : i32
        %add3A_629 = arith.constant 112 : i32
        %add3A_630 = arith.addi %mul3A_628, %add3A_629 : i32
        %get3A_631 = arith.index_cast %add3A_630 : i32 to index
        %get3A_632 = tpu.vector_load %arg10[%get3A_631] {strides = array<i32>} : memref<6544xi32, #tpu.memory_space<vmem>>, vector<16xi32>,
        %swap3A_633 = arith.constant 112 : index
        %swap3A_634 = tpu.vector_load %arg26[%swap3A_633] {strides = array<i32>} : memref<128xi32, #tpu.memory_space<vmem>>, vector<16xi32>,
        tpu.vector_store %arg26[%swap3A_633], %get3A_632 {strides = array<i32>} : memref<128xi32, #tpu.memory_space<vmem>>, vector<16xi32>,
        %dma_start3A = arith.constant 6 : i32
        %dma_start3A_635 = arith.constant 0 : i32
        %dma_start3A_636 = arith.constant 0 : i32
        %dma_start3A_637 = tpu.memref_slice %arg11[%dma_start3A, %dma_start3A_635, %dma_start3A_636] : memref<8x128x64xf32, #tpu.memory_space<vmem>> -> memref<1x128x64xf32, #tpu.memory_space<vmem>>
        %dma_start3A_638 = tpu.memref_squeeze %dma_start3A_637 : memref<1x128x64xf32, #tpu.memory_space<vmem>> -> memref<128x64xf32, #tpu.memory_space<vmem>>
        %dma_start3A_639 = arith.constant 0 : i32
        %dma_start3A_640 = arith.constant 0 : i32
        %dma_start3A_641 = tpu.memref_slice %arg4[%dma_start3A_639, %dma_start3A_640] : memref<50000x64xf32, #tpu.memory_space<hbm>> -> memref<50000x64xf32, #tpu.memory_space<hbm>>
        tpu.enqueue_indirect_dma source(%dma_start3A_641 : memref<50000x64xf32, #tpu.memory_space<hbm>>) target(%dma_start3A_638 : memref<128x64xf32, #tpu.memory_space<vmem>>) offsets(%arg18 : memref<128xi32, #tpu.memory_space<vmem>>) semaphore(%arg34 : memref<!tpu.dma_semaphore, #tpu.memory_space<semaphore_mem>>)
      } else {
      }
      %mul3A_430 = arith.constant 8 : i32
      %mul3A_431 = arith.muli %scan3A_325, %mul3A_430 : i32
      %add3A_432 = arith.constant 7 : i32
      %add3A_433 = arith.addi %mul3A_431, %add3A_432 : i32
      %lt3A_434 = arith.cmpi slt, %add3A_433, %select_n3A_278 : i32
      %gt3A_435 = arith.constant 0 : i32
      %gt3A_436 = arith.cmpi sgt, %scan3A_325, %gt3A_435 : i32
      %and3A_437 = arith.andi %lt3A_434, %gt3A_436 : i1
      %convert_element_type3A_438 = arith.extui %and3A_437 : i1 to i32
      %cond3A_439 = arith.constant 0 : i32
      %cond3A_440 = arith.cmpi ne, %convert_element_type3A_438, %cond3A_439 : i32
      scf.if %cond3A_440 {
        %dma_wait3A = arith.constant 7 : i32
        %dma_wait3A_509 = arith.constant 0 : i32
        %dma_wait3A_510 = arith.constant 0 : i32
        %dma_wait3A_511 = tpu.memref_slice %arg11[%dma_wait3A, %dma_wait3A_509, %dma_wait3A_510] : memref<8x128x64xf32, #tpu.memory_space<vmem>> -> memref<1x128x64xf32, #tpu.memory_space<vmem>>
        %dma_wait3A_512 = tpu.memref_squeeze %dma_wait3A_511 : memref<1x128x64xf32, #tpu.memory_space<vmem>> -> memref<128x64xf32, #tpu.memory_space<vmem>>
        %dma_wait3A_513 = arith.constant 0 : i32
        %dma_wait3A_514 = arith.constant 0 : i32
        %dma_wait3A_515 = tpu.memref_slice %arg5[%dma_wait3A_513, %dma_wait3A_514] : memref<204800x64xf32, #tpu.memory_space<hbm>> -> memref<128x64xf32, #tpu.memory_space<hbm>>
        %dma_wait3A_516 = arith.constant 0 : i32
        %dma_wait3A_517 = arith.constant 0 : i32
        %dma_wait3A_518 = tpu.memref_slice %arg5[%dma_wait3A_516, %dma_wait3A_517] : memref<204800x64xf32, #tpu.memory_space<hbm>> -> memref<128x64xf32, #tpu.memory_space<hbm>>
        %dma_wait3A_519 = arith.constant 0 : i32
        %dma_wait3A_520 = arith.constant 0 : i32
        %dma_wait3A_521 = tpu.memref_slice %arg11[%dma_wait3A, %dma_wait3A_519, %dma_wait3A_520] : memref<8x128x64xf32, #tpu.memory_space<vmem>> -> memref<1x128x64xf32, #tpu.memory_space<vmem>>
        %dma_wait3A_522 = tpu.memref_squeeze %dma_wait3A_521 : memref<1x128x64xf32, #tpu.memory_space<vmem>> -> memref<128x64xf32, #tpu.memory_space<vmem>>
        tpu.wait_dma2 semaphore(%arg43 : memref<!tpu.dma_semaphore, #tpu.memory_space<semaphore_mem>>) src(%dma_wait3A_522 : memref<128x64xf32, #tpu.memory_space<vmem>>) dst(%dma_wait3A_518 : memref<128x64xf32, #tpu.memory_space<hbm>>)
      } else {
      }
      %lt3A_441 = arith.cmpi slt, %add3A_433, %select_n3A_278 : i32
      %convert_element_type3A_442 = arith.extui %lt3A_441 : i1 to i32
      %cond3A_443 = arith.constant 0 : i32
      %cond3A_444 = arith.cmpi ne, %convert_element_type3A_442, %cond3A_443 : i32
      scf.if %cond3A_444 {
        %mul3A_509 = arith.constant 128 : i32
        %mul3A_510 = arith.muli %add3A_433, %mul3A_509 : i32
        %add3A_511 = arith.constant 0 : i32
        %add3A_512 = arith.addi %mul3A_510, %add3A_511 : i32
        %get3A = arith.index_cast %add3A_512 : i32 to index
        %get3A_513 = tpu.vector_load %arg9[%get3A] {strides = array<i32>} : memref<6544xi32, #tpu.memory_space<vmem>>, vector<16xi32>,
        %swap3A = arith.constant 0 : index
        %swap3A_514 = tpu.vector_load %arg19[%swap3A] {strides = array<i32>} : memref<128xi32, #tpu.memory_space<vmem>>, vector<16xi32>,
        tpu.vector_store %arg19[%swap3A], %get3A_513 {strides = array<i32>} : memref<128xi32, #tpu.memory_space<vmem>>, vector<16xi32>,
        %mul3A_515 = arith.constant 128 : i32
        %mul3A_516 = arith.muli %add3A_433, %mul3A_515 : i32
        %add3A_517 = arith.constant 0 : i32
        %add3A_518 = arith.addi %mul3A_516, %add3A_517 : i32
        %get3A_519 = arith.index_cast %add3A_518 : i32 to index
        %get3A_520 = tpu.vector_load %arg10[%get3A_519] {strides = array<i32>} : memref<6544xi32, #tpu.memory_space<vmem>>, vector<16xi32>,
        %swap3A_521 = arith.constant 0 : index
        %swap3A_522 = tpu.vector_load %arg27[%swap3A_521] {strides = array<i32>} : memref<128xi32, #tpu.memory_space<vmem>>, vector<16xi32>,
        tpu.vector_store %arg27[%swap3A_521], %get3A_520 {strides = array<i32>} : memref<128xi32, #tpu.memory_space<vmem>>, vector<16xi32>,
        %mul3A_523 = arith.constant 128 : i32
        %mul3A_524 = arith.muli %add3A_433, %mul3A_523 : i32
        %add3A_525 = arith.constant 16 : i32
        %add3A_526 = arith.addi %mul3A_524, %add3A_525 : i32
        %get3A_527 = arith.index_cast %add3A_526 : i32 to index
        %get3A_528 = tpu.vector_load %arg9[%get3A_527] {strides = array<i32>} : memref<6544xi32, #tpu.memory_space<vmem>>, vector<16xi32>,
        %swap3A_529 = arith.constant 16 : index
        %swap3A_530 = tpu.vector_load %arg19[%swap3A_529] {strides = array<i32>} : memref<128xi32, #tpu.memory_space<vmem>>, vector<16xi32>,
        tpu.vector_store %arg19[%swap3A_529], %get3A_528 {strides = array<i32>} : memref<128xi32, #tpu.memory_space<vmem>>, vector<16xi32>,
        %mul3A_531 = arith.constant 128 : i32
        %mul3A_532 = arith.muli %add3A_433, %mul3A_531 : i32
        %add3A_533 = arith.constant 16 : i32
        %add3A_534 = arith.addi %mul3A_532, %add3A_533 : i32
        %get3A_535 = arith.index_cast %add3A_534 : i32 to index
        %get3A_536 = tpu.vector_load %arg10[%get3A_535] {strides = array<i32>} : memref<6544xi32, #tpu.memory_space<vmem>>, vector<16xi32>,
        %swap3A_537 = arith.constant 16 : index
        %swap3A_538 = tpu.vector_load %arg27[%swap3A_537] {strides = array<i32>} : memref<128xi32, #tpu.memory_space<vmem>>, vector<16xi32>,
        tpu.vector_store %arg27[%swap3A_537], %get3A_536 {strides = array<i32>} : memref<128xi32, #tpu.memory_space<vmem>>, vector<16xi32>,
        %mul3A_539 = arith.constant 128 : i32
        %mul3A_540 = arith.muli %add3A_433, %mul3A_539 : i32
        %add3A_541 = arith.constant 32 : i32
        %add3A_542 = arith.addi %mul3A_540, %add3A_541 : i32
        %get3A_543 = arith.index_cast %add3A_542 : i32 to index
        %get3A_544 = tpu.vector_load %arg9[%get3A_543] {strides = array<i32>} : memref<6544xi32, #tpu.memory_space<vmem>>, vector<16xi32>,
        %swap3A_545 = arith.constant 32 : index
        %swap3A_546 = tpu.vector_load %arg19[%swap3A_545] {strides = array<i32>} : memref<128xi32, #tpu.memory_space<vmem>>, vector<16xi32>,
        tpu.vector_store %arg19[%swap3A_545], %get3A_544 {strides = array<i32>} : memref<128xi32, #tpu.memory_space<vmem>>, vector<16xi32>,
        %mul3A_547 = arith.constant 128 : i32
        %mul3A_548 = arith.muli %add3A_433, %mul3A_547 : i32
        %add3A_549 = arith.constant 32 : i32
        %add3A_550 = arith.addi %mul3A_548, %add3A_549 : i32
        %get3A_551 = arith.index_cast %add3A_550 : i32 to index
        %get3A_552 = tpu.vector_load %arg10[%get3A_551] {strides = array<i32>} : memref<6544xi32, #tpu.memory_space<vmem>>, vector<16xi32>,
        %swap3A_553 = arith.constant 32 : index
        %swap3A_554 = tpu.vector_load %arg27[%swap3A_553] {strides = array<i32>} : memref<128xi32, #tpu.memory_space<vmem>>, vector<16xi32>,
        tpu.vector_store %arg27[%swap3A_553], %get3A_552 {strides = array<i32>} : memref<128xi32, #tpu.memory_space<vmem>>, vector<16xi32>,
        %mul3A_555 = arith.constant 128 : i32
        %mul3A_556 = arith.muli %add3A_433, %mul3A_555 : i32
        %add3A_557 = arith.constant 48 : i32
        %add3A_558 = arith.addi %mul3A_556, %add3A_557 : i32
        %get3A_559 = arith.index_cast %add3A_558 : i32 to index
        %get3A_560 = tpu.vector_load %arg9[%get3A_559] {strides = array<i32>} : memref<6544xi32, #tpu.memory_space<vmem>>, vector<16xi32>,
        %swap3A_561 = arith.constant 48 : index
        %swap3A_562 = tpu.vector_load %arg19[%swap3A_561] {strides = array<i32>} : memref<128xi32, #tpu.memory_space<vmem>>, vector<16xi32>,
        tpu.vector_store %arg19[%swap3A_561], %get3A_560 {strides = array<i32>} : memref<128xi32, #tpu.memory_space<vmem>>, vector<16xi32>,
        %mul3A_563 = arith.constant 128 : i32
        %mul3A_564 = arith.muli %add3A_433, %mul3A_563 : i32
        %add3A_565 = arith.constant 48 : i32
        %add3A_566 = arith.addi %mul3A_564, %add3A_565 : i32
        %get3A_567 = arith.index_cast %add3A_566 : i32 to index
        %get3A_568 = tpu.vector_load %arg10[%get3A_567] {strides = array<i32>} : memref<6544xi32, #tpu.memory_space<vmem>>, vector<16xi32>,
        %swap3A_569 = arith.constant 48 : index
        %swap3A_570 = tpu.vector_load %arg27[%swap3A_569] {strides = array<i32>} : memref<128xi32, #tpu.memory_space<vmem>>, vector<16xi32>,
        tpu.vector_store %arg27[%swap3A_569], %get3A_568 {strides = array<i32>} : memref<128xi32, #tpu.memory_space<vmem>>, vector<16xi32>,
        %mul3A_571 = arith.constant 128 : i32
        %mul3A_572 = arith.muli %add3A_433, %mul3A_571 : i32
        %add3A_573 = arith.constant 64 : i32
        %add3A_574 = arith.addi %mul3A_572, %add3A_573 : i32
        %get3A_575 = arith.index_cast %add3A_574 : i32 to index
        %get3A_576 = tpu.vector_load %arg9[%get3A_575] {strides = array<i32>} : memref<6544xi32, #tpu.memory_space<vmem>>, vector<16xi32>,
        %swap3A_577 = arith.constant 64 : index
        %swap3A_578 = tpu.vector_load %arg19[%swap3A_577] {strides = array<i32>} : memref<128xi32, #tpu.memory_space<vmem>>, vector<16xi32>,
        tpu.vector_store %arg19[%swap3A_577], %get3A_576 {strides = array<i32>} : memref<128xi32, #tpu.memory_space<vmem>>, vector<16xi32>,
        %mul3A_579 = arith.constant 128 : i32
        %mul3A_580 = arith.muli %add3A_433, %mul3A_579 : i32
        %add3A_581 = arith.constant 64 : i32
        %add3A_582 = arith.addi %mul3A_580, %add3A_581 : i32
        %get3A_583 = arith.index_cast %add3A_582 : i32 to index
        %get3A_584 = tpu.vector_load %arg10[%get3A_583] {strides = array<i32>} : memref<6544xi32, #tpu.memory_space<vmem>>, vector<16xi32>,
        %swap3A_585 = arith.constant 64 : index
        %swap3A_586 = tpu.vector_load %arg27[%swap3A_585] {strides = array<i32>} : memref<128xi32, #tpu.memory_space<vmem>>, vector<16xi32>,
        tpu.vector_store %arg27[%swap3A_585], %get3A_584 {strides = array<i32>} : memref<128xi32, #tpu.memory_space<vmem>>, vector<16xi32>,
        %mul3A_587 = arith.constant 128 : i32
        %mul3A_588 = arith.muli %add3A_433, %mul3A_587 : i32
        %add3A_589 = arith.constant 80 : i32
        %add3A_590 = arith.addi %mul3A_588, %add3A_589 : i32
        %get3A_591 = arith.index_cast %add3A_590 : i32 to index
        %get3A_592 = tpu.vector_load %arg9[%get3A_591] {strides = array<i32>} : memref<6544xi32, #tpu.memory_space<vmem>>, vector<16xi32>,
        %swap3A_593 = arith.constant 80 : index
        %swap3A_594 = tpu.vector_load %arg19[%swap3A_593] {strides = array<i32>} : memref<128xi32, #tpu.memory_space<vmem>>, vector<16xi32>,
        tpu.vector_store %arg19[%swap3A_593], %get3A_592 {strides = array<i32>} : memref<128xi32, #tpu.memory_space<vmem>>, vector<16xi32>,
        %mul3A_595 = arith.constant 128 : i32
        %mul3A_596 = arith.muli %add3A_433, %mul3A_595 : i32
        %add3A_597 = arith.constant 80 : i32
        %add3A_598 = arith.addi %mul3A_596, %add3A_597 : i32
        %get3A_599 = arith.index_cast %add3A_598 : i32 to index
        %get3A_600 = tpu.vector_load %arg10[%get3A_599] {strides = array<i32>} : memref<6544xi32, #tpu.memory_space<vmem>>, vector<16xi32>,
        %swap3A_601 = arith.constant 80 : index
        %swap3A_602 = tpu.vector_load %arg27[%swap3A_601] {strides = array<i32>} : memref<128xi32, #tpu.memory_space<vmem>>, vector<16xi32>,
        tpu.vector_store %arg27[%swap3A_601], %get3A_600 {strides = array<i32>} : memref<128xi32, #tpu.memory_space<vmem>>, vector<16xi32>,
        %mul3A_603 = arith.constant 128 : i32
        %mul3A_604 = arith.muli %add3A_433, %mul3A_603 : i32
        %add3A_605 = arith.constant 96 : i32
        %add3A_606 = arith.addi %mul3A_604, %add3A_605 : i32
        %get3A_607 = arith.index_cast %add3A_606 : i32 to index
        %get3A_608 = tpu.vector_load %arg9[%get3A_607] {strides = array<i32>} : memref<6544xi32, #tpu.memory_space<vmem>>, vector<16xi32>,
        %swap3A_609 = arith.constant 96 : index
        %swap3A_610 = tpu.vector_load %arg19[%swap3A_609] {strides = array<i32>} : memref<128xi32, #tpu.memory_space<vmem>>, vector<16xi32>,
        tpu.vector_store %arg19[%swap3A_609], %get3A_608 {strides = array<i32>} : memref<128xi32, #tpu.memory_space<vmem>>, vector<16xi32>,
        %mul3A_611 = arith.constant 128 : i32
        %mul3A_612 = arith.muli %add3A_433, %mul3A_611 : i32
        %add3A_613 = arith.constant 96 : i32
        %add3A_614 = arith.addi %mul3A_612, %add3A_613 : i32
        %get3A_615 = arith.index_cast %add3A_614 : i32 to index
        %get3A_616 = tpu.vector_load %arg10[%get3A_615] {strides = array<i32>} : memref<6544xi32, #tpu.memory_space<vmem>>, vector<16xi32>,
        %swap3A_617 = arith.constant 96 : index
        %swap3A_618 = tpu.vector_load %arg27[%swap3A_617] {strides = array<i32>} : memref<128xi32, #tpu.memory_space<vmem>>, vector<16xi32>,
        tpu.vector_store %arg27[%swap3A_617], %get3A_616 {strides = array<i32>} : memref<128xi32, #tpu.memory_space<vmem>>, vector<16xi32>,
        %mul3A_619 = arith.constant 128 : i32
        %mul3A_620 = arith.muli %add3A_433, %mul3A_619 : i32
        %add3A_621 = arith.constant 112 : i32
        %add3A_622 = arith.addi %mul3A_620, %add3A_621 : i32
        %get3A_623 = arith.index_cast %add3A_622 : i32 to index
        %get3A_624 = tpu.vector_load %arg9[%get3A_623] {strides = array<i32>} : memref<6544xi32, #tpu.memory_space<vmem>>, vector<16xi32>,
        %swap3A_625 = arith.constant 112 : index
        %swap3A_626 = tpu.vector_load %arg19[%swap3A_625] {strides = array<i32>} : memref<128xi32, #tpu.memory_space<vmem>>, vector<16xi32>,
        tpu.vector_store %arg19[%swap3A_625], %get3A_624 {strides = array<i32>} : memref<128xi32, #tpu.memory_space<vmem>>, vector<16xi32>,
        %mul3A_627 = arith.constant 128 : i32
        %mul3A_628 = arith.muli %add3A_433, %mul3A_627 : i32
        %add3A_629 = arith.constant 112 : i32
        %add3A_630 = arith.addi %mul3A_628, %add3A_629 : i32
        %get3A_631 = arith.index_cast %add3A_630 : i32 to index
        %get3A_632 = tpu.vector_load %arg10[%get3A_631] {strides = array<i32>} : memref<6544xi32, #tpu.memory_space<vmem>>, vector<16xi32>,
        %swap3A_633 = arith.constant 112 : index
        %swap3A_634 = tpu.vector_load %arg27[%swap3A_633] {strides = array<i32>} : memref<128xi32, #tpu.memory_space<vmem>>, vector<16xi32>,
        tpu.vector_store %arg27[%swap3A_633], %get3A_632 {strides = array<i32>} : memref<128xi32, #tpu.memory_space<vmem>>, vector<16xi32>,
        %dma_start3A = arith.constant 7 : i32
        %dma_start3A_635 = arith.constant 0 : i32
        %dma_start3A_636 = arith.constant 0 : i32
        %dma_start3A_637 = tpu.memref_slice %arg11[%dma_start3A, %dma_start3A_635, %dma_start3A_636] : memref<8x128x64xf32, #tpu.memory_space<vmem>> -> memref<1x128x64xf32, #tpu.memory_space<vmem>>
        %dma_start3A_638 = tpu.memref_squeeze %dma_start3A_637 : memref<1x128x64xf32, #tpu.memory_space<vmem>> -> memref<128x64xf32, #tpu.memory_space<vmem>>
        %dma_start3A_639 = arith.constant 0 : i32
        %dma_start3A_640 = arith.constant 0 : i32
        %dma_start3A_641 = tpu.memref_slice %arg4[%dma_start3A_639, %dma_start3A_640] : memref<50000x64xf32, #tpu.memory_space<hbm>> -> memref<50000x64xf32, #tpu.memory_space<hbm>>
        tpu.enqueue_indirect_dma source(%dma_start3A_641 : memref<50000x64xf32, #tpu.memory_space<hbm>>) target(%dma_start3A_638 : memref<128x64xf32, #tpu.memory_space<vmem>>) offsets(%arg19 : memref<128xi32, #tpu.memory_space<vmem>>) semaphore(%arg35 : memref<!tpu.dma_semaphore, #tpu.memory_space<semaphore_mem>>)
      } else {
      }
      %mul3A_445 = arith.constant 8 : i32
      %mul3A_446 = arith.muli %scan3A_325, %mul3A_445 : i32
      %add3A_447 = arith.constant 0 : i32
      %add3A_448 = arith.addi %mul3A_446, %add3A_447 : i32
      %lt3A_449 = arith.cmpi slt, %add3A_448, %select_n3A_278 : i32
      %convert_element_type3A_450 = arith.extui %lt3A_449 : i1 to i32
      %cond3A_451 = arith.constant 0 : i32
      %cond3A_452 = arith.cmpi ne, %convert_element_type3A_450, %cond3A_451 : i32
      scf.if %cond3A_452 {
        %dma_wait3A = arith.constant 0 : i32
        %dma_wait3A_509 = arith.constant 0 : i32
        %dma_wait3A_510 = arith.constant 0 : i32
        %dma_wait3A_511 = tpu.memref_slice %arg11[%dma_wait3A, %dma_wait3A_509, %dma_wait3A_510] : memref<8x128x64xf32, #tpu.memory_space<vmem>> -> memref<1x128x64xf32, #tpu.memory_space<vmem>>
        %dma_wait3A_512 = tpu.memref_squeeze %dma_wait3A_511 : memref<1x128x64xf32, #tpu.memory_space<vmem>> -> memref<128x64xf32, #tpu.memory_space<vmem>>
        %dma_wait3A_513 = arith.constant 0 : i32
        %dma_wait3A_514 = arith.constant 0 : i32
        %dma_wait3A_515 = tpu.memref_slice %arg4[%dma_wait3A_513, %dma_wait3A_514] : memref<50000x64xf32, #tpu.memory_space<hbm>> -> memref<50000x64xf32, #tpu.memory_space<hbm>>
        tpu.wait_indirect_dma semaphore(%arg28 : memref<!tpu.dma_semaphore, #tpu.memory_space<semaphore_mem>>) src(%dma_wait3A_515 : memref<50000x64xf32, #tpu.memory_space<hbm>>) dst(%dma_wait3A_512 : memref<128x64xf32, #tpu.memory_space<vmem>>)
        %dma_start3A = arith.constant 0 : i32
        %dma_start3A_516 = arith.constant 0 : i32
        %dma_start3A_517 = arith.constant 0 : i32
        %dma_start3A_518 = tpu.memref_slice %arg11[%dma_start3A, %dma_start3A_516, %dma_start3A_517] : memref<8x128x64xf32, #tpu.memory_space<vmem>> -> memref<1x128x64xf32, #tpu.memory_space<vmem>>
        %dma_start3A_519 = tpu.memref_squeeze %dma_start3A_518 : memref<1x128x64xf32, #tpu.memory_space<vmem>> -> memref<128x64xf32, #tpu.memory_space<vmem>>
        %dma_start3A_520 = arith.constant 0 : i32
        %dma_start3A_521 = arith.constant 0 : i32
        %dma_start3A_522 = tpu.memref_slice %arg5[%dma_start3A_520, %dma_start3A_521] : memref<204800x64xf32, #tpu.memory_space<hbm>> -> memref<204800x64xf32, #tpu.memory_space<hbm>>
        tpu.enqueue_indirect_dma source(%dma_start3A_519 : memref<128x64xf32, #tpu.memory_space<vmem>>) target(%dma_start3A_522 : memref<204800x64xf32, #tpu.memory_space<hbm>>) offsets(%arg20 : memref<128xi32, #tpu.memory_space<vmem>>) semaphore(%arg36 : memref<!tpu.dma_semaphore, #tpu.memory_space<semaphore_mem>>)
      } else {
      }
      %mul3A_453 = arith.constant 8 : i32
      %mul3A_454 = arith.muli %scan3A_325, %mul3A_453 : i32
      %add3A_455 = arith.constant 1 : i32
      %add3A_456 = arith.addi %mul3A_454, %add3A_455 : i32
      %lt3A_457 = arith.cmpi slt, %add3A_456, %select_n3A_278 : i32
      %convert_element_type3A_458 = arith.extui %lt3A_457 : i1 to i32
      %cond3A_459 = arith.constant 0 : i32
      %cond3A_460 = arith.cmpi ne, %convert_element_type3A_458, %cond3A_459 : i32
      scf.if %cond3A_460 {
        %dma_wait3A = arith.constant 1 : i32
        %dma_wait3A_509 = arith.constant 0 : i32
        %dma_wait3A_510 = arith.constant 0 : i32
        %dma_wait3A_511 = tpu.memref_slice %arg11[%dma_wait3A, %dma_wait3A_509, %dma_wait3A_510] : memref<8x128x64xf32, #tpu.memory_space<vmem>> -> memref<1x128x64xf32, #tpu.memory_space<vmem>>
        %dma_wait3A_512 = tpu.memref_squeeze %dma_wait3A_511 : memref<1x128x64xf32, #tpu.memory_space<vmem>> -> memref<128x64xf32, #tpu.memory_space<vmem>>
        %dma_wait3A_513 = arith.constant 0 : i32
        %dma_wait3A_514 = arith.constant 0 : i32
        %dma_wait3A_515 = tpu.memref_slice %arg4[%dma_wait3A_513, %dma_wait3A_514] : memref<50000x64xf32, #tpu.memory_space<hbm>> -> memref<50000x64xf32, #tpu.memory_space<hbm>>
        tpu.wait_indirect_dma semaphore(%arg29 : memref<!tpu.dma_semaphore, #tpu.memory_space<semaphore_mem>>) src(%dma_wait3A_515 : memref<50000x64xf32, #tpu.memory_space<hbm>>) dst(%dma_wait3A_512 : memref<128x64xf32, #tpu.memory_space<vmem>>)
        %dma_start3A = arith.constant 1 : i32
        %dma_start3A_516 = arith.constant 0 : i32
        %dma_start3A_517 = arith.constant 0 : i32
        %dma_start3A_518 = tpu.memref_slice %arg11[%dma_start3A, %dma_start3A_516, %dma_start3A_517] : memref<8x128x64xf32, #tpu.memory_space<vmem>> -> memref<1x128x64xf32, #tpu.memory_space<vmem>>
        %dma_start3A_519 = tpu.memref_squeeze %dma_start3A_518 : memref<1x128x64xf32, #tpu.memory_space<vmem>> -> memref<128x64xf32, #tpu.memory_space<vmem>>
        %dma_start3A_520 = arith.constant 0 : i32
        %dma_start3A_521 = arith.constant 0 : i32
        %dma_start3A_522 = tpu.memref_slice %arg5[%dma_start3A_520, %dma_start3A_521] : memref<204800x64xf32, #tpu.memory_space<hbm>> -> memref<204800x64xf32, #tpu.memory_space<hbm>>
        tpu.enqueue_indirect_dma source(%dma_start3A_519 : memref<128x64xf32, #tpu.memory_space<vmem>>) target(%dma_start3A_522 : memref<204800x64xf32, #tpu.memory_space<hbm>>) offsets(%arg21 : memref<128xi32, #tpu.memory_space<vmem>>) semaphore(%arg37 : memref<!tpu.dma_semaphore, #tpu.memory_space<semaphore_mem>>)
      } else {
      }
      %mul3A_461 = arith.constant 8 : i32
      %mul3A_462 = arith.muli %scan3A_325, %mul3A_461 : i32
      %add3A_463 = arith.constant 2 : i32
      %add3A_464 = arith.addi %mul3A_462, %add3A_463 : i32
      %lt3A_465 = arith.cmpi slt, %add3A_464, %select_n3A_278 : i32
      %convert_element_type3A_466 = arith.extui %lt3A_465 : i1 to i32
      %cond3A_467 = arith.constant 0 : i32
      %cond3A_468 = arith.cmpi ne, %convert_element_type3A_466, %cond3A_467 : i32
      scf.if %cond3A_468 {
        %dma_wait3A = arith.constant 2 : i32
        %dma_wait3A_509 = arith.constant 0 : i32
        %dma_wait3A_510 = arith.constant 0 : i32
        %dma_wait3A_511 = tpu.memref_slice %arg11[%dma_wait3A, %dma_wait3A_509, %dma_wait3A_510] : memref<8x128x64xf32, #tpu.memory_space<vmem>> -> memref<1x128x64xf32, #tpu.memory_space<vmem>>
        %dma_wait3A_512 = tpu.memref_squeeze %dma_wait3A_511 : memref<1x128x64xf32, #tpu.memory_space<vmem>> -> memref<128x64xf32, #tpu.memory_space<vmem>>
        %dma_wait3A_513 = arith.constant 0 : i32
        %dma_wait3A_514 = arith.constant 0 : i32
        %dma_wait3A_515 = tpu.memref_slice %arg4[%dma_wait3A_513, %dma_wait3A_514] : memref<50000x64xf32, #tpu.memory_space<hbm>> -> memref<50000x64xf32, #tpu.memory_space<hbm>>
        tpu.wait_indirect_dma semaphore(%arg30 : memref<!tpu.dma_semaphore, #tpu.memory_space<semaphore_mem>>) src(%dma_wait3A_515 : memref<50000x64xf32, #tpu.memory_space<hbm>>) dst(%dma_wait3A_512 : memref<128x64xf32, #tpu.memory_space<vmem>>)
        %dma_start3A = arith.constant 2 : i32
        %dma_start3A_516 = arith.constant 0 : i32
        %dma_start3A_517 = arith.constant 0 : i32
        %dma_start3A_518 = tpu.memref_slice %arg11[%dma_start3A, %dma_start3A_516, %dma_start3A_517] : memref<8x128x64xf32, #tpu.memory_space<vmem>> -> memref<1x128x64xf32, #tpu.memory_space<vmem>>
        %dma_start3A_519 = tpu.memref_squeeze %dma_start3A_518 : memref<1x128x64xf32, #tpu.memory_space<vmem>> -> memref<128x64xf32, #tpu.memory_space<vmem>>
        %dma_start3A_520 = arith.constant 0 : i32
        %dma_start3A_521 = arith.constant 0 : i32
        %dma_start3A_522 = tpu.memref_slice %arg5[%dma_start3A_520, %dma_start3A_521] : memref<204800x64xf32, #tpu.memory_space<hbm>> -> memref<204800x64xf32, #tpu.memory_space<hbm>>
        tpu.enqueue_indirect_dma source(%dma_start3A_519 : memref<128x64xf32, #tpu.memory_space<vmem>>) target(%dma_start3A_522 : memref<204800x64xf32, #tpu.memory_space<hbm>>) offsets(%arg22 : memref<128xi32, #tpu.memory_space<vmem>>) semaphore(%arg38 : memref<!tpu.dma_semaphore, #tpu.memory_space<semaphore_mem>>)
      } else {
      }
      %mul3A_469 = arith.constant 8 : i32
      %mul3A_470 = arith.muli %scan3A_325, %mul3A_469 : i32
      %add3A_471 = arith.constant 3 : i32
      %add3A_472 = arith.addi %mul3A_470, %add3A_471 : i32
      %lt3A_473 = arith.cmpi slt, %add3A_472, %select_n3A_278 : i32
      %convert_element_type3A_474 = arith.extui %lt3A_473 : i1 to i32
      %cond3A_475 = arith.constant 0 : i32
      %cond3A_476 = arith.cmpi ne, %convert_element_type3A_474, %cond3A_475 : i32
      scf.if %cond3A_476 {
        %dma_wait3A = arith.constant 3 : i32
        %dma_wait3A_509 = arith.constant 0 : i32
        %dma_wait3A_510 = arith.constant 0 : i32
        %dma_wait3A_511 = tpu.memref_slice %arg11[%dma_wait3A, %dma_wait3A_509, %dma_wait3A_510] : memref<8x128x64xf32, #tpu.memory_space<vmem>> -> memref<1x128x64xf32, #tpu.memory_space<vmem>>
        %dma_wait3A_512 = tpu.memref_squeeze %dma_wait3A_511 : memref<1x128x64xf32, #tpu.memory_space<vmem>> -> memref<128x64xf32, #tpu.memory_space<vmem>>
        %dma_wait3A_513 = arith.constant 0 : i32
        %dma_wait3A_514 = arith.constant 0 : i32
        %dma_wait3A_515 = tpu.memref_slice %arg4[%dma_wait3A_513, %dma_wait3A_514] : memref<50000x64xf32, #tpu.memory_space<hbm>> -> memref<50000x64xf32, #tpu.memory_space<hbm>>
        tpu.wait_indirect_dma semaphore(%arg31 : memref<!tpu.dma_semaphore, #tpu.memory_space<semaphore_mem>>) src(%dma_wait3A_515 : memref<50000x64xf32, #tpu.memory_space<hbm>>) dst(%dma_wait3A_512 : memref<128x64xf32, #tpu.memory_space<vmem>>)
        %dma_start3A = arith.constant 3 : i32
        %dma_start3A_516 = arith.constant 0 : i32
        %dma_start3A_517 = arith.constant 0 : i32
        %dma_start3A_518 = tpu.memref_slice %arg11[%dma_start3A, %dma_start3A_516, %dma_start3A_517] : memref<8x128x64xf32, #tpu.memory_space<vmem>> -> memref<1x128x64xf32, #tpu.memory_space<vmem>>
        %dma_start3A_519 = tpu.memref_squeeze %dma_start3A_518 : memref<1x128x64xf32, #tpu.memory_space<vmem>> -> memref<128x64xf32, #tpu.memory_space<vmem>>
        %dma_start3A_520 = arith.constant 0 : i32
        %dma_start3A_521 = arith.constant 0 : i32
        %dma_start3A_522 = tpu.memref_slice %arg5[%dma_start3A_520, %dma_start3A_521] : memref<204800x64xf32, #tpu.memory_space<hbm>> -> memref<204800x64xf32, #tpu.memory_space<hbm>>
        tpu.enqueue_indirect_dma source(%dma_start3A_519 : memref<128x64xf32, #tpu.memory_space<vmem>>) target(%dma_start3A_522 : memref<204800x64xf32, #tpu.memory_space<hbm>>) offsets(%arg23 : memref<128xi32, #tpu.memory_space<vmem>>) semaphore(%arg39 : memref<!tpu.dma_semaphore, #tpu.memory_space<semaphore_mem>>)
      } else {
      }
      %mul3A_477 = arith.constant 8 : i32
      %mul3A_478 = arith.muli %scan3A_325, %mul3A_477 : i32
      %add3A_479 = arith.constant 4 : i32
      %add3A_480 = arith.addi %mul3A_478, %add3A_479 : i32
      %lt3A_481 = arith.cmpi slt, %add3A_480, %select_n3A_278 : i32
      %convert_element_type3A_482 = arith.extui %lt3A_481 : i1 to i32
      %cond3A_483 = arith.constant 0 : i32
      %cond3A_484 = arith.cmpi ne, %convert_element_type3A_482, %cond3A_483 : i32
      scf.if %cond3A_484 {
        %dma_wait3A = arith.constant 4 : i32
        %dma_wait3A_509 = arith.constant 0 : i32
        %dma_wait3A_510 = arith.constant 0 : i32
        %dma_wait3A_511 = tpu.memref_slice %arg11[%dma_wait3A, %dma_wait3A_509, %dma_wait3A_510] : memref<8x128x64xf32, #tpu.memory_space<vmem>> -> memref<1x128x64xf32, #tpu.memory_space<vmem>>
        %dma_wait3A_512 = tpu.memref_squeeze %dma_wait3A_511 : memref<1x128x64xf32, #tpu.memory_space<vmem>> -> memref<128x64xf32, #tpu.memory_space<vmem>>
        %dma_wait3A_513 = arith.constant 0 : i32
        %dma_wait3A_514 = arith.constant 0 : i32
        %dma_wait3A_515 = tpu.memref_slice %arg4[%dma_wait3A_513, %dma_wait3A_514] : memref<50000x64xf32, #tpu.memory_space<hbm>> -> memref<50000x64xf32, #tpu.memory_space<hbm>>
        tpu.wait_indirect_dma semaphore(%arg32 : memref<!tpu.dma_semaphore, #tpu.memory_space<semaphore_mem>>) src(%dma_wait3A_515 : memref<50000x64xf32, #tpu.memory_space<hbm>>) dst(%dma_wait3A_512 : memref<128x64xf32, #tpu.memory_space<vmem>>)
        %dma_start3A = arith.constant 4 : i32
        %dma_start3A_516 = arith.constant 0 : i32
        %dma_start3A_517 = arith.constant 0 : i32
        %dma_start3A_518 = tpu.memref_slice %arg11[%dma_start3A, %dma_start3A_516, %dma_start3A_517] : memref<8x128x64xf32, #tpu.memory_space<vmem>> -> memref<1x128x64xf32, #tpu.memory_space<vmem>>
        %dma_start3A_519 = tpu.memref_squeeze %dma_start3A_518 : memref<1x128x64xf32, #tpu.memory_space<vmem>> -> memref<128x64xf32, #tpu.memory_space<vmem>>
        %dma_start3A_520 = arith.constant 0 : i32
        %dma_start3A_521 = arith.constant 0 : i32
        %dma_start3A_522 = tpu.memref_slice %arg5[%dma_start3A_520, %dma_start3A_521] : memref<204800x64xf32, #tpu.memory_space<hbm>> -> memref<204800x64xf32, #tpu.memory_space<hbm>>
        tpu.enqueue_indirect_dma source(%dma_start3A_519 : memref<128x64xf32, #tpu.memory_space<vmem>>) target(%dma_start3A_522 : memref<204800x64xf32, #tpu.memory_space<hbm>>) offsets(%arg24 : memref<128xi32, #tpu.memory_space<vmem>>) semaphore(%arg40 : memref<!tpu.dma_semaphore, #tpu.memory_space<semaphore_mem>>)
      } else {
      }
      %mul3A_485 = arith.constant 8 : i32
      %mul3A_486 = arith.muli %scan3A_325, %mul3A_485 : i32
      %add3A_487 = arith.constant 5 : i32
      %add3A_488 = arith.addi %mul3A_486, %add3A_487 : i32
      %lt3A_489 = arith.cmpi slt, %add3A_488, %select_n3A_278 : i32
      %convert_element_type3A_490 = arith.extui %lt3A_489 : i1 to i32
      %cond3A_491 = arith.constant 0 : i32
      %cond3A_492 = arith.cmpi ne, %convert_element_type3A_490, %cond3A_491 : i32
      scf.if %cond3A_492 {
        %dma_wait3A = arith.constant 5 : i32
        %dma_wait3A_509 = arith.constant 0 : i32
        %dma_wait3A_510 = arith.constant 0 : i32
        %dma_wait3A_511 = tpu.memref_slice %arg11[%dma_wait3A, %dma_wait3A_509, %dma_wait3A_510] : memref<8x128x64xf32, #tpu.memory_space<vmem>> -> memref<1x128x64xf32, #tpu.memory_space<vmem>>
        %dma_wait3A_512 = tpu.memref_squeeze %dma_wait3A_511 : memref<1x128x64xf32, #tpu.memory_space<vmem>> -> memref<128x64xf32, #tpu.memory_space<vmem>>
        %dma_wait3A_513 = arith.constant 0 : i32
        %dma_wait3A_514 = arith.constant 0 : i32
        %dma_wait3A_515 = tpu.memref_slice %arg4[%dma_wait3A_513, %dma_wait3A_514] : memref<50000x64xf32, #tpu.memory_space<hbm>> -> memref<50000x64xf32, #tpu.memory_space<hbm>>
        tpu.wait_indirect_dma semaphore(%arg33 : memref<!tpu.dma_semaphore, #tpu.memory_space<semaphore_mem>>) src(%dma_wait3A_515 : memref<50000x64xf32, #tpu.memory_space<hbm>>) dst(%dma_wait3A_512 : memref<128x64xf32, #tpu.memory_space<vmem>>)
        %dma_start3A = arith.constant 5 : i32
        %dma_start3A_516 = arith.constant 0 : i32
        %dma_start3A_517 = arith.constant 0 : i32
        %dma_start3A_518 = tpu.memref_slice %arg11[%dma_start3A, %dma_start3A_516, %dma_start3A_517] : memref<8x128x64xf32, #tpu.memory_space<vmem>> -> memref<1x128x64xf32, #tpu.memory_space<vmem>>
        %dma_start3A_519 = tpu.memref_squeeze %dma_start3A_518 : memref<1x128x64xf32, #tpu.memory_space<vmem>> -> memref<128x64xf32, #tpu.memory_space<vmem>>
        %dma_start3A_520 = arith.constant 0 : i32
        %dma_start3A_521 = arith.constant 0 : i32
        %dma_start3A_522 = tpu.memref_slice %arg5[%dma_start3A_520, %dma_start3A_521] : memref<204800x64xf32, #tpu.memory_space<hbm>> -> memref<204800x64xf32, #tpu.memory_space<hbm>>
        tpu.enqueue_indirect_dma source(%dma_start3A_519 : memref<128x64xf32, #tpu.memory_space<vmem>>) target(%dma_start3A_522 : memref<204800x64xf32, #tpu.memory_space<hbm>>) offsets(%arg25 : memref<128xi32, #tpu.memory_space<vmem>>) semaphore(%arg41 : memref<!tpu.dma_semaphore, #tpu.memory_space<semaphore_mem>>)
      } else {
      }
      %mul3A_493 = arith.constant 8 : i32
      %mul3A_494 = arith.muli %scan3A_325, %mul3A_493 : i32
      %add3A_495 = arith.constant 6 : i32
      %add3A_496 = arith.addi %mul3A_494, %add3A_495 : i32
      %lt3A_497 = arith.cmpi slt, %add3A_496, %select_n3A_278 : i32
      %convert_element_type3A_498 = arith.extui %lt3A_497 : i1 to i32
      %cond3A_499 = arith.constant 0 : i32
      %cond3A_500 = arith.cmpi ne, %convert_element_type3A_498, %cond3A_499 : i32
      scf.if %cond3A_500 {
        %dma_wait3A = arith.constant 6 : i32
        %dma_wait3A_509 = arith.constant 0 : i32
        %dma_wait3A_510 = arith.constant 0 : i32
        %dma_wait3A_511 = tpu.memref_slice %arg11[%dma_wait3A, %dma_wait3A_509, %dma_wait3A_510] : memref<8x128x64xf32, #tpu.memory_space<vmem>> -> memref<1x128x64xf32, #tpu.memory_space<vmem>>
        %dma_wait3A_512 = tpu.memref_squeeze %dma_wait3A_511 : memref<1x128x64xf32, #tpu.memory_space<vmem>> -> memref<128x64xf32, #tpu.memory_space<vmem>>
        %dma_wait3A_513 = arith.constant 0 : i32
        %dma_wait3A_514 = arith.constant 0 : i32
        %dma_wait3A_515 = tpu.memref_slice %arg4[%dma_wait3A_513, %dma_wait3A_514] : memref<50000x64xf32, #tpu.memory_space<hbm>> -> memref<50000x64xf32, #tpu.memory_space<hbm>>
        tpu.wait_indirect_dma semaphore(%arg34 : memref<!tpu.dma_semaphore, #tpu.memory_space<semaphore_mem>>) src(%dma_wait3A_515 : memref<50000x64xf32, #tpu.memory_space<hbm>>) dst(%dma_wait3A_512 : memref<128x64xf32, #tpu.memory_space<vmem>>)
        %dma_start3A = arith.constant 6 : i32
        %dma_start3A_516 = arith.constant 0 : i32
        %dma_start3A_517 = arith.constant 0 : i32
        %dma_start3A_518 = tpu.memref_slice %arg11[%dma_start3A, %dma_start3A_516, %dma_start3A_517] : memref<8x128x64xf32, #tpu.memory_space<vmem>> -> memref<1x128x64xf32, #tpu.memory_space<vmem>>
        %dma_start3A_519 = tpu.memref_squeeze %dma_start3A_518 : memref<1x128x64xf32, #tpu.memory_space<vmem>> -> memref<128x64xf32, #tpu.memory_space<vmem>>
        %dma_start3A_520 = arith.constant 0 : i32
        %dma_start3A_521 = arith.constant 0 : i32
        %dma_start3A_522 = tpu.memref_slice %arg5[%dma_start3A_520, %dma_start3A_521] : memref<204800x64xf32, #tpu.memory_space<hbm>> -> memref<204800x64xf32, #tpu.memory_space<hbm>>
        tpu.enqueue_indirect_dma source(%dma_start3A_519 : memref<128x64xf32, #tpu.memory_space<vmem>>) target(%dma_start3A_522 : memref<204800x64xf32, #tpu.memory_space<hbm>>) offsets(%arg26 : memref<128xi32, #tpu.memory_space<vmem>>) semaphore(%arg42 : memref<!tpu.dma_semaphore, #tpu.memory_space<semaphore_mem>>)
      } else {
      }
      %mul3A_501 = arith.constant 8 : i32
      %mul3A_502 = arith.muli %scan3A_325, %mul3A_501 : i32
      %add3A_503 = arith.constant 7 : i32
      %add3A_504 = arith.addi %mul3A_502, %add3A_503 : i32
      %lt3A_505 = arith.cmpi slt, %add3A_504, %select_n3A_278 : i32
      %convert_element_type3A_506 = arith.extui %lt3A_505 : i1 to i32
      %cond3A_507 = arith.constant 0 : i32
      %cond3A_508 = arith.cmpi ne, %convert_element_type3A_506, %cond3A_507 : i32
      scf.if %cond3A_508 {
        %dma_wait3A = arith.constant 7 : i32
        %dma_wait3A_509 = arith.constant 0 : i32
        %dma_wait3A_510 = arith.constant 0 : i32
        %dma_wait3A_511 = tpu.memref_slice %arg11[%dma_wait3A, %dma_wait3A_509, %dma_wait3A_510] : memref<8x128x64xf32, #tpu.memory_space<vmem>> -> memref<1x128x64xf32, #tpu.memory_space<vmem>>
        %dma_wait3A_512 = tpu.memref_squeeze %dma_wait3A_511 : memref<1x128x64xf32, #tpu.memory_space<vmem>> -> memref<128x64xf32, #tpu.memory_space<vmem>>
        %dma_wait3A_513 = arith.constant 0 : i32
        %dma_wait3A_514 = arith.constant 0 : i32
        %dma_wait3A_515 = tpu.memref_slice %arg4[%dma_wait3A_513, %dma_wait3A_514] : memref<50000x64xf32, #tpu.memory_space<hbm>> -> memref<50000x64xf32, #tpu.memory_space<hbm>>
        tpu.wait_indirect_dma semaphore(%arg35 : memref<!tpu.dma_semaphore, #tpu.memory_space<semaphore_mem>>) src(%dma_wait3A_515 : memref<50000x64xf32, #tpu.memory_space<hbm>>) dst(%dma_wait3A_512 : memref<128x64xf32, #tpu.memory_space<vmem>>)
        %dma_start3A = arith.constant 7 : i32
        %dma_start3A_516 = arith.constant 0 : i32
        %dma_start3A_517 = arith.constant 0 : i32
        %dma_start3A_518 = tpu.memref_slice %arg11[%dma_start3A, %dma_start3A_516, %dma_start3A_517] : memref<8x128x64xf32, #tpu.memory_space<vmem>> -> memref<1x128x64xf32, #tpu.memory_space<vmem>>
        %dma_start3A_519 = tpu.memref_squeeze %dma_start3A_518 : memref<1x128x64xf32, #tpu.memory_space<vmem>> -> memref<128x64xf32, #tpu.memory_space<vmem>>
        %dma_start3A_520 = arith.constant 0 : i32
        %dma_start3A_521 = arith.constant 0 : i32
        %dma_start3A_522 = tpu.memref_slice %arg5[%dma_start3A_520, %dma_start3A_521] : memref<204800x64xf32, #tpu.memory_space<hbm>> -> memref<204800x64xf32, #tpu.memory_space<hbm>>
        tpu.enqueue_indirect_dma source(%dma_start3A_519 : memref<128x64xf32, #tpu.memory_space<vmem>>) target(%dma_start3A_522 : memref<204800x64xf32, #tpu.memory_space<hbm>>) offsets(%arg27 : memref<128xi32, #tpu.memory_space<vmem>>) semaphore(%arg43 : memref<!tpu.dma_semaphore, #tpu.memory_space<semaphore_mem>>)
      } else {
      }
    }
    %scan3A_284 = arith.constant 7 : i32
    %gt3A_285 = arith.constant 0 : i32
    %gt3A_286 = arith.cmpi sgt, %select_n3A_278, %gt3A_285 : i32
    %convert_element_type3A_287 = arith.extui %gt3A_286 : i1 to i32
    %cond3A_288 = arith.constant 0 : i32
    %cond3A_289 = arith.cmpi ne, %convert_element_type3A_287, %cond3A_288 : i32
    scf.if %cond3A_289 {
      %dma_wait3A = arith.constant 0 : i32
      %dma_wait3A_325 = arith.constant 0 : i32
      %dma_wait3A_326 = arith.constant 0 : i32
      %dma_wait3A_327 = tpu.memref_slice %arg11[%dma_wait3A, %dma_wait3A_325, %dma_wait3A_326] : memref<8x128x64xf32, #tpu.memory_space<vmem>> -> memref<1x128x64xf32, #tpu.memory_space<vmem>>
      %dma_wait3A_328 = tpu.memref_squeeze %dma_wait3A_327 : memref<1x128x64xf32, #tpu.memory_space<vmem>> -> memref<128x64xf32, #tpu.memory_space<vmem>>
      %dma_wait3A_329 = arith.constant 0 : i32
      %dma_wait3A_330 = arith.constant 0 : i32
      %dma_wait3A_331 = tpu.memref_slice %arg5[%dma_wait3A_329, %dma_wait3A_330] : memref<204800x64xf32, #tpu.memory_space<hbm>> -> memref<128x64xf32, #tpu.memory_space<hbm>>
      %dma_wait3A_332 = arith.constant 0 : i32
      %dma_wait3A_333 = arith.constant 0 : i32
      %dma_wait3A_334 = tpu.memref_slice %arg5[%dma_wait3A_332, %dma_wait3A_333] : memref<204800x64xf32, #tpu.memory_space<hbm>> -> memref<128x64xf32, #tpu.memory_space<hbm>>
      %dma_wait3A_335 = arith.constant 0 : i32
      %dma_wait3A_336 = arith.constant 0 : i32
      %dma_wait3A_337 = tpu.memref_slice %arg11[%dma_wait3A, %dma_wait3A_335, %dma_wait3A_336] : memref<8x128x64xf32, #tpu.memory_space<vmem>> -> memref<1x128x64xf32, #tpu.memory_space<vmem>>
      %dma_wait3A_338 = tpu.memref_squeeze %dma_wait3A_337 : memref<1x128x64xf32, #tpu.memory_space<vmem>> -> memref<128x64xf32, #tpu.memory_space<vmem>>
      tpu.wait_dma2 semaphore(%arg36 : memref<!tpu.dma_semaphore, #tpu.memory_space<semaphore_mem>>) src(%dma_wait3A_338 : memref<128x64xf32, #tpu.memory_space<vmem>>) dst(%dma_wait3A_334 : memref<128x64xf32, #tpu.memory_space<hbm>>)
    } else {
    }
    %gt3A_290 = arith.constant 1 : i32
    %gt3A_291 = arith.cmpi sgt, %select_n3A_278, %gt3A_290 : i32
    %convert_element_type3A_292 = arith.extui %gt3A_291 : i1 to i32
    %cond3A_293 = arith.constant 0 : i32
    %cond3A_294 = arith.cmpi ne, %convert_element_type3A_292, %cond3A_293 : i32
    scf.if %cond3A_294 {
      %dma_wait3A = arith.constant 1 : i32
      %dma_wait3A_325 = arith.constant 0 : i32
      %dma_wait3A_326 = arith.constant 0 : i32
      %dma_wait3A_327 = tpu.memref_slice %arg11[%dma_wait3A, %dma_wait3A_325, %dma_wait3A_326] : memref<8x128x64xf32, #tpu.memory_space<vmem>> -> memref<1x128x64xf32, #tpu.memory_space<vmem>>
      %dma_wait3A_328 = tpu.memref_squeeze %dma_wait3A_327 : memref<1x128x64xf32, #tpu.memory_space<vmem>> -> memref<128x64xf32, #tpu.memory_space<vmem>>
      %dma_wait3A_329 = arith.constant 0 : i32
      %dma_wait3A_330 = arith.constant 0 : i32
      %dma_wait3A_331 = tpu.memref_slice %arg5[%dma_wait3A_329, %dma_wait3A_330] : memref<204800x64xf32, #tpu.memory_space<hbm>> -> memref<128x64xf32, #tpu.memory_space<hbm>>
      %dma_wait3A_332 = arith.constant 0 : i32
      %dma_wait3A_333 = arith.constant 0 : i32
      %dma_wait3A_334 = tpu.memref_slice %arg5[%dma_wait3A_332, %dma_wait3A_333] : memref<204800x64xf32, #tpu.memory_space<hbm>> -> memref<128x64xf32, #tpu.memory_space<hbm>>
      %dma_wait3A_335 = arith.constant 0 : i32
      %dma_wait3A_336 = arith.constant 0 : i32
      %dma_wait3A_337 = tpu.memref_slice %arg11[%dma_wait3A, %dma_wait3A_335, %dma_wait3A_336] : memref<8x128x64xf32, #tpu.memory_space<vmem>> -> memref<1x128x64xf32, #tpu.memory_space<vmem>>
      %dma_wait3A_338 = tpu.memref_squeeze %dma_wait3A_337 : memref<1x128x64xf32, #tpu.memory_space<vmem>> -> memref<128x64xf32, #tpu.memory_space<vmem>>
      tpu.wait_dma2 semaphore(%arg37 : memref<!tpu.dma_semaphore, #tpu.memory_space<semaphore_mem>>) src(%dma_wait3A_338 : memref<128x64xf32, #tpu.memory_space<vmem>>) dst(%dma_wait3A_334 : memref<128x64xf32, #tpu.memory_space<hbm>>)
    } else {
    }
    %gt3A_295 = arith.constant 2 : i32
    %gt3A_296 = arith.cmpi sgt, %select_n3A_278, %gt3A_295 : i32
    %convert_element_type3A_297 = arith.extui %gt3A_296 : i1 to i32
    %cond3A_298 = arith.constant 0 : i32
    %cond3A_299 = arith.cmpi ne, %convert_element_type3A_297, %cond3A_298 : i32
    scf.if %cond3A_299 {
      %dma_wait3A = arith.constant 2 : i32
      %dma_wait3A_325 = arith.constant 0 : i32
      %dma_wait3A_326 = arith.constant 0 : i32
      %dma_wait3A_327 = tpu.memref_slice %arg11[%dma_wait3A, %dma_wait3A_325, %dma_wait3A_326] : memref<8x128x64xf32, #tpu.memory_space<vmem>> -> memref<1x128x64xf32, #tpu.memory_space<vmem>>
      %dma_wait3A_328 = tpu.memref_squeeze %dma_wait3A_327 : memref<1x128x64xf32, #tpu.memory_space<vmem>> -> memref<128x64xf32, #tpu.memory_space<vmem>>
      %dma_wait3A_329 = arith.constant 0 : i32
      %dma_wait3A_330 = arith.constant 0 : i32
      %dma_wait3A_331 = tpu.memref_slice %arg5[%dma_wait3A_329, %dma_wait3A_330] : memref<204800x64xf32, #tpu.memory_space<hbm>> -> memref<128x64xf32, #tpu.memory_space<hbm>>
      %dma_wait3A_332 = arith.constant 0 : i32
      %dma_wait3A_333 = arith.constant 0 : i32
      %dma_wait3A_334 = tpu.memref_slice %arg5[%dma_wait3A_332, %dma_wait3A_333] : memref<204800x64xf32, #tpu.memory_space<hbm>> -> memref<128x64xf32, #tpu.memory_space<hbm>>
      %dma_wait3A_335 = arith.constant 0 : i32
      %dma_wait3A_336 = arith.constant 0 : i32
      %dma_wait3A_337 = tpu.memref_slice %arg11[%dma_wait3A, %dma_wait3A_335, %dma_wait3A_336] : memref<8x128x64xf32, #tpu.memory_space<vmem>> -> memref<1x128x64xf32, #tpu.memory_space<vmem>>
      %dma_wait3A_338 = tpu.memref_squeeze %dma_wait3A_337 : memref<1x128x64xf32, #tpu.memory_space<vmem>> -> memref<128x64xf32, #tpu.memory_space<vmem>>
      tpu.wait_dma2 semaphore(%arg38 : memref<!tpu.dma_semaphore, #tpu.memory_space<semaphore_mem>>) src(%dma_wait3A_338 : memref<128x64xf32, #tpu.memory_space<vmem>>) dst(%dma_wait3A_334 : memref<128x64xf32, #tpu.memory_space<hbm>>)
    } else {
    }
    %gt3A_300 = arith.constant 3 : i32
    %gt3A_301 = arith.cmpi sgt, %select_n3A_278, %gt3A_300 : i32
    %convert_element_type3A_302 = arith.extui %gt3A_301 : i1 to i32
    %cond3A_303 = arith.constant 0 : i32
    %cond3A_304 = arith.cmpi ne, %convert_element_type3A_302, %cond3A_303 : i32
    scf.if %cond3A_304 {
      %dma_wait3A = arith.constant 3 : i32
      %dma_wait3A_325 = arith.constant 0 : i32
      %dma_wait3A_326 = arith.constant 0 : i32
      %dma_wait3A_327 = tpu.memref_slice %arg11[%dma_wait3A, %dma_wait3A_325, %dma_wait3A_326] : memref<8x128x64xf32, #tpu.memory_space<vmem>> -> memref<1x128x64xf32, #tpu.memory_space<vmem>>
      %dma_wait3A_328 = tpu.memref_squeeze %dma_wait3A_327 : memref<1x128x64xf32, #tpu.memory_space<vmem>> -> memref<128x64xf32, #tpu.memory_space<vmem>>
      %dma_wait3A_329 = arith.constant 0 : i32
      %dma_wait3A_330 = arith.constant 0 : i32
      %dma_wait3A_331 = tpu.memref_slice %arg5[%dma_wait3A_329, %dma_wait3A_330] : memref<204800x64xf32, #tpu.memory_space<hbm>> -> memref<128x64xf32, #tpu.memory_space<hbm>>
      %dma_wait3A_332 = arith.constant 0 : i32
      %dma_wait3A_333 = arith.constant 0 : i32
      %dma_wait3A_334 = tpu.memref_slice %arg5[%dma_wait3A_332, %dma_wait3A_333] : memref<204800x64xf32, #tpu.memory_space<hbm>> -> memref<128x64xf32, #tpu.memory_space<hbm>>
      %dma_wait3A_335 = arith.constant 0 : i32
      %dma_wait3A_336 = arith.constant 0 : i32
      %dma_wait3A_337 = tpu.memref_slice %arg11[%dma_wait3A, %dma_wait3A_335, %dma_wait3A_336] : memref<8x128x64xf32, #tpu.memory_space<vmem>> -> memref<1x128x64xf32, #tpu.memory_space<vmem>>
      %dma_wait3A_338 = tpu.memref_squeeze %dma_wait3A_337 : memref<1x128x64xf32, #tpu.memory_space<vmem>> -> memref<128x64xf32, #tpu.memory_space<vmem>>
      tpu.wait_dma2 semaphore(%arg39 : memref<!tpu.dma_semaphore, #tpu.memory_space<semaphore_mem>>) src(%dma_wait3A_338 : memref<128x64xf32, #tpu.memory_space<vmem>>) dst(%dma_wait3A_334 : memref<128x64xf32, #tpu.memory_space<hbm>>)
    } else {
    }
    %gt3A_305 = arith.constant 4 : i32
    %gt3A_306 = arith.cmpi sgt, %select_n3A_278, %gt3A_305 : i32
    %convert_element_type3A_307 = arith.extui %gt3A_306 : i1 to i32
    %cond3A_308 = arith.constant 0 : i32
    %cond3A_309 = arith.cmpi ne, %convert_element_type3A_307, %cond3A_308 : i32
    scf.if %cond3A_309 {
      %dma_wait3A = arith.constant 4 : i32
      %dma_wait3A_325 = arith.constant 0 : i32
      %dma_wait3A_326 = arith.constant 0 : i32
      %dma_wait3A_327 = tpu.memref_slice %arg11[%dma_wait3A, %dma_wait3A_325, %dma_wait3A_326] : memref<8x128x64xf32, #tpu.memory_space<vmem>> -> memref<1x128x64xf32, #tpu.memory_space<vmem>>
      %dma_wait3A_328 = tpu.memref_squeeze %dma_wait3A_327 : memref<1x128x64xf32, #tpu.memory_space<vmem>> -> memref<128x64xf32, #tpu.memory_space<vmem>>
      %dma_wait3A_329 = arith.constant 0 : i32
      %dma_wait3A_330 = arith.constant 0 : i32
      %dma_wait3A_331 = tpu.memref_slice %arg5[%dma_wait3A_329, %dma_wait3A_330] : memref<204800x64xf32, #tpu.memory_space<hbm>> -> memref<128x64xf32, #tpu.memory_space<hbm>>
      %dma_wait3A_332 = arith.constant 0 : i32
      %dma_wait3A_333 = arith.constant 0 : i32
      %dma_wait3A_334 = tpu.memref_slice %arg5[%dma_wait3A_332, %dma_wait3A_333] : memref<204800x64xf32, #tpu.memory_space<hbm>> -> memref<128x64xf32, #tpu.memory_space<hbm>>
      %dma_wait3A_335 = arith.constant 0 : i32
      %dma_wait3A_336 = arith.constant 0 : i32
      %dma_wait3A_337 = tpu.memref_slice %arg11[%dma_wait3A, %dma_wait3A_335, %dma_wait3A_336] : memref<8x128x64xf32, #tpu.memory_space<vmem>> -> memref<1x128x64xf32, #tpu.memory_space<vmem>>
      %dma_wait3A_338 = tpu.memref_squeeze %dma_wait3A_337 : memref<1x128x64xf32, #tpu.memory_space<vmem>> -> memref<128x64xf32, #tpu.memory_space<vmem>>
      tpu.wait_dma2 semaphore(%arg40 : memref<!tpu.dma_semaphore, #tpu.memory_space<semaphore_mem>>) src(%dma_wait3A_338 : memref<128x64xf32, #tpu.memory_space<vmem>>) dst(%dma_wait3A_334 : memref<128x64xf32, #tpu.memory_space<hbm>>)
    } else {
    }
    %gt3A_310 = arith.constant 5 : i32
    %gt3A_311 = arith.cmpi sgt, %select_n3A_278, %gt3A_310 : i32
    %convert_element_type3A_312 = arith.extui %gt3A_311 : i1 to i32
    %cond3A_313 = arith.constant 0 : i32
    %cond3A_314 = arith.cmpi ne, %convert_element_type3A_312, %cond3A_313 : i32
    scf.if %cond3A_314 {
      %dma_wait3A = arith.constant 5 : i32
      %dma_wait3A_325 = arith.constant 0 : i32
      %dma_wait3A_326 = arith.constant 0 : i32
      %dma_wait3A_327 = tpu.memref_slice %arg11[%dma_wait3A, %dma_wait3A_325, %dma_wait3A_326] : memref<8x128x64xf32, #tpu.memory_space<vmem>> -> memref<1x128x64xf32, #tpu.memory_space<vmem>>
      %dma_wait3A_328 = tpu.memref_squeeze %dma_wait3A_327 : memref<1x128x64xf32, #tpu.memory_space<vmem>> -> memref<128x64xf32, #tpu.memory_space<vmem>>
      %dma_wait3A_329 = arith.constant 0 : i32
      %dma_wait3A_330 = arith.constant 0 : i32
      %dma_wait3A_331 = tpu.memref_slice %arg5[%dma_wait3A_329, %dma_wait3A_330] : memref<204800x64xf32, #tpu.memory_space<hbm>> -> memref<128x64xf32, #tpu.memory_space<hbm>>
      %dma_wait3A_332 = arith.constant 0 : i32
      %dma_wait3A_333 = arith.constant 0 : i32
      %dma_wait3A_334 = tpu.memref_slice %arg5[%dma_wait3A_332, %dma_wait3A_333] : memref<204800x64xf32, #tpu.memory_space<hbm>> -> memref<128x64xf32, #tpu.memory_space<hbm>>
      %dma_wait3A_335 = arith.constant 0 : i32
      %dma_wait3A_336 = arith.constant 0 : i32
      %dma_wait3A_337 = tpu.memref_slice %arg11[%dma_wait3A, %dma_wait3A_335, %dma_wait3A_336] : memref<8x128x64xf32, #tpu.memory_space<vmem>> -> memref<1x128x64xf32, #tpu.memory_space<vmem>>
      %dma_wait3A_338 = tpu.memref_squeeze %dma_wait3A_337 : memref<1x128x64xf32, #tpu.memory_space<vmem>> -> memref<128x64xf32, #tpu.memory_space<vmem>>
      tpu.wait_dma2 semaphore(%arg41 : memref<!tpu.dma_semaphore, #tpu.memory_space<semaphore_mem>>) src(%dma_wait3A_338 : memref<128x64xf32, #tpu.memory_space<vmem>>) dst(%dma_wait3A_334 : memref<128x64xf32, #tpu.memory_space<hbm>>)
    } else {
    }
    %gt3A_315 = arith.constant 6 : i32
    %gt3A_316 = arith.cmpi sgt, %select_n3A_278, %gt3A_315 : i32
    %convert_element_type3A_317 = arith.extui %gt3A_316 : i1 to i32
    %cond3A_318 = arith.constant 0 : i32
    %cond3A_319 = arith.cmpi ne, %convert_element_type3A_317, %cond3A_318 : i32
    scf.if %cond3A_319 {
      %dma_wait3A = arith.constant 6 : i32
      %dma_wait3A_325 = arith.constant 0 : i32
      %dma_wait3A_326 = arith.constant 0 : i32
      %dma_wait3A_327 = tpu.memref_slice %arg11[%dma_wait3A, %dma_wait3A_325, %dma_wait3A_326] : memref<8x128x64xf32, #tpu.memory_space<vmem>> -> memref<1x128x64xf32, #tpu.memory_space<vmem>>
      %dma_wait3A_328 = tpu.memref_squeeze %dma_wait3A_327 : memref<1x128x64xf32, #tpu.memory_space<vmem>> -> memref<128x64xf32, #tpu.memory_space<vmem>>
      %dma_wait3A_329 = arith.constant 0 : i32
      %dma_wait3A_330 = arith.constant 0 : i32
      %dma_wait3A_331 = tpu.memref_slice %arg5[%dma_wait3A_329, %dma_wait3A_330] : memref<204800x64xf32, #tpu.memory_space<hbm>> -> memref<128x64xf32, #tpu.memory_space<hbm>>
      %dma_wait3A_332 = arith.constant 0 : i32
      %dma_wait3A_333 = arith.constant 0 : i32
      %dma_wait3A_334 = tpu.memref_slice %arg5[%dma_wait3A_332, %dma_wait3A_333] : memref<204800x64xf32, #tpu.memory_space<hbm>> -> memref<128x64xf32, #tpu.memory_space<hbm>>
      %dma_wait3A_335 = arith.constant 0 : i32
      %dma_wait3A_336 = arith.constant 0 : i32
      %dma_wait3A_337 = tpu.memref_slice %arg11[%dma_wait3A, %dma_wait3A_335, %dma_wait3A_336] : memref<8x128x64xf32, #tpu.memory_space<vmem>> -> memref<1x128x64xf32, #tpu.memory_space<vmem>>
      %dma_wait3A_338 = tpu.memref_squeeze %dma_wait3A_337 : memref<1x128x64xf32, #tpu.memory_space<vmem>> -> memref<128x64xf32, #tpu.memory_space<vmem>>
      tpu.wait_dma2 semaphore(%arg42 : memref<!tpu.dma_semaphore, #tpu.memory_space<semaphore_mem>>) src(%dma_wait3A_338 : memref<128x64xf32, #tpu.memory_space<vmem>>) dst(%dma_wait3A_334 : memref<128x64xf32, #tpu.memory_space<hbm>>)
    } else {
    }
    %gt3A_320 = arith.constant 7 : i32
    %gt3A_321 = arith.cmpi sgt, %select_n3A_278, %gt3A_320 : i32
    %convert_element_type3A_322 = arith.extui %gt3A_321 : i1 to i32
    %cond3A_323 = arith.constant 0 : i32
    %cond3A_324 = arith.cmpi ne, %convert_element_type3A_322, %cond3A_323 : i32
    scf.if %cond3A_324 {
      %dma_wait3A = arith.constant 7 : i32
      %dma_wait3A_325 = arith.constant 0 : i32
      %dma_wait3A_326 = arith.constant 0 : i32
      %dma_wait3A_327 = tpu.memref_slice %arg11[%dma_wait3A, %dma_wait3A_325, %dma_wait3A_326] : memref<8x128x64xf32, #tpu.memory_space<vmem>> -> memref<1x128x64xf32, #tpu.memory_space<vmem>>
      %dma_wait3A_328 = tpu.memref_squeeze %dma_wait3A_327 : memref<1x128x64xf32, #tpu.memory_space<vmem>> -> memref<128x64xf32, #tpu.memory_space<vmem>>
      %dma_wait3A_329 = arith.constant 0 : i32
      %dma_wait3A_330 = arith.constant 0 : i32
      %dma_wait3A_331 = tpu.memref_slice %arg5[%dma_wait3A_329, %dma_wait3A_330] : memref<204800x64xf32, #tpu.memory_space<hbm>> -> memref<128x64xf32, #tpu.memory_space<hbm>>
      %dma_wait3A_332 = arith.constant 0 : i32
      %dma_wait3A_333 = arith.constant 0 : i32
      %dma_wait3A_334 = tpu.memref_slice %arg5[%dma_wait3A_332, %dma_wait3A_333] : memref<204800x64xf32, #tpu.memory_space<hbm>> -> memref<128x64xf32, #tpu.memory_space<hbm>>
      %dma_wait3A_335 = arith.constant 0 : i32
      %dma_wait3A_336 = arith.constant 0 : i32
      %dma_wait3A_337 = tpu.memref_slice %arg11[%dma_wait3A, %dma_wait3A_335, %dma_wait3A_336] : memref<8x128x64xf32, #tpu.memory_space<vmem>> -> memref<1x128x64xf32, #tpu.memory_space<vmem>>
      %dma_wait3A_338 = tpu.memref_squeeze %dma_wait3A_337 : memref<1x128x64xf32, #tpu.memory_space<vmem>> -> memref<128x64xf32, #tpu.memory_space<vmem>>
      tpu.wait_dma2 semaphore(%arg43 : memref<!tpu.dma_semaphore, #tpu.memory_space<semaphore_mem>>) src(%dma_wait3A_338 : memref<128x64xf32, #tpu.memory_space<vmem>>) dst(%dma_wait3A_334 : memref<128x64xf32, #tpu.memory_space<hbm>>)
    } else {
    }
    return
  }
}

</mosaic_0001>

<sc_bundles>
// kernel: kernel.3.cloned.1.call-start
scs
__scs_entry_jumppad:
0x0: {  	(pc) =	sbr.rel $0x88, $3  }
0x1: {  	(tag) =	ssettag $0x0;
	lr =	simm.s32 $0x1  }
0x2: {  	[smem:$0x3F9E] =	sst lr;
	_ =	strace $0xD0000000  }
0x3: {  	_ = 	snop  }
0x4: {  	_ = 	snop  }
0x5: {  	_ = 	snop  }
0x6: {  	_ = 	snop  }
0x7: {  	_ = 	snop  }
__scs_overlays_trampoline_lowered:
0x8: {  	[smem:$0x3FAD] =	sst s0  }
0x9: {  	[smem:$0x3FAE] =	sst s1  }
0xa: {  	[smem:$0x3FAF] =	sst s2  }
0xb: {  	[smem:$0x3FB0] =	sst s3  }
0xc: {  	[smem:$0x3FB1] =	sst s4  }
0xd: {  	[smem:$0x3FB2] =	sst s5  }
0xe: {  	[smem:$0x3FB3] =	sst s6  }
0xf: {  	[smem:$0x3FB4] =	sst s7  }
0x10: {  	[smem:$0x3FB5] =	sst s8  }
0x11: {  	[smem:$0x3FB6] =	sst s9;
	s0 =	simm.s32 @!p0 $0x0  }
0x12: {  	s1 =	sld [smem:$0x3F9C];
	s0 =	simm.s32 @p0 $0x1  }
0x13: {  	[smem:$0x3FB7] =	sst s0;
	s0 =	simm.s32 @!p1 $0x0  }
0x14: {  	s2 =	sld [smem:$0x3F9B];
	s0 =	simm.s32 @p1 $0x1  }
0x15: {  	[smem:$0x3FB8] =	sst s0;
	s0 =	simm.s32 @!p2 $0x0  }
0x16: {  	s3 =	sld [smem:$0x3FDB];
	s0 =	simm.s32 @p2 $0x1  }
0x17: {  	s4 =	simm.s32 $0x1BF5;
	[smem:$0x3FBA] =	sst s0  }
0x18: {  	s0 =	sld [smem:$0x3F9D];
	_ =	swait.ge [sflag:s4], $0x0  }
0x19: {  	s7 =	sld [smem:$0x3F9E]  }
0x1a: {  	s8 =	sadd.s32 $0xFFFFE003, lr  }
0x1b: {  	s9 =	sadd.s32 $0xFFFFFEF7, lr;
	s5 =	simm.s32 $0xFFFFFFFF;
	p2 =	slt.u32 s8, $0xFFFFF086  }
0x1c: {  	p1 =	slt.u32 s9, $0xF7A;
	s5 =	simm.s32 @!p2 $0x0  }
0x1d: {  	s5 =	simm.s32 @p1 $0x1;
	p0 =	seq.s32 s7, s2  }
0x1e: {  	s7 =	smul.u32 @!p0 $0xF7A, s2;
	p2 =	seq.s32 @!p0 s5, $0x0  }
0x1f: {  	s9 =	smul.u32 $0xF7A, s1;
	s8 =	simm.s32 @!p0 $0x1BF5;
	p2 =	por !p2, p0  }
0x20: {  	[sflag:s8] =	ssyncset.s32 @!p0 $0xFFFFF086;
	s6 =	sadd.s32 @!p0 s3, s7;
	s7 =	simm.s32 @!p0 $0x108  }
0x21: {  	s3 =	sadd.s32 s3, s9;
	s6 =	sadd.s32 @!p0 $0x88, s6;
	s7 =	simm.s32 @p2 $0x1082  }
0x22: {  	[simem:s7], [sflag:s8] =	dma.local @!p0 [hbm:s6], $0xF7A  }
0x23: {  	s9 =	sor.u32 $0xD0000000, s2;
	s6 =	simm.s32 $0x108;
	_ =	swait.ge @!p0 [sflag:s8], $0x0  }
0x24: {  	s3 =	sadd.s32 $0x88, s3;
	s6 =	simm.s32 @!p1 $0x1082;
	[sflag:s4] =	ssyncset.s32 $0xFFFFF086  }
0x25: {  	[simem:s6], [sflag:s4] =	dma.local [hbm:s3], $0xF7A  }
0x26: {  	[smem:$0x3F9E] =	sst s1;
	(tag) =	ssettag s2;
	_ =	strace s9  }
0x27: {  	s1 =	sld [smem:$0x3FAE]  }
0x28: {  	s2 =	sld [smem:$0x3FAF]  }
0x29: {  	s4 =	sld [smem:$0x3FB1]  }
0x2a: {  	p0 =	seq.s32 s5, $0x0;
	s5 =	sld [smem:$0x3FB2]  }
0x2b: {  	s6 =	sld [smem:$0x3FB3]  }
0x2c: {  	s7 =	sld [smem:$0x3FB4]  }
0x2d: {  	s3 =	simm.s32 $0x108;
	s8 =	sld [smem:$0x3FB5]  }
0x2e: {  	s3 =	simm.s32 @!p0 $0x1082;
	s9 =	sld [smem:$0x3FB6]  }
0x2f: {  	lr =	sadd.s32 s0, s3;
	s0 =	sld [smem:$0x3FAD]  }
0x30: {  	s3 =	sld [smem:$0x3FB0]  }
0x31: {  	[smem:$0x3FB9] =	sst s10  }
0x32: {  	s10 =	sld [smem:$0x3FB7];
	_ =	sdelay $0x3  }
0x33: {  	p0 =	seq.s32 s10, $0x1;
	s10 =	sld [smem:$0x3FB9];
	_ =	sdelay $0x3  }
0x34: {  	[smem:$0x3FB9] =	sst s10  }
0x35: {  	s10 =	sld [smem:$0x3FB8];
	_ =	sdelay $0x3  }
0x36: {  	p1 =	seq.s32 s10, $0x1;
	s10 =	sld [smem:$0x3FB9];
	_ =	sdelay $0x3  }
0x37: {  	[smem:$0x3FB9] =	sst s10  }
0x38: {  	s10 =	sld [smem:$0x3FBA]  }
0x39: {  	_ = 	snop;
	(pc) =	sbr.ind lr, $3  }
0x3a: {  	_ = 	snop  }
0x3b: {  	_ = 	snop  }
0x3c: {  	p2 =	seq.s32 s10, $0x1;
	s10 =	sld [smem:$0x3FB9]  }
0x3d: {  	_ =	shalt  }
0x3e: {  	_ =	shalt  }
0x3f: {  	_ =	shalt  }
0x40: {  	_ =	shalt  }
0x41: {  	_ =	shalt  }
0x42: {  	_ =	shalt  }
0x43: {  	_ =	shalt  }
0x44: {  	_ =	shalt  }
0x45: {  	_ =	shalt  }
0x46: {  	_ =	shalt  }
0x47: {  	_ =	shalt  }
0x48: {  	_ =	shalt  }
0x49: {  	_ =	shalt  }
0x4a: {  	_ =	shalt  }
0x4b: {  	_ =	shalt  }
0x4c: {  	_ =	shalt  }
0x4d: {  	_ =	shalt  }
0x4e: {  	_ =	shalt  }
0x4f: {  	_ =	shalt  }
0x50: {  	_ =	shalt  }
0x51: {  	_ =	shalt  }
0x52: {  	_ =	shalt  }
0x53: {  	_ =	shalt  }
0x54: {  	_ =	shalt  }
0x55: {  	_ =	shalt  }
0x56: {  	_ =	shalt  }
0x57: {  	_ =	shalt  }
0x58: {  	_ =	shalt  }
0x59: {  	_ =	shalt  }
0x5a: {  	_ =	shalt  }
0x5b: {  	_ =	shalt  }
0x5c: {  	_ =	shalt  }
0x5d: {  	_ =	shalt  }
0x5e: {  	_ =	shalt  }
0x5f: {  	_ =	shalt  }
0x60: {  	_ =	shalt  }
0x61: {  	_ =	shalt  }
0x62: {  	_ =	shalt  }
0x63: {  	_ =	shalt  }
0x64: {  	_ =	shalt  }
0x65: {  	_ =	shalt  }
0x66: {  	_ =	shalt  }
0x67: {  	_ =	shalt  }
0x68: {  	_ =	shalt  }
0x69: {  	_ =	shalt  }
0x6a: {  	_ =	shalt  }
0x6b: {  	_ =	shalt  }
0x6c: {  	_ =	shalt  }
0x6d: {  	_ =	shalt  }
0x6e: {  	_ =	shalt  }
0x6f: {  	_ =	shalt  }
0x70: {  	_ =	shalt  }
0x71: {  	_ =	shalt  }
0x72: {  	_ =	shalt  }
0x73: {  	_ =	shalt  }
0x74: {  	_ =	shalt  }
0x75: {  	_ =	shalt  }
0x76: {  	_ =	shalt  }
0x77: {  	_ =	shalt  }
0x78: {  	_ =	shalt  }
0x79: {  	_ =	shalt  }
0x7a: {  	_ =	shalt  }
0x7b: {  	_ =	shalt  }
0x7c: {  	_ =	shalt  }
0x7d: {  	_ =	shalt  }
0x7e: {  	_ =	shalt  }
0x7f: {  	_ =	shalt  }
0x80: {  	_ =	shalt  }
0x81: {  	_ =	shalt  }
0x82: {  	_ =	shalt  }
0x83: {  	_ =	shalt  }
0x84: {  	_ =	shalt  }
0x85: {  	_ =	shalt  }
0x86: {  	_ =	shalt  }
0x87: {  	_ =	shalt  }
.Lfunc_end0:
.L_simem_size_0:
called_computation.1_lowered:
.L_overlay_start_0:
0x88: {  	s2 =	sld [smem:$0x3FD9]  }
0x89: {  	s3 =	sld [smem:$0x3FFE];
	_ =	sdelay $0x1  }
0x8a: {  	s1 =	srdreg.scid  }
0x8b: {  	s0 =	sand.u32 $0x1, s1  }
0x8c: {  	s17 =	sshll.u32 s0, $0xA;
	s2 =	sadd.s32 s3, s2  }
0x8d: {  	s2 =	sadd.s32 s2, s17  }
0x8e: {  	[smem:$0x3FC5] =	sst s2  }
0x8f: {  	_ = 	snop  }
0x90: {  	s2 =	sld [smem:$0x3FD0];
	(tm) =	ssettm $0x1  }
0x91: {  	s18 =	sld [smem:$0x3FFB];
	_ =	sdelay $0x3  }
0x92: {  	_ =	strace s18  }
0x93: {  	s3 =	sld [smem:$0x3FFC];
	_ =	sdelay $0x3  }
0x94: {  	_ =	strace s3  }
0x95: {  	s3 =	sld [smem:$0x3FFD];
	_ =	sdelay $0x3  }
0x96: {  	_ =	strace s3  }
0x97: {  	_ =	strace $0x8FFFFFFF  }
0x98: {  	s19 =	sld [smem:$0x3FDB];
	_ =	sdelay $0x1  }
0x99: {  	s4 =	simm.s32 $_scs_section_size  }
0x9a: {  	s5 =	simm.s32 $_size__tile_overlayer_lowered;
	s6 =	simm.s32 $_tile_overlayer_lowered  }
0x9b: {  	s22 =	simm.s32 $0x1BFF;
	s21 =	sshll.u32 s6, $0x1;
	s3 =	sadd.s32 s4, s19  }
0x9c: {  	s7 =	simm.s32 $0x0;
	s20 =	sshll.u32 s5, $0x1;
	s5 =	sadd.s32 s21, s3  }
0x9d: {  	[timem:s7], [sflag:s22] =	dma.local [hbm:s5], s20  }
0x9e: {  	_ =	swait.ge [sflag:s22], s20  }
0x9f: {  	s4 =	ssub.s32 $0x0, s20;
	[sflag:s22] =	ssyncset.done $0x0  }
0xa0: {  	[sflag:s22] =	ssyncadd.s32 s4;
	_ =	sdelay $0x1  }
0xa1: {  	s23 =	simm.s32 $0x1B8B  }
0xa2: {  	_ =	swait.ge [sflag:s23], $0x1  }
0xa3: {  	[sflag:s23] =	ssyncset.done $0x0  }
0xa4: {  	s25 =	simm.s32 $0x1B8E;
	s24 =	sld [smem:$0x3FFE];
	[sflag:s23] =	ssyncadd.s32 $0xFFFFFFFF  }
0xa5: {  	s26 =	simm.s32 $execute0_lowered;
	[smem:$0x3FD2] =	sst s25  }
0xa6: {  	s5 =	sshll.u32 s26, $0x1;
	_ =	strace $0x80000046;
	[dreg:$0x1] =	wrdreg $0xFFFFFFFF  }
0xa7: {  	s28 =	simm.s32 $_size_execute0_lowered;
	s3 =	sadd.s32 s3, s5;
	[dreg:$0x0] =	wrdreg $0x0  }
0xa8: {  	s5 =	sshll.u32 s28, $0x1;
	[dreg:$0x2] =	wrdreg s3  }
0xa9: {  	[dreg:$0x3] =	wrdreg s5  }
0xaa: {  	[dreg:$0x4] =	wrdreg $0xC0  }
0xab: {  	_ =	task [dreg:s7], $0x5FFFF  }
0xac: {  	[dreg:$0x1] =	wrdreg $0xFFFFFFFF  }
0xad: {  	[dreg:$0x0] =	wrdreg $0x60  }
0xae: {  	[dreg:$0x2] =	wrdreg s24  }
0xaf: {  	[dreg:$0x3] =	wrdreg s2  }
0xb0: {  	[dreg:$0x4] =	wrdreg $0x9  }
0xb1: {  	_ =	task.clear_ibuf [dreg:s7], $0x5FFFF;
	_ =	strace $0x90000046  }
0xb2: {  	s29 =	simm.s32 $0x9;
	_ =	strace $0x80000048  }
0xb3: {  	_ =	swait.ge [sflag:s29], $0x1  }
0xb4: {  	[sflag:s29] =	ssyncadd.s32 $0xFFFFFFFF  }
0xb5: {  	_ =	strace $0x90000048  }
0xb6: {  	_ =	sfence  }
0xb7: {  	s30 =	sld [smem:$0x0];
	_ =	sdelay $0x2  }
0xb8: {  	s31 =	sshll.u32 s1, $0xD;
	s1 =	sshrl.u32 s1, $0x2  }
0xb9: {  	s3 =	sand.u32 $0x4000, s31;
	s1 =	sadd.s32 s1, s30  }
0xba: {  	s0 =	sor.u32 s3, s0;
	s1 =	sshll.u32 s1, $0x11  }
0xbb: {  	s0 =	sor.u32 s1, s0  }
0xbc: {  	s0 =	sadd.s32 $0x8F2B, s0  }
0xbd: {  	[sflag:s0] =	ssyncadd.remote.s32 $0x1  }
0xbe: {  	_ =	sfence.sel $0xFFFF  }
0xbf: {  	[dreg:$0x0] =	wrdreg $0xFFFFFFFF;
	(pc) =	sbr.abs _section_cstart, $3  }
0xc0: {  	[dreg:$0x1] =	wrdreg $0xFFFFFFFF  }
0xc1: {  	_ =	task.clear_ibuf [dreg:s7], $0x2FFFF;
	_ =	strace $0x9FFFFFFF  }
0xc2: {  	(tm) =	ssettm $0x7FFFFFFF  }
0xc3: {  	_ =	shalt  }
tec
execute0_lowered:
.L_overlay_start_1:
0x0: {  	(tag) =	ssettag $0x1  }
0x1: {  	s0 =	srdreg.scid;
	s1 =	rddreg [dreg:$0x0]  }
0x2: {  	s5 =	stileid.u32;
	s2 =	rddreg [dreg:$0x1]  }
0x3: {  	s29 =	simm.s32 $0x0;
	s10 =	simm.s32 $0x1900;
	s11 =	simm.s32 $0x3290  }
0x4: {  	s12 =	simm.s32 $0x4C20;
	s0 =	sand.u32 $0x1, s0;
	s3 =	sshll.u32 s5, $0x1  }
0x5: {  	s13 =	simm.s32 $0x65B0;
	s8 =	smul.u32 $0x3200, s5;
	s4 =	sor.u32 s0, s3  }
0x6: {  	[smem:$0x7FF] =	sst s29;
	s7 =	ssub.s32 $0x2, s0;
	s4 =	smul.u32 $0x1900, s4  }
.Ltmp0:
0x7: {  	s5 =	sadd.s32 $0x68800, s1;
	s9 =	sshrl.u32 s7, $0x1;
	(pc) =	sbr.rel .LBB2_1-.Ltmp0, $4  }
0x8: {  	s0 =	smul.u32 $0x1900, s0;
	s30 =	ssub.s32 s7, s9;
	s4 =	sshrl.u32 s4, $0x3  }
0x9: {  	s6 =	sadd.s32 s4, s1;
	s4 =	sadd.s32 $0x6C00, s1;
	s1 =	smax.u32 s30, $0x1  }
0xa: {  	v0 =	vlaneseq.u32;
	_ =	strace $0x80000047;
	s31 =	sadd.s32 $0x800, s6;
	[dreg:$0x4] =	wrdreg s1  }
0xb: {  	v1 =	vimm.s32 $0x0;
	s15 =	simm.s32 $0x0;
	v2 =	vadd.s32 $0x1, v0;
	v3 =	vor.u32 $0xFFFFFFF8, v0;
	s8 =	sadd.s32 s0, s8;
	[dreg:$0x3] =	wrdreg s31  }
.LBB2_11:
0xc: {  	s15 =	sadd.s32 $0x1, s15;
	s0 =	rddreg [dreg:$0x4]  }
0xd: {  	p0 =	sne.s32 s15, s0  }
.Ltmp1:
0xe: {  	_ = 	snop;
	(pc) =	sbr.rel @!p0 .LBB2_12-.Ltmp1, $1  }
0xf: {  	_ =	sdelay $0x3  }
.LBB2_1:
0x10: {  	s1 =	simm.s32 $0x0;
	s0 =	rddreg [dreg:$0x3];
	s30 =	simm.s32 $0x11  }
0x11: {  	[tilespmem:s1], [sflag:$0x11] =	stream.linear.gather [hbm4b:s0+s1], $0x1900, $0x38;
	[tilespmem:$0x18740] =	vst v63  }
0x12: {  	_ =	swait.ge [sflag:s30], $0x1900  }
0x13: {  	[sflag:s30] =	ssyncset.done $0x0  }
0x14: {  	s31 =	simm.s32 $0x0;
	[sflag:s30] =	ssyncadd.s32 $0xFFFFE700  }
0x15: {  	v6 =	vld [tilespmem:s31+$0x0];
	_ =	sdelay $0x4  }
0x16: {  	vm1 =	vlt.s32 v6, $0xC350  }
0x17: {  	v4 =	vsel vm1, $0x1, v1  }
0x18: {  	(xrf0) =	vadd.scan.msk.s32 $0xffff, v4;
	_ =	sdelay $0x2  }
0x19: {  	v4 =	vmov s1  }
0x1a: {  	v4 =	vadd.s32 $0xFFFFFFFF, v4  }
0x1b: {  	v4 =	vbroadcast v4, $0x0  }
0x1c: {  	v7, _, _ =	vpop (xrf0)  }
0x1d: {  	v8 =	vadd.s32 v7, v4;
	v4 =	vxor.u32 $0xFFFFFFFF, v7;
	(v2sf) =	vpush v7, $0xF  }
0x1e: {  	vm0 =	vgt.s32 v6, $0xC34F;
	v4 =	vadd.s32 s1, v4  }
0x1f: {  	v4 =	vadd.s32 v2, v4;
	_ =	sdelay $0x2  }
0x20: {  	v5 =	vor.u32 s8, v0;
	[tilespmem:v8+s10+$0x0] =	vst.idx.msk vm1, v6  }
0x21: {  	s7 =	simm.s32 $0x40;
	s16 =	simm.s32 $0x80;
	v6 =	vadd.s32 $0xFFFF3CB0, v6;
	[tilespmem:v8+s11+$0x0] =	vst.idx.msk vm1, v5  }
0x22: {  	s6 =	simm.s32 $0x0;
	s0 =	smov.u32 s8;
	s1 =	simm.s32 $0x0;
	[tilespmem:v4+s12+$0x0] =	vst.idx.msk vm0, v6  }
.LBB2_2:
0x23: {  	p0 =	sne.s32 s16, $0x63C0;
	s17 =	sshra.s32 s7, $0x2;
	[tilespmem:v4+s13+$0x0] =	vst.idx.msk vm0, v5;
	s7 =	smov.u32 s16  }
0x24: {  	v6 =	vld [tilespmem:s17+$0x0];
	_ =	sdelay $0x4  }
0x25: {  	vm1 =	vlt.s32 v6, $0xC350;
	vm0 =	vgt.s32 v6, $0xC34F;
	v7 =	vadd.s32 $0xFFFF3CB0, v6  }
0x26: {  	v4 =	vsel vm1, $0x1, v1;
	s17 =	spop (v2sf)  }
0x27: {  	(xrf0) =	vadd.scan.msk.s32 $0xffff, v4;
	s6 =	sadd.s32 s6, s17;
	s1 =	ssub.s32 s1, s17  }
0x28: {  	v4 =	vmov s6;
	s1 =	sadd.s32 $0x10, s1  }
0x29: {  	v4 =	vadd.s32 $0xFFFFFFFF, v4  }
0x2a: {  	v4 =	vbroadcast v4, $0x0;
	_ =	sdelay $0x2  }
0x2b: {  	v5, _, _ =	vpop (xrf0)  }
0x2c: {  	v8 =	vadd.s32 v5, v4;
	v4 =	vxor.u32 $0xFFFFFFFF, v5;
	(v2sf) =	vpush v5, $0xF  }
0x2d: {  	v4 =	vadd.s32 s1, v4  }
0x2e: {  	v4 =	vadd.s32 v2, v4  }
.Ltmp2:
0x2f: {  	(pc) =	sbr.rel @p0 .LBB2_2-.Ltmp2, $4  }
0x30: {  	s0 =	sadd.s32 $0x10, s0  }
0x31: {  	v5 =	vor.u32 s0, v0;
	[tilespmem:v8+s10+$0x0] =	vst.idx.msk vm1, v6  }
0x32: {  	[tilespmem:v8+s11+$0x0] =	vst.idx.msk vm1, v5  }
0x33: {  	s16 =	sadd.s32 $0x40, s16;
	[tilespmem:v4+s12+$0x0] =	vst.idx.msk vm0, v7  }
0x34: {  	_ =	sdelay $0x4  }
0x35: {  	s7 =	sshra.s32 s7, $0x2;
	[tilespmem:v4+s13+$0x0] =	vst.idx.msk vm0, v5  }
0x36: {  	v4 =	vld [tilespmem:s7+$0x0];
	_ =	sdelay $0x4  }
0x37: {  	vm9 =	vlt.s32 v4, $0xC350  }
0x38: {  	v5 =	vsel vm9, $0x1, v1  }
0x39: {  	(xrf0) =	vadd.scan.msk.s32 $0xffff, v5;
	_ =	sdelay $0x5  }
0x3a: {  	v5, _, _ =	vpop (xrf0)  }
0x3b: {  	(v2sf) =	vpush v5, $0xF;
	_ =	sdelay $0xb  }
0x3c: {  	s21 =	spop (v2sf)  }
0x3d: {  	s16 =	sadd.s32 s6, s21  }
0x3e: {  	v6 =	vmov s16  }
0x3f: {  	v6 =	vadd.s32 $0xFFFFFFFF, v6;
	s22 =	spop (v2sf)  }
0x40: {  	s1 =	ssub.s32 s1, s21;
	v6 =	vbroadcast v6, $0x0;
	s17 =	sadd.s32 s16, s22  }
0x41: {  	s1 =	sadd.s32 $0x10, s1;
	s16 =	sadd.s32 $0xFFFFFFFF, s17  }
0x42: {  	v6 =	vadd.s32 v5, v6;
	v5 =	vxor.u32 $0xFFFFFFFF, v5;
	s23 =	sand.u32 $0xF, s17;
	s24 =	sshra.s32 s17, $0x1F;
	p0 =	sgt.s32 s16, $0x0  }
0x43: {  	vm1 =	vgt.s32 v4, $0xC34F;
	v5 =	vadd.s32 s1, v5;
	p1 =	slt.s32 s17, $0x1;
	p2 =	sne.s32 s23, $0x0;
	s16 =	simm.s32 @!p0 $0x0  }
0x44: {  	v5 =	vadd.s32 v2, v5;
	s7 =	sshrl.u32 s24, $0x1C;
	p0 =	por !p1, !p2;
	v7 =	vmov s16  }
0x45: {  	s7 =	sadd.s32 s7, s17;
	p0 =	por !p0, !p0;
	s16 =	simm.s32 $0x1;
	v7 =	vbroadcast v7, $0x0  }
0x46: {  	s0 =	sadd.s32 $0x10, s0;
	s7 =	sshrl.u32 s7, $0x4;
	s16 =	simm.s32 @!p0 $0x0  }
0x47: {  	v8 =	vor.u32 s0, v0;
	[tilespmem:v6+s10+$0x0] =	vst.idx.msk vm9, v4;
	s25 =	ssub.s32 s7, s16  }
0x48: {  	v4 =	vadd.s32 $0xFFFF3CB0, v4;
	[tilespmem:v6+s11+$0x0] =	vst.idx.msk vm9, v8;
	s0 =	sshll.u32 s25, $0x4  }
0x49: {  	[tilespmem:v5+s12+$0x0] =	vst.idx.msk vm1, v4;
	v4 =	vor.u32 s0, v0  }
0x4a: {  	[tilespmem:v5+s13+$0x0] =	vst.idx.msk vm1, v8;
	s26 =	sadd.s32 $0x10, s0;
	vm10 =	vge.s32 v4, s17  }
0x4b: {  	v4 =	vand.u32 v3, v4;
	v40 =	vor.u32 s26, v0;
	v5 =	vld.idx.msk [tilespmem:v7+s10+$0x0], $0xffff  }
0x4c: {  	s28 =	sadd.s32 $0x20, s0;
	vm11 =	vge.s32 v40, s17;
	v7 =	vld.idx.msk [tilespmem:v7+s11+$0x0], $0xffff  }
0x4d: {  	v41 =	vor.u32 s28, v0;
	v6 =	vand.u32 v3, v40  }
0x4e: {  	s29 =	sadd.s32 $0x30, s0;
	vm2 =	vge.s32 v41, s17  }
0x4f: {  	v9 =	vor.u32 s29, v0;
	v8 =	vand.u32 v3, v41  }
0x50: {  	s30 =	sadd.s32 $0x40, s0;
	vm3 =	vge.s32 v9, s17;
	[tilespmem:v4+s10+$0x0] =	vst.idx.msk vm10, v5  }
0x51: {  	v42 =	vor.u32 s30, v0;
	[tilespmem:v4+s11+$0x0] =	vst.idx.msk vm10, v7;
	v4 =	vand.u32 v3, v9  }
0x52: {  	s31 =	sadd.s32 $0x50, s0;
	vm12 =	vge.s32 v42, s17;
	[tilespmem:v6+s10+$0x0] =	vst.idx.msk vm11, v5  }
0x53: {  	v44 =	vor.u32 s31, v0;
	v43 =	vand.u32 v3, v42;
	[tilespmem:v6+s11+$0x0] =	vst.idx.msk vm11, v7  }
0x54: {  	s3 =	sadd.s32 $0x60, s0;
	vm13 =	vge.s32 v44, s17;
	[tilespmem:v8+s10+$0x0] =	vst.idx.msk vm2, v5  }
0x55: {  	v46 =	vor.u32 s3, v0;
	v45 =	vand.u32 v3, v44;
	[tilespmem:v8+s11+$0x0] =	vst.idx.msk vm2, v7  }
0x56: {  	s1 =	ssub.s32 s1, s22;
	s9 =	sadd.s32 $0x70, s0;
	vm14 =	vge.s32 v46, s17;
	[tilespmem:v4+s10+$0x0] =	vst.idx.msk vm3, v5  }
0x57: {  	s16 =	sadd.s32 $0x10, s1;
	v47 =	vor.u32 s9, v0;
	[tilespmem:v4+s11+$0x0] =	vst.idx.msk vm3, v7;
	v4 =	vand.u32 v3, v46  }
0x58: {  	s1 =	sadd.s32 $0xFFFFFFFF, s16;
	s0 =	sadd.s32 $0x80, s0;
	vm15 =	vge.s32 v47, s17;
	[tilespmem:v43+s10+$0x0] =	vst.idx.msk vm12, v5  }
0x59: {  	s14 =	sand.u32 $0xF, s16;
	s18 =	sshra.s32 s16, $0x1F;
	p0 =	sgt.s32 s1, $0x0;
	v49 =	vor.u32 s0, v0;
	v48 =	vand.u32 v3, v47;
	[tilespmem:v43+s11+$0x0] =	vst.idx.msk vm12, v7  }
0x5a: {  	p3 =	slt.s32 s16, $0x1;
	p4 =	sne.s32 s14, $0x0;
	s1 =	simm.s32 @!p0 $0x0;
	vm6 =	vge.s32 v49, s17;
	[tilespmem:v45+s10+$0x0] =	vst.idx.msk vm13, v5  }
0x5b: {  	s19 =	sshrl.u32 s18, $0x1C;
	p0 =	por !p3, !p4;
	v50 =	vand.u32 v3, v49;
	v51 =	vmov s1;
	[tilespmem:v45+s11+$0x0] =	vst.idx.msk vm13, v7  }
0x5c: {  	s0 =	sadd.s32 s19, s16;
	p0 =	por !p0, !p0;
	s1 =	simm.s32 $0x1;
	v9 =	vbroadcast v51, $0x0;
	[tilespmem:v4+s10+$0x0] =	vst.idx.msk vm14, v5  }
0x5d: {  	s0 =	sshrl.u32 s0, $0x4;
	s1 =	simm.s32 @!p0 $0x0;
	[tilespmem:v4+s11+$0x0] =	vst.idx.msk vm14, v7  }
0x5e: {  	s0 =	ssub.s32 s0, s1;
	[tilespmem:v48+s10+$0x0] =	vst.idx.msk vm15, v5  }
0x5f: {  	s0 =	sshll.u32 s0, $0x4;
	[tilespmem:v48+s11+$0x0] =	vst.idx.msk vm15, v7  }
0x60: {  	v4 =	vor.u32 s0, v0;
	[tilespmem:v50+s10+$0x0] =	vst.idx.msk vm6, v5  }
0x61: {  	s20 =	sadd.s32 $0x10, s0;
	vm7 =	vge.s32 v4, s16;
	[tilespmem:v50+s11+$0x0] =	vst.idx.msk vm6, v7  }
0x62: {  	v52 =	vor.u32 s20, v0;
	v4 =	vand.u32 v3, v4;
	v5 =	vld.idx.msk [tilespmem:v9+s12+$0x0], $0xffff  }
0x63: {  	s21 =	sadd.s32 $0x20, s0;
	vm8 =	vge.s32 v52, s16;
	v7 =	vld.idx.msk [tilespmem:v9+s13+$0x0], $0xffff  }
0x64: {  	v53 =	vor.u32 s21, v0;
	v6 =	vand.u32 v3, v52  }
0x65: {  	s22 =	sadd.s32 $0x30, s0;
	vm9 =	vge.s32 v53, s16  }
0x66: {  	v54 =	vor.u32 s22, v0;
	v8 =	vand.u32 v3, v53  }
0x67: {  	s23 =	sadd.s32 $0x40, s0;
	vm10 =	vge.s32 v54, s16;
	[tilespmem:v4+s12+$0x0] =	vst.idx.msk vm7, v5  }
0x68: {  	v55 =	vor.u32 s23, v0;
	[tilespmem:v4+s13+$0x0] =	vst.idx.msk vm7, v7;
	v4 =	vand.u32 v3, v54  }
0x69: {  	s24 =	sadd.s32 $0x50, s0;
	vm11 =	vge.s32 v55, s16;
	[tilespmem:v6+s12+$0x0] =	vst.idx.msk vm8, v5  }
0x6a: {  	v57 =	vor.u32 s24, v0;
	v56 =	vand.u32 v3, v55;
	[tilespmem:v6+s13+$0x0] =	vst.idx.msk vm8, v7  }
0x6b: {  	s25 =	sadd.s32 $0x60, s0;
	vm12 =	vge.s32 v57, s16;
	[tilespmem:v8+s12+$0x0] =	vst.idx.msk vm9, v5  }
0x6c: {  	v59 =	vor.u32 s25, v0;
	v58 =	vand.u32 v3, v57;
	[tilespmem:v8+s13+$0x0] =	vst.idx.msk vm9, v7  }
0x6d: {  	s26 =	sadd.s32 $0x70, s0;
	vm13 =	vge.s32 v59, s16;
	[tilespmem:v4+s12+$0x0] =	vst.idx.msk vm10, v5  }
0x6e: {  	v60 =	vor.u32 s26, v0;
	[tilespmem:v4+s13+$0x0] =	vst.idx.msk vm10, v7;
	v4 =	vand.u32 v3, v59  }
0x6f: {  	vm14 =	vge.s32 v60, s16;
	s0 =	sadd.s32 $0x80, s0;
	[tilespmem:v56+s12+$0x0] =	vst.idx.msk vm11, v5  }
0x70: {  	v61 =	vand.u32 v3, v60;
	v62 =	vor.u32 s0, v0;
	[tilespmem:v56+s13+$0x0] =	vst.idx.msk vm11, v7  }
0x71: {  	vm15 =	vge.s32 v62, s16;
	[tilespmem:v58+s12+$0x0] =	vst.idx.msk vm12, v5  }
0x72: {  	s28 =	sadd.s32 $0x7F, s17;
	v63 =	vand.u32 v3, v62;
	[tilespmem:v58+s13+$0x0] =	vst.idx.msk vm12, v7  }
0x73: {  	s29 =	sand.u32 $0x7F, s28;
	[tilespmem:v4+s12+$0x0] =	vst.idx.msk vm13, v5  }
0x74: {  	s30 =	sshra.s32 s28, $0x1F;
	p5 =	slt.s32 s28, $0x1;
	p6 =	sne.s32 s29, $0x0;
	[tilespmem:v4+s13+$0x0] =	vst.idx.msk vm13, v7  }
0x75: {  	s31 =	sshrl.u32 s30, $0x19;
	p0 =	por !p5, !p6;
	[tilespmem:v61+s12+$0x0] =	vst.idx.msk vm14, v5  }
0x76: {  	s1 =	simm.s32 $0x1;
	p0 =	por !p0, !p0;
	s0 =	sadd.s32 s31, s28;
	[tilespmem:v61+s13+$0x0] =	vst.idx.msk vm14, v7  }
0x77: {  	s18 =	simm.s32 $0x0;
	s1 =	simm.s32 @!p0 $0x0;
	s0 =	sshra.s32 s0, $0x7;
	[tilespmem:v63+s12+$0x0] =	vst.idx.msk vm15, v5  }
0x78: {  	s19 =	simm.s32 $0x3490;
	s20 =	simm.s32 $0x1B00;
	s17 =	ssub.s32 s0, s1;
	[tilespmem:v63+s13+$0x0] =	vst.idx.msk vm15, v7  }
.LBB2_4:
0x79: {  	p2 =	seq.s32 s18, $0x0  }
0x7a: {  	p0 =	sge.s32 @!p2 s18, s17  }
0x7b: {  	p0 =	por p0, p2  }
0x7c: {  	s0 =	simm.s32 @!p0 $0x9  }
0x7d: {  	_ =	swait.ge @!p0 [sflag:s0], $0x2000  }
0x7e: {  	[sflag:s0] =	ssyncset.done @!p0 $0x0  }
0x7f: {  	[sflag:s0] =	ssyncadd.s32 @!p0 $0xFFFFE000;
	p0 =	sge.s32 s18, s17  }
0x80: {  	v4 =	vld @!p0 [tilespmem:s20+$0xFFFFFE00];
	_ =	sdelay $0x4  }
0x81: {  	[tilespmem:$0x17F40] =	vst @!p0 v4  }
0x82: {  	v4 =	vld @!p0 [tilespmem:s19+$0xFFFFFE00];
	_ =	sdelay $0x4  }
0x83: {  	[tilespmem:$0x18340] =	vst @!p0 v4  }
0x84: {  	v4 =	vld @!p0 [tilespmem:s20+$0xFFFFFE10];
	_ =	sdelay $0x4  }
0x85: {  	[tilespmem:$0x17F50] =	vst @!p0 v4  }
0x86: {  	v4 =	vld @!p0 [tilespmem:s19+$0xFFFFFE10];
	_ =	sdelay $0x4  }
0x87: {  	[tilespmem:$0x18350] =	vst @!p0 v4  }
0x88: {  	v4 =	vld @!p0 [tilespmem:s20+$0xFFFFFE20];
	_ =	sdelay $0x4  }
0x89: {  	[tilespmem:$0x17F60] =	vst @!p0 v4  }
0x8a: {  	v4 =	vld @!p0 [tilespmem:s19+$0xFFFFFE20];
	_ =	sdelay $0x4  }
0x8b: {  	[tilespmem:$0x18360] =	vst @!p0 v4  }
0x8c: {  	v4 =	vld @!p0 [tilespmem:s20+$0xFFFFFE30];
	_ =	sdelay $0x4  }
0x8d: {  	[tilespmem:$0x17F70] =	vst @!p0 v4  }
0x8e: {  	v4 =	vld @!p0 [tilespmem:s19+$0xFFFFFE30];
	_ =	sdelay $0x4  }
0x8f: {  	[tilespmem:$0x18370] =	vst @!p0 v4  }
0x90: {  	v4 =	vld @!p0 [tilespmem:s20+$0xFFFFFE40];
	_ =	sdelay $0x4  }
0x91: {  	[tilespmem:$0x17F80] =	vst @!p0 v4  }
0x92: {  	v4 =	vld @!p0 [tilespmem:s19+$0xFFFFFE40];
	_ =	sdelay $0x4  }
0x93: {  	[tilespmem:$0x18380] =	vst @!p0 v4  }
0x94: {  	v4 =	vld @!p0 [tilespmem:s20+$0xFFFFFE50];
	_ =	sdelay $0x4  }
0x95: {  	[tilespmem:$0x17F90] =	vst @!p0 v4  }
0x96: {  	v4 =	vld @!p0 [tilespmem:s19+$0xFFFFFE50];
	_ =	sdelay $0x4  }
0x97: {  	[tilespmem:$0x18390] =	vst @!p0 v4  }
0x98: {  	v4 =	vld @!p0 [tilespmem:s20+$0xFFFFFE60];
	_ =	sdelay $0x4  }
0x99: {  	[tilespmem:$0x17FA0] =	vst @!p0 v4  }
0x9a: {  	v4 =	vld @!p0 [tilespmem:s19+$0xFFFFFE60];
	_ =	sdelay $0x4  }
0x9b: {  	[tilespmem:$0x183A0] =	vst @!p0 v4  }
0x9c: {  	v4 =	vld @!p0 [tilespmem:s20+$0xFFFFFE70];
	_ =	sdelay $0x4  }
0x9d: {  	[tilespmem:$0x17FB0] =	vst @!p0 v4  }
0x9e: {  	v4 =	vld @!p0 [tilespmem:s19+$0xFFFFFE70];
	_ =	sdelay $0x2  }
0x9f: {  	s0 =	simm.s32 @!p0 $0x0  }
0xa0: {  	s21 =	simm.s32 @!p0 $0x80;
	s0 =	simm.s32 @p0 $0x1  }
0xa1: {  	s22 =	simm.s32 @!p0 $0x7F40;
	[smem:$0x7FC] =	sst s0;
	s0 =	simm.s32 @!p0 $0x17F40;
	[tilespmem:$0x183B0] =	vst @!p0 v4  }
0xa2: {  	[tilespmem:s22], [sflag:$0x1] =	stream.indirect.gather @!p0 [hbm4b:s4+s21], $0x40, s0, s21, $0xb8;
	[tilespmem:$0x18740] =	vst v63  }
0xa3: {  	s0 =	sadd.s32 $0x1, s18  }
0xa4: {  	p0 =	sge.s32 @!p2 s0, s17  }
0xa5: {  	p0 =	por p0, p2  }
0xa6: {  	s1 =	simm.s32 @!p0 $0xA  }
0xa7: {  	_ =	swait.ge @!p0 [sflag:s1], $0x2000  }
0xa8: {  	[sflag:s1] =	ssyncset.done @!p0 $0x0  }
0xa9: {  	[sflag:s1] =	ssyncadd.s32 @!p0 $0xFFFFE000;
	p0 =	sge.s32 s0, s17  }
0xaa: {  	v4 =	vld @!p0 [tilespmem:s20+$0xFFFFFE80];
	_ =	sdelay $0x4  }
0xab: {  	[tilespmem:$0x17FC0] =	vst @!p0 v4  }
0xac: {  	v4 =	vld @!p0 [tilespmem:s19+$0xFFFFFE80];
	_ =	sdelay $0x4  }
0xad: {  	[tilespmem:$0x183C0] =	vst @!p0 v4  }
0xae: {  	v4 =	vld @!p0 [tilespmem:s20+$0xFFFFFE90];
	_ =	sdelay $0x4  }
0xaf: {  	[tilespmem:$0x17FD0] =	vst @!p0 v4  }
0xb0: {  	v4 =	vld @!p0 [tilespmem:s19+$0xFFFFFE90];
	_ =	sdelay $0x4  }
0xb1: {  	[tilespmem:$0x183D0] =	vst @!p0 v4  }
0xb2: {  	v4 =	vld @!p0 [tilespmem:s20+$0xFFFFFEA0];
	_ =	sdelay $0x4  }
0xb3: {  	[tilespmem:$0x17FE0] =	vst @!p0 v4  }
0xb4: {  	v4 =	vld @!p0 [tilespmem:s19+$0xFFFFFEA0];
	_ =	sdelay $0x4  }
0xb5: {  	[tilespmem:$0x183E0] =	vst @!p0 v4  }
0xb6: {  	v4 =	vld @!p0 [tilespmem:s20+$0xFFFFFEB0];
	_ =	sdelay $0x4  }
0xb7: {  	[tilespmem:$0x17FF0] =	vst @!p0 v4  }
0xb8: {  	v4 =	vld @!p0 [tilespmem:s19+$0xFFFFFEB0];
	_ =	sdelay $0x4  }
0xb9: {  	[tilespmem:$0x183F0] =	vst @!p0 v4  }
0xba: {  	v4 =	vld @!p0 [tilespmem:s20+$0xFFFFFEC0];
	_ =	sdelay $0x4  }
0xbb: {  	[tilespmem:$0x18000] =	vst @!p0 v4  }
0xbc: {  	v4 =	vld @!p0 [tilespmem:s19+$0xFFFFFEC0];
	_ =	sdelay $0x4  }
0xbd: {  	[tilespmem:$0x18400] =	vst @!p0 v4  }
0xbe: {  	v4 =	vld @!p0 [tilespmem:s20+$0xFFFFFED0];
	_ =	sdelay $0x4  }
0xbf: {  	[tilespmem:$0x18010] =	vst @!p0 v4  }
0xc0: {  	v4 =	vld @!p0 [tilespmem:s19+$0xFFFFFED0];
	_ =	sdelay $0x4  }
0xc1: {  	[tilespmem:$0x18410] =	vst @!p0 v4  }
0xc2: {  	v4 =	vld @!p0 [tilespmem:s20+$0xFFFFFEE0];
	_ =	sdelay $0x4  }
0xc3: {  	[tilespmem:$0x18020] =	vst @!p0 v4  }
0xc4: {  	v4 =	vld @!p0 [tilespmem:s19+$0xFFFFFEE0];
	_ =	sdelay $0x4  }
0xc5: {  	[tilespmem:$0x18420] =	vst @!p0 v4  }
0xc6: {  	v4 =	vld @!p0 [tilespmem:s20+$0xFFFFFEF0];
	_ =	sdelay $0x4  }
0xc7: {  	[tilespmem:$0x18030] =	vst @!p0 v4  }
0xc8: {  	v4 =	vld @!p0 [tilespmem:s19+$0xFFFFFEF0];
	_ =	sdelay $0x2  }
0xc9: {  	s0 =	simm.s32 @!p0 $0x0  }
0xca: {  	s23 =	simm.s32 @!p0 $0x80;
	s0 =	simm.s32 @p0 $0x1  }
0xcb: {  	s24 =	simm.s32 @!p0 $0x9F40;
	[smem:$0x7FD] =	sst s0;
	s0 =	simm.s32 @!p0 $0x17FC0;
	[tilespmem:$0x18430] =	vst @!p0 v4  }
0xcc: {  	[tilespmem:s24], [sflag:$0x2] =	stream.indirect.gather @!p0 [hbm4b:s4+s23], $0x40, s0, s23, $0xb8;
	[tilespmem:$0x18740] =	vst v63  }
0xcd: {  	s0 =	sadd.s32 $0x2, s18  }
0xce: {  	p0 =	sge.s32 @!p2 s0, s17  }
0xcf: {  	p0 =	por p0, p2  }
0xd0: {  	s1 =	simm.s32 @!p0 $0xB  }
0xd1: {  	_ =	swait.ge @!p0 [sflag:s1], $0x2000  }
0xd2: {  	[sflag:s1] =	ssyncset.done @!p0 $0x0  }
0xd3: {  	p3 =	sge.s32 s0, s17;
	[sflag:s1] =	ssyncadd.s32 @!p0 $0xFFFFE000  }
0xd4: {  	v4 =	vld @!p3 [tilespmem:s20+$0xFFFFFF00];
	_ =	sdelay $0x4  }
0xd5: {  	[tilespmem:$0x18040] =	vst @!p3 v4  }
0xd6: {  	v4 =	vld @!p3 [tilespmem:s19+$0xFFFFFF00];
	_ =	sdelay $0x4  }
0xd7: {  	[tilespmem:$0x18440] =	vst @!p3 v4  }
0xd8: {  	v4 =	vld @!p3 [tilespmem:s20+$0xFFFFFF10];
	_ =	sdelay $0x4  }
0xd9: {  	[tilespmem:$0x18050] =	vst @!p3 v4  }
0xda: {  	v4 =	vld @!p3 [tilespmem:s19+$0xFFFFFF10];
	_ =	sdelay $0x4  }
0xdb: {  	[tilespmem:$0x18450] =	vst @!p3 v4  }
0xdc: {  	v4 =	vld @!p3 [tilespmem:s20+$0xFFFFFF20];
	_ =	sdelay $0x4  }
0xdd: {  	[tilespmem:$0x18060] =	vst @!p3 v4  }
0xde: {  	v4 =	vld @!p3 [tilespmem:s19+$0xFFFFFF20];
	_ =	sdelay $0x4  }
0xdf: {  	[tilespmem:$0x18460] =	vst @!p3 v4  }
0xe0: {  	v4 =	vld @!p3 [tilespmem:s20+$0xFFFFFF30];
	_ =	sdelay $0x4  }
0xe1: {  	[tilespmem:$0x18070] =	vst @!p3 v4  }
0xe2: {  	v4 =	vld @!p3 [tilespmem:s19+$0xFFFFFF30];
	_ =	sdelay $0x4  }
0xe3: {  	[tilespmem:$0x18470] =	vst @!p3 v4  }
0xe4: {  	v4 =	vld @!p3 [tilespmem:s20+$0xFFFFFF40];
	_ =	sdelay $0x4  }
0xe5: {  	[tilespmem:$0x18080] =	vst @!p3 v4  }
0xe6: {  	v4 =	vld @!p3 [tilespmem:s19+$0xFFFFFF40];
	_ =	sdelay $0x4  }
0xe7: {  	[tilespmem:$0x18480] =	vst @!p3 v4  }
0xe8: {  	v4 =	vld @!p3 [tilespmem:s20+$0xFFFFFF50];
	_ =	sdelay $0x4  }
0xe9: {  	[tilespmem:$0x18090] =	vst @!p3 v4  }
0xea: {  	v4 =	vld @!p3 [tilespmem:s19+$0xFFFFFF50];
	_ =	sdelay $0x4  }
0xeb: {  	[tilespmem:$0x18490] =	vst @!p3 v4  }
0xec: {  	v4 =	vld @!p3 [tilespmem:s20+$0xFFFFFF60];
	_ =	sdelay $0x4  }
0xed: {  	[tilespmem:$0x180A0] =	vst @!p3 v4  }
0xee: {  	v4 =	vld @!p3 [tilespmem:s19+$0xFFFFFF60];
	_ =	sdelay $0x4  }
0xef: {  	[tilespmem:$0x184A0] =	vst @!p3 v4  }
0xf0: {  	v4 =	vld @!p3 [tilespmem:s20+$0xFFFFFF70];
	_ =	sdelay $0x4  }
0xf1: {  	[tilespmem:$0x180B0] =	vst @!p3 v4  }
0xf2: {  	v4 =	vld @!p3 [tilespmem:s19+$0xFFFFFF70];
	_ =	sdelay $0x4  }
0xf3: {  	s25 =	simm.s32 @!p3 $0x80;
	s0 =	simm.s32 @!p3 $0x18040;
	s26 =	simm.s32 @!p3 $0xBF40;
	[tilespmem:$0x184B0] =	vst @!p3 v4  }
0xf4: {  	[tilespmem:s26], [sflag:$0x3] =	stream.indirect.gather @!p3 [hbm4b:s4+s25], $0x40, s0, s25, $0xb8;
	[tilespmem:$0x18740] =	vst v63  }
0xf5: {  	s0 =	sadd.s32 $0x3, s18  }
0xf6: {  	p0 =	sge.s32 @!p2 s0, s17  }
0xf7: {  	p0 =	por p0, p2  }
0xf8: {  	s1 =	simm.s32 @!p0 $0xC  }
0xf9: {  	_ =	swait.ge @!p0 [sflag:s1], $0x2000  }
0xfa: {  	[sflag:s1] =	ssyncset.done @!p0 $0x0  }
0xfb: {  	p4 =	sge.s32 s0, s17;
	[sflag:s1] =	ssyncadd.s32 @!p0 $0xFFFFE000  }
0xfc: {  	v4 =	vld @!p4 [tilespmem:s20+$0xFFFFFF80];
	_ =	sdelay $0x4  }
0xfd: {  	[tilespmem:$0x180C0] =	vst @!p4 v4  }
0xfe: {  	v4 =	vld @!p4 [tilespmem:s19+$0xFFFFFF80];
	_ =	sdelay $0x4  }
0xff: {  	[tilespmem:$0x184C0] =	vst @!p4 v4  }
0x100: {  	v4 =	vld @!p4 [tilespmem:s20+$0xFFFFFF90];
	_ =	sdelay $0x4  }
0x101: {  	[tilespmem:$0x180D0] =	vst @!p4 v4  }
0x102: {  	v4 =	vld @!p4 [tilespmem:s19+$0xFFFFFF90];
	_ =	sdelay $0x4  }
0x103: {  	[tilespmem:$0x184D0] =	vst @!p4 v4  }
0x104: {  	v4 =	vld @!p4 [tilespmem:s20+$0xFFFFFFA0];
	_ =	sdelay $0x4  }
0x105: {  	[tilespmem:$0x180E0] =	vst @!p4 v4  }
0x106: {  	v4 =	vld @!p4 [tilespmem:s19+$0xFFFFFFA0];
	_ =	sdelay $0x4  }
0x107: {  	[tilespmem:$0x184E0] =	vst @!p4 v4  }
0x108: {  	v4 =	vld @!p4 [tilespmem:s20+$0xFFFFFFB0];
	_ =	sdelay $0x4  }
0x109: {  	[tilespmem:$0x180F0] =	vst @!p4 v4  }
0x10a: {  	v4 =	vld @!p4 [tilespmem:s19+$0xFFFFFFB0];
	_ =	sdelay $0x4  }
0x10b: {  	[tilespmem:$0x184F0] =	vst @!p4 v4  }
0x10c: {  	v4 =	vld @!p4 [tilespmem:s20+$0xFFFFFFC0];
	_ =	sdelay $0x4  }
0x10d: {  	[tilespmem:$0x18100] =	vst @!p4 v4  }
0x10e: {  	v4 =	vld @!p4 [tilespmem:s19+$0xFFFFFFC0];
	_ =	sdelay $0x4  }
0x10f: {  	[tilespmem:$0x18500] =	vst @!p4 v4  }
0x110: {  	v4 =	vld @!p4 [tilespmem:s20+$0xFFFFFFD0];
	_ =	sdelay $0x4  }
0x111: {  	[tilespmem:$0x18110] =	vst @!p4 v4  }
0x112: {  	v4 =	vld @!p4 [tilespmem:s19+$0xFFFFFFD0];
	_ =	sdelay $0x4  }
0x113: {  	[tilespmem:$0x18510] =	vst @!p4 v4  }
0x114: {  	v4 =	vld @!p4 [tilespmem:s20+$0xFFFFFFE0];
	_ =	sdelay $0x4  }
0x115: {  	[tilespmem:$0x18120] =	vst @!p4 v4  }
0x116: {  	v4 =	vld @!p4 [tilespmem:s19+$0xFFFFFFE0];
	_ =	sdelay $0x4  }
0x117: {  	[tilespmem:$0x18520] =	vst @!p4 v4  }
0x118: {  	v4 =	vld @!p4 [tilespmem:s20+$0xFFFFFFF0];
	_ =	sdelay $0x4  }
0x119: {  	[tilespmem:$0x18130] =	vst @!p4 v4  }
0x11a: {  	v4 =	vld @!p4 [tilespmem:s19+$0xFFFFFFF0];
	_ =	sdelay $0x4  }
0x11b: {  	s28 =	simm.s32 @!p4 $0x80;
	s0 =	simm.s32 @!p4 $0x180C0;
	s29 =	simm.s32 @!p4 $0xDF40;
	[tilespmem:$0x18530] =	vst @!p4 v4  }
0x11c: {  	[tilespmem:s29], [sflag:$0x4] =	stream.indirect.gather @!p4 [hbm4b:s4+s28], $0x40, s0, s28, $0xb8;
	[tilespmem:$0x18740] =	vst v63  }
0x11d: {  	s0 =	sadd.s32 $0x4, s18  }
0x11e: {  	p0 =	sge.s32 @!p2 s0, s17  }
0x11f: {  	p0 =	por p0, p2  }
0x120: {  	s1 =	simm.s32 @!p0 $0xD  }
0x121: {  	_ =	swait.ge @!p0 [sflag:s1], $0x2000  }
0x122: {  	[sflag:s1] =	ssyncset.done @!p0 $0x0  }
0x123: {  	p5 =	sge.s32 s0, s17;
	[sflag:s1] =	ssyncadd.s32 @!p0 $0xFFFFE000  }
0x124: {  	v4 =	vld @!p5 [tilespmem:s20+$0x0];
	_ =	sdelay $0x4  }
0x125: {  	[tilespmem:$0x18140] =	vst @!p5 v4  }
0x126: {  	v4 =	vld @!p5 [tilespmem:s19+$0x0];
	_ =	sdelay $0x4  }
0x127: {  	[tilespmem:$0x18540] =	vst @!p5 v4  }
0x128: {  	v4 =	vld @!p5 [tilespmem:s20+$0x10];
	_ =	sdelay $0x4  }
0x129: {  	[tilespmem:$0x18150] =	vst @!p5 v4  }
0x12a: {  	v4 =	vld @!p5 [tilespmem:s19+$0x10];
	_ =	sdelay $0x4  }
0x12b: {  	[tilespmem:$0x18550] =	vst @!p5 v4  }
0x12c: {  	v4 =	vld @!p5 [tilespmem:s20+$0x20];
	_ =	sdelay $0x4  }
0x12d: {  	[tilespmem:$0x18160] =	vst @!p5 v4  }
0x12e: {  	v4 =	vld @!p5 [tilespmem:s19+$0x20];
	_ =	sdelay $0x4  }
0x12f: {  	[tilespmem:$0x18560] =	vst @!p5 v4  }
0x130: {  	v4 =	vld @!p5 [tilespmem:s20+$0x30];
	_ =	sdelay $0x4  }
0x131: {  	[tilespmem:$0x18170] =	vst @!p5 v4  }
0x132: {  	v4 =	vld @!p5 [tilespmem:s19+$0x30];
	_ =	sdelay $0x4  }
0x133: {  	[tilespmem:$0x18570] =	vst @!p5 v4  }
0x134: {  	v4 =	vld @!p5 [tilespmem:s20+$0x40];
	_ =	sdelay $0x4  }
0x135: {  	[tilespmem:$0x18180] =	vst @!p5 v4  }
0x136: {  	v4 =	vld @!p5 [tilespmem:s19+$0x40];
	_ =	sdelay $0x4  }
0x137: {  	[tilespmem:$0x18580] =	vst @!p5 v4  }
0x138: {  	v4 =	vld @!p5 [tilespmem:s20+$0x50];
	_ =	sdelay $0x4  }
0x139: {  	[tilespmem:$0x18190] =	vst @!p5 v4  }
0x13a: {  	v4 =	vld @!p5 [tilespmem:s19+$0x50];
	_ =	sdelay $0x4  }
0x13b: {  	[tilespmem:$0x18590] =	vst @!p5 v4  }
0x13c: {  	v4 =	vld @!p5 [tilespmem:s20+$0x60];
	_ =	sdelay $0x4  }
0x13d: {  	[tilespmem:$0x181A0] =	vst @!p5 v4  }
0x13e: {  	v4 =	vld @!p5 [tilespmem:s19+$0x60];
	_ =	sdelay $0x4  }
0x13f: {  	[tilespmem:$0x185A0] =	vst @!p5 v4  }
0x140: {  	v4 =	vld @!p5 [tilespmem:s20+$0x70];
	_ =	sdelay $0x4  }
0x141: {  	[tilespmem:$0x181B0] =	vst @!p5 v4  }
0x142: {  	v4 =	vld @!p5 [tilespmem:s19+$0x70];
	_ =	sdelay $0x4  }
0x143: {  	s30 =	simm.s32 @!p5 $0x80;
	s0 =	simm.s32 @!p5 $0x18140;
	s31 =	simm.s32 @!p5 $0xFF40;
	[tilespmem:$0x185B0] =	vst @!p5 v4  }
0x144: {  	[tilespmem:s31], [sflag:$0x5] =	stream.indirect.gather @!p5 [hbm4b:s4+s30], $0x40, s0, s30, $0xb8;
	[tilespmem:$0x18740] =	vst v63  }
0x145: {  	s0 =	sadd.s32 $0x5, s18  }
0x146: {  	p0 =	sge.s32 @!p2 s0, s17  }
0x147: {  	p0 =	por p0, p2  }
0x148: {  	s1 =	simm.s32 @!p0 $0xE  }
0x149: {  	_ =	swait.ge @!p0 [sflag:s1], $0x2000  }
0x14a: {  	[sflag:s1] =	ssyncset.done @!p0 $0x0  }
0x14b: {  	p6 =	sge.s32 s0, s17;
	[sflag:s1] =	ssyncadd.s32 @!p0 $0xFFFFE000  }
0x14c: {  	v4 =	vld @!p6 [tilespmem:s20+$0x80];
	_ =	sdelay $0x4  }
0x14d: {  	[tilespmem:$0x181C0] =	vst @!p6 v4  }
0x14e: {  	v4 =	vld @!p6 [tilespmem:s19+$0x80];
	_ =	sdelay $0x4  }
0x14f: {  	[tilespmem:$0x185C0] =	vst @!p6 v4  }
0x150: {  	v4 =	vld @!p6 [tilespmem:s20+$0x90];
	_ =	sdelay $0x4  }
0x151: {  	[tilespmem:$0x181D0] =	vst @!p6 v4  }
0x152: {  	v4 =	vld @!p6 [tilespmem:s19+$0x90];
	_ =	sdelay $0x4  }
0x153: {  	[tilespmem:$0x185D0] =	vst @!p6 v4  }
0x154: {  	v4 =	vld @!p6 [tilespmem:s20+$0xA0];
	_ =	sdelay $0x4  }
0x155: {  	[tilespmem:$0x181E0] =	vst @!p6 v4  }
0x156: {  	v4 =	vld @!p6 [tilespmem:s19+$0xA0];
	_ =	sdelay $0x4  }
0x157: {  	[tilespmem:$0x185E0] =	vst @!p6 v4  }
0x158: {  	v4 =	vld @!p6 [tilespmem:s20+$0xB0];
	_ =	sdelay $0x4  }
0x159: {  	[tilespmem:$0x181F0] =	vst @!p6 v4  }
0x15a: {  	v4 =	vld @!p6 [tilespmem:s19+$0xB0];
	_ =	sdelay $0x4  }
0x15b: {  	[tilespmem:$0x185F0] =	vst @!p6 v4  }
0x15c: {  	v4 =	vld @!p6 [tilespmem:s20+$0xC0];
	_ =	sdelay $0x4  }
0x15d: {  	[tilespmem:$0x18200] =	vst @!p6 v4  }
0x15e: {  	v4 =	vld @!p6 [tilespmem:s19+$0xC0];
	_ =	sdelay $0x4  }
0x15f: {  	[tilespmem:$0x18600] =	vst @!p6 v4  }
0x160: {  	v4 =	vld @!p6 [tilespmem:s20+$0xD0];
	_ =	sdelay $0x4  }
0x161: {  	[tilespmem:$0x18210] =	vst @!p6 v4  }
0x162: {  	v4 =	vld @!p6 [tilespmem:s19+$0xD0];
	_ =	sdelay $0x4  }
0x163: {  	[tilespmem:$0x18610] =	vst @!p6 v4  }
0x164: {  	v4 =	vld @!p6 [tilespmem:s20+$0xE0];
	_ =	sdelay $0x4  }
0x165: {  	[tilespmem:$0x18220] =	vst @!p6 v4  }
0x166: {  	v4 =	vld @!p6 [tilespmem:s19+$0xE0];
	_ =	sdelay $0x4  }
0x167: {  	[tilespmem:$0x18620] =	vst @!p6 v4  }
0x168: {  	v4 =	vld @!p6 [tilespmem:s20+$0xF0];
	_ =	sdelay $0x4  }
0x169: {  	[tilespmem:$0x18230] =	vst @!p6 v4  }
0x16a: {  	v4 =	vld @!p6 [tilespmem:s19+$0xF0];
	_ =	sdelay $0x4  }
0x16b: {  	s6 =	simm.s32 @!p6 $0x181C0;
	s0 =	simm.s32 @!p6 $0x11F40;
	s1 =	simm.s32 @!p6 $0x80;
	[tilespmem:$0x18630] =	vst @!p6 v4  }
0x16c: {  	[tilespmem:s0], [sflag:$0x6] =	stream.indirect.gather @!p6 [hbm4b:s4+s1], $0x40, s6, s1, $0xb8;
	[tilespmem:$0x18740] =	vst v63  }
0x16d: {  	s6 =	sadd.s32 $0x6, s18  }
0x16e: {  	p0 =	sge.s32 @!p2 s6, s17  }
0x16f: {  	p0 =	por p0, p2  }
0x170: {  	s7 =	simm.s32 @!p0 $0xF  }
0x171: {  	_ =	swait.ge @!p0 [sflag:s7], $0x2000  }
0x172: {  	[sflag:s7] =	ssyncset.done @!p0 $0x0  }
0x173: {  	p1 =	sge.s32 s6, s17;
	[sflag:s7] =	ssyncadd.s32 @!p0 $0xFFFFE000  }
0x174: {  	v4 =	vld @!p1 [tilespmem:s20+$0x100];
	_ =	sdelay $0x4  }
0x175: {  	[tilespmem:$0x18240] =	vst @!p1 v4  }
0x176: {  	v4 =	vld @!p1 [tilespmem:s19+$0x100];
	_ =	sdelay $0x4  }
0x177: {  	[tilespmem:$0x18640] =	vst @!p1 v4  }
0x178: {  	v4 =	vld @!p1 [tilespmem:s20+$0x110];
	_ =	sdelay $0x4  }
0x179: {  	[tilespmem:$0x18250] =	vst @!p1 v4  }
0x17a: {  	v4 =	vld @!p1 [tilespmem:s19+$0x110];
	_ =	sdelay $0x4  }
0x17b: {  	[tilespmem:$0x18650] =	vst @!p1 v4  }
0x17c: {  	v4 =	vld @!p1 [tilespmem:s20+$0x120];
	_ =	sdelay $0x4  }
0x17d: {  	[tilespmem:$0x18260] =	vst @!p1 v4  }
0x17e: {  	v4 =	vld @!p1 [tilespmem:s19+$0x120];
	_ =	sdelay $0x4  }
0x17f: {  	[tilespmem:$0x18660] =	vst @!p1 v4  }
0x180: {  	v4 =	vld @!p1 [tilespmem:s20+$0x130];
	_ =	sdelay $0x4  }
0x181: {  	[tilespmem:$0x18270] =	vst @!p1 v4  }
0x182: {  	v4 =	vld @!p1 [tilespmem:s19+$0x130];
	_ =	sdelay $0x4  }
0x183: {  	[tilespmem:$0x18670] =	vst @!p1 v4  }
0x184: {  	v4 =	vld @!p1 [tilespmem:s20+$0x140];
	_ =	sdelay $0x4  }
0x185: {  	[tilespmem:$0x18280] =	vst @!p1 v4  }
0x186: {  	v4 =	vld @!p1 [tilespmem:s19+$0x140];
	_ =	sdelay $0x4  }
0x187: {  	[tilespmem:$0x18680] =	vst @!p1 v4  }
0x188: {  	v4 =	vld @!p1 [tilespmem:s20+$0x150];
	_ =	sdelay $0x4  }
0x189: {  	[tilespmem:$0x18290] =	vst @!p1 v4  }
0x18a: {  	v4 =	vld @!p1 [tilespmem:s19+$0x150];
	_ =	sdelay $0x4  }
0x18b: {  	[tilespmem:$0x18690] =	vst @!p1 v4  }
0x18c: {  	v4 =	vld @!p1 [tilespmem:s20+$0x160];
	_ =	sdelay $0x4  }
0x18d: {  	[tilespmem:$0x182A0] =	vst @!p1 v4  }
0x18e: {  	v4 =	vld @!p1 [tilespmem:s19+$0x160];
	_ =	sdelay $0x4  }
0x18f: {  	[tilespmem:$0x186A0] =	vst @!p1 v4  }
0x190: {  	v4 =	vld @!p1 [tilespmem:s20+$0x170];
	_ =	sdelay $0x4  }
0x191: {  	[tilespmem:$0x182B0] =	vst @!p1 v4  }
0x192: {  	v4 =	vld @!p1 [tilespmem:s19+$0x170];
	_ =	sdelay $0x2  }
0x193: {  	s3 =	sadd.s32 $0x7, s18  }
0x194: {  	s6 =	simm.s32 @!p1 $0x80;
	p0 =	sge.s32 @!p2 s3, s17  }
0x195: {  	s9 =	simm.s32 @!p1 $0x18240;
	s7 =	simm.s32 @!p1 $0x13F40;
	p0 =	por p0, p2;
	[tilespmem:$0x186B0] =	vst @!p1 v4  }
0x196: {  	[tilespmem:s7], [sflag:$0x7] =	stream.indirect.gather @!p1 [hbm4b:s4+s6], $0x40, s9, s6, $0xb8;
	[tilespmem:$0x18740] =	vst v63  }
0x197: {  	s9 =	simm.s32 @!p0 $0x10  }
0x198: {  	_ =	swait.ge @!p0 [sflag:s9], $0x2000  }
0x199: {  	[sflag:s9] =	ssyncset.done @!p0 $0x0  }
0x19a: {  	[sflag:s9] =	ssyncadd.s32 @!p0 $0xFFFFE000;
	p0 =	sge.s32 s3, s17  }
0x19b: {  	v4 =	vld @!p0 [tilespmem:s20+$0x180];
	_ =	sdelay $0x4  }
0x19c: {  	[tilespmem:$0x182C0] =	vst @!p0 v4  }
0x19d: {  	v4 =	vld @!p0 [tilespmem:s19+$0x180];
	_ =	sdelay $0x4  }
0x19e: {  	[tilespmem:$0x186C0] =	vst @!p0 v4  }
0x19f: {  	v4 =	vld @!p0 [tilespmem:s20+$0x190];
	_ =	sdelay $0x4  }
0x1a0: {  	[tilespmem:$0x182D0] =	vst @!p0 v4  }
0x1a1: {  	v4 =	vld @!p0 [tilespmem:s19+$0x190];
	_ =	sdelay $0x4  }
0x1a2: {  	[tilespmem:$0x186D0] =	vst @!p0 v4  }
0x1a3: {  	v4 =	vld @!p0 [tilespmem:s20+$0x1A0];
	_ =	sdelay $0x4  }
0x1a4: {  	[tilespmem:$0x182E0] =	vst @!p0 v4  }
0x1a5: {  	v4 =	vld @!p0 [tilespmem:s19+$0x1A0];
	_ =	sdelay $0x4  }
0x1a6: {  	[tilespmem:$0x186E0] =	vst @!p0 v4  }
0x1a7: {  	v4 =	vld @!p0 [tilespmem:s20+$0x1B0];
	_ =	sdelay $0x4  }
0x1a8: {  	[tilespmem:$0x182F0] =	vst @!p0 v4  }
0x1a9: {  	v4 =	vld @!p0 [tilespmem:s19+$0x1B0];
	_ =	sdelay $0x4  }
0x1aa: {  	[tilespmem:$0x186F0] =	vst @!p0 v4  }
0x1ab: {  	v4 =	vld @!p0 [tilespmem:s20+$0x1C0];
	_ =	sdelay $0x4  }
0x1ac: {  	[tilespmem:$0x18300] =	vst @!p0 v4  }
0x1ad: {  	v4 =	vld @!p0 [tilespmem:s19+$0x1C0];
	_ =	sdelay $0x4  }
0x1ae: {  	[tilespmem:$0x18700] =	vst @!p0 v4  }
0x1af: {  	v4 =	vld @!p0 [tilespmem:s20+$0x1D0];
	_ =	sdelay $0x4  }
0x1b0: {  	[tilespmem:$0x18310] =	vst @!p0 v4  }
0x1b1: {  	v4 =	vld @!p0 [tilespmem:s19+$0x1D0];
	_ =	sdelay $0x4  }
0x1b2: {  	[tilespmem:$0x18710] =	vst @!p0 v4  }
0x1b3: {  	v4 =	vld @!p0 [tilespmem:s20+$0x1E0];
	_ =	sdelay $0x4  }
0x1b4: {  	[tilespmem:$0x18320] =	vst @!p0 v4  }
0x1b5: {  	v4 =	vld @!p0 [tilespmem:s19+$0x1E0];
	_ =	sdelay $0x4  }
0x1b6: {  	[tilespmem:$0x18720] =	vst @!p0 v4  }
0x1b7: {  	v4 =	vld @!p0 [tilespmem:s20+$0x1F0];
	_ =	sdelay $0x4  }
0x1b8: {  	[tilespmem:$0x18330] =	vst @!p0 v4  }
0x1b9: {  	v4 =	vld @!p0 [tilespmem:s19+$0x1F0];
	_ =	sdelay $0x4  }
0x1ba: {  	s3 =	simm.s32 @!p0 $0x80;
	s9 =	simm.s32 @!p0 $0x182C0;
	s14 =	simm.s32 @!p0 $0x15F40;
	[tilespmem:$0x18730] =	vst @!p0 v4  }
0x1bb: {  	[tilespmem:s14], [sflag:$0x8] =	stream.indirect.gather @!p0 [hbm4b:s4+s3], $0x40, s9, s3, $0xb8;
	[tilespmem:$0x18740] =	vst v63  }
0x1bc: {  	s9 =	sld [smem:$0x7FC];
	_ =	sdelay $0x2  }
0x1bd: {  	p2 =	seq.s32 s9, $0x1  }
0x1be: {  	s9 =	simm.s32 @!p2 $0x1  }
0x1bf: {  	_ =	swait.ge @!p2 [sflag:s9], $0x2000  }
0x1c0: {  	[sflag:s9] =	ssyncset.done @!p2 $0x0  }
0x1c1: {  	[sflag:s9] =	ssyncadd.s32 @!p2 $0xFFFFE000;
	s9 =	simm.s32 @!p2 $0x18340  }
0x1c2: {  	[hbm4b:s2+s21] =	stream.indirect.scatter @!p2 [tilespmem:s22], [sflag:$0x9], $0x40, s9, s21, $0xb8;
	[tilespmem:$0x18740] =	vst v63  }
0x1c3: {  	s22 =	sld [smem:$0x7FD];
	_ =	sdelay $0x2  }
0x1c4: {  	p2 =	seq.s32 s22, $0x1  }
0x1c5: {  	s9 =	simm.s32 @!p2 $0x2  }
0x1c6: {  	_ =	swait.ge @!p2 [sflag:s9], $0x2000  }
0x1c7: {  	[sflag:s9] =	ssyncset.done @!p2 $0x0  }
0x1c8: {  	[sflag:s9] =	ssyncadd.s32 @!p2 $0xFFFFE000;
	s9 =	simm.s32 @!p2 $0x183C0  }
0x1c9: {  	[hbm4b:s2+s23] =	stream.indirect.scatter @!p2 [tilespmem:s24], [sflag:$0xA], $0x40, s9, s23, $0xb8;
	[tilespmem:$0x18740] =	vst v63  }
0x1ca: {  	s9 =	simm.s32 @!p3 $0x3  }
0x1cb: {  	_ =	swait.ge @!p3 [sflag:s9], $0x2000  }
0x1cc: {  	[sflag:s9] =	ssyncset.done @!p3 $0x0  }
0x1cd: {  	[sflag:s9] =	ssyncadd.s32 @!p3 $0xFFFFE000;
	s9 =	simm.s32 @!p3 $0x18440  }
0x1ce: {  	[hbm4b:s2+s25] =	stream.indirect.scatter @!p3 [tilespmem:s26], [sflag:$0xB], $0x40, s9, s25, $0xb8;
	[tilespmem:$0x18740] =	vst v63  }
0x1cf: {  	s9 =	simm.s32 @!p4 $0x4  }
0x1d0: {  	_ =	swait.ge @!p4 [sflag:s9], $0x2000  }
0x1d1: {  	[sflag:s9] =	ssyncset.done @!p4 $0x0  }
0x1d2: {  	[sflag:s9] =	ssyncadd.s32 @!p4 $0xFFFFE000;
	s9 =	simm.s32 @!p4 $0x184C0  }
0x1d3: {  	[hbm4b:s2+s28] =	stream.indirect.scatter @!p4 [tilespmem:s29], [sflag:$0xC], $0x40, s9, s28, $0xb8;
	[tilespmem:$0x18740] =	vst v63  }
0x1d4: {  	s9 =	simm.s32 @!p5 $0x5  }
0x1d5: {  	_ =	swait.ge @!p5 [sflag:s9], $0x2000  }
0x1d6: {  	[sflag:s9] =	ssyncset.done @!p5 $0x0  }
0x1d7: {  	[sflag:s9] =	ssyncadd.s32 @!p5 $0xFFFFE000;
	s9 =	simm.s32 @!p5 $0x18540  }
0x1d8: {  	[hbm4b:s2+s30] =	stream.indirect.scatter @!p5 [tilespmem:s31], [sflag:$0xD], $0x40, s9, s30, $0xb8;
	[tilespmem:$0x18740] =	vst v63  }
0x1d9: {  	s9 =	simm.s32 @!p6 $0x6  }
0x1da: {  	_ =	swait.ge @!p6 [sflag:s9], $0x2000  }
0x1db: {  	[sflag:s9] =	ssyncset.done @!p6 $0x0  }
0x1dc: {  	[sflag:s9] =	ssyncadd.s32 @!p6 $0xFFFFE000;
	s9 =	simm.s32 @!p6 $0x185C0  }
0x1dd: {  	[hbm4b:s2+s1] =	stream.indirect.scatter @!p6 [tilespmem:s0], [sflag:$0xE], $0x40, s9, s1, $0xb8;
	[tilespmem:$0x18740] =	vst v63  }
0x1de: {  	s0 =	simm.s32 @!p1 $0x7  }
0x1df: {  	_ =	swait.ge @!p1 [sflag:s0], $0x2000  }
0x1e0: {  	[sflag:s0] =	ssyncset.done @!p1 $0x0  }
0x1e1: {  	[sflag:s0] =	ssyncadd.s32 @!p1 $0xFFFFE000;
	s0 =	simm.s32 @!p1 $0x18640  }
0x1e2: {  	[hbm4b:s2+s6] =	stream.indirect.scatter @!p1 [tilespmem:s7], [sflag:$0xF], $0x40, s0, s6, $0xb8;
	[tilespmem:$0x18740] =	vst v63  }
0x1e3: {  	s0 =	simm.s32 @!p0 $0x8  }
0x1e4: {  	_ =	swait.ge @!p0 [sflag:s0], $0x2000  }
0x1e5: {  	[sflag:s0] =	ssyncset.done @!p0 $0x0  }
0x1e6: {  	s18 =	sadd.s32 $0x8, s18;
	[sflag:s0] =	ssyncadd.s32 @!p0 $0xFFFFE000;
	s0 =	simm.s32 @!p0 $0x186C0  }
0x1e7: {  	[hbm4b:s2+s3] =	stream.indirect.scatter @!p0 [tilespmem:s14], [sflag:$0x10], $0x40, s0, s3, $0xb8;
	[tilespmem:$0x18740] =	vst v63  }
0x1e8: {  	p0 =	sne.s32 s18, $0x38  }
.Ltmp3:
0x1e9: {  	_ = 	snop;
	(pc) =	sbr.rel @p0 .LBB2_4-.Ltmp3, $2  }
0x1ea: {  	_ =	sdelay $0x2  }
0x1eb: {  	s20 =	sadd.s32 $0x400, s20;
	s19 =	sadd.s32 $0x400, s19  }
0x1ec: {  	p0 =	slt.s32 s17, $0x1  }
0x1ed: {  	s0 =	simm.s32 @!p0 $0x9  }
0x1ee: {  	p1 =	seq.s32 @!p0 s17, $0x1;
	_ =	swait.ge @!p0 [sflag:s0], $0x2000  }
0x1ef: {  	p1 =	por p0, p1;
	[sflag:s0] =	ssyncset.done @!p0 $0x0  }
0x1f0: {  	[sflag:s0] =	ssyncadd.s32 @!p0 $0xFFFFE000;
	p0 =	slt.u32 @!p1 s17, $0x3  }
0x1f1: {  	p0 =	por p1, p0  }
.Ltmp4:
0x1f2: {  	_ = 	snop;
	(pc) =	sbr.rel @p0 .LBB2_7-.Ltmp4, $4  }
0x1f3: {  	s0 =	simm.s32 @!p1 $0xA  }
0x1f4: {  	_ =	swait.ge @!p1 [sflag:s0], $0x2000  }
0x1f5: {  	[sflag:s0] =	ssyncset.done @!p1 $0x0  }
0x1f6: {  	[sflag:s0] =	ssyncadd.s32 @!p1 $0xFFFFE000  }
0x1f7: {  	p0 =	seq.s32 s17, $0x3  }
0x1f8: {  	p1 =	slt.u32 @!p0 s17, $0x5  }
0x1f9: {  	s0 =	simm.s32 $0xB;
	p2 =	por p1, p0  }
0x1fa: {  	_ =	swait.ge [sflag:s0], $0x2000;
	p3 =	seq.s32 @!p2 s17, $0x5  }
0x1fb: {  	[sflag:s0] =	ssyncset.done $0x0;
	s1 =	simm.s32 @!p3 $0x0;
	p4 =	por @!p0 p3, p1  }
0x1fc: {  	[sflag:s0] =	ssyncadd.s32 $0xFFFFE000;
	s1 =	simm.s32 @p3 $0x1;
	p4 =	por p4, p0  }
0x1fd: {  	s0 =	simm.s32 @!p0 $0xC;
	[smem:$0x7FB] =	sst s1;
	p5 =	slt.u32 @!p4 s17, $0x7  }
0x1fe: {  	_ =	swait.ge @!p0 [sflag:s0], $0x2000;
	s1 =	simm.s32 @!p5 $0x0  }
0x1ff: {  	[sflag:s0] =	ssyncset.done @!p0 $0x0;
	s1 =	simm.s32 @p5 $0x1  }
0x200: {  	[sflag:s0] =	ssyncadd.s32 @!p0 $0xFFFFE000;
	s0 =	simm.s32 @!p2 $0xD;
	[smem:$0x7FA] =	sst s1  }
0x201: {  	_ =	swait.ge @!p2 [sflag:s0], $0x2000  }
0x202: {  	[sflag:s0] =	ssyncset.done @!p2 $0x0  }
0x203: {  	[sflag:s0] =	ssyncadd.s32 @!p2 $0xFFFFE000;
	s0 =	simm.s32 @!p4 $0xE  }
0x204: {  	_ =	swait.ge @!p4 [sflag:s0], $0x2000  }
0x205: {  	p6 =	por @!p2 p5, p3;
	s30 =	sld [smem:$0x7FA]  }
0x206: {  	p6 =	por @!p0 p6, p1;
	s31 =	sld [smem:$0x7FB]  }
0x207: {  	p6 =	por p6, p0  }
0x208: {  	p5 =	seq.s32 @!p6 s17, $0x7;
	p3 =	seq.s32 s30, $0x1  }
0x209: {  	[sflag:s0] =	ssyncset.done @!p4 $0x0;
	p5 =	por @!p4 p5, p3;
	p3 =	seq.s32 s31, $0x1  }
0x20a: {  	[sflag:s0] =	ssyncadd.s32 @!p4 $0xFFFFE000;
	s0 =	simm.s32 @!p6 $0xF;
	p2 =	por @!p2 p5, p3  }
0x20b: {  	_ =	swait.ge @!p6 [sflag:s0], $0x2000;
	p1 =	por @!p0 p2, p1  }
0x20c: {  	[sflag:s0] =	ssyncset.done @!p6 $0x0;
	p0 =	por p1, p0  }
0x20d: {  	[sflag:s0] =	ssyncadd.s32 @!p6 $0xFFFFE000;
	s0 =	simm.s32 @!p0 $0x10  }
0x20e: {  	_ =	swait.ge @!p0 [sflag:s0], $0x2000  }
0x20f: {  	[sflag:s0] =	ssyncset.done @!p0 $0x0  }
0x210: {  	[sflag:s0] =	ssyncadd.s32 @!p0 $0xFFFFE000  }
.LBB2_7:
0x211: {  	s0 =	sadd.s32 $0x7F, s16  }
0x212: {  	s1 =	sand.u32 $0x7F, s0  }
0x213: {  	s3 =	sshra.s32 s0, $0x1F;
	p0 =	slt.s32 s0, $0x1;
	p1 =	sne.s32 s1, $0x0  }
0x214: {  	s31 =	sshrl.u32 s3, $0x19;
	p0 =	por !p0, !p1  }
0x215: {  	s1 =	simm.s32 $0x1;
	s0 =	sadd.s32 s31, s0;
	p0 =	por !p0, !p0  }
0x216: {  	s17 =	simm.s32 $0x0;
	s0 =	sshra.s32 s0, $0x7;
	s1 =	simm.s32 @!p0 $0x0  }
0x217: {  	s18 =	simm.s32 $0x67B0;
	s19 =	simm.s32 $0x4E20;
	s16 =	ssub.s32 s0, s1  }
.LBB2_8:
0x218: {  	p2 =	seq.s32 s17, $0x0  }
0x219: {  	p0 =	sge.s32 @!p2 s17, s16  }
0x21a: {  	p0 =	por p0, p2  }
0x21b: {  	s0 =	simm.s32 @!p0 $0x9  }
0x21c: {  	_ =	swait.ge @!p0 [sflag:s0], $0x2000  }
0x21d: {  	[sflag:s0] =	ssyncset.done @!p0 $0x0  }
0x21e: {  	[sflag:s0] =	ssyncadd.s32 @!p0 $0xFFFFE000;
	p0 =	sge.s32 s17, s16  }
0x21f: {  	v4 =	vld @!p0 [tilespmem:s19+$0xFFFFFE00];
	_ =	sdelay $0x4  }
0x220: {  	[tilespmem:$0x17F40] =	vst @!p0 v4  }
0x221: {  	v4 =	vld @!p0 [tilespmem:s18+$0xFFFFFE00];
	_ =	sdelay $0x4  }
0x222: {  	[tilespmem:$0x18340] =	vst @!p0 v4  }
0x223: {  	v4 =	vld @!p0 [tilespmem:s19+$0xFFFFFE10];
	_ =	sdelay $0x4  }
0x224: {  	[tilespmem:$0x17F50] =	vst @!p0 v4  }
0x225: {  	v4 =	vld @!p0 [tilespmem:s18+$0xFFFFFE10];
	_ =	sdelay $0x4  }
0x226: {  	[tilespmem:$0x18350] =	vst @!p0 v4  }
0x227: {  	v4 =	vld @!p0 [tilespmem:s19+$0xFFFFFE20];
	_ =	sdelay $0x4  }
0x228: {  	[tilespmem:$0x17F60] =	vst @!p0 v4  }
0x229: {  	v4 =	vld @!p0 [tilespmem:s18+$0xFFFFFE20];
	_ =	sdelay $0x4  }
0x22a: {  	[tilespmem:$0x18360] =	vst @!p0 v4  }
0x22b: {  	v4 =	vld @!p0 [tilespmem:s19+$0xFFFFFE30];
	_ =	sdelay $0x4  }
0x22c: {  	[tilespmem:$0x17F70] =	vst @!p0 v4  }
0x22d: {  	v4 =	vld @!p0 [tilespmem:s18+$0xFFFFFE30];
	_ =	sdelay $0x4  }
0x22e: {  	[tilespmem:$0x18370] =	vst @!p0 v4  }
0x22f: {  	v4 =	vld @!p0 [tilespmem:s19+$0xFFFFFE40];
	_ =	sdelay $0x4  }
0x230: {  	[tilespmem:$0x17F80] =	vst @!p0 v4  }
0x231: {  	v4 =	vld @!p0 [tilespmem:s18+$0xFFFFFE40];
	_ =	sdelay $0x4  }
0x232: {  	[tilespmem:$0x18380] =	vst @!p0 v4  }
0x233: {  	v4 =	vld @!p0 [tilespmem:s19+$0xFFFFFE50];
	_ =	sdelay $0x4  }
0x234: {  	[tilespmem:$0x17F90] =	vst @!p0 v4  }
0x235: {  	v4 =	vld @!p0 [tilespmem:s18+$0xFFFFFE50];
	_ =	sdelay $0x4  }
0x236: {  	[tilespmem:$0x18390] =	vst @!p0 v4  }
0x237: {  	v4 =	vld @!p0 [tilespmem:s19+$0xFFFFFE60];
	_ =	sdelay $0x4  }
0x238: {  	[tilespmem:$0x17FA0] =	vst @!p0 v4  }
0x239: {  	v4 =	vld @!p0 [tilespmem:s18+$0xFFFFFE60];
	_ =	sdelay $0x4  }
0x23a: {  	[tilespmem:$0x183A0] =	vst @!p0 v4  }
0x23b: {  	v4 =	vld @!p0 [tilespmem:s19+$0xFFFFFE70];
	_ =	sdelay $0x4  }
0x23c: {  	[tilespmem:$0x17FB0] =	vst @!p0 v4  }
0x23d: {  	v4 =	vld @!p0 [tilespmem:s18+$0xFFFFFE70];
	_ =	sdelay $0x2  }
0x23e: {  	s0 =	simm.s32 @!p0 $0x0  }
0x23f: {  	s20 =	simm.s32 @!p0 $0x80;
	s0 =	simm.s32 @p0 $0x1  }
0x240: {  	s21 =	simm.s32 @!p0 $0x7F40;
	[smem:$0x7F8] =	sst s0;
	s0 =	simm.s32 @!p0 $0x17F40;
	[tilespmem:$0x183B0] =	vst @!p0 v4  }
0x241: {  	[tilespmem:s21], [sflag:$0x1] =	stream.indirect.gather @!p0 [hbm4b:s5+s20], $0x40, s0, s20, $0xb8;
	[tilespmem:$0x18740] =	vst v63  }
0x242: {  	s0 =	sadd.s32 $0x1, s17  }
0x243: {  	p0 =	sge.s32 @!p2 s0, s16  }
0x244: {  	p0 =	por p0, p2  }
0x245: {  	s1 =	simm.s32 @!p0 $0xA  }
0x246: {  	_ =	swait.ge @!p0 [sflag:s1], $0x2000  }
0x247: {  	[sflag:s1] =	ssyncset.done @!p0 $0x0  }
0x248: {  	[sflag:s1] =	ssyncadd.s32 @!p0 $0xFFFFE000;
	p0 =	sge.s32 s0, s16  }
0x249: {  	v4 =	vld @!p0 [tilespmem:s19+$0xFFFFFE80];
	_ =	sdelay $0x4  }
0x24a: {  	[tilespmem:$0x17FC0] =	vst @!p0 v4  }
0x24b: {  	v4 =	vld @!p0 [tilespmem:s18+$0xFFFFFE80];
	_ =	sdelay $0x4  }
0x24c: {  	[tilespmem:$0x183C0] =	vst @!p0 v4  }
0x24d: {  	v4 =	vld @!p0 [tilespmem:s19+$0xFFFFFE90];
	_ =	sdelay $0x4  }
0x24e: {  	[tilespmem:$0x17FD0] =	vst @!p0 v4  }
0x24f: {  	v4 =	vld @!p0 [tilespmem:s18+$0xFFFFFE90];
	_ =	sdelay $0x4  }
0x250: {  	[tilespmem:$0x183D0] =	vst @!p0 v4  }
0x251: {  	v4 =	vld @!p0 [tilespmem:s19+$0xFFFFFEA0];
	_ =	sdelay $0x4  }
0x252: {  	[tilespmem:$0x17FE0] =	vst @!p0 v4  }
0x253: {  	v4 =	vld @!p0 [tilespmem:s18+$0xFFFFFEA0];
	_ =	sdelay $0x4  }
0x254: {  	[tilespmem:$0x183E0] =	vst @!p0 v4  }
0x255: {  	v4 =	vld @!p0 [tilespmem:s19+$0xFFFFFEB0];
	_ =	sdelay $0x4  }
0x256: {  	[tilespmem:$0x17FF0] =	vst @!p0 v4  }
0x257: {  	v4 =	vld @!p0 [tilespmem:s18+$0xFFFFFEB0];
	_ =	sdelay $0x4  }
0x258: {  	[tilespmem:$0x183F0] =	vst @!p0 v4  }
0x259: {  	v4 =	vld @!p0 [tilespmem:s19+$0xFFFFFEC0];
	_ =	sdelay $0x4  }
0x25a: {  	[tilespmem:$0x18000] =	vst @!p0 v4  }
0x25b: {  	v4 =	vld @!p0 [tilespmem:s18+$0xFFFFFEC0];
	_ =	sdelay $0x4  }
0x25c: {  	[tilespmem:$0x18400] =	vst @!p0 v4  }
0x25d: {  	v4 =	vld @!p0 [tilespmem:s19+$0xFFFFFED0];
	_ =	sdelay $0x4  }
0x25e: {  	[tilespmem:$0x18010] =	vst @!p0 v4  }
0x25f: {  	v4 =	vld @!p0 [tilespmem:s18+$0xFFFFFED0];
	_ =	sdelay $0x4  }
0x260: {  	[tilespmem:$0x18410] =	vst @!p0 v4  }
0x261: {  	v4 =	vld @!p0 [tilespmem:s19+$0xFFFFFEE0];
	_ =	sdelay $0x4  }
0x262: {  	[tilespmem:$0x18020] =	vst @!p0 v4  }
0x263: {  	v4 =	vld @!p0 [tilespmem:s18+$0xFFFFFEE0];
	_ =	sdelay $0x4  }
0x264: {  	[tilespmem:$0x18420] =	vst @!p0 v4  }
0x265: {  	v4 =	vld @!p0 [tilespmem:s19+$0xFFFFFEF0];
	_ =	sdelay $0x4  }
0x266: {  	[tilespmem:$0x18030] =	vst @!p0 v4  }
0x267: {  	v4 =	vld @!p0 [tilespmem:s18+$0xFFFFFEF0];
	_ =	sdelay $0x2  }
0x268: {  	s0 =	simm.s32 @!p0 $0x0  }
0x269: {  	s22 =	simm.s32 @!p0 $0x80;
	s0 =	simm.s32 @p0 $0x1  }
0x26a: {  	s23 =	simm.s32 @!p0 $0x9F40;
	[smem:$0x7F9] =	sst s0;
	s0 =	simm.s32 @!p0 $0x17FC0;
	[tilespmem:$0x18430] =	vst @!p0 v4  }
0x26b: {  	[tilespmem:s23], [sflag:$0x2] =	stream.indirect.gather @!p0 [hbm4b:s5+s22], $0x40, s0, s22, $0xb8;
	[tilespmem:$0x18740] =	vst v63  }
0x26c: {  	s0 =	sadd.s32 $0x2, s17  }
0x26d: {  	p0 =	sge.s32 @!p2 s0, s16  }
0x26e: {  	p0 =	por p0, p2  }
0x26f: {  	s1 =	simm.s32 @!p0 $0xB  }
0x270: {  	_ =	swait.ge @!p0 [sflag:s1], $0x2000  }
0x271: {  	[sflag:s1] =	ssyncset.done @!p0 $0x0  }
0x272: {  	p3 =	sge.s32 s0, s16;
	[sflag:s1] =	ssyncadd.s32 @!p0 $0xFFFFE000  }
0x273: {  	v4 =	vld @!p3 [tilespmem:s19+$0xFFFFFF00];
	_ =	sdelay $0x4  }
0x274: {  	[tilespmem:$0x18040] =	vst @!p3 v4  }
0x275: {  	v4 =	vld @!p3 [tilespmem:s18+$0xFFFFFF00];
	_ =	sdelay $0x4  }
0x276: {  	[tilespmem:$0x18440] =	vst @!p3 v4  }
0x277: {  	v4 =	vld @!p3 [tilespmem:s19+$0xFFFFFF10];
	_ =	sdelay $0x4  }
0x278: {  	[tilespmem:$0x18050] =	vst @!p3 v4  }
0x279: {  	v4 =	vld @!p3 [tilespmem:s18+$0xFFFFFF10];
	_ =	sdelay $0x4  }
0x27a: {  	[tilespmem:$0x18450] =	vst @!p3 v4  }
0x27b: {  	v4 =	vld @!p3 [tilespmem:s19+$0xFFFFFF20];
	_ =	sdelay $0x4  }
0x27c: {  	[tilespmem:$0x18060] =	vst @!p3 v4  }
0x27d: {  	v4 =	vld @!p3 [tilespmem:s18+$0xFFFFFF20];
	_ =	sdelay $0x4  }
0x27e: {  	[tilespmem:$0x18460] =	vst @!p3 v4  }
0x27f: {  	v4 =	vld @!p3 [tilespmem:s19+$0xFFFFFF30];
	_ =	sdelay $0x4  }
0x280: {  	[tilespmem:$0x18070] =	vst @!p3 v4  }
0x281: {  	v4 =	vld @!p3 [tilespmem:s18+$0xFFFFFF30];
	_ =	sdelay $0x4  }
0x282: {  	[tilespmem:$0x18470] =	vst @!p3 v4  }
0x283: {  	v4 =	vld @!p3 [tilespmem:s19+$0xFFFFFF40];
	_ =	sdelay $0x4  }
0x284: {  	[tilespmem:$0x18080] =	vst @!p3 v4  }
0x285: {  	v4 =	vld @!p3 [tilespmem:s18+$0xFFFFFF40];
	_ =	sdelay $0x4  }
0x286: {  	[tilespmem:$0x18480] =	vst @!p3 v4  }
0x287: {  	v4 =	vld @!p3 [tilespmem:s19+$0xFFFFFF50];
	_ =	sdelay $0x4  }
0x288: {  	[tilespmem:$0x18090] =	vst @!p3 v4  }
0x289: {  	v4 =	vld @!p3 [tilespmem:s18+$0xFFFFFF50];
	_ =	sdelay $0x4  }
0x28a: {  	[tilespmem:$0x18490] =	vst @!p3 v4  }
0x28b: {  	v4 =	vld @!p3 [tilespmem:s19+$0xFFFFFF60];
	_ =	sdelay $0x4  }
0x28c: {  	[tilespmem:$0x180A0] =	vst @!p3 v4  }
0x28d: {  	v4 =	vld @!p3 [tilespmem:s18+$0xFFFFFF60];
	_ =	sdelay $0x4  }
0x28e: {  	[tilespmem:$0x184A0] =	vst @!p3 v4  }
0x28f: {  	v4 =	vld @!p3 [tilespmem:s19+$0xFFFFFF70];
	_ =	sdelay $0x4  }
0x290: {  	[tilespmem:$0x180B0] =	vst @!p3 v4  }
0x291: {  	v4 =	vld @!p3 [tilespmem:s18+$0xFFFFFF70];
	_ =	sdelay $0x4  }
0x292: {  	s24 =	simm.s32 @!p3 $0x80;
	s0 =	simm.s32 @!p3 $0x18040;
	s25 =	simm.s32 @!p3 $0xBF40;
	[tilespmem:$0x184B0] =	vst @!p3 v4  }
0x293: {  	[tilespmem:s25], [sflag:$0x3] =	stream.indirect.gather @!p3 [hbm4b:s5+s24], $0x40, s0, s24, $0xb8;
	[tilespmem:$0x18740] =	vst v63  }
0x294: {  	s0 =	sadd.s32 $0x3, s17  }
0x295: {  	p0 =	sge.s32 @!p2 s0, s16  }
0x296: {  	p0 =	por p0, p2  }
0x297: {  	s1 =	simm.s32 @!p0 $0xC  }
0x298: {  	_ =	swait.ge @!p0 [sflag:s1], $0x2000  }
0x299: {  	[sflag:s1] =	ssyncset.done @!p0 $0x0  }
0x29a: {  	p4 =	sge.s32 s0, s16;
	[sflag:s1] =	ssyncadd.s32 @!p0 $0xFFFFE000  }
0x29b: {  	v4 =	vld @!p4 [tilespmem:s19+$0xFFFFFF80];
	_ =	sdelay $0x4  }
0x29c: {  	[tilespmem:$0x180C0] =	vst @!p4 v4  }
0x29d: {  	v4 =	vld @!p4 [tilespmem:s18+$0xFFFFFF80];
	_ =	sdelay $0x4  }
0x29e: {  	[tilespmem:$0x184C0] =	vst @!p4 v4  }
0x29f: {  	v4 =	vld @!p4 [tilespmem:s19+$0xFFFFFF90];
	_ =	sdelay $0x4  }
0x2a0: {  	[tilespmem:$0x180D0] =	vst @!p4 v4  }
0x2a1: {  	v4 =	vld @!p4 [tilespmem:s18+$0xFFFFFF90];
	_ =	sdelay $0x4  }
0x2a2: {  	[tilespmem:$0x184D0] =	vst @!p4 v4  }
0x2a3: {  	v4 =	vld @!p4 [tilespmem:s19+$0xFFFFFFA0];
	_ =	sdelay $0x4  }
0x2a4: {  	[tilespmem:$0x180E0] =	vst @!p4 v4  }
0x2a5: {  	v4 =	vld @!p4 [tilespmem:s18+$0xFFFFFFA0];
	_ =	sdelay $0x4  }
0x2a6: {  	[tilespmem:$0x184E0] =	vst @!p4 v4  }
0x2a7: {  	v4 =	vld @!p4 [tilespmem:s19+$0xFFFFFFB0];
	_ =	sdelay $0x4  }
0x2a8: {  	[tilespmem:$0x180F0] =	vst @!p4 v4  }
0x2a9: {  	v4 =	vld @!p4 [tilespmem:s18+$0xFFFFFFB0];
	_ =	sdelay $0x4  }
0x2aa: {  	[tilespmem:$0x184F0] =	vst @!p4 v4  }
0x2ab: {  	v4 =	vld @!p4 [tilespmem:s19+$0xFFFFFFC0];
	_ =	sdelay $0x4  }
0x2ac: {  	[tilespmem:$0x18100] =	vst @!p4 v4  }
0x2ad: {  	v4 =	vld @!p4 [tilespmem:s18+$0xFFFFFFC0];
	_ =	sdelay $0x4  }
0x2ae: {  	[tilespmem:$0x18500] =	vst @!p4 v4  }
0x2af: {  	v4 =	vld @!p4 [tilespmem:s19+$0xFFFFFFD0];
	_ =	sdelay $0x4  }
0x2b0: {  	[tilespmem:$0x18110] =	vst @!p4 v4  }
0x2b1: {  	v4 =	vld @!p4 [tilespmem:s18+$0xFFFFFFD0];
	_ =	sdelay $0x4  }
0x2b2: {  	[tilespmem:$0x18510] =	vst @!p4 v4  }
0x2b3: {  	v4 =	vld @!p4 [tilespmem:s19+$0xFFFFFFE0];
	_ =	sdelay $0x4  }
0x2b4: {  	[tilespmem:$0x18120] =	vst @!p4 v4  }
0x2b5: {  	v4 =	vld @!p4 [tilespmem:s18+$0xFFFFFFE0];
	_ =	sdelay $0x4  }
0x2b6: {  	[tilespmem:$0x18520] =	vst @!p4 v4  }
0x2b7: {  	v4 =	vld @!p4 [tilespmem:s19+$0xFFFFFFF0];
	_ =	sdelay $0x4  }
0x2b8: {  	[tilespmem:$0x18130] =	vst @!p4 v4  }
0x2b9: {  	v4 =	vld @!p4 [tilespmem:s18+$0xFFFFFFF0];
	_ =	sdelay $0x4  }
0x2ba: {  	s26 =	simm.s32 @!p4 $0x80;
	s0 =	simm.s32 @!p4 $0x180C0;
	s28 =	simm.s32 @!p4 $0xDF40;
	[tilespmem:$0x18530] =	vst @!p4 v4  }
0x2bb: {  	[tilespmem:s28], [sflag:$0x4] =	stream.indirect.gather @!p4 [hbm4b:s5+s26], $0x40, s0, s26, $0xb8;
	[tilespmem:$0x18740] =	vst v63  }
0x2bc: {  	s0 =	sadd.s32 $0x4, s17  }
0x2bd: {  	p0 =	sge.s32 @!p2 s0, s16  }
0x2be: {  	p0 =	por p0, p2  }
0x2bf: {  	s1 =	simm.s32 @!p0 $0xD  }
0x2c0: {  	_ =	swait.ge @!p0 [sflag:s1], $0x2000  }
0x2c1: {  	[sflag:s1] =	ssyncset.done @!p0 $0x0  }
0x2c2: {  	p5 =	sge.s32 s0, s16;
	[sflag:s1] =	ssyncadd.s32 @!p0 $0xFFFFE000  }
0x2c3: {  	v4 =	vld @!p5 [tilespmem:s19+$0x0];
	_ =	sdelay $0x4  }
0x2c4: {  	[tilespmem:$0x18140] =	vst @!p5 v4  }
0x2c5: {  	v4 =	vld @!p5 [tilespmem:s18+$0x0];
	_ =	sdelay $0x4  }
0x2c6: {  	[tilespmem:$0x18540] =	vst @!p5 v4  }
0x2c7: {  	v4 =	vld @!p5 [tilespmem:s19+$0x10];
	_ =	sdelay $0x4  }
0x2c8: {  	[tilespmem:$0x18150] =	vst @!p5 v4  }
0x2c9: {  	v4 =	vld @!p5 [tilespmem:s18+$0x10];
	_ =	sdelay $0x4  }
0x2ca: {  	[tilespmem:$0x18550] =	vst @!p5 v4  }
0x2cb: {  	v4 =	vld @!p5 [tilespmem:s19+$0x20];
	_ =	sdelay $0x4  }
0x2cc: {  	[tilespmem:$0x18160] =	vst @!p5 v4  }
0x2cd: {  	v4 =	vld @!p5 [tilespmem:s18+$0x20];
	_ =	sdelay $0x4  }
0x2ce: {  	[tilespmem:$0x18560] =	vst @!p5 v4  }
0x2cf: {  	v4 =	vld @!p5 [tilespmem:s19+$0x30];
	_ =	sdelay $0x4  }
0x2d0: {  	[tilespmem:$0x18170] =	vst @!p5 v4  }
0x2d1: {  	v4 =	vld @!p5 [tilespmem:s18+$0x30];
	_ =	sdelay $0x4  }
0x2d2: {  	[tilespmem:$0x18570] =	vst @!p5 v4  }
0x2d3: {  	v4 =	vld @!p5 [tilespmem:s19+$0x40];
	_ =	sdelay $0x4  }
0x2d4: {  	[tilespmem:$0x18180] =	vst @!p5 v4  }
0x2d5: {  	v4 =	vld @!p5 [tilespmem:s18+$0x40];
	_ =	sdelay $0x4  }
0x2d6: {  	[tilespmem:$0x18580] =	vst @!p5 v4  }
0x2d7: {  	v4 =	vld @!p5 [tilespmem:s19+$0x50];
	_ =	sdelay $0x4  }
0x2d8: {  	[tilespmem:$0x18190] =	vst @!p5 v4  }
0x2d9: {  	v4 =	vld @!p5 [tilespmem:s18+$0x50];
	_ =	sdelay $0x4  }
0x2da: {  	[tilespmem:$0x18590] =	vst @!p5 v4  }
0x2db: {  	v4 =	vld @!p5 [tilespmem:s19+$0x60];
	_ =	sdelay $0x4  }
0x2dc: {  	[tilespmem:$0x181A0] =	vst @!p5 v4  }
0x2dd: {  	v4 =	vld @!p5 [tilespmem:s18+$0x60];
	_ =	sdelay $0x4  }
0x2de: {  	[tilespmem:$0x185A0] =	vst @!p5 v4  }
0x2df: {  	v4 =	vld @!p5 [tilespmem:s19+$0x70];
	_ =	sdelay $0x4  }
0x2e0: {  	[tilespmem:$0x181B0] =	vst @!p5 v4  }
0x2e1: {  	v4 =	vld @!p5 [tilespmem:s18+$0x70];
	_ =	sdelay $0x4  }
0x2e2: {  	s29 =	simm.s32 @!p5 $0x80;
	s0 =	simm.s32 @!p5 $0x18140;
	s30 =	simm.s32 @!p5 $0xFF40;
	[tilespmem:$0x185B0] =	vst @!p5 v4  }
0x2e3: {  	[tilespmem:s30], [sflag:$0x5] =	stream.indirect.gather @!p5 [hbm4b:s5+s29], $0x40, s0, s29, $0xb8;
	[tilespmem:$0x18740] =	vst v63  }
0x2e4: {  	s0 =	sadd.s32 $0x5, s17  }
0x2e5: {  	p0 =	sge.s32 @!p2 s0, s16  }
0x2e6: {  	p0 =	por p0, p2  }
0x2e7: {  	s1 =	simm.s32 @!p0 $0xE  }
0x2e8: {  	_ =	swait.ge @!p0 [sflag:s1], $0x2000  }
0x2e9: {  	[sflag:s1] =	ssyncset.done @!p0 $0x0  }
0x2ea: {  	p6 =	sge.s32 s0, s16;
	[sflag:s1] =	ssyncadd.s32 @!p0 $0xFFFFE000  }
0x2eb: {  	v4 =	vld @!p6 [tilespmem:s19+$0x80];
	_ =	sdelay $0x4  }
0x2ec: {  	[tilespmem:$0x181C0] =	vst @!p6 v4  }
0x2ed: {  	v4 =	vld @!p6 [tilespmem:s18+$0x80];
	_ =	sdelay $0x4  }
0x2ee: {  	[tilespmem:$0x185C0] =	vst @!p6 v4  }
0x2ef: {  	v4 =	vld @!p6 [tilespmem:s19+$0x90];
	_ =	sdelay $0x4  }
0x2f0: {  	[tilespmem:$0x181D0] =	vst @!p6 v4  }
0x2f1: {  	v4 =	vld @!p6 [tilespmem:s18+$0x90];
	_ =	sdelay $0x4  }
0x2f2: {  	[tilespmem:$0x185D0] =	vst @!p6 v4  }
0x2f3: {  	v4 =	vld @!p6 [tilespmem:s19+$0xA0];
	_ =	sdelay $0x4  }
0x2f4: {  	[tilespmem:$0x181E0] =	vst @!p6 v4  }
0x2f5: {  	v4 =	vld @!p6 [tilespmem:s18+$0xA0];
	_ =	sdelay $0x4  }
0x2f6: {  	[tilespmem:$0x185E0] =	vst @!p6 v4  }
0x2f7: {  	v4 =	vld @!p6 [tilespmem:s19+$0xB0];
	_ =	sdelay $0x4  }
0x2f8: {  	[tilespmem:$0x181F0] =	vst @!p6 v4  }
0x2f9: {  	v4 =	vld @!p6 [tilespmem:s18+$0xB0];
	_ =	sdelay $0x4  }
0x2fa: {  	[tilespmem:$0x185F0] =	vst @!p6 v4  }
0x2fb: {  	v4 =	vld @!p6 [tilespmem:s19+$0xC0];
	_ =	sdelay $0x4  }
0x2fc: {  	[tilespmem:$0x18200] =	vst @!p6 v4  }
0x2fd: {  	v4 =	vld @!p6 [tilespmem:s18+$0xC0];
	_ =	sdelay $0x4  }
0x2fe: {  	[tilespmem:$0x18600] =	vst @!p6 v4  }
0x2ff: {  	v4 =	vld @!p6 [tilespmem:s19+$0xD0];
	_ =	sdelay $0x4  }
0x300: {  	[tilespmem:$0x18210] =	vst @!p6 v4  }
0x301: {  	v4 =	vld @!p6 [tilespmem:s18+$0xD0];
	_ =	sdelay $0x4  }
0x302: {  	[tilespmem:$0x18610] =	vst @!p6 v4  }
0x303: {  	v4 =	vld @!p6 [tilespmem:s19+$0xE0];
	_ =	sdelay $0x4  }
0x304: {  	[tilespmem:$0x18220] =	vst @!p6 v4  }
0x305: {  	v4 =	vld @!p6 [tilespmem:s18+$0xE0];
	_ =	sdelay $0x4  }
0x306: {  	[tilespmem:$0x18620] =	vst @!p6 v4  }
0x307: {  	v4 =	vld @!p6 [tilespmem:s19+$0xF0];
	_ =	sdelay $0x4  }
0x308: {  	[tilespmem:$0x18230] =	vst @!p6 v4  }
0x309: {  	v4 =	vld @!p6 [tilespmem:s18+$0xF0];
	_ =	sdelay $0x4  }
0x30a: {  	s3 =	simm.s32 @!p6 $0x181C0;
	s0 =	simm.s32 @!p6 $0x11F40;
	s1 =	simm.s32 @!p6 $0x80;
	[tilespmem:$0x18630] =	vst @!p6 v4  }
0x30b: {  	[tilespmem:s0], [sflag:$0x6] =	stream.indirect.gather @!p6 [hbm4b:s5+s1], $0x40, s3, s1, $0xb8;
	[tilespmem:$0x18740] =	vst v63  }
0x30c: {  	s3 =	sadd.s32 $0x6, s17  }
0x30d: {  	p0 =	sge.s32 @!p2 s3, s16  }
0x30e: {  	p0 =	por p0, p2  }
0x30f: {  	s6 =	simm.s32 @!p0 $0xF  }
0x310: {  	_ =	swait.ge @!p0 [sflag:s6], $0x2000  }
0x311: {  	[sflag:s6] =	ssyncset.done @!p0 $0x0  }
0x312: {  	p1 =	sge.s32 s3, s16;
	[sflag:s6] =	ssyncadd.s32 @!p0 $0xFFFFE000  }
0x313: {  	v4 =	vld @!p1 [tilespmem:s19+$0x100];
	_ =	sdelay $0x4  }
0x314: {  	[tilespmem:$0x18240] =	vst @!p1 v4  }
0x315: {  	v4 =	vld @!p1 [tilespmem:s18+$0x100];
	_ =	sdelay $0x4  }
0x316: {  	[tilespmem:$0x18640] =	vst @!p1 v4  }
0x317: {  	v4 =	vld @!p1 [tilespmem:s19+$0x110];
	_ =	sdelay $0x4  }
0x318: {  	[tilespmem:$0x18250] =	vst @!p1 v4  }
0x319: {  	v4 =	vld @!p1 [tilespmem:s18+$0x110];
	_ =	sdelay $0x4  }
0x31a: {  	[tilespmem:$0x18650] =	vst @!p1 v4  }
0x31b: {  	v4 =	vld @!p1 [tilespmem:s19+$0x120];
	_ =	sdelay $0x4  }
0x31c: {  	[tilespmem:$0x18260] =	vst @!p1 v4  }
0x31d: {  	v4 =	vld @!p1 [tilespmem:s18+$0x120];
	_ =	sdelay $0x4  }
0x31e: {  	[tilespmem:$0x18660] =	vst @!p1 v4  }
0x31f: {  	v4 =	vld @!p1 [tilespmem:s19+$0x130];
	_ =	sdelay $0x4  }
0x320: {  	[tilespmem:$0x18270] =	vst @!p1 v4  }
0x321: {  	v4 =	vld @!p1 [tilespmem:s18+$0x130];
	_ =	sdelay $0x4  }
0x322: {  	[tilespmem:$0x18670] =	vst @!p1 v4  }
0x323: {  	v4 =	vld @!p1 [tilespmem:s19+$0x140];
	_ =	sdelay $0x4  }
0x324: {  	[tilespmem:$0x18280] =	vst @!p1 v4  }
0x325: {  	v4 =	vld @!p1 [tilespmem:s18+$0x140];
	_ =	sdelay $0x4  }
0x326: {  	[tilespmem:$0x18680] =	vst @!p1 v4  }
0x327: {  	v4 =	vld @!p1 [tilespmem:s19+$0x150];
	_ =	sdelay $0x4  }
0x328: {  	[tilespmem:$0x18290] =	vst @!p1 v4  }
0x329: {  	v4 =	vld @!p1 [tilespmem:s18+$0x150];
	_ =	sdelay $0x4  }
0x32a: {  	[tilespmem:$0x18690] =	vst @!p1 v4  }
0x32b: {  	v4 =	vld @!p1 [tilespmem:s19+$0x160];
	_ =	sdelay $0x4  }
0x32c: {  	[tilespmem:$0x182A0] =	vst @!p1 v4  }
0x32d: {  	v4 =	vld @!p1 [tilespmem:s18+$0x160];
	_ =	sdelay $0x4  }
0x32e: {  	[tilespmem:$0x186A0] =	vst @!p1 v4  }
0x32f: {  	v4 =	vld @!p1 [tilespmem:s19+$0x170];
	_ =	sdelay $0x4  }
0x330: {  	[tilespmem:$0x182B0] =	vst @!p1 v4  }
0x331: {  	v4 =	vld @!p1 [tilespmem:s18+$0x170];
	_ =	sdelay $0x2  }
0x332: {  	s3 =	sadd.s32 $0x7, s17  }
0x333: {  	s9 =	simm.s32 @!p1 $0x18240;
	p0 =	sge.s32 @!p2 s3, s16  }
0x334: {  	s7 =	simm.s32 @!p1 $0x13F40;
	s6 =	simm.s32 @!p1 $0x80;
	p0 =	por p0, p2;
	[tilespmem:$0x186B0] =	vst @!p1 v4  }
0x335: {  	[tilespmem:s7], [sflag:$0x7] =	stream.indirect.gather @!p1 [hbm4b:s5+s6], $0x40, s9, s6, $0xb8;
	[tilespmem:$0x18740] =	vst v63  }
0x336: {  	s9 =	simm.s32 @!p0 $0x10  }
0x337: {  	_ =	swait.ge @!p0 [sflag:s9], $0x2000  }
0x338: {  	[sflag:s9] =	ssyncset.done @!p0 $0x0  }
0x339: {  	[sflag:s9] =	ssyncadd.s32 @!p0 $0xFFFFE000;
	p0 =	sge.s32 s3, s16  }
0x33a: {  	v4 =	vld @!p0 [tilespmem:s19+$0x180];
	_ =	sdelay $0x4  }
0x33b: {  	[tilespmem:$0x182C0] =	vst @!p0 v4  }
0x33c: {  	v4 =	vld @!p0 [tilespmem:s18+$0x180];
	_ =	sdelay $0x4  }
0x33d: {  	[tilespmem:$0x186C0] =	vst @!p0 v4  }
0x33e: {  	v4 =	vld @!p0 [tilespmem:s19+$0x190];
	_ =	sdelay $0x4  }
0x33f: {  	[tilespmem:$0x182D0] =	vst @!p0 v4  }
0x340: {  	v4 =	vld @!p0 [tilespmem:s18+$0x190];
	_ =	sdelay $0x4  }
0x341: {  	[tilespmem:$0x186D0] =	vst @!p0 v4  }
0x342: {  	v4 =	vld @!p0 [tilespmem:s19+$0x1A0];
	_ =	sdelay $0x4  }
0x343: {  	[tilespmem:$0x182E0] =	vst @!p0 v4  }
0x344: {  	v4 =	vld @!p0 [tilespmem:s18+$0x1A0];
	_ =	sdelay $0x4  }
0x345: {  	[tilespmem:$0x186E0] =	vst @!p0 v4  }
0x346: {  	v4 =	vld @!p0 [tilespmem:s19+$0x1B0];
	_ =	sdelay $0x4  }
0x347: {  	[tilespmem:$0x182F0] =	vst @!p0 v4  }
0x348: {  	v4 =	vld @!p0 [tilespmem:s18+$0x1B0];
	_ =	sdelay $0x4  }
0x349: {  	[tilespmem:$0x186F0] =	vst @!p0 v4  }
0x34a: {  	v4 =	vld @!p0 [tilespmem:s19+$0x1C0];
	_ =	sdelay $0x4  }
0x34b: {  	[tilespmem:$0x18300] =	vst @!p0 v4  }
0x34c: {  	v4 =	vld @!p0 [tilespmem:s18+$0x1C0];
	_ =	sdelay $0x4  }
0x34d: {  	[tilespmem:$0x18700] =	vst @!p0 v4  }
0x34e: {  	v4 =	vld @!p0 [tilespmem:s19+$0x1D0];
	_ =	sdelay $0x4  }
0x34f: {  	[tilespmem:$0x18310] =	vst @!p0 v4  }
0x350: {  	v4 =	vld @!p0 [tilespmem:s18+$0x1D0];
	_ =	sdelay $0x4  }
0x351: {  	[tilespmem:$0x18710] =	vst @!p0 v4  }
0x352: {  	v4 =	vld @!p0 [tilespmem:s19+$0x1E0];
	_ =	sdelay $0x4  }
0x353: {  	[tilespmem:$0x18320] =	vst @!p0 v4  }
0x354: {  	v4 =	vld @!p0 [tilespmem:s18+$0x1E0];
	_ =	sdelay $0x4  }
0x355: {  	[tilespmem:$0x18720] =	vst @!p0 v4  }
0x356: {  	v4 =	vld @!p0 [tilespmem:s19+$0x1F0];
	_ =	sdelay $0x4  }
0x357: {  	[tilespmem:$0x18330] =	vst @!p0 v4  }
0x358: {  	v4 =	vld @!p0 [tilespmem:s18+$0x1F0];
	_ =	sdelay $0x1  }
0x359: {  	s31 =	sld [smem:$0x7F8];
	_ =	sdelay $0x1  }
0x35a: {  	s3 =	simm.s32 @!p0 $0x80  }
0x35b: {  	s9 =	simm.s32 @!p0 $0x182C0;
	s14 =	simm.s32 @!p0 $0x15F40;
	p2 =	seq.s32 s31, $0x1;
	[tilespmem:$0x18730] =	vst @!p0 v4  }
0x35c: {  	[tilespmem:s14], [sflag:$0x8] =	stream.indirect.gather @!p0 [hbm4b:s5+s3], $0x40, s9, s3, $0xb8;
	[tilespmem:$0x18740] =	vst v63  }
0x35d: {  	s9 =	simm.s32 @!p2 $0x1  }
0x35e: {  	_ =	swait.ge @!p2 [sflag:s9], $0x2000  }
0x35f: {  	[sflag:s9] =	ssyncset.done @!p2 $0x0;
	s31 =	sld [smem:$0x7F9]  }
0x360: {  	[sflag:s9] =	ssyncadd.s32 @!p2 $0xFFFFE000;
	s9 =	simm.s32 @!p2 $0x18340  }
0x361: {  	[hbm4b:s2+s20] =	stream.indirect.scatter @!p2 [tilespmem:s21], [sflag:$0x9], $0x40, s9, s20, $0xb8;
	[tilespmem:$0x18740] =	vst v63  }
0x362: {  	p2 =	seq.s32 s31, $0x1  }
0x363: {  	s9 =	simm.s32 @!p2 $0x2  }
0x364: {  	_ =	swait.ge @!p2 [sflag:s9], $0x2000  }
0x365: {  	[sflag:s9] =	ssyncset.done @!p2 $0x0  }
0x366: {  	[sflag:s9] =	ssyncadd.s32 @!p2 $0xFFFFE000;
	s9 =	simm.s32 @!p2 $0x183C0  }
0x367: {  	[hbm4b:s2+s22] =	stream.indirect.scatter @!p2 [tilespmem:s23], [sflag:$0xA], $0x40, s9, s22, $0xb8;
	[tilespmem:$0x18740] =	vst v63  }
0x368: {  	s9 =	simm.s32 @!p3 $0x3  }
0x369: {  	_ =	swait.ge @!p3 [sflag:s9], $0x2000  }
0x36a: {  	[sflag:s9] =	ssyncset.done @!p3 $0x0  }
0x36b: {  	[sflag:s9] =	ssyncadd.s32 @!p3 $0xFFFFE000;
	s9 =	simm.s32 @!p3 $0x18440  }
0x36c: {  	[hbm4b:s2+s24] =	stream.indirect.scatter @!p3 [tilespmem:s25], [sflag:$0xB], $0x40, s9, s24, $0xb8;
	[tilespmem:$0x18740] =	vst v63  }
0x36d: {  	s9 =	simm.s32 @!p4 $0x4  }
0x36e: {  	_ =	swait.ge @!p4 [sflag:s9], $0x2000  }
0x36f: {  	[sflag:s9] =	ssyncset.done @!p4 $0x0  }
0x370: {  	[sflag:s9] =	ssyncadd.s32 @!p4 $0xFFFFE000;
	s9 =	simm.s32 @!p4 $0x184C0  }
0x371: {  	[hbm4b:s2+s26] =	stream.indirect.scatter @!p4 [tilespmem:s28], [sflag:$0xC], $0x40, s9, s26, $0xb8;
	[tilespmem:$0x18740] =	vst v63  }
0x372: {  	s9 =	simm.s32 @!p5 $0x5  }
0x373: {  	_ =	swait.ge @!p5 [sflag:s9], $0x2000  }
0x374: {  	[sflag:s9] =	ssyncset.done @!p5 $0x0  }
0x375: {  	[sflag:s9] =	ssyncadd.s32 @!p5 $0xFFFFE000;
	s9 =	simm.s32 @!p5 $0x18540  }
0x376: {  	[hbm4b:s2+s29] =	stream.indirect.scatter @!p5 [tilespmem:s30], [sflag:$0xD], $0x40, s9, s29, $0xb8;
	[tilespmem:$0x18740] =	vst v63  }
0x377: {  	s9 =	simm.s32 @!p6 $0x6  }
0x378: {  	_ =	swait.ge @!p6 [sflag:s9], $0x2000  }
0x379: {  	[sflag:s9] =	ssyncset.done @!p6 $0x0  }
0x37a: {  	[sflag:s9] =	ssyncadd.s32 @!p6 $0xFFFFE000;
	s9 =	simm.s32 @!p6 $0x185C0  }
0x37b: {  	[hbm4b:s2+s1] =	stream.indirect.scatter @!p6 [tilespmem:s0], [sflag:$0xE], $0x40, s9, s1, $0xb8;
	[tilespmem:$0x18740] =	vst v63  }
0x37c: {  	s0 =	simm.s32 @!p1 $0x7  }
0x37d: {  	_ =	swait.ge @!p1 [sflag:s0], $0x2000  }
0x37e: {  	[sflag:s0] =	ssyncset.done @!p1 $0x0  }
0x37f: {  	[sflag:s0] =	ssyncadd.s32 @!p1 $0xFFFFE000;
	s0 =	simm.s32 @!p1 $0x18640  }
0x380: {  	[hbm4b:s2+s6] =	stream.indirect.scatter @!p1 [tilespmem:s7], [sflag:$0xF], $0x40, s0, s6, $0xb8;
	[tilespmem:$0x18740] =	vst v63  }
0x381: {  	s0 =	simm.s32 @!p0 $0x8  }
0x382: {  	_ =	swait.ge @!p0 [sflag:s0], $0x2000  }
0x383: {  	[sflag:s0] =	ssyncset.done @!p0 $0x0  }
0x384: {  	s17 =	sadd.s32 $0x8, s17;
	[sflag:s0] =	ssyncadd.s32 @!p0 $0xFFFFE000;
	s0 =	simm.s32 @!p0 $0x186C0  }
0x385: {  	[hbm4b:s2+s3] =	stream.indirect.scatter @!p0 [tilespmem:s14], [sflag:$0x10], $0x40, s0, s3, $0xb8;
	[tilespmem:$0x18740] =	vst v63  }
0x386: {  	p0 =	sne.s32 s17, $0x38  }
.Ltmp5:
0x387: {  	_ = 	snop;
	(pc) =	sbr.rel @p0 .LBB2_8-.Ltmp5, $2  }
0x388: {  	_ =	sdelay $0x2  }
0x389: {  	s19 =	sadd.s32 $0x400, s19;
	s18 =	sadd.s32 $0x400, s18  }
0x38a: {  	p0 =	slt.s32 s16, $0x1  }
0x38b: {  	s0 =	simm.s32 @!p0 $0x9  }
0x38c: {  	p1 =	seq.s32 @!p0 s16, $0x1;
	_ =	swait.ge @!p0 [sflag:s0], $0x2000  }
0x38d: {  	p1 =	por p0, p1;
	[sflag:s0] =	ssyncset.done @!p0 $0x0  }
0x38e: {  	[sflag:s0] =	ssyncadd.s32 @!p0 $0xFFFFE000;
	p0 =	slt.u32 @!p1 s16, $0x3  }
0x38f: {  	p0 =	por p1, p0  }
.Ltmp6:
0x390: {  	_ = 	snop;
	(pc) =	sbr.rel @p0 .LBB2_11-.Ltmp6, $4  }
0x391: {  	s0 =	simm.s32 @!p1 $0xA  }
0x392: {  	_ =	swait.ge @!p1 [sflag:s0], $0x2000  }
0x393: {  	[sflag:s0] =	ssyncset.done @!p1 $0x0  }
0x394: {  	[sflag:s0] =	ssyncadd.s32 @!p1 $0xFFFFE000  }
0x395: {  	p0 =	seq.s32 s16, $0x3  }
0x396: {  	p1 =	slt.u32 @!p0 s16, $0x5  }
0x397: {  	s0 =	simm.s32 $0xB;
	p2 =	por p1, p0  }
0x398: {  	_ =	swait.ge [sflag:s0], $0x2000;
	p3 =	seq.s32 @!p2 s16, $0x5  }
0x399: {  	[sflag:s0] =	ssyncset.done $0x0;
	s1 =	simm.s32 @!p3 $0x0;
	p4 =	por @!p0 p3, p1  }
0x39a: {  	[sflag:s0] =	ssyncadd.s32 $0xFFFFE000;
	s1 =	simm.s32 @p3 $0x1;
	p4 =	por p4, p0  }
0x39b: {  	s0 =	simm.s32 @!p0 $0xC;
	[smem:$0x7F7] =	sst s1;
	p5 =	slt.u32 @!p4 s16, $0x7  }
0x39c: {  	_ =	swait.ge @!p0 [sflag:s0], $0x2000;
	s1 =	simm.s32 @!p5 $0x0  }
0x39d: {  	[sflag:s0] =	ssyncset.done @!p0 $0x0;
	s1 =	simm.s32 @p5 $0x1  }
0x39e: {  	[sflag:s0] =	ssyncadd.s32 @!p0 $0xFFFFE000;
	s0 =	simm.s32 @!p2 $0xD;
	[smem:$0x7F6] =	sst s1  }
0x39f: {  	_ =	swait.ge @!p2 [sflag:s0], $0x2000  }
0x3a0: {  	[sflag:s0] =	ssyncset.done @!p2 $0x0  }
0x3a1: {  	[sflag:s0] =	ssyncadd.s32 @!p2 $0xFFFFE000;
	s0 =	simm.s32 @!p4 $0xE  }
0x3a2: {  	_ =	swait.ge @!p4 [sflag:s0], $0x2000  }
0x3a3: {  	p6 =	por @!p2 p5, p3;
	s30 =	sld [smem:$0x7F6]  }
0x3a4: {  	p6 =	por @!p0 p6, p1;
	s31 =	sld [smem:$0x7F7]  }
0x3a5: {  	p6 =	por p6, p0  }
0x3a6: {  	p5 =	seq.s32 @!p6 s16, $0x7;
	p3 =	seq.s32 s30, $0x1  }
0x3a7: {  	[sflag:s0] =	ssyncset.done @!p4 $0x0;
	p5 =	por @!p4 p5, p3;
	p3 =	seq.s32 s31, $0x1  }
0x3a8: {  	[sflag:s0] =	ssyncadd.s32 @!p4 $0xFFFFE000;
	s0 =	simm.s32 @!p6 $0xF;
	p2 =	por @!p2 p5, p3  }
0x3a9: {  	_ =	swait.ge @!p6 [sflag:s0], $0x2000;
	p1 =	por @!p0 p2, p1  }
.Ltmp7:
0x3aa: {  	[sflag:s0] =	ssyncset.done @!p6 $0x0;
	p0 =	por p1, p0;
	(pc) =	sbr.rel .LBB2_11-.Ltmp7, $4  }
0x3ab: {  	[sflag:s0] =	ssyncadd.s32 @!p6 $0xFFFFE000;
	s0 =	simm.s32 @!p0 $0x10  }
0x3ac: {  	_ =	swait.ge @!p0 [sflag:s0], $0x2000  }
0x3ad: {  	[sflag:s0] =	ssyncset.done @!p0 $0x0  }
0x3ae: {  	[sflag:s0] =	ssyncadd.s32 @!p0 $0xFFFFE000  }
.LBB2_12:
0x3af: {  	_ =	sfence.sel $0x180000  }
0x3b0: {  	[bflag:$0x0] =	sbarrier.arrive $0xFFFF  }
0x3b1: {  	_ =	strace $0x90000047  }
0x3b2: {  	s0 =	stileid.u32;
	[bflag:$0x2] =	sbarrier.arrive $0xFFFF  }
0x3b3: {  	p0 =	sne.s32 s0, $0x0;
	s0 =	rddreg [dreg:$0x2]  }
0x3b4: {  	s0 =	sadd.s32 @!p0 $0x100000, s0  }
0x3b5: {  	[sflag:s0] =	ssyncadd.tile.s32 @!p0 $0x1;
	_ =	shalt  }
.Lfunc_end2:
_tile_overlayer_lowered:
.L_overlay_start_2:
0x3b6: {  	(tag) =	ssettag $0x2  }
0x3b7: {  	s0 =	rddreg [dreg:$0x0];
	s2 =	stileid.u32  }
0x3b8: {  	s1 =	rddreg [dreg:$0x1];
	p0 =	sne.s32 s2, $0x0  }
0x3b9: {  	s3 =	rddreg [dreg:$0x2];
	[bflag:$0x3] =	sbarrier.arrive $0xFFFF;
	s2 =	simm.s32 @!p0 $0x1C11  }
0x3ba: {  	[timem:s3], [sflag:s2] =	dma.local @!p0 [hbm:s0], s1  }
0x3bb: {  	s0 =	simm.s32 @!p0 $0x11  }
0x3bc: {  	_ =	swait.ge @!p0 [sflag:s0], s1  }
0x3bd: {  	s1 =	ssub.s32 @!p0 $0x0, s1;
	[sflag:s0] =	ssyncset.done @!p0 $0x0  }
0x3be: {  	[sflag:s0] =	ssyncadd.s32 @!p0 s1  }
0x3bf: {  	[bflag:$0x3] =	sbarrier.arrive $0xFFFF  }
0x3c0: {  	_ =	shalt  }

// kernel: sparse-core-data-format-call.cloned.1.call-start
scs
called_computation_lowered:
.L_overlay_start_0:
0x0: {  	s2 =	sld [smem:$0x3FD9]  }
0x1: {  	s3 =	sld [smem:$0x3FFE];
	_ =	sdelay $0x1  }
0x2: {  	s1 =	srdreg.scid  }
0x3: {  	s0 =	sand.u32 $0x1, s1  }
0x4: {  	s18 =	sshll.u32 s0, $0xA;
	s2 =	sadd.s32 s3, s2  }
0x5: {  	s2 =	sadd.s32 s2, s18  }
0x6: {  	[smem:$0x3FC5] =	sst s2  }
0x7: {  	_ = 	snop  }
0x8: {  	s2 =	sld [smem:$0x3FD0];
	(tm) =	ssettm $0x1  }
0x9: {  	s19 =	sld [smem:$0x3FFB];
	_ =	sdelay $0x3  }
0xa: {  	_ =	strace s19  }
0xb: {  	s3 =	sld [smem:$0x3FFC];
	_ =	sdelay $0x3  }
0xc: {  	_ =	strace s3  }
0xd: {  	s3 =	sld [smem:$0x3FFD];
	_ =	sdelay $0x3  }
0xe: {  	_ =	strace s3  }
0xf: {  	_ =	strace $0x8FFFFFFF  }
0x10: {  	s20 =	sld [smem:$0x3FDB];
	_ =	sdelay $0x1  }
0x11: {  	s4 =	simm.s32 $_scs_section_size  }
0x12: {  	s5 =	simm.s32 $_size__tile_overlayer_lowered;
	s6 =	simm.s32 $_tile_overlayer_lowered  }
0x13: {  	s23 =	simm.s32 $0x1BFF;
	s22 =	sshll.u32 s6, $0x1;
	s3 =	sadd.s32 s4, s20  }
0x14: {  	s7 =	simm.s32 $0x0;
	s21 =	sshll.u32 s5, $0x1;
	s5 =	sadd.s32 s22, s3  }
0x15: {  	[timem:s7], [sflag:s23] =	dma.local [hbm:s5], s21  }
0x16: {  	_ =	swait.ge [sflag:s23], s21  }
0x17: {  	s4 =	ssub.s32 $0x0, s21;
	[sflag:s23] =	ssyncset.done $0x0  }
0x18: {  	[sflag:s23] =	ssyncadd.s32 s4;
	_ =	sdelay $0x1  }
0x19: {  	s24 =	simm.s32 $0x1B8B  }
0x1a: {  	_ =	swait.ge [sflag:s24], $0x1  }
0x1b: {  	[sflag:s24] =	ssyncset.done $0x0  }
0x1c: {  	s26 =	simm.s32 $0x1B8E;
	s25 =	sld [smem:$0x3FFE];
	[sflag:s24] =	ssyncadd.s32 $0xFFFFFFFF  }
0x1d: {  	s27 =	simm.s32 $execute0_lowered;
	[smem:$0x3FD2] =	sst s26  }
0x1e: {  	s5 =	sshll.u32 s27, $0x1;
	_ =	strace $0x80000049;
	[dreg:$0x1] =	wrdreg $0xFFFFFFFF  }
0x1f: {  	s28 =	simm.s32 $_size_execute0_lowered;
	s3 =	sadd.s32 s3, s5;
	[dreg:$0x0] =	wrdreg $0x0  }
0x20: {  	s5 =	sshll.u32 s28, $0x1;
	[dreg:$0x2] =	wrdreg s3  }
0x21: {  	[dreg:$0x3] =	wrdreg s5  }
0x22: {  	[dreg:$0x4] =	wrdreg $0xC0  }
0x23: {  	_ =	task [dreg:s7], $0x5FFFF  }
0x24: {  	[dreg:$0x1] =	wrdreg $0xFFFFFFFF  }
0x25: {  	[dreg:$0x0] =	wrdreg $0x60  }
0x26: {  	[dreg:$0x2] =	wrdreg s25  }
0x27: {  	[dreg:$0x3] =	wrdreg s2  }
0x28: {  	[dreg:$0x4] =	wrdreg $0x9  }
0x29: {  	_ =	task.clear_ibuf [dreg:s7], $0x5FFFF;
	_ =	strace $0x90000049  }
0x2a: {  	s29 =	simm.s32 $0x9;
	_ =	strace $0x8000004B  }
0x2b: {  	_ =	swait.ge [sflag:s29], $0x1  }
0x2c: {  	[sflag:s29] =	ssyncadd.s32 $0xFFFFFFFF  }
0x2d: {  	_ =	strace $0x9000004B  }
0x2e: {  	_ =	sfence  }
0x2f: {  	s30 =	sld [smem:$0x0];
	_ =	sdelay $0x2  }
0x30: {  	s31 =	sshll.u32 s1, $0xD;
	s1 =	sshrl.u32 s1, $0x2  }
0x31: {  	s3 =	sand.u32 $0x4000, s31;
	s1 =	sadd.s32 s1, s30  }
0x32: {  	s0 =	sor.u32 s3, s0;
	s1 =	sshll.u32 s1, $0x11  }
0x33: {  	s0 =	sor.u32 s1, s0  }
0x34: {  	s0 =	sadd.s32 $0x8F2B, s0  }
0x35: {  	[sflag:s0] =	ssyncadd.remote.s32 $0x1  }
0x36: {  	_ =	sfence.sel $0xFFFF  }
0x37: {  	[dreg:$0x0] =	wrdreg $0xFFFFFFFF;
	(pc) =	sbr.abs _section_cstart, $3  }
0x38: {  	[dreg:$0x1] =	wrdreg $0xFFFFFFFF  }
0x39: {  	_ =	task.clear_ibuf [dreg:s7], $0x2FFFF;
	_ =	strace $0x9FFFFFFF  }
0x3a: {  	(tm) =	ssettm $0x7FFFFFFF  }
0x3b: {  	_ =	shalt  }
tec
execute0_lowered:
.L_overlay_start_1:
0x0: {  	(tag) =	ssettag $0x1  }
0x1: {  	s0 =	srdreg.scid  }
0x2: {  	s1 =	sshll.u32 s0, $0x4  }
0x3: {  	s0 =	stileid.u32;
	s1 =	sand.u32 $0x10, s1  }
0x4: {  	s1 =	sor.u32 s0, s1  }
0x5: {  	s6 =	rddreg [dreg:$0x0];
	s4 =	simm.s32 $0x1;
	s2 =	sshll.u32 s1, $0x7  }
0x6: {  	s7 =	simm.s32 $0x2;
	s12 =	simm.s32 $0x0;
	s1 =	ssub.s32 $0x1000, s2  }
0x7: {  	s8 =	simm.s32 $0x8000;
	s13 =	simm.s32 $0x0;
	s3 =	sand.u32 $0xF80, s1  }
0x8: {  	s9 =	simm.s32 $0x0;
	s5 =	sshrl.u32 s1, $0xC;
	p0 =	sne.s32 s3, $0x0  }
.Ltmp0:
0x9: {  	s1 =	rddreg [dreg:$0x2];
	s4 =	simm.s32 @!p0 $0x0;
	(pc) =	sbr.rel .LBB1_1-.Ltmp0, $4  }
0xa: {  	s11 =	simm.s32 $0x0;
	s3 =	rddreg [dreg:$0x1];
	s5 =	sadd.s32 s4, s5  }
0xb: {  	_ =	strace $0x8000004A;
	s4 =	simm.s32 $0x1;
	s5 =	smul.u32 $0x32, s5  }
0xc: {  	s6 =	sadd.s32 $0x800, s6;
	s10 =	smov.u32 s2;
	[sflag:s4] =	ssyncpa.u1 $0x0  }
0xd: {  	p0 =	por $0x0, $0x0;
	[sflag:s7] =	ssyncpa.u1 $0x0;
	s7 =	sor.u32 $0x1, s5  }
.LBB1_4:
0xe: {  	s16 =	sshll.u32 s13, $0x3;
	s17 =	sand.u32 $0x78, s13  }
0xf: {  	s30 =	sand.u32 $0x7E00, s13;
	s12 =	sshll.u32 s12, $0xF;
	s16 =	sand.u32 $0xC00, s16  }
0x10: {  	[tilespmem:s15+$0x810 ss:$0x81] =	vst.msk $0xffff, v2;
	s31 =	sand.u32 $0x7, s13;
	s16 =	sor.u32 s17, s16;
	s17 =	sadd.s32 s3, s30  }
0x11: {  	[tilespmem:s15+$0x1020 ss:$0x81] =	vst.msk $0xffff, v0;
	s13 =	sshll.u32 s31, $0x12;
	s12 =	sadd.s32 s12, s17;
	s16 =	sshrl.u32 s16, $0x3  }
0x12: {  	[tilespmem:s15+$0x0 ss:$0x81] =	vst.msk $0xffff, v1;
	s13 =	sor.u32 $0x400, s13;
	s12 =	sadd.s32 s16, s12  }
0x13: {  	[hbm4b:s12+s13] =	stream.strided.scatter [tilespmem:s14], [sflag:$0x2], $0x2000, s8, s13, $0x20;
	[tilespmem:$0x8080] =	vst v63  }
.LBB1_5:
0x14: {  	s14 =	sadd.s32 $0x1, s9  }
0x15: {  	s12 =	sadd.s32 $0x1000, s10;
	s16 =	smov.u32 s10;
	p2 =	sgt.s32 s14, $0x31  }
0x16: {  	s16 =	smov.u32 @p2 s12  }
0x17: {  	s14 =	simm.s32 @p2 $0x0;
	p2 =	sgt.s32 s16, $0xFFF  }
0x18: {  	s16 =	smov.u32 @p2 s2;
	p2 =	sne.s32 s11, s7  }
.Ltmp1:
0x19: {  	p1 =	slt.u32 s11, $0x2;
	(pc) =	sbr.rel @!p2 .LBB1_6-.Ltmp1, $4  }
0x1a: {  	s15 =	simm.s32 @!p1 $0x2  }
0x1b: {  	s13 =	smov.u32 s10;
	p0 =	por !p0, !p0;
	_ =	swait.ge @!p1 [sflag:s15], $0x2000  }
0x1c: {  	s12 =	smov.u32 s9;
	[sflag:s15] =	ssyncset.done @!p1 $0x0;
	s9 =	smov.u32 s14  }
0x1d: {  	s11 =	sadd.s32 $0x1, s11;
	[sflag:s15] =	ssyncadd.s32 @!p1 $0xFFFFE000;
	s10 =	smov.u32 s16  }
.LBB1_1:
0x1e: {  	p1 =	sge.u32 s11, s5  }
0x1f: {  	s14 =	sand.u32 @!p1 $0x1FFFFFF, s9  }
0x20: {  	s15 =	smulhi.u32 @!p1 $0x4924925, s14;
	_ =	sdelay $0x1  }
0x21: {  	s15 =	smul.u32 @!p1 $0x38, s15  }
0x22: {  	s16 =	sxor.u32 @!p1 $0xFFFFFFFF, s11;
	s17 =	smul.u32 @!p1 $0x380, s10  }
0x23: {  	s31 =	sadd.s32 $0xFFFFFFFF, s11;
	s16 =	sshll.u32 @!p1 s16, $0xD;
	s14 =	ssub.s32 @!p1 s14, s15  }
0x24: {  	s15 =	sand.u32 @!p1 $0x2000, s16;
	s16 =	sadd.s32 @!p1 s6, s17;
	s14 =	sshll.u32 @!p1 s14, $0x4  }
0x25: {  	s17 =	simm.s32 @!p1 $0x1C00;
	s14 =	sadd.s32 @!p1 s14, s16;
	s16 =	simm.s32 @!p1 $0x40  }
0x26: {  	[tilespmem:s15], [sflag:$0x1] =	stream.strided.gather @!p1 [hbm4b:s14+s16], $0x2000, s17, s16, $0x38;
	[tilespmem:$0x8080] =	vst v63  }
0x27: {  	p1 =	sge.u32 s31, s5  }
.Ltmp2:
0x28: {  	_ = 	snop;
	(pc) =	sbr.rel @p1 .LBB1_5-.Ltmp2, $1  }
0x29: {  	_ =	sdelay $0x3  }
0x2a: {  	s14 =	simm.s32 $0x1  }
0x2b: {  	_ =	swait.ge [sflag:s4], $0x2000;
	s14 =	simm.s32 @!p0 $0x0  }
0x2c: {  	[sflag:s4] =	ssyncset.done $0x0;
	s15 =	sshll.u32 s14, $0xD  }
0x2d: {  	[sflag:s4] =	ssyncadd.s32 $0xFFFFE000;
	s18 =	sor.u32 $0x20, s15  }
0x2e: {  	s14 =	smul.u32 $0x8100, s14;
	v3 =	vld [tilespmem:s18+$0x10]  }
0x2f: {  	s30 =	sand.u32 $0x1, s11;
	v2 =	vld [tilespmem:s18+$0xFFFFFFF0]  }
0x30: {  	s15 =	smul.u32 $0x8100, s30;
	s14 =	sshrl.u32 s14, $0x2;
	v0 =	vld [tilespmem:s18+$0x0]  }
0x31: {  	v1 =	vld [tilespmem:s18+$0xFFFFFFE0];
	s16 =	sor.u32 $0x4000, s14  }
0x32: {  	s31 =	sshrl.u32 s15, $0x2;
	s15 =	sadd.s32 $0x0, s16  }
0x33: {  	s17 =	simm.s32 $0x4;
	s18 =	sadd.s32 $0x40, s18;
	s14 =	sor.u32 $0x4000, s31;
	[tilespmem:s15+$0x1830 ss:$0x81] =	vst.msk $0xffff, v3  }
.LBB1_3:
0x34: {  	v3 =	vld [tilespmem:s18+$0x10];
	p1 =	sne.s32 s17, $0x1FC;
	[tilespmem:s15+$0x810 ss:$0x81] =	vst.msk $0xffff, v2;
	s19 =	smov.u32 s17;
	s17 =	sadd.s32 $0x4, s17  }
.Ltmp3:
0x35: {  	v2 =	vld [tilespmem:s18+$0xFFFFFFF0];
	[tilespmem:s15+$0x1020 ss:$0x81] =	vst.msk $0xffff, v0;
	(pc) =	sbr.rel @p1 .LBB1_3-.Ltmp3, $4  }
0x36: {  	v0 =	vld [tilespmem:s18+$0x0];
	[tilespmem:s15+$0x0 ss:$0x81] =	vst.msk $0xffff, v1  }
0x37: {  	s15 =	sshra.s32 s19, $0x2;
	v1 =	vld [tilespmem:s18+$0xFFFFFFE0]  }
0x38: {  	s15 =	sadd.s32 s15, s16  }
0x39: {  	s18 =	sadd.s32 $0x40, s18;
	[tilespmem:s15+$0x1830 ss:$0x81] =	vst.msk $0xffff, v3  }
.Ltmp4:
0x3a: {  	_ = 	snop;
	(pc) =	sbr.rel .LBB1_4-.Ltmp4, $1  }
0x3b: {  	_ =	sdelay $0x3  }
.LBB1_6:
0x3c: {  	_ =	sfence.sel $0x180000  }
0x3d: {  	s2 =	simm.s32 $0x1;
	[bflag:$0x0] =	sbarrier.arrive $0xFFFF  }
0x3e: {  	s31 =	simm.s32 $0x2;
	[sflag:s2] =	ssyncpa.u1 $0x1  }
0x3f: {  	[sflag:s31] =	ssyncpa.u1 $0x1  }
0x40: {  	p0 =	sne.s32 s0, $0x0;
	_ =	strace $0x9000004A  }
0x41: {  	s0 =	sadd.s32 @!p0 $0x100000, s1;
	[bflag:$0x2] =	sbarrier.arrive $0xFFFF  }
0x42: {  	[sflag:s0] =	ssyncadd.tile.s32 @!p0 $0x1;
	_ =	shalt  }
.Lfunc_end1:
_tile_overlayer_lowered:
.L_overlay_start_2:
0x43: {  	(tag) =	ssettag $0x2  }
0x44: {  	s0 =	rddreg [dreg:$0x0];
	s2 =	stileid.u32  }
0x45: {  	s1 =	rddreg [dreg:$0x1];
	p0 =	sne.s32 s2, $0x0  }
0x46: {  	s3 =	rddreg [dreg:$0x2];
	[bflag:$0x3] =	sbarrier.arrive $0xFFFF;
	s2 =	simm.s32 @!p0 $0x1C01  }
0x47: {  	[timem:s3], [sflag:s2] =	dma.local @!p0 [hbm:s0], s1  }
0x48: {  	s0 =	simm.s32 @!p0 $0x1  }
0x49: {  	_ =	swait.ge @!p0 [sflag:s0], s1  }
0x4a: {  	s1 =	ssub.s32 @!p0 $0x0, s1;
	[sflag:s0] =	ssyncset.done @!p0 $0x0  }
0x4b: {  	[sflag:s0] =	ssyncadd.s32 @!p0 s1  }
0x4c: {  	[bflag:$0x3] =	sbarrier.arrive $0xFFFF  }
0x4d: {  	_ =	shalt  }

</sc_bundles>
